<compile_context>
chip_gen: v7x
topology: tpu7x:2x2x1
jax: 0.10.2.dev20260603
libtpu: 0.0.44.dev20260713+nightly
codegen_flags: <defaults>
</compile_context>

<pallas_src>
import jax
import jax.numpy as jnp
from jax import lax
from jax.experimental import pallas as pl
from jax.experimental.pallas import tpu as pltpu
from jax.experimental.pallas import tpu_sc as plsc

N = 10000
E = 320000
NC = 2
NS = 16
NW = NC * NS
K = 80
NPAD = 10112
RPS = NPAD // NS
EPW = 10240
EPAD = NW * EPW


_SC_MESH = dict(core_axis_name="c", subcore_axis_name="s")


def _sc_spmm_full():
    d = 128
    cps = EPW // K
    sck = 8
    nsc = cps // sck
    nbuf = 4

    def body(x_hbm, src_hbm, dst_hbm, zeros_hbm, out_hbm,
             acc, idx_s, idx_d, rows, sems, isem):
        cid = lax.axis_index("c")
        sid = lax.axis_index("s")
        wid = cid * NS + sid
        pltpu.sync_copy(zeros_hbm, acc.at[pl.ds(sid * RPS, RPS)])

        def load_idx(t, half):
            sl = pl.ds(t * sck, sck)
            hl = pl.ds(half * sck, sck)
            pltpu.async_copy(src_hbm.at[wid, sl], idx_s.at[hl], isem)
            pltpu.async_copy(dst_hbm.at[wid, sl], idx_d.at[hl], isem)

        def wait_idx(t, half):
            sl = pl.ds(t * sck, sck)
            hl = pl.ds(half * sck, sck)
            pltpu.make_async_copy(src_hbm.at[wid, sl], idx_s.at[hl], isem).wait()
            pltpu.make_async_copy(dst_hbm.at[wid, sl], idx_d.at[hl], isem).wait()

        def gather(r, b):
            pltpu.async_copy(x_hbm.at[idx_s.at[r]], rows[b], sems[b])

        def drain_scatter(r, b):
            pltpu.make_async_copy(
                x_hbm.at[idx_s.at[r]], rows[b], sems[b]).wait()
            pltpu.sync_copy(rows[b], acc.at[idx_d.at[r]], add=True)

        load_idx(0, 0)
        wait_idx(0, 0)
        load_idx(1, 1)
        plsc.subcore_barrier()
        for j in range(nbuf):
            gather(j, j)

        def step_body(s, issue_next):
            cur = (s % 2) * sck
            nxt = ((s + 1) % 2) * sck
            for j in range(nbuf):
                drain_scatter(cur + j, j)
                gather(cur + j + nbuf, j)
            wait_idx(s + 1, (s + 1) % 2)
            for j in range(nbuf, sck):
                drain_scatter(cur + j, j - nbuf)
                gather(nxt + j - nbuf, j - nbuf)
            if issue_next:
                load_idx(s + 2, s % 2)

        lax.fori_loop(0, nsc - 2,
                      lambda s, c: (step_body(s, True), c)[1], 0)
        step_body(nsc - 2, False)
        cur = ((nsc - 1) % 2) * sck
        for j in range(sck):
            drain_scatter(cur + j, j % nbuf)
            if j + nbuf < sck:
                gather(cur + j + nbuf, j % nbuf)
        plsc.subcore_barrier()
        pltpu.sync_copy(acc.at[pl.ds(sid * RPS, RPS)],
                        out_hbm.at[cid, pl.ds(sid * RPS, RPS)])

    return pl.kernel(
        body,
        out_type=jax.ShapeDtypeStruct((NC, NPAD, d), jnp.float32),
        mesh=plsc.VectorSubcoreMesh(**_SC_MESH),
        scratch_types=[
            pltpu.VMEM_SHARED((NPAD, d), jnp.float32),
            pltpu.VMEM((2 * sck, K), jnp.int32),
            pltpu.VMEM((2 * sck, K), jnp.int32),
            [pltpu.VMEM((K, d), jnp.float32) for _ in range(nbuf)],
            [pltpu.SemaphoreType.DMA for _ in range(nbuf)],
            pltpu.SemaphoreType.DMA,
        ],
    )


def _sc_spmm_cols(dh):
    cps = (EPAD // NS) // K
    sck = 8
    nsc = cps // sck
    nbuf = 8

    def body(x_hbm, src_hbm, dst_hbm, zeros_hbm, out_hbm,
             acc, idx_s, idx_d, rows, sems):
        cid = lax.axis_index("c")
        sid = lax.axis_index("s")
        pltpu.sync_copy(zeros_hbm, acc.at[pl.ds(sid * RPS, RPS)])
        pltpu.sync_copy(src_hbm.at[sid], idx_s)
        pltpu.sync_copy(dst_hbm.at[sid], idx_d)
        plsc.subcore_barrier()

        def gather(c, b):
            pltpu.async_copy(x_hbm.at[cid].at[idx_s.at[c]], rows[b], sems[b])

        def drain_scatter(c, b):
            pltpu.make_async_copy(
                x_hbm.at[cid].at[idx_s.at[c]], rows[b], sems[b]).wait()
            pltpu.sync_copy(rows[b], acc.at[idx_d.at[c]], add=True)

        for j in range(nbuf):
            gather(j, j % nbuf)

        def step(s, carry):
            c0 = s * sck
            for j in range(sck):
                drain_scatter(c0 + j, j % nbuf)
                gather(c0 + j + nbuf, j % nbuf)
            return carry

        lax.fori_loop(0, nsc - 1, step, 0)
        c0 = (nsc - 1) * sck
        for j in range(sck):
            drain_scatter(c0 + j, j % nbuf)
            if c0 + j + nbuf < cps:
                gather(c0 + j + nbuf, j % nbuf)
        plsc.subcore_barrier()
        pltpu.sync_copy(acc.at[pl.ds(sid * RPS, RPS)],
                        out_hbm.at[cid, pl.ds(sid * RPS, RPS)])

    return pl.kernel(
        body,
        out_type=jax.ShapeDtypeStruct((NC, NPAD, dh), jnp.float32),
        mesh=plsc.VectorSubcoreMesh(**_SC_MESH),
        compiler_params=pltpu.CompilerParams(use_tc_tiling_on_sc=False),
        scratch_types=[
            pltpu.VMEM_SHARED((NPAD, dh), jnp.float32),
            pltpu.VMEM((cps, K), jnp.int32),
            pltpu.VMEM((cps, K), jnp.int32),
            [pltpu.VMEM((K, dh), jnp.float32) for _ in range(nbuf)],
            [pltpu.SemaphoreType.DMA for _ in range(nbuf)],
        ],
    )


def _sc_degrees():
    cps = EPW // K
    sck = 8
    nsc = cps // sck

    def body(src_hbm, dst_hbm, ones_hbm, zeros_hbm, out_hbm,
             acc, idx_s, idx_d, ones_s, ones_d, sem):
        cid = lax.axis_index("c")
        sid = lax.axis_index("s")
        wid = cid * NS + sid
        pltpu.sync_copy(ones_hbm.at[0], ones_s)
        pltpu.sync_copy(ones_hbm.at[1], ones_d)
        pltpu.sync_copy(zeros_hbm, acc.at[pl.ds(sid * RPS, RPS)])
        pltpu.sync_copy(src_hbm.at[wid], idx_s)
        pltpu.sync_copy(dst_hbm.at[wid], idx_d)
        plsc.subcore_barrier()

        def issue(c):
            pltpu.async_copy(ones_s, acc.at[idx_s.at[c]], sem, add=True)
            pltpu.async_copy(ones_d, acc.at[idx_d.at[c]], sem, add=True)

        def drain(c):
            pltpu.make_async_copy(ones_s, acc.at[idx_s.at[c]], sem).wait()
            pltpu.make_async_copy(ones_d, acc.at[idx_d.at[c]], sem).wait()

        for j in range(sck):
            issue(j)

        def step(s, carry):
            c0 = s * sck
            for j in range(sck):
                drain(c0 + j)
                issue(c0 + j + sck)
            return carry

        lax.fori_loop(0, nsc - 1, step, 0)
        c0 = (nsc - 1) * sck
        for j in range(sck):
            drain(c0 + j)
        plsc.subcore_barrier()
        pltpu.sync_copy(acc.at[pl.ds(sid * RPS, RPS)],
                        out_hbm.at[cid, pl.ds(sid * RPS, RPS)])

    return pl.kernel(
        body,
        out_type=jax.ShapeDtypeStruct((NC, NPAD, 8), jnp.float32),
        mesh=plsc.VectorSubcoreMesh(**_SC_MESH),
        compiler_params=pltpu.CompilerParams(use_tc_tiling_on_sc=False),
        scratch_types=[
            pltpu.VMEM_SHARED((NPAD, 8), jnp.float32),
            pltpu.VMEM((cps, K), jnp.int32),
            pltpu.VMEM((cps, K), jnp.int32),
            pltpu.VMEM((K, 8), jnp.float32),
            pltpu.VMEM((K, 8), jnp.float32),
            pltpu.SemaphoreType.DMA,
        ],
    )


def _norms(degp_ref):
    deg = degp_ref[0] + degp_ref[1]
    out_deg = deg[:N, 0:1]
    in_deg = deg[:N, 1:2]
    n_src = lax.rsqrt(jnp.where(out_deg > 0, out_deg, 1.0))
    n_dst = lax.rsqrt(jnp.where(in_deg > 0, in_deg, 1.0))
    return n_src, n_dst


def _tc0(degp_ref, feat_ref, x0_ref):
    n_src, _ = _norms(degp_ref)
    x0_ref[:N] = feat_ref[...] * n_src
    x0_ref[N:] = jnp.zeros((NPAD - N, x0_ref.shape[1]), jnp.float32)


def _tc_mid(degp_ref, p_ref, w_ref, b_ref, g_ref, be_ref, out_ref):
    n_src, n_dst = _norms(degp_ref)
    t = (p_ref[0, :N, :] + p_ref[1, :N, :]) * n_dst
    u = jnp.dot(t, w_ref[...], preferred_element_type=jnp.float32) + b_ref[...]
    m = jnp.mean(u, axis=0, keepdims=True)
    c = u - m
    var = jnp.mean(c * c, axis=0, keepdims=True)
    v = c * lax.rsqrt(var + 1e-5) * g_ref[...] + be_ref[...]
    out_ref[:N] = jnp.maximum(v, 0.0) * n_src
    out_ref[N:] = jnp.zeros((NPAD - N, out_ref.shape[1]), jnp.float32)


def _tc_y2(x2_ref, w2p_ref, out_ref):
    y = jnp.dot(x2_ref[:N], w2p_ref[...], preferred_element_type=jnp.float32)
    dh = out_ref.shape[2]
    for c in range(NC):
        out_ref[c, :N] = y[:, c * dh:(c + 1) * dh]
        out_ref[c, N:] = jnp.zeros((NPAD - N, dh), jnp.float32)


def _tc3(degp_ref, q_ref, b2_ref, out_ref):
    _, n_dst = _norms(degp_ref)
    agg = jnp.concatenate([q_ref[0, :N, :], q_ref[1, :N, :]], axis=1)
    out_ref[...] = agg[:, :out_ref.shape[1]] * n_dst + b2_ref[...]


def kernel(feat, edge_index, W0, b0, g0, be0, W1, b1, g1, be1, W2, b2):
    src = edge_index[0]
    dst = edge_index[1]
    d_hid = W0.shape[1]
    n_cls = W2.shape[1]
    dh_c = (-(-n_cls // (8 * NC))) * 8

    zeros_f = jnp.zeros((RPS, d_hid), jnp.float32)
    zeros_c = jnp.zeros((RPS, dh_c), jnp.float32)
    zeros_8 = jnp.zeros((RPS, 8), jnp.float32)
    ones_8 = (jnp.zeros((2, K, 8), jnp.float32)
              .at[0, :, 0].set(1.0).at[1, :, 1].set(1.0))
    w2p = jnp.pad(W2, ((0, 0), (0, NC * dh_c - n_cls)))

    pad_e = N + (jnp.arange(EPAD - E, dtype=jnp.int32) % (NPAD - N))
    srcp = jnp.concatenate([src, pad_e])
    dstp = jnp.concatenate([dst, pad_e])
    src_w = srcp.reshape(NW, -1, K)
    dst_w = dstp.reshape(NW, -1, K)
    src_s = srcp.reshape(NS, -1, K)
    dst_s = dstp.reshape(NS, -1, K)

    degp = _sc_degrees()(src_w, dst_w, ones_8, zeros_8)

    x0 = pl.pallas_call(
        _tc0, out_shape=jax.ShapeDtypeStruct((NPAD, d_hid), jnp.float32),
    )(degp, feat)

    spmm = _sc_spmm_full()
    Ws = jnp.stack([W0, W1])
    bs = jnp.stack([b0, b1])
    gs = jnp.stack([g0, g1])
    bes = jnp.stack([be0, be1])

    def layer(i, x):
        p = spmm(x, src_w, dst_w, zeros_f)
        return pl.pallas_call(
            _tc_mid, out_shape=jax.ShapeDtypeStruct((NPAD, d_hid), jnp.float32),
        )(degp, p, Ws[i], bs[i], gs[i], bes[i])

    x2 = lax.fori_loop(0, 2, layer, x0)

    y2 = pl.pallas_call(
        _tc_y2, out_shape=jax.ShapeDtypeStruct((NC, NPAD, dh_c), jnp.float32),
    )(x2, w2p)

    q = _sc_spmm_cols(dh_c)(y2, src_s, dst_s, zeros_c)
    out = pl.pallas_call(
        _tc3, out_shape=jax.ShapeDtypeStruct((N, n_cls), jnp.float32),
    )(degp, q, b2)
    return out

# --- scband reference (transcript-rebuilt; emitter-appended) ---
"""Pipeline reference for scband-gcnteacher-23957327577190 (READ-ONLY COPY).

The authoritative reference and input builder live on the scoring server;
editing this copy changes nothing except your own understanding.
"""

import jax, jax.numpy as jnp
import numpy as np

N = 10000
E = 320000
D_IN = 128
D_HID = 128
N_CLS = 40


def setup_inputs(seed: int = 0) -> dict:
    key = jax.random.key(seed)
    ks = jax.random.split(key, 12)
    feat = jax.random.normal(ks[0], (N, D_IN), dtype=jnp.float32)
    edge_index = jax.random.randint(ks[1], (2, E), 0, N, dtype=jnp.int32)
    s0 = 1.0 / np.sqrt(D_IN)
    s1 = 1.0 / np.sqrt(D_HID)
    W0 = jax.random.normal(ks[2], (D_IN, D_HID), dtype=jnp.float32) * s0
    b0 = jnp.zeros((D_HID,), dtype=jnp.float32)
    g0 = jnp.ones((D_HID,), dtype=jnp.float32)
    be0 = jnp.zeros((D_HID,), dtype=jnp.float32)
    W1 = jax.random.normal(ks[3], (D_HID, D_HID), dtype=jnp.float32) * s1
    b1 = jnp.zeros((D_HID,), dtype=jnp.float32)
    g1 = jnp.ones((D_HID,), dtype=jnp.float32)
    be1 = jnp.zeros((D_HID,), dtype=jnp.float32)
    W2 = jax.random.normal(ks[4], (D_HID, N_CLS), dtype=jnp.float32) * s1
    b2 = jnp.zeros((N_CLS,), dtype=jnp.float32)
    return {"feat": feat, "edge_index": edge_index, "W0": W0, "b0": b0, "g0": g0, "be0": be0,
            "W1": W1, "b1": b1, "g1": g1, "be1": be1, "W2": W2, "b2": b2}


def _gcn_conv(h, W, b, src, dst, n):
    # DGL GraphConv with norm='both': D_out^{-1/2} on src side, D_in^{-1/2} on dst side
    ones = jnp.ones((src.shape[0],), dtype=h.dtype)
    out_deg = jnp.zeros((n,), dtype=h.dtype).at[src].add(ones)
    in_deg = jnp.zeros((n,), dtype=h.dtype).at[dst].add(ones)
    norm_src = jnp.where(out_deg > 0, out_deg, 1.0) ** -0.5
    norm_dst = jnp.where(in_deg > 0, in_deg, 1.0) ** -0.5
    h = h * norm_src[:, None]
    agg = jnp.zeros((n, h.shape[1]), dtype=h.dtype).at[dst].add(h[src])
    agg = agg * norm_dst[:, None]
    if b is not None:
        return agg @ W + b
    return agg @ W


def _batch_norm(h, gamma, beta, eps=1e-5):
    mean = jnp.mean(h, axis=0)
    var = jnp.var(h, axis=0)
    return (h - mean) / jnp.sqrt(var + eps) * gamma + beta


def reference(feat, edge_index, W0, b0, g0, be0, W1, b1, g1, be1, W2, b2):
    src = edge_index[0]
    dst = edge_index[1]
    n = feat.shape[0]
    h = _gcn_conv(feat, W0, b0, src, dst, n)
    h = _batch_norm(h, g0, be0)
    h = jax.nn.relu(h)
    # dropout p=0.0 -> identity
    h = _gcn_conv(h, W1, b1, src, dst, n)
    h = _batch_norm(h, g1, be1)
    h = jax.nn.relu(h)
    h = _gcn_conv(h, W2, b2, src, dst, n)
    return h

if __name__ == "__main__":
    import jax
    _d = setup_inputs()
    print(jax.jit(kernel)(*tuple(_d.values())))

</pallas_src>

<mosaic_0001>
#map = affine_map<(d0, d1) -> (0, 0, 0)>
#map1 = affine_map<(d0, d1) -> (0, 0)>
module attributes {stable_mosaic.version = 14 : i64} {
  func.func @body(%arg0: i32, %arg1: i32, %arg2: memref<2x10112x24xf32, #tpu.memory_space<hbm>>, %arg3: memref<16x256x80xi32, #tpu.memory_space<hbm>>, %arg4: memref<16x256x80xi32, #tpu.memory_space<hbm>>, %arg5: memref<632x24xf32, #tpu.memory_space<hbm>>, %arg6: memref<2x10112x24xf32, #tpu.memory_space<hbm>>, %arg7: memref<10112x24xf32, #tpu.memory_space<vmem_shared>>, %arg8: memref<256x80xi32, #tpu.memory_space<vmem>>, %arg9: memref<256x80xi32, #tpu.memory_space<vmem>>, %arg10: memref<80x24xf32, #tpu.memory_space<vmem>>, %arg11: memref<80x24xf32, #tpu.memory_space<vmem>>, %arg12: memref<80x24xf32, #tpu.memory_space<vmem>>, %arg13: memref<80x24xf32, #tpu.memory_space<vmem>>, %arg14: memref<80x24xf32, #tpu.memory_space<vmem>>, %arg15: memref<80x24xf32, #tpu.memory_space<vmem>>, %arg16: memref<80x24xf32, #tpu.memory_space<vmem>>, %arg17: memref<80x24xf32, #tpu.memory_space<vmem>>, %arg18: memref<!tpu.dma_semaphore, #tpu.memory_space<semaphore_mem>>, %arg19: memref<!tpu.dma_semaphore, #tpu.memory_space<semaphore_mem>>, %arg20: memref<!tpu.dma_semaphore, #tpu.memory_space<semaphore_mem>>, %arg21: memref<!tpu.dma_semaphore, #tpu.memory_space<semaphore_mem>>, %arg22: memref<!tpu.dma_semaphore, #tpu.memory_space<semaphore_mem>>, %arg23: memref<!tpu.dma_semaphore, #tpu.memory_space<semaphore_mem>>, %arg24: memref<!tpu.dma_semaphore, #tpu.memory_space<semaphore_mem>>, %arg25: memref<!tpu.dma_semaphore, #tpu.memory_space<semaphore_mem>>) attributes {dimension_semantics = [#tpu.dimension_semantics<core_parallel>, #tpu.dimension_semantics<subcore_parallel>], iteration_bounds = array<i64: 2, 16>, scalar_prefetch = 0 : i64, scratch_operands = 19 : i64, tpu.core_type = #tpu.core_type<sc_vector_subcore>, window_params = [{transform_indices = #map}, {transform_indices = #map}, {transform_indices = #map}, {transform_indices = #map1}, {transform_indices = #map}]} {
    %mul3A = arith.constant 632 : i32
    %mul3A_0 = arith.muli %arg1, %mul3A : i32
    "tpu.region"() ({
      %run_scoped3A_192 = tpu.sem_alloc : memref<!tpu.dma_semaphore, #tpu.memory_space<semaphore_mem>>
      %dma_start3A_193 = arith.constant 0 : i32
      %dma_start3A_194 = tpu.memref_slice %arg7[%mul3A_0, %dma_start3A_193] : memref<10112x24xf32, #tpu.memory_space<vmem_shared>> -> memref<632x24xf32, #tpu.memory_space<vmem_shared>>
      tpu.enqueue_dma source(%arg5 : memref<632x24xf32, #tpu.memory_space<hbm>>) target(%dma_start3A_194 : memref<632x24xf32, #tpu.memory_space<vmem_shared>>) target_semaphore(%run_scoped3A_192 : memref<!tpu.dma_semaphore, #tpu.memory_space<semaphore_mem>>)
      %dma_wait3A_195 = arith.constant 0 : i32
      %dma_wait3A_196 = tpu.memref_slice %arg7[%mul3A_0, %dma_wait3A_195] : memref<10112x24xf32, #tpu.memory_space<vmem_shared>> -> memref<632x24xf32, #tpu.memory_space<vmem_shared>>
      tpu.wait_dma2 semaphore(%run_scoped3A_192 : memref<!tpu.dma_semaphore, #tpu.memory_space<semaphore_mem>>) src(%arg5 : memref<632x24xf32, #tpu.memory_space<hbm>>) dst(%dma_wait3A_196 : memref<632x24xf32, #tpu.memory_space<vmem_shared>>)
      tpu.yield
    }) : () -> ()
    "tpu.region"() ({
      %run_scoped3A_192 = tpu.sem_alloc : memref<!tpu.dma_semaphore, #tpu.memory_space<semaphore_mem>>
      %dma_start3A_193 = arith.constant 0 : i32
      %dma_start3A_194 = arith.constant 0 : i32
      %dma_start3A_195 = tpu.memref_slice %arg3[%arg1, %dma_start3A_193, %dma_start3A_194] : memref<16x256x80xi32, #tpu.memory_space<hbm>> -> memref<1x256x80xi32, #tpu.memory_space<hbm>>
      %dma_start3A_196 = tpu.memref_squeeze %dma_start3A_195 : memref<1x256x80xi32, #tpu.memory_space<hbm>> -> memref<256x80xi32, #tpu.memory_space<hbm>>
      %dma_start3A_197 = arith.constant 0 : i32
      %dma_start3A_198 = arith.constant 0 : i32
      %dma_start3A_199 = tpu.memref_slice %arg3[%arg1, %dma_start3A_197, %dma_start3A_198] : memref<16x256x80xi32, #tpu.memory_space<hbm>> -> memref<1x256x80xi32, #tpu.memory_space<hbm>>
      %dma_start3A_200 = tpu.memref_squeeze %dma_start3A_199 : memref<1x256x80xi32, #tpu.memory_space<hbm>> -> memref<256x80xi32, #tpu.memory_space<hbm>>
      tpu.enqueue_dma source(%dma_start3A_200 : memref<256x80xi32, #tpu.memory_space<hbm>>) target(%arg8 : memref<256x80xi32, #tpu.memory_space<vmem>>) target_semaphore(%run_scoped3A_192 : memref<!tpu.dma_semaphore, #tpu.memory_space<semaphore_mem>>)
      %dma_wait3A_201 = arith.constant 0 : i32
      %dma_wait3A_202 = arith.constant 0 : i32
      %dma_wait3A_203 = tpu.memref_slice %arg3[%arg1, %dma_wait3A_201, %dma_wait3A_202] : memref<16x256x80xi32, #tpu.memory_space<hbm>> -> memref<1x256x80xi32, #tpu.memory_space<hbm>>
      %dma_wait3A_204 = tpu.memref_squeeze %dma_wait3A_203 : memref<1x256x80xi32, #tpu.memory_space<hbm>> -> memref<256x80xi32, #tpu.memory_space<hbm>>
      %dma_wait3A_205 = arith.constant 0 : i32
      %dma_wait3A_206 = arith.constant 0 : i32
      %dma_wait3A_207 = tpu.memref_slice %arg3[%arg1, %dma_wait3A_205, %dma_wait3A_206] : memref<16x256x80xi32, #tpu.memory_space<hbm>> -> memref<1x256x80xi32, #tpu.memory_space<hbm>>
      %dma_wait3A_208 = tpu.memref_squeeze %dma_wait3A_207 : memref<1x256x80xi32, #tpu.memory_space<hbm>> -> memref<256x80xi32, #tpu.memory_space<hbm>>
      tpu.wait_dma2 semaphore(%run_scoped3A_192 : memref<!tpu.dma_semaphore, #tpu.memory_space<semaphore_mem>>) src(%dma_wait3A_208 : memref<256x80xi32, #tpu.memory_space<hbm>>) dst(%arg8 : memref<256x80xi32, #tpu.memory_space<vmem>>)
      tpu.yield
    }) : () -> ()
    "tpu.region"() ({
      %run_scoped3A_192 = tpu.sem_alloc : memref<!tpu.dma_semaphore, #tpu.memory_space<semaphore_mem>>
      %dma_start3A_193 = arith.constant 0 : i32
      %dma_start3A_194 = arith.constant 0 : i32
      %dma_start3A_195 = tpu.memref_slice %arg4[%arg1, %dma_start3A_193, %dma_start3A_194] : memref<16x256x80xi32, #tpu.memory_space<hbm>> -> memref<1x256x80xi32, #tpu.memory_space<hbm>>
      %dma_start3A_196 = tpu.memref_squeeze %dma_start3A_195 : memref<1x256x80xi32, #tpu.memory_space<hbm>> -> memref<256x80xi32, #tpu.memory_space<hbm>>
      %dma_start3A_197 = arith.constant 0 : i32
      %dma_start3A_198 = arith.constant 0 : i32
      %dma_start3A_199 = tpu.memref_slice %arg4[%arg1, %dma_start3A_197, %dma_start3A_198] : memref<16x256x80xi32, #tpu.memory_space<hbm>> -> memref<1x256x80xi32, #tpu.memory_space<hbm>>
      %dma_start3A_200 = tpu.memref_squeeze %dma_start3A_199 : memref<1x256x80xi32, #tpu.memory_space<hbm>> -> memref<256x80xi32, #tpu.memory_space<hbm>>
      tpu.enqueue_dma source(%dma_start3A_200 : memref<256x80xi32, #tpu.memory_space<hbm>>) target(%arg9 : memref<256x80xi32, #tpu.memory_space<vmem>>) target_semaphore(%run_scoped3A_192 : memref<!tpu.dma_semaphore, #tpu.memory_space<semaphore_mem>>)
      %dma_wait3A_201 = arith.constant 0 : i32
      %dma_wait3A_202 = arith.constant 0 : i32
      %dma_wait3A_203 = tpu.memref_slice %arg4[%arg1, %dma_wait3A_201, %dma_wait3A_202] : memref<16x256x80xi32, #tpu.memory_space<hbm>> -> memref<1x256x80xi32, #tpu.memory_space<hbm>>
      %dma_wait3A_204 = tpu.memref_squeeze %dma_wait3A_203 : memref<1x256x80xi32, #tpu.memory_space<hbm>> -> memref<256x80xi32, #tpu.memory_space<hbm>>
      %dma_wait3A_205 = arith.constant 0 : i32
      %dma_wait3A_206 = arith.constant 0 : i32
      %dma_wait3A_207 = tpu.memref_slice %arg4[%arg1, %dma_wait3A_205, %dma_wait3A_206] : memref<16x256x80xi32, #tpu.memory_space<hbm>> -> memref<1x256x80xi32, #tpu.memory_space<hbm>>
      %dma_wait3A_208 = tpu.memref_squeeze %dma_wait3A_207 : memref<1x256x80xi32, #tpu.memory_space<hbm>> -> memref<256x80xi32, #tpu.memory_space<hbm>>
      tpu.wait_dma2 semaphore(%run_scoped3A_192 : memref<!tpu.dma_semaphore, #tpu.memory_space<semaphore_mem>>) src(%dma_wait3A_208 : memref<256x80xi32, #tpu.memory_space<hbm>>) dst(%arg9 : memref<256x80xi32, #tpu.memory_space<vmem>>)
      tpu.yield
    }) : () -> ()
    %barrier3A = arith.constant 0 : index
    tpu.barrier barrier_id(%barrier3A)
    %dma_start3A = arith.constant 0 : i32
    %dma_start3A_1 = arith.constant 0 : i32
    %dma_start3A_2 = tpu.memref_slice %arg8[%dma_start3A, %dma_start3A_1] : memref<256x80xi32, #tpu.memory_space<vmem>> -> memref<1x80xi32, #tpu.memory_space<vmem>>
    %dma_start3A_3 = tpu.memref_squeeze %dma_start3A_2 : memref<1x80xi32, #tpu.memory_space<vmem>> -> memref<80xi32, #tpu.memory_space<vmem>>
    %dma_start3A_4 = arith.constant 0 : i32
    %dma_start3A_5 = arith.constant 0 : i32
    %dma_start3A_6 = tpu.memref_slice %arg2[%arg0, %dma_start3A_4, %dma_start3A_5] : memref<2x10112x24xf32, #tpu.memory_space<hbm>> -> memref<1x10112x24xf32, #tpu.memory_space<hbm>>
    %dma_start3A_7 = tpu.memref_squeeze %dma_start3A_6 : memref<1x10112x24xf32, #tpu.memory_space<hbm>> -> memref<10112x24xf32, #tpu.memory_space<hbm>>
    %dma_start3A_8 = arith.constant 0 : i32
    %dma_start3A_9 = arith.constant 0 : i32
    %dma_start3A_10 = tpu.memref_slice %dma_start3A_7[%dma_start3A_8, %dma_start3A_9] : memref<10112x24xf32, #tpu.memory_space<hbm>> -> memref<10112x24xf32, #tpu.memory_space<hbm>>
    tpu.enqueue_indirect_dma source(%dma_start3A_10 : memref<10112x24xf32, #tpu.memory_space<hbm>>) target(%arg10 : memref<80x24xf32, #tpu.memory_space<vmem>>) offsets(%dma_start3A_3 : memref<80xi32, #tpu.memory_space<vmem>>) semaphore(%arg18 : memref<!tpu.dma_semaphore, #tpu.memory_space<semaphore_mem>>)
    %dma_start3A_11 = arith.constant 1 : i32
    %dma_start3A_12 = arith.constant 0 : i32
    %dma_start3A_13 = tpu.memref_slice %arg8[%dma_start3A_11, %dma_start3A_12] : memref<256x80xi32, #tpu.memory_space<vmem>> -> memref<1x80xi32, #tpu.memory_space<vmem>>
    %dma_start3A_14 = tpu.memref_squeeze %dma_start3A_13 : memref<1x80xi32, #tpu.memory_space<vmem>> -> memref<80xi32, #tpu.memory_space<vmem>>
    %dma_start3A_15 = arith.constant 0 : i32
    %dma_start3A_16 = arith.constant 0 : i32
    %dma_start3A_17 = tpu.memref_slice %arg2[%arg0, %dma_start3A_15, %dma_start3A_16] : memref<2x10112x24xf32, #tpu.memory_space<hbm>> -> memref<1x10112x24xf32, #tpu.memory_space<hbm>>
    %dma_start3A_18 = tpu.memref_squeeze %dma_start3A_17 : memref<1x10112x24xf32, #tpu.memory_space<hbm>> -> memref<10112x24xf32, #tpu.memory_space<hbm>>
    %dma_start3A_19 = arith.constant 0 : i32
    %dma_start3A_20 = arith.constant 0 : i32
    %dma_start3A_21 = tpu.memref_slice %dma_start3A_18[%dma_start3A_19, %dma_start3A_20] : memref<10112x24xf32, #tpu.memory_space<hbm>> -> memref<10112x24xf32, #tpu.memory_space<hbm>>
    tpu.enqueue_indirect_dma source(%dma_start3A_21 : memref<10112x24xf32, #tpu.memory_space<hbm>>) target(%arg11 : memref<80x24xf32, #tpu.memory_space<vmem>>) offsets(%dma_start3A_14 : memref<80xi32, #tpu.memory_space<vmem>>) semaphore(%arg19 : memref<!tpu.dma_semaphore, #tpu.memory_space<semaphore_mem>>)
    %dma_start3A_22 = arith.constant 2 : i32
    %dma_start3A_23 = arith.constant 0 : i32
    %dma_start3A_24 = tpu.memref_slice %arg8[%dma_start3A_22, %dma_start3A_23] : memref<256x80xi32, #tpu.memory_space<vmem>> -> memref<1x80xi32, #tpu.memory_space<vmem>>
    %dma_start3A_25 = tpu.memref_squeeze %dma_start3A_24 : memref<1x80xi32, #tpu.memory_space<vmem>> -> memref<80xi32, #tpu.memory_space<vmem>>
    %dma_start3A_26 = arith.constant 0 : i32
    %dma_start3A_27 = arith.constant 0 : i32
    %dma_start3A_28 = tpu.memref_slice %arg2[%arg0, %dma_start3A_26, %dma_start3A_27] : memref<2x10112x24xf32, #tpu.memory_space<hbm>> -> memref<1x10112x24xf32, #tpu.memory_space<hbm>>
    %dma_start3A_29 = tpu.memref_squeeze %dma_start3A_28 : memref<1x10112x24xf32, #tpu.memory_space<hbm>> -> memref<10112x24xf32, #tpu.memory_space<hbm>>
    %dma_start3A_30 = arith.constant 0 : i32
    %dma_start3A_31 = arith.constant 0 : i32
    %dma_start3A_32 = tpu.memref_slice %dma_start3A_29[%dma_start3A_30, %dma_start3A_31] : memref<10112x24xf32, #tpu.memory_space<hbm>> -> memref<10112x24xf32, #tpu.memory_space<hbm>>
    tpu.enqueue_indirect_dma source(%dma_start3A_32 : memref<10112x24xf32, #tpu.memory_space<hbm>>) target(%arg12 : memref<80x24xf32, #tpu.memory_space<vmem>>) offsets(%dma_start3A_25 : memref<80xi32, #tpu.memory_space<vmem>>) semaphore(%arg20 : memref<!tpu.dma_semaphore, #tpu.memory_space<semaphore_mem>>)
    %dma_start3A_33 = arith.constant 3 : i32
    %dma_start3A_34 = arith.constant 0 : i32
    %dma_start3A_35 = tpu.memref_slice %arg8[%dma_start3A_33, %dma_start3A_34] : memref<256x80xi32, #tpu.memory_space<vmem>> -> memref<1x80xi32, #tpu.memory_space<vmem>>
    %dma_start3A_36 = tpu.memref_squeeze %dma_start3A_35 : memref<1x80xi32, #tpu.memory_space<vmem>> -> memref<80xi32, #tpu.memory_space<vmem>>
    %dma_start3A_37 = arith.constant 0 : i32
    %dma_start3A_38 = arith.constant 0 : i32
    %dma_start3A_39 = tpu.memref_slice %arg2[%arg0, %dma_start3A_37, %dma_start3A_38] : memref<2x10112x24xf32, #tpu.memory_space<hbm>> -> memref<1x10112x24xf32, #tpu.memory_space<hbm>>
    %dma_start3A_40 = tpu.memref_squeeze %dma_start3A_39 : memref<1x10112x24xf32, #tpu.memory_space<hbm>> -> memref<10112x24xf32, #tpu.memory_space<hbm>>
    %dma_start3A_41 = arith.constant 0 : i32
    %dma_start3A_42 = arith.constant 0 : i32
    %dma_start3A_43 = tpu.memref_slice %dma_start3A_40[%dma_start3A_41, %dma_start3A_42] : memref<10112x24xf32, #tpu.memory_space<hbm>> -> memref<10112x24xf32, #tpu.memory_space<hbm>>
    tpu.enqueue_indirect_dma source(%dma_start3A_43 : memref<10112x24xf32, #tpu.memory_space<hbm>>) target(%arg13 : memref<80x24xf32, #tpu.memory_space<vmem>>) offsets(%dma_start3A_36 : memref<80xi32, #tpu.memory_space<vmem>>) semaphore(%arg21 : memref<!tpu.dma_semaphore, #tpu.memory_space<semaphore_mem>>)
    %dma_start3A_44 = arith.constant 4 : i32
    %dma_start3A_45 = arith.constant 0 : i32
    %dma_start3A_46 = tpu.memref_slice %arg8[%dma_start3A_44, %dma_start3A_45] : memref<256x80xi32, #tpu.memory_space<vmem>> -> memref<1x80xi32, #tpu.memory_space<vmem>>
    %dma_start3A_47 = tpu.memref_squeeze %dma_start3A_46 : memref<1x80xi32, #tpu.memory_space<vmem>> -> memref<80xi32, #tpu.memory_space<vmem>>
    %dma_start3A_48 = arith.constant 0 : i32
    %dma_start3A_49 = arith.constant 0 : i32
    %dma_start3A_50 = tpu.memref_slice %arg2[%arg0, %dma_start3A_48, %dma_start3A_49] : memref<2x10112x24xf32, #tpu.memory_space<hbm>> -> memref<1x10112x24xf32, #tpu.memory_space<hbm>>
    %dma_start3A_51 = tpu.memref_squeeze %dma_start3A_50 : memref<1x10112x24xf32, #tpu.memory_space<hbm>> -> memref<10112x24xf32, #tpu.memory_space<hbm>>
    %dma_start3A_52 = arith.constant 0 : i32
    %dma_start3A_53 = arith.constant 0 : i32
    %dma_start3A_54 = tpu.memref_slice %dma_start3A_51[%dma_start3A_52, %dma_start3A_53] : memref<10112x24xf32, #tpu.memory_space<hbm>> -> memref<10112x24xf32, #tpu.memory_space<hbm>>
    tpu.enqueue_indirect_dma source(%dma_start3A_54 : memref<10112x24xf32, #tpu.memory_space<hbm>>) target(%arg14 : memref<80x24xf32, #tpu.memory_space<vmem>>) offsets(%dma_start3A_47 : memref<80xi32, #tpu.memory_space<vmem>>) semaphore(%arg22 : memref<!tpu.dma_semaphore, #tpu.memory_space<semaphore_mem>>)
    %dma_start3A_55 = arith.constant 5 : i32
    %dma_start3A_56 = arith.constant 0 : i32
    %dma_start3A_57 = tpu.memref_slice %arg8[%dma_start3A_55, %dma_start3A_56] : memref<256x80xi32, #tpu.memory_space<vmem>> -> memref<1x80xi32, #tpu.memory_space<vmem>>
    %dma_start3A_58 = tpu.memref_squeeze %dma_start3A_57 : memref<1x80xi32, #tpu.memory_space<vmem>> -> memref<80xi32, #tpu.memory_space<vmem>>
    %dma_start3A_59 = arith.constant 0 : i32
    %dma_start3A_60 = arith.constant 0 : i32
    %dma_start3A_61 = tpu.memref_slice %arg2[%arg0, %dma_start3A_59, %dma_start3A_60] : memref<2x10112x24xf32, #tpu.memory_space<hbm>> -> memref<1x10112x24xf32, #tpu.memory_space<hbm>>
    %dma_start3A_62 = tpu.memref_squeeze %dma_start3A_61 : memref<1x10112x24xf32, #tpu.memory_space<hbm>> -> memref<10112x24xf32, #tpu.memory_space<hbm>>
    %dma_start3A_63 = arith.constant 0 : i32
    %dma_start3A_64 = arith.constant 0 : i32
    %dma_start3A_65 = tpu.memref_slice %dma_start3A_62[%dma_start3A_63, %dma_start3A_64] : memref<10112x24xf32, #tpu.memory_space<hbm>> -> memref<10112x24xf32, #tpu.memory_space<hbm>>
    tpu.enqueue_indirect_dma source(%dma_start3A_65 : memref<10112x24xf32, #tpu.memory_space<hbm>>) target(%arg15 : memref<80x24xf32, #tpu.memory_space<vmem>>) offsets(%dma_start3A_58 : memref<80xi32, #tpu.memory_space<vmem>>) semaphore(%arg23 : memref<!tpu.dma_semaphore, #tpu.memory_space<semaphore_mem>>)
    %dma_start3A_66 = arith.constant 6 : i32
    %dma_start3A_67 = arith.constant 0 : i32
    %dma_start3A_68 = tpu.memref_slice %arg8[%dma_start3A_66, %dma_start3A_67] : memref<256x80xi32, #tpu.memory_space<vmem>> -> memref<1x80xi32, #tpu.memory_space<vmem>>
    %dma_start3A_69 = tpu.memref_squeeze %dma_start3A_68 : memref<1x80xi32, #tpu.memory_space<vmem>> -> memref<80xi32, #tpu.memory_space<vmem>>
    %dma_start3A_70 = arith.constant 0 : i32
    %dma_start3A_71 = arith.constant 0 : i32
    %dma_start3A_72 = tpu.memref_slice %arg2[%arg0, %dma_start3A_70, %dma_start3A_71] : memref<2x10112x24xf32, #tpu.memory_space<hbm>> -> memref<1x10112x24xf32, #tpu.memory_space<hbm>>
    %dma_start3A_73 = tpu.memref_squeeze %dma_start3A_72 : memref<1x10112x24xf32, #tpu.memory_space<hbm>> -> memref<10112x24xf32, #tpu.memory_space<hbm>>
    %dma_start3A_74 = arith.constant 0 : i32
    %dma_start3A_75 = arith.constant 0 : i32
    %dma_start3A_76 = tpu.memref_slice %dma_start3A_73[%dma_start3A_74, %dma_start3A_75] : memref<10112x24xf32, #tpu.memory_space<hbm>> -> memref<10112x24xf32, #tpu.memory_space<hbm>>
    tpu.enqueue_indirect_dma source(%dma_start3A_76 : memref<10112x24xf32, #tpu.memory_space<hbm>>) target(%arg16 : memref<80x24xf32, #tpu.memory_space<vmem>>) offsets(%dma_start3A_69 : memref<80xi32, #tpu.memory_space<vmem>>) semaphore(%arg24 : memref<!tpu.dma_semaphore, #tpu.memory_space<semaphore_mem>>)
    %dma_start3A_77 = arith.constant 7 : i32
    %dma_start3A_78 = arith.constant 0 : i32
    %dma_start3A_79 = tpu.memref_slice %arg8[%dma_start3A_77, %dma_start3A_78] : memref<256x80xi32, #tpu.memory_space<vmem>> -> memref<1x80xi32, #tpu.memory_space<vmem>>
    %dma_start3A_80 = tpu.memref_squeeze %dma_start3A_79 : memref<1x80xi32, #tpu.memory_space<vmem>> -> memref<80xi32, #tpu.memory_space<vmem>>
    %dma_start3A_81 = arith.constant 0 : i32
    %dma_start3A_82 = arith.constant 0 : i32
    %dma_start3A_83 = tpu.memref_slice %arg2[%arg0, %dma_start3A_81, %dma_start3A_82] : memref<2x10112x24xf32, #tpu.memory_space<hbm>> -> memref<1x10112x24xf32, #tpu.memory_space<hbm>>
    %dma_start3A_84 = tpu.memref_squeeze %dma_start3A_83 : memref<1x10112x24xf32, #tpu.memory_space<hbm>> -> memref<10112x24xf32, #tpu.memory_space<hbm>>
    %dma_start3A_85 = arith.constant 0 : i32
    %dma_start3A_86 = arith.constant 0 : i32
    %dma_start3A_87 = tpu.memref_slice %dma_start3A_84[%dma_start3A_85, %dma_start3A_86] : memref<10112x24xf32, #tpu.memory_space<hbm>> -> memref<10112x24xf32, #tpu.memory_space<hbm>>
    tpu.enqueue_indirect_dma source(%dma_start3A_87 : memref<10112x24xf32, #tpu.memory_space<hbm>>) target(%arg17 : memref<80x24xf32, #tpu.memory_space<vmem>>) offsets(%dma_start3A_80 : memref<80xi32, #tpu.memory_space<vmem>>) semaphore(%arg25 : memref<!tpu.dma_semaphore, #tpu.memory_space<semaphore_mem>>)
    %scan3A = arith.constant 0 : i32
    %scan3A_88 = arith.constant 0 : i32
    %scan3A_89 = arith.constant 31 : i32
    %scan3A_90 = arith.addi %scan3A_88, %scan3A_89 : i32
    %scan3A_91 = arith.constant 1 : i32
    scf.for %scan3A_192 = %scan3A_88 to %scan3A_90 step %scan3A_91  : i32 {
      %mul3A_193 = arith.constant 8 : i32
      %mul3A_194 = arith.muli %scan3A_192, %mul3A_193 : i32
      %add3A = arith.constant 0 : i32
      %add3A_195 = arith.addi %mul3A_194, %add3A : i32
      %dma_wait3A_196 = arith.constant 0 : i32
      %dma_wait3A_197 = tpu.memref_slice %arg8[%add3A_195, %dma_wait3A_196] : memref<256x80xi32, #tpu.memory_space<vmem>> -> memref<1x80xi32, #tpu.memory_space<vmem>>
      %dma_wait3A_198 = tpu.memref_squeeze %dma_wait3A_197 : memref<1x80xi32, #tpu.memory_space<vmem>> -> memref<80xi32, #tpu.memory_space<vmem>>
      %dma_wait3A_199 = arith.constant 0 : i32
      %dma_wait3A_200 = arith.constant 0 : i32
      %dma_wait3A_201 = tpu.memref_slice %arg2[%arg0, %dma_wait3A_199, %dma_wait3A_200] : memref<2x10112x24xf32, #tpu.memory_space<hbm>> -> memref<1x10112x24xf32, #tpu.memory_space<hbm>>
      %dma_wait3A_202 = tpu.memref_squeeze %dma_wait3A_201 : memref<1x10112x24xf32, #tpu.memory_space<hbm>> -> memref<10112x24xf32, #tpu.memory_space<hbm>>
      %dma_wait3A_203 = arith.constant 0 : i32
      %dma_wait3A_204 = arith.constant 0 : i32
      %dma_wait3A_205 = tpu.memref_slice %dma_wait3A_202[%dma_wait3A_203, %dma_wait3A_204] : memref<10112x24xf32, #tpu.memory_space<hbm>> -> memref<10112x24xf32, #tpu.memory_space<hbm>>
      tpu.wait_indirect_dma semaphore(%arg18 : memref<!tpu.dma_semaphore, #tpu.memory_space<semaphore_mem>>) src(%dma_wait3A_205 : memref<10112x24xf32, #tpu.memory_space<hbm>>) dst(%arg10 : memref<80x24xf32, #tpu.memory_space<vmem>>)
      "tpu.region"() ({
        %run_scoped3A_402 = tpu.sem_alloc : memref<!tpu.dma_semaphore, #tpu.memory_space<semaphore_mem>>
        %dma_start3A_403 = arith.constant 0 : i32
        %dma_start3A_404 = tpu.memref_slice %arg9[%add3A_195, %dma_start3A_403] : memref<256x80xi32, #tpu.memory_space<vmem>> -> memref<1x80xi32, #tpu.memory_space<vmem>>
        %dma_start3A_405 = tpu.memref_squeeze %dma_start3A_404 : memref<1x80xi32, #tpu.memory_space<vmem>> -> memref<80xi32, #tpu.memory_space<vmem>>
        %dma_start3A_406 = arith.constant 0 : i32
        %dma_start3A_407 = arith.constant 0 : i32
        %dma_start3A_408 = tpu.memref_slice %arg7[%dma_start3A_406, %dma_start3A_407] : memref<10112x24xf32, #tpu.memory_space<vmem_shared>> -> memref<10112x24xf32, #tpu.memory_space<vmem_shared>>
        tpu.enqueue_indirect_dma source(%arg10 : memref<80x24xf32, #tpu.memory_space<vmem>>) target(%dma_start3A_408 : memref<10112x24xf32, #tpu.memory_space<vmem_shared>>) offsets(%dma_start3A_405 : memref<80xi32, #tpu.memory_space<vmem>>) semaphore(%run_scoped3A_402 : memref<!tpu.dma_semaphore, #tpu.memory_space<semaphore_mem>>) {add = true}
        %dma_wait3A_409 = arith.constant 0 : i32
        %dma_wait3A_410 = tpu.memref_slice %arg9[%add3A_195, %dma_wait3A_409] : memref<256x80xi32, #tpu.memory_space<vmem>> -> memref<1x80xi32, #tpu.memory_space<vmem>>
        %dma_wait3A_411 = tpu.memref_squeeze %dma_wait3A_410 : memref<1x80xi32, #tpu.memory_space<vmem>> -> memref<80xi32, #tpu.memory_space<vmem>>
        %dma_wait3A_412 = arith.constant 0 : i32
        %dma_wait3A_413 = arith.constant 0 : i32
        %dma_wait3A_414 = tpu.memref_slice %arg7[%dma_wait3A_412, %dma_wait3A_413] : memref<10112x24xf32, #tpu.memory_space<vmem_shared>> -> memref<10112x24xf32, #tpu.memory_space<vmem_shared>>
        tpu.wait_indirect_dma semaphore(%run_scoped3A_402 : memref<!tpu.dma_semaphore, #tpu.memory_space<semaphore_mem>>) src(%arg10 : memref<80x24xf32, #tpu.memory_space<vmem>>) dst(%dma_wait3A_414 : memref<10112x24xf32, #tpu.memory_space<vmem_shared>>)
        tpu.yield
      }) : () -> ()
      %add3A_206 = arith.constant 0 : i32
      %add3A_207 = arith.addi %mul3A_194, %add3A_206 : i32
      %add3A_208 = arith.constant 8 : i32
      %add3A_209 = arith.addi %add3A_207, %add3A_208 : i32
      %dma_start3A_210 = arith.constant 0 : i32
      %dma_start3A_211 = tpu.memref_slice %arg8[%add3A_209, %dma_start3A_210] : memref<256x80xi32, #tpu.memory_space<vmem>> -> memref<1x80xi32, #tpu.memory_space<vmem>>
      %dma_start3A_212 = tpu.memref_squeeze %dma_start3A_211 : memref<1x80xi32, #tpu.memory_space<vmem>> -> memref<80xi32, #tpu.memory_space<vmem>>
      %dma_start3A_213 = arith.constant 0 : i32
      %dma_start3A_214 = arith.constant 0 : i32
      %dma_start3A_215 = tpu.memref_slice %arg2[%arg0, %dma_start3A_213, %dma_start3A_214] : memref<2x10112x24xf32, #tpu.memory_space<hbm>> -> memref<1x10112x24xf32, #tpu.memory_space<hbm>>
      %dma_start3A_216 = tpu.memref_squeeze %dma_start3A_215 : memref<1x10112x24xf32, #tpu.memory_space<hbm>> -> memref<10112x24xf32, #tpu.memory_space<hbm>>
      %dma_start3A_217 = arith.constant 0 : i32
      %dma_start3A_218 = arith.constant 0 : i32
      %dma_start3A_219 = tpu.memref_slice %dma_start3A_216[%dma_start3A_217, %dma_start3A_218] : memref<10112x24xf32, #tpu.memory_space<hbm>> -> memref<10112x24xf32, #tpu.memory_space<hbm>>
      tpu.enqueue_indirect_dma source(%dma_start3A_219 : memref<10112x24xf32, #tpu.memory_space<hbm>>) target(%arg10 : memref<80x24xf32, #tpu.memory_space<vmem>>) offsets(%dma_start3A_212 : memref<80xi32, #tpu.memory_space<vmem>>) semaphore(%arg18 : memref<!tpu.dma_semaphore, #tpu.memory_space<semaphore_mem>>)
      %add3A_220 = arith.constant 1 : i32
      %add3A_221 = arith.addi %mul3A_194, %add3A_220 : i32
      %dma_wait3A_222 = arith.constant 0 : i32
      %dma_wait3A_223 = tpu.memref_slice %arg8[%add3A_221, %dma_wait3A_222] : memref<256x80xi32, #tpu.memory_space<vmem>> -> memref<1x80xi32, #tpu.memory_space<vmem>>
      %dma_wait3A_224 = tpu.memref_squeeze %dma_wait3A_223 : memref<1x80xi32, #tpu.memory_space<vmem>> -> memref<80xi32, #tpu.memory_space<vmem>>
      %dma_wait3A_225 = arith.constant 0 : i32
      %dma_wait3A_226 = arith.constant 0 : i32
      %dma_wait3A_227 = tpu.memref_slice %arg2[%arg0, %dma_wait3A_225, %dma_wait3A_226] : memref<2x10112x24xf32, #tpu.memory_space<hbm>> -> memref<1x10112x24xf32, #tpu.memory_space<hbm>>
      %dma_wait3A_228 = tpu.memref_squeeze %dma_wait3A_227 : memref<1x10112x24xf32, #tpu.memory_space<hbm>> -> memref<10112x24xf32, #tpu.memory_space<hbm>>
      %dma_wait3A_229 = arith.constant 0 : i32
      %dma_wait3A_230 = arith.constant 0 : i32
      %dma_wait3A_231 = tpu.memref_slice %dma_wait3A_228[%dma_wait3A_229, %dma_wait3A_230] : memref<10112x24xf32, #tpu.memory_space<hbm>> -> memref<10112x24xf32, #tpu.memory_space<hbm>>
      tpu.wait_indirect_dma semaphore(%arg19 : memref<!tpu.dma_semaphore, #tpu.memory_space<semaphore_mem>>) src(%dma_wait3A_231 : memref<10112x24xf32, #tpu.memory_space<hbm>>) dst(%arg11 : memref<80x24xf32, #tpu.memory_space<vmem>>)
      "tpu.region"() ({
        %run_scoped3A_402 = tpu.sem_alloc : memref<!tpu.dma_semaphore, #tpu.memory_space<semaphore_mem>>
        %dma_start3A_403 = arith.constant 0 : i32
        %dma_start3A_404 = tpu.memref_slice %arg9[%add3A_221, %dma_start3A_403] : memref<256x80xi32, #tpu.memory_space<vmem>> -> memref<1x80xi32, #tpu.memory_space<vmem>>
        %dma_start3A_405 = tpu.memref_squeeze %dma_start3A_404 : memref<1x80xi32, #tpu.memory_space<vmem>> -> memref<80xi32, #tpu.memory_space<vmem>>
        %dma_start3A_406 = arith.constant 0 : i32
        %dma_start3A_407 = arith.constant 0 : i32
        %dma_start3A_408 = tpu.memref_slice %arg7[%dma_start3A_406, %dma_start3A_407] : memref<10112x24xf32, #tpu.memory_space<vmem_shared>> -> memref<10112x24xf32, #tpu.memory_space<vmem_shared>>
        tpu.enqueue_indirect_dma source(%arg11 : memref<80x24xf32, #tpu.memory_space<vmem>>) target(%dma_start3A_408 : memref<10112x24xf32, #tpu.memory_space<vmem_shared>>) offsets(%dma_start3A_405 : memref<80xi32, #tpu.memory_space<vmem>>) semaphore(%run_scoped3A_402 : memref<!tpu.dma_semaphore, #tpu.memory_space<semaphore_mem>>) {add = true}
        %dma_wait3A_409 = arith.constant 0 : i32
        %dma_wait3A_410 = tpu.memref_slice %arg9[%add3A_221, %dma_wait3A_409] : memref<256x80xi32, #tpu.memory_space<vmem>> -> memref<1x80xi32, #tpu.memory_space<vmem>>
        %dma_wait3A_411 = tpu.memref_squeeze %dma_wait3A_410 : memref<1x80xi32, #tpu.memory_space<vmem>> -> memref<80xi32, #tpu.memory_space<vmem>>
        %dma_wait3A_412 = arith.constant 0 : i32
        %dma_wait3A_413 = arith.constant 0 : i32
        %dma_wait3A_414 = tpu.memref_slice %arg7[%dma_wait3A_412, %dma_wait3A_413] : memref<10112x24xf32, #tpu.memory_space<vmem_shared>> -> memref<10112x24xf32, #tpu.memory_space<vmem_shared>>
        tpu.wait_indirect_dma semaphore(%run_scoped3A_402 : memref<!tpu.dma_semaphore, #tpu.memory_space<semaphore_mem>>) src(%arg11 : memref<80x24xf32, #tpu.memory_space<vmem>>) dst(%dma_wait3A_414 : memref<10112x24xf32, #tpu.memory_space<vmem_shared>>)
        tpu.yield
      }) : () -> ()
      %add3A_232 = arith.constant 1 : i32
      %add3A_233 = arith.addi %mul3A_194, %add3A_232 : i32
      %add3A_234 = arith.constant 8 : i32
      %add3A_235 = arith.addi %add3A_233, %add3A_234 : i32
      %dma_start3A_236 = arith.constant 0 : i32
      %dma_start3A_237 = tpu.memref_slice %arg8[%add3A_235, %dma_start3A_236] : memref<256x80xi32, #tpu.memory_space<vmem>> -> memref<1x80xi32, #tpu.memory_space<vmem>>
      %dma_start3A_238 = tpu.memref_squeeze %dma_start3A_237 : memref<1x80xi32, #tpu.memory_space<vmem>> -> memref<80xi32, #tpu.memory_space<vmem>>
      %dma_start3A_239 = arith.constant 0 : i32
      %dma_start3A_240 = arith.constant 0 : i32
      %dma_start3A_241 = tpu.memref_slice %arg2[%arg0, %dma_start3A_239, %dma_start3A_240] : memref<2x10112x24xf32, #tpu.memory_space<hbm>> -> memref<1x10112x24xf32, #tpu.memory_space<hbm>>
      %dma_start3A_242 = tpu.memref_squeeze %dma_start3A_241 : memref<1x10112x24xf32, #tpu.memory_space<hbm>> -> memref<10112x24xf32, #tpu.memory_space<hbm>>
      %dma_start3A_243 = arith.constant 0 : i32
      %dma_start3A_244 = arith.constant 0 : i32
      %dma_start3A_245 = tpu.memref_slice %dma_start3A_242[%dma_start3A_243, %dma_start3A_244] : memref<10112x24xf32, #tpu.memory_space<hbm>> -> memref<10112x24xf32, #tpu.memory_space<hbm>>
      tpu.enqueue_indirect_dma source(%dma_start3A_245 : memref<10112x24xf32, #tpu.memory_space<hbm>>) target(%arg11 : memref<80x24xf32, #tpu.memory_space<vmem>>) offsets(%dma_start3A_238 : memref<80xi32, #tpu.memory_space<vmem>>) semaphore(%arg19 : memref<!tpu.dma_semaphore, #tpu.memory_space<semaphore_mem>>)
      %add3A_246 = arith.constant 2 : i32
      %add3A_247 = arith.addi %mul3A_194, %add3A_246 : i32
      %dma_wait3A_248 = arith.constant 0 : i32
      %dma_wait3A_249 = tpu.memref_slice %arg8[%add3A_247, %dma_wait3A_248] : memref<256x80xi32, #tpu.memory_space<vmem>> -> memref<1x80xi32, #tpu.memory_space<vmem>>
      %dma_wait3A_250 = tpu.memref_squeeze %dma_wait3A_249 : memref<1x80xi32, #tpu.memory_space<vmem>> -> memref<80xi32, #tpu.memory_space<vmem>>
      %dma_wait3A_251 = arith.constant 0 : i32
      %dma_wait3A_252 = arith.constant 0 : i32
      %dma_wait3A_253 = tpu.memref_slice %arg2[%arg0, %dma_wait3A_251, %dma_wait3A_252] : memref<2x10112x24xf32, #tpu.memory_space<hbm>> -> memref<1x10112x24xf32, #tpu.memory_space<hbm>>
      %dma_wait3A_254 = tpu.memref_squeeze %dma_wait3A_253 : memref<1x10112x24xf32, #tpu.memory_space<hbm>> -> memref<10112x24xf32, #tpu.memory_space<hbm>>
      %dma_wait3A_255 = arith.constant 0 : i32
      %dma_wait3A_256 = arith.constant 0 : i32
      %dma_wait3A_257 = tpu.memref_slice %dma_wait3A_254[%dma_wait3A_255, %dma_wait3A_256] : memref<10112x24xf32, #tpu.memory_space<hbm>> -> memref<10112x24xf32, #tpu.memory_space<hbm>>
      tpu.wait_indirect_dma semaphore(%arg20 : memref<!tpu.dma_semaphore, #tpu.memory_space<semaphore_mem>>) src(%dma_wait3A_257 : memref<10112x24xf32, #tpu.memory_space<hbm>>) dst(%arg12 : memref<80x24xf32, #tpu.memory_space<vmem>>)
      "tpu.region"() ({
        %run_scoped3A_402 = tpu.sem_alloc : memref<!tpu.dma_semaphore, #tpu.memory_space<semaphore_mem>>
        %dma_start3A_403 = arith.constant 0 : i32
        %dma_start3A_404 = tpu.memref_slice %arg9[%add3A_247, %dma_start3A_403] : memref<256x80xi32, #tpu.memory_space<vmem>> -> memref<1x80xi32, #tpu.memory_space<vmem>>
        %dma_start3A_405 = tpu.memref_squeeze %dma_start3A_404 : memref<1x80xi32, #tpu.memory_space<vmem>> -> memref<80xi32, #tpu.memory_space<vmem>>
        %dma_start3A_406 = arith.constant 0 : i32
        %dma_start3A_407 = arith.constant 0 : i32
        %dma_start3A_408 = tpu.memref_slice %arg7[%dma_start3A_406, %dma_start3A_407] : memref<10112x24xf32, #tpu.memory_space<vmem_shared>> -> memref<10112x24xf32, #tpu.memory_space<vmem_shared>>
        tpu.enqueue_indirect_dma source(%arg12 : memref<80x24xf32, #tpu.memory_space<vmem>>) target(%dma_start3A_408 : memref<10112x24xf32, #tpu.memory_space<vmem_shared>>) offsets(%dma_start3A_405 : memref<80xi32, #tpu.memory_space<vmem>>) semaphore(%run_scoped3A_402 : memref<!tpu.dma_semaphore, #tpu.memory_space<semaphore_mem>>) {add = true}
        %dma_wait3A_409 = arith.constant 0 : i32
        %dma_wait3A_410 = tpu.memref_slice %arg9[%add3A_247, %dma_wait3A_409] : memref<256x80xi32, #tpu.memory_space<vmem>> -> memref<1x80xi32, #tpu.memory_space<vmem>>
        %dma_wait3A_411 = tpu.memref_squeeze %dma_wait3A_410 : memref<1x80xi32, #tpu.memory_space<vmem>> -> memref<80xi32, #tpu.memory_space<vmem>>
        %dma_wait3A_412 = arith.constant 0 : i32
        %dma_wait3A_413 = arith.constant 0 : i32
        %dma_wait3A_414 = tpu.memref_slice %arg7[%dma_wait3A_412, %dma_wait3A_413] : memref<10112x24xf32, #tpu.memory_space<vmem_shared>> -> memref<10112x24xf32, #tpu.memory_space<vmem_shared>>
        tpu.wait_indirect_dma semaphore(%run_scoped3A_402 : memref<!tpu.dma_semaphore, #tpu.memory_space<semaphore_mem>>) src(%arg12 : memref<80x24xf32, #tpu.memory_space<vmem>>) dst(%dma_wait3A_414 : memref<10112x24xf32, #tpu.memory_space<vmem_shared>>)
        tpu.yield
      }) : () -> ()
      %add3A_258 = arith.constant 2 : i32
      %add3A_259 = arith.addi %mul3A_194, %add3A_258 : i32
      %add3A_260 = arith.constant 8 : i32
      %add3A_261 = arith.addi %add3A_259, %add3A_260 : i32
      %dma_start3A_262 = arith.constant 0 : i32
      %dma_start3A_263 = tpu.memref_slice %arg8[%add3A_261, %dma_start3A_262] : memref<256x80xi32, #tpu.memory_space<vmem>> -> memref<1x80xi32, #tpu.memory_space<vmem>>
      %dma_start3A_264 = tpu.memref_squeeze %dma_start3A_263 : memref<1x80xi32, #tpu.memory_space<vmem>> -> memref<80xi32, #tpu.memory_space<vmem>>
      %dma_start3A_265 = arith.constant 0 : i32
      %dma_start3A_266 = arith.constant 0 : i32
      %dma_start3A_267 = tpu.memref_slice %arg2[%arg0, %dma_start3A_265, %dma_start3A_266] : memref<2x10112x24xf32, #tpu.memory_space<hbm>> -> memref<1x10112x24xf32, #tpu.memory_space<hbm>>
      %dma_start3A_268 = tpu.memref_squeeze %dma_start3A_267 : memref<1x10112x24xf32, #tpu.memory_space<hbm>> -> memref<10112x24xf32, #tpu.memory_space<hbm>>
      %dma_start3A_269 = arith.constant 0 : i32
      %dma_start3A_270 = arith.constant 0 : i32
      %dma_start3A_271 = tpu.memref_slice %dma_start3A_268[%dma_start3A_269, %dma_start3A_270] : memref<10112x24xf32, #tpu.memory_space<hbm>> -> memref<10112x24xf32, #tpu.memory_space<hbm>>
      tpu.enqueue_indirect_dma source(%dma_start3A_271 : memref<10112x24xf32, #tpu.memory_space<hbm>>) target(%arg12 : memref<80x24xf32, #tpu.memory_space<vmem>>) offsets(%dma_start3A_264 : memref<80xi32, #tpu.memory_space<vmem>>) semaphore(%arg20 : memref<!tpu.dma_semaphore, #tpu.memory_space<semaphore_mem>>)
      %add3A_272 = arith.constant 3 : i32
      %add3A_273 = arith.addi %mul3A_194, %add3A_272 : i32
      %dma_wait3A_274 = arith.constant 0 : i32
      %dma_wait3A_275 = tpu.memref_slice %arg8[%add3A_273, %dma_wait3A_274] : memref<256x80xi32, #tpu.memory_space<vmem>> -> memref<1x80xi32, #tpu.memory_space<vmem>>
      %dma_wait3A_276 = tpu.memref_squeeze %dma_wait3A_275 : memref<1x80xi32, #tpu.memory_space<vmem>> -> memref<80xi32, #tpu.memory_space<vmem>>
      %dma_wait3A_277 = arith.constant 0 : i32
      %dma_wait3A_278 = arith.constant 0 : i32
      %dma_wait3A_279 = tpu.memref_slice %arg2[%arg0, %dma_wait3A_277, %dma_wait3A_278] : memref<2x10112x24xf32, #tpu.memory_space<hbm>> -> memref<1x10112x24xf32, #tpu.memory_space<hbm>>
      %dma_wait3A_280 = tpu.memref_squeeze %dma_wait3A_279 : memref<1x10112x24xf32, #tpu.memory_space<hbm>> -> memref<10112x24xf32, #tpu.memory_space<hbm>>
      %dma_wait3A_281 = arith.constant 0 : i32
      %dma_wait3A_282 = arith.constant 0 : i32
      %dma_wait3A_283 = tpu.memref_slice %dma_wait3A_280[%dma_wait3A_281, %dma_wait3A_282] : memref<10112x24xf32, #tpu.memory_space<hbm>> -> memref<10112x24xf32, #tpu.memory_space<hbm>>
      tpu.wait_indirect_dma semaphore(%arg21 : memref<!tpu.dma_semaphore, #tpu.memory_space<semaphore_mem>>) src(%dma_wait3A_283 : memref<10112x24xf32, #tpu.memory_space<hbm>>) dst(%arg13 : memref<80x24xf32, #tpu.memory_space<vmem>>)
      "tpu.region"() ({
        %run_scoped3A_402 = tpu.sem_alloc : memref<!tpu.dma_semaphore, #tpu.memory_space<semaphore_mem>>
        %dma_start3A_403 = arith.constant 0 : i32
        %dma_start3A_404 = tpu.memref_slice %arg9[%add3A_273, %dma_start3A_403] : memref<256x80xi32, #tpu.memory_space<vmem>> -> memref<1x80xi32, #tpu.memory_space<vmem>>
        %dma_start3A_405 = tpu.memref_squeeze %dma_start3A_404 : memref<1x80xi32, #tpu.memory_space<vmem>> -> memref<80xi32, #tpu.memory_space<vmem>>
        %dma_start3A_406 = arith.constant 0 : i32
        %dma_start3A_407 = arith.constant 0 : i32
        %dma_start3A_408 = tpu.memref_slice %arg7[%dma_start3A_406, %dma_start3A_407] : memref<10112x24xf32, #tpu.memory_space<vmem_shared>> -> memref<10112x24xf32, #tpu.memory_space<vmem_shared>>
        tpu.enqueue_indirect_dma source(%arg13 : memref<80x24xf32, #tpu.memory_space<vmem>>) target(%dma_start3A_408 : memref<10112x24xf32, #tpu.memory_space<vmem_shared>>) offsets(%dma_start3A_405 : memref<80xi32, #tpu.memory_space<vmem>>) semaphore(%run_scoped3A_402 : memref<!tpu.dma_semaphore, #tpu.memory_space<semaphore_mem>>) {add = true}
        %dma_wait3A_409 = arith.constant 0 : i32
        %dma_wait3A_410 = tpu.memref_slice %arg9[%add3A_273, %dma_wait3A_409] : memref<256x80xi32, #tpu.memory_space<vmem>> -> memref<1x80xi32, #tpu.memory_space<vmem>>
        %dma_wait3A_411 = tpu.memref_squeeze %dma_wait3A_410 : memref<1x80xi32, #tpu.memory_space<vmem>> -> memref<80xi32, #tpu.memory_space<vmem>>
        %dma_wait3A_412 = arith.constant 0 : i32
        %dma_wait3A_413 = arith.constant 0 : i32
        %dma_wait3A_414 = tpu.memref_slice %arg7[%dma_wait3A_412, %dma_wait3A_413] : memref<10112x24xf32, #tpu.memory_space<vmem_shared>> -> memref<10112x24xf32, #tpu.memory_space<vmem_shared>>
        tpu.wait_indirect_dma semaphore(%run_scoped3A_402 : memref<!tpu.dma_semaphore, #tpu.memory_space<semaphore_mem>>) src(%arg13 : memref<80x24xf32, #tpu.memory_space<vmem>>) dst(%dma_wait3A_414 : memref<10112x24xf32, #tpu.memory_space<vmem_shared>>)
        tpu.yield
      }) : () -> ()
      %add3A_284 = arith.constant 3 : i32
      %add3A_285 = arith.addi %mul3A_194, %add3A_284 : i32
      %add3A_286 = arith.constant 8 : i32
      %add3A_287 = arith.addi %add3A_285, %add3A_286 : i32
      %dma_start3A_288 = arith.constant 0 : i32
      %dma_start3A_289 = tpu.memref_slice %arg8[%add3A_287, %dma_start3A_288] : memref<256x80xi32, #tpu.memory_space<vmem>> -> memref<1x80xi32, #tpu.memory_space<vmem>>
      %dma_start3A_290 = tpu.memref_squeeze %dma_start3A_289 : memref<1x80xi32, #tpu.memory_space<vmem>> -> memref<80xi32, #tpu.memory_space<vmem>>
      %dma_start3A_291 = arith.constant 0 : i32
      %dma_start3A_292 = arith.constant 0 : i32
      %dma_start3A_293 = tpu.memref_slice %arg2[%arg0, %dma_start3A_291, %dma_start3A_292] : memref<2x10112x24xf32, #tpu.memory_space<hbm>> -> memref<1x10112x24xf32, #tpu.memory_space<hbm>>
      %dma_start3A_294 = tpu.memref_squeeze %dma_start3A_293 : memref<1x10112x24xf32, #tpu.memory_space<hbm>> -> memref<10112x24xf32, #tpu.memory_space<hbm>>
      %dma_start3A_295 = arith.constant 0 : i32
      %dma_start3A_296 = arith.constant 0 : i32
      %dma_start3A_297 = tpu.memref_slice %dma_start3A_294[%dma_start3A_295, %dma_start3A_296] : memref<10112x24xf32, #tpu.memory_space<hbm>> -> memref<10112x24xf32, #tpu.memory_space<hbm>>
      tpu.enqueue_indirect_dma source(%dma_start3A_297 : memref<10112x24xf32, #tpu.memory_space<hbm>>) target(%arg13 : memref<80x24xf32, #tpu.memory_space<vmem>>) offsets(%dma_start3A_290 : memref<80xi32, #tpu.memory_space<vmem>>) semaphore(%arg21 : memref<!tpu.dma_semaphore, #tpu.memory_space<semaphore_mem>>)
      %add3A_298 = arith.constant 4 : i32
      %add3A_299 = arith.addi %mul3A_194, %add3A_298 : i32
      %dma_wait3A_300 = arith.constant 0 : i32
      %dma_wait3A_301 = tpu.memref_slice %arg8[%add3A_299, %dma_wait3A_300] : memref<256x80xi32, #tpu.memory_space<vmem>> -> memref<1x80xi32, #tpu.memory_space<vmem>>
      %dma_wait3A_302 = tpu.memref_squeeze %dma_wait3A_301 : memref<1x80xi32, #tpu.memory_space<vmem>> -> memref<80xi32, #tpu.memory_space<vmem>>
      %dma_wait3A_303 = arith.constant 0 : i32
      %dma_wait3A_304 = arith.constant 0 : i32
      %dma_wait3A_305 = tpu.memref_slice %arg2[%arg0, %dma_wait3A_303, %dma_wait3A_304] : memref<2x10112x24xf32, #tpu.memory_space<hbm>> -> memref<1x10112x24xf32, #tpu.memory_space<hbm>>
      %dma_wait3A_306 = tpu.memref_squeeze %dma_wait3A_305 : memref<1x10112x24xf32, #tpu.memory_space<hbm>> -> memref<10112x24xf32, #tpu.memory_space<hbm>>
      %dma_wait3A_307 = arith.constant 0 : i32
      %dma_wait3A_308 = arith.constant 0 : i32
      %dma_wait3A_309 = tpu.memref_slice %dma_wait3A_306[%dma_wait3A_307, %dma_wait3A_308] : memref<10112x24xf32, #tpu.memory_space<hbm>> -> memref<10112x24xf32, #tpu.memory_space<hbm>>
      tpu.wait_indirect_dma semaphore(%arg22 : memref<!tpu.dma_semaphore, #tpu.memory_space<semaphore_mem>>) src(%dma_wait3A_309 : memref<10112x24xf32, #tpu.memory_space<hbm>>) dst(%arg14 : memref<80x24xf32, #tpu.memory_space<vmem>>)
      "tpu.region"() ({
        %run_scoped3A_402 = tpu.sem_alloc : memref<!tpu.dma_semaphore, #tpu.memory_space<semaphore_mem>>
        %dma_start3A_403 = arith.constant 0 : i32
        %dma_start3A_404 = tpu.memref_slice %arg9[%add3A_299, %dma_start3A_403] : memref<256x80xi32, #tpu.memory_space<vmem>> -> memref<1x80xi32, #tpu.memory_space<vmem>>
        %dma_start3A_405 = tpu.memref_squeeze %dma_start3A_404 : memref<1x80xi32, #tpu.memory_space<vmem>> -> memref<80xi32, #tpu.memory_space<vmem>>
        %dma_start3A_406 = arith.constant 0 : i32
        %dma_start3A_407 = arith.constant 0 : i32
        %dma_start3A_408 = tpu.memref_slice %arg7[%dma_start3A_406, %dma_start3A_407] : memref<10112x24xf32, #tpu.memory_space<vmem_shared>> -> memref<10112x24xf32, #tpu.memory_space<vmem_shared>>
        tpu.enqueue_indirect_dma source(%arg14 : memref<80x24xf32, #tpu.memory_space<vmem>>) target(%dma_start3A_408 : memref<10112x24xf32, #tpu.memory_space<vmem_shared>>) offsets(%dma_start3A_405 : memref<80xi32, #tpu.memory_space<vmem>>) semaphore(%run_scoped3A_402 : memref<!tpu.dma_semaphore, #tpu.memory_space<semaphore_mem>>) {add = true}
        %dma_wait3A_409 = arith.constant 0 : i32
        %dma_wait3A_410 = tpu.memref_slice %arg9[%add3A_299, %dma_wait3A_409] : memref<256x80xi32, #tpu.memory_space<vmem>> -> memref<1x80xi32, #tpu.memory_space<vmem>>
        %dma_wait3A_411 = tpu.memref_squeeze %dma_wait3A_410 : memref<1x80xi32, #tpu.memory_space<vmem>> -> memref<80xi32, #tpu.memory_space<vmem>>
        %dma_wait3A_412 = arith.constant 0 : i32
        %dma_wait3A_413 = arith.constant 0 : i32
        %dma_wait3A_414 = tpu.memref_slice %arg7[%dma_wait3A_412, %dma_wait3A_413] : memref<10112x24xf32, #tpu.memory_space<vmem_shared>> -> memref<10112x24xf32, #tpu.memory_space<vmem_shared>>
        tpu.wait_indirect_dma semaphore(%run_scoped3A_402 : memref<!tpu.dma_semaphore, #tpu.memory_space<semaphore_mem>>) src(%arg14 : memref<80x24xf32, #tpu.memory_space<vmem>>) dst(%dma_wait3A_414 : memref<10112x24xf32, #tpu.memory_space<vmem_shared>>)
        tpu.yield
      }) : () -> ()
      %add3A_310 = arith.constant 4 : i32
      %add3A_311 = arith.addi %mul3A_194, %add3A_310 : i32
      %add3A_312 = arith.constant 8 : i32
      %add3A_313 = arith.addi %add3A_311, %add3A_312 : i32
      %dma_start3A_314 = arith.constant 0 : i32
      %dma_start3A_315 = tpu.memref_slice %arg8[%add3A_313, %dma_start3A_314] : memref<256x80xi32, #tpu.memory_space<vmem>> -> memref<1x80xi32, #tpu.memory_space<vmem>>
      %dma_start3A_316 = tpu.memref_squeeze %dma_start3A_315 : memref<1x80xi32, #tpu.memory_space<vmem>> -> memref<80xi32, #tpu.memory_space<vmem>>
      %dma_start3A_317 = arith.constant 0 : i32
      %dma_start3A_318 = arith.constant 0 : i32
      %dma_start3A_319 = tpu.memref_slice %arg2[%arg0, %dma_start3A_317, %dma_start3A_318] : memref<2x10112x24xf32, #tpu.memory_space<hbm>> -> memref<1x10112x24xf32, #tpu.memory_space<hbm>>
      %dma_start3A_320 = tpu.memref_squeeze %dma_start3A_319 : memref<1x10112x24xf32, #tpu.memory_space<hbm>> -> memref<10112x24xf32, #tpu.memory_space<hbm>>
      %dma_start3A_321 = arith.constant 0 : i32
      %dma_start3A_322 = arith.constant 0 : i32
      %dma_start3A_323 = tpu.memref_slice %dma_start3A_320[%dma_start3A_321, %dma_start3A_322] : memref<10112x24xf32, #tpu.memory_space<hbm>> -> memref<10112x24xf32, #tpu.memory_space<hbm>>
      tpu.enqueue_indirect_dma source(%dma_start3A_323 : memref<10112x24xf32, #tpu.memory_space<hbm>>) target(%arg14 : memref<80x24xf32, #tpu.memory_space<vmem>>) offsets(%dma_start3A_316 : memref<80xi32, #tpu.memory_space<vmem>>) semaphore(%arg22 : memref<!tpu.dma_semaphore, #tpu.memory_space<semaphore_mem>>)
      %add3A_324 = arith.constant 5 : i32
      %add3A_325 = arith.addi %mul3A_194, %add3A_324 : i32
      %dma_wait3A_326 = arith.constant 0 : i32
      %dma_wait3A_327 = tpu.memref_slice %arg8[%add3A_325, %dma_wait3A_326] : memref<256x80xi32, #tpu.memory_space<vmem>> -> memref<1x80xi32, #tpu.memory_space<vmem>>
      %dma_wait3A_328 = tpu.memref_squeeze %dma_wait3A_327 : memref<1x80xi32, #tpu.memory_space<vmem>> -> memref<80xi32, #tpu.memory_space<vmem>>
      %dma_wait3A_329 = arith.constant 0 : i32
      %dma_wait3A_330 = arith.constant 0 : i32
      %dma_wait3A_331 = tpu.memref_slice %arg2[%arg0, %dma_wait3A_329, %dma_wait3A_330] : memref<2x10112x24xf32, #tpu.memory_space<hbm>> -> memref<1x10112x24xf32, #tpu.memory_space<hbm>>
      %dma_wait3A_332 = tpu.memref_squeeze %dma_wait3A_331 : memref<1x10112x24xf32, #tpu.memory_space<hbm>> -> memref<10112x24xf32, #tpu.memory_space<hbm>>
      %dma_wait3A_333 = arith.constant 0 : i32
      %dma_wait3A_334 = arith.constant 0 : i32
      %dma_wait3A_335 = tpu.memref_slice %dma_wait3A_332[%dma_wait3A_333, %dma_wait3A_334] : memref<10112x24xf32, #tpu.memory_space<hbm>> -> memref<10112x24xf32, #tpu.memory_space<hbm>>
      tpu.wait_indirect_dma semaphore(%arg23 : memref<!tpu.dma_semaphore, #tpu.memory_space<semaphore_mem>>) src(%dma_wait3A_335 : memref<10112x24xf32, #tpu.memory_space<hbm>>) dst(%arg15 : memref<80x24xf32, #tpu.memory_space<vmem>>)
      "tpu.region"() ({
        %run_scoped3A_402 = tpu.sem_alloc : memref<!tpu.dma_semaphore, #tpu.memory_space<semaphore_mem>>
        %dma_start3A_403 = arith.constant 0 : i32
        %dma_start3A_404 = tpu.memref_slice %arg9[%add3A_325, %dma_start3A_403] : memref<256x80xi32, #tpu.memory_space<vmem>> -> memref<1x80xi32, #tpu.memory_space<vmem>>
        %dma_start3A_405 = tpu.memref_squeeze %dma_start3A_404 : memref<1x80xi32, #tpu.memory_space<vmem>> -> memref<80xi32, #tpu.memory_space<vmem>>
        %dma_start3A_406 = arith.constant 0 : i32
        %dma_start3A_407 = arith.constant 0 : i32
        %dma_start3A_408 = tpu.memref_slice %arg7[%dma_start3A_406, %dma_start3A_407] : memref<10112x24xf32, #tpu.memory_space<vmem_shared>> -> memref<10112x24xf32, #tpu.memory_space<vmem_shared>>
        tpu.enqueue_indirect_dma source(%arg15 : memref<80x24xf32, #tpu.memory_space<vmem>>) target(%dma_start3A_408 : memref<10112x24xf32, #tpu.memory_space<vmem_shared>>) offsets(%dma_start3A_405 : memref<80xi32, #tpu.memory_space<vmem>>) semaphore(%run_scoped3A_402 : memref<!tpu.dma_semaphore, #tpu.memory_space<semaphore_mem>>) {add = true}
        %dma_wait3A_409 = arith.constant 0 : i32
        %dma_wait3A_410 = tpu.memref_slice %arg9[%add3A_325, %dma_wait3A_409] : memref<256x80xi32, #tpu.memory_space<vmem>> -> memref<1x80xi32, #tpu.memory_space<vmem>>
        %dma_wait3A_411 = tpu.memref_squeeze %dma_wait3A_410 : memref<1x80xi32, #tpu.memory_space<vmem>> -> memref<80xi32, #tpu.memory_space<vmem>>
        %dma_wait3A_412 = arith.constant 0 : i32
        %dma_wait3A_413 = arith.constant 0 : i32
        %dma_wait3A_414 = tpu.memref_slice %arg7[%dma_wait3A_412, %dma_wait3A_413] : memref<10112x24xf32, #tpu.memory_space<vmem_shared>> -> memref<10112x24xf32, #tpu.memory_space<vmem_shared>>
        tpu.wait_indirect_dma semaphore(%run_scoped3A_402 : memref<!tpu.dma_semaphore, #tpu.memory_space<semaphore_mem>>) src(%arg15 : memref<80x24xf32, #tpu.memory_space<vmem>>) dst(%dma_wait3A_414 : memref<10112x24xf32, #tpu.memory_space<vmem_shared>>)
        tpu.yield
      }) : () -> ()
      %add3A_336 = arith.constant 5 : i32
      %add3A_337 = arith.addi %mul3A_194, %add3A_336 : i32
      %add3A_338 = arith.constant 8 : i32
      %add3A_339 = arith.addi %add3A_337, %add3A_338 : i32
      %dma_start3A_340 = arith.constant 0 : i32
      %dma_start3A_341 = tpu.memref_slice %arg8[%add3A_339, %dma_start3A_340] : memref<256x80xi32, #tpu.memory_space<vmem>> -> memref<1x80xi32, #tpu.memory_space<vmem>>
      %dma_start3A_342 = tpu.memref_squeeze %dma_start3A_341 : memref<1x80xi32, #tpu.memory_space<vmem>> -> memref<80xi32, #tpu.memory_space<vmem>>
      %dma_start3A_343 = arith.constant 0 : i32
      %dma_start3A_344 = arith.constant 0 : i32
      %dma_start3A_345 = tpu.memref_slice %arg2[%arg0, %dma_start3A_343, %dma_start3A_344] : memref<2x10112x24xf32, #tpu.memory_space<hbm>> -> memref<1x10112x24xf32, #tpu.memory_space<hbm>>
      %dma_start3A_346 = tpu.memref_squeeze %dma_start3A_345 : memref<1x10112x24xf32, #tpu.memory_space<hbm>> -> memref<10112x24xf32, #tpu.memory_space<hbm>>
      %dma_start3A_347 = arith.constant 0 : i32
      %dma_start3A_348 = arith.constant 0 : i32
      %dma_start3A_349 = tpu.memref_slice %dma_start3A_346[%dma_start3A_347, %dma_start3A_348] : memref<10112x24xf32, #tpu.memory_space<hbm>> -> memref<10112x24xf32, #tpu.memory_space<hbm>>
      tpu.enqueue_indirect_dma source(%dma_start3A_349 : memref<10112x24xf32, #tpu.memory_space<hbm>>) target(%arg15 : memref<80x24xf32, #tpu.memory_space<vmem>>) offsets(%dma_start3A_342 : memref<80xi32, #tpu.memory_space<vmem>>) semaphore(%arg23 : memref<!tpu.dma_semaphore, #tpu.memory_space<semaphore_mem>>)
      %add3A_350 = arith.constant 6 : i32
      %add3A_351 = arith.addi %mul3A_194, %add3A_350 : i32
      %dma_wait3A_352 = arith.constant 0 : i32
      %dma_wait3A_353 = tpu.memref_slice %arg8[%add3A_351, %dma_wait3A_352] : memref<256x80xi32, #tpu.memory_space<vmem>> -> memref<1x80xi32, #tpu.memory_space<vmem>>
      %dma_wait3A_354 = tpu.memref_squeeze %dma_wait3A_353 : memref<1x80xi32, #tpu.memory_space<vmem>> -> memref<80xi32, #tpu.memory_space<vmem>>
      %dma_wait3A_355 = arith.constant 0 : i32
      %dma_wait3A_356 = arith.constant 0 : i32
      %dma_wait3A_357 = tpu.memref_slice %arg2[%arg0, %dma_wait3A_355, %dma_wait3A_356] : memref<2x10112x24xf32, #tpu.memory_space<hbm>> -> memref<1x10112x24xf32, #tpu.memory_space<hbm>>
      %dma_wait3A_358 = tpu.memref_squeeze %dma_wait3A_357 : memref<1x10112x24xf32, #tpu.memory_space<hbm>> -> memref<10112x24xf32, #tpu.memory_space<hbm>>
      %dma_wait3A_359 = arith.constant 0 : i32
      %dma_wait3A_360 = arith.constant 0 : i32
      %dma_wait3A_361 = tpu.memref_slice %dma_wait3A_358[%dma_wait3A_359, %dma_wait3A_360] : memref<10112x24xf32, #tpu.memory_space<hbm>> -> memref<10112x24xf32, #tpu.memory_space<hbm>>
      tpu.wait_indirect_dma semaphore(%arg24 : memref<!tpu.dma_semaphore, #tpu.memory_space<semaphore_mem>>) src(%dma_wait3A_361 : memref<10112x24xf32, #tpu.memory_space<hbm>>) dst(%arg16 : memref<80x24xf32, #tpu.memory_space<vmem>>)
      "tpu.region"() ({
        %run_scoped3A_402 = tpu.sem_alloc : memref<!tpu.dma_semaphore, #tpu.memory_space<semaphore_mem>>
        %dma_start3A_403 = arith.constant 0 : i32
        %dma_start3A_404 = tpu.memref_slice %arg9[%add3A_351, %dma_start3A_403] : memref<256x80xi32, #tpu.memory_space<vmem>> -> memref<1x80xi32, #tpu.memory_space<vmem>>
        %dma_start3A_405 = tpu.memref_squeeze %dma_start3A_404 : memref<1x80xi32, #tpu.memory_space<vmem>> -> memref<80xi32, #tpu.memory_space<vmem>>
        %dma_start3A_406 = arith.constant 0 : i32
        %dma_start3A_407 = arith.constant 0 : i32
        %dma_start3A_408 = tpu.memref_slice %arg7[%dma_start3A_406, %dma_start3A_407] : memref<10112x24xf32, #tpu.memory_space<vmem_shared>> -> memref<10112x24xf32, #tpu.memory_space<vmem_shared>>
        tpu.enqueue_indirect_dma source(%arg16 : memref<80x24xf32, #tpu.memory_space<vmem>>) target(%dma_start3A_408 : memref<10112x24xf32, #tpu.memory_space<vmem_shared>>) offsets(%dma_start3A_405 : memref<80xi32, #tpu.memory_space<vmem>>) semaphore(%run_scoped3A_402 : memref<!tpu.dma_semaphore, #tpu.memory_space<semaphore_mem>>) {add = true}
        %dma_wait3A_409 = arith.constant 0 : i32
        %dma_wait3A_410 = tpu.memref_slice %arg9[%add3A_351, %dma_wait3A_409] : memref<256x80xi32, #tpu.memory_space<vmem>> -> memref<1x80xi32, #tpu.memory_space<vmem>>
        %dma_wait3A_411 = tpu.memref_squeeze %dma_wait3A_410 : memref<1x80xi32, #tpu.memory_space<vmem>> -> memref<80xi32, #tpu.memory_space<vmem>>
        %dma_wait3A_412 = arith.constant 0 : i32
        %dma_wait3A_413 = arith.constant 0 : i32
        %dma_wait3A_414 = tpu.memref_slice %arg7[%dma_wait3A_412, %dma_wait3A_413] : memref<10112x24xf32, #tpu.memory_space<vmem_shared>> -> memref<10112x24xf32, #tpu.memory_space<vmem_shared>>
        tpu.wait_indirect_dma semaphore(%run_scoped3A_402 : memref<!tpu.dma_semaphore, #tpu.memory_space<semaphore_mem>>) src(%arg16 : memref<80x24xf32, #tpu.memory_space<vmem>>) dst(%dma_wait3A_414 : memref<10112x24xf32, #tpu.memory_space<vmem_shared>>)
        tpu.yield
      }) : () -> ()
      %add3A_362 = arith.constant 6 : i32
      %add3A_363 = arith.addi %mul3A_194, %add3A_362 : i32
      %add3A_364 = arith.constant 8 : i32
      %add3A_365 = arith.addi %add3A_363, %add3A_364 : i32
      %dma_start3A_366 = arith.constant 0 : i32
      %dma_start3A_367 = tpu.memref_slice %arg8[%add3A_365, %dma_start3A_366] : memref<256x80xi32, #tpu.memory_space<vmem>> -> memref<1x80xi32, #tpu.memory_space<vmem>>
      %dma_start3A_368 = tpu.memref_squeeze %dma_start3A_367 : memref<1x80xi32, #tpu.memory_space<vmem>> -> memref<80xi32, #tpu.memory_space<vmem>>
      %dma_start3A_369 = arith.constant 0 : i32
      %dma_start3A_370 = arith.constant 0 : i32
      %dma_start3A_371 = tpu.memref_slice %arg2[%arg0, %dma_start3A_369, %dma_start3A_370] : memref<2x10112x24xf32, #tpu.memory_space<hbm>> -> memref<1x10112x24xf32, #tpu.memory_space<hbm>>
      %dma_start3A_372 = tpu.memref_squeeze %dma_start3A_371 : memref<1x10112x24xf32, #tpu.memory_space<hbm>> -> memref<10112x24xf32, #tpu.memory_space<hbm>>
      %dma_start3A_373 = arith.constant 0 : i32
      %dma_start3A_374 = arith.constant 0 : i32
      %dma_start3A_375 = tpu.memref_slice %dma_start3A_372[%dma_start3A_373, %dma_start3A_374] : memref<10112x24xf32, #tpu.memory_space<hbm>> -> memref<10112x24xf32, #tpu.memory_space<hbm>>
      tpu.enqueue_indirect_dma source(%dma_start3A_375 : memref<10112x24xf32, #tpu.memory_space<hbm>>) target(%arg16 : memref<80x24xf32, #tpu.memory_space<vmem>>) offsets(%dma_start3A_368 : memref<80xi32, #tpu.memory_space<vmem>>) semaphore(%arg24 : memref<!tpu.dma_semaphore, #tpu.memory_space<semaphore_mem>>)
      %add3A_376 = arith.constant 7 : i32
      %add3A_377 = arith.addi %mul3A_194, %add3A_376 : i32
      %dma_wait3A_378 = arith.constant 0 : i32
      %dma_wait3A_379 = tpu.memref_slice %arg8[%add3A_377, %dma_wait3A_378] : memref<256x80xi32, #tpu.memory_space<vmem>> -> memref<1x80xi32, #tpu.memory_space<vmem>>
      %dma_wait3A_380 = tpu.memref_squeeze %dma_wait3A_379 : memref<1x80xi32, #tpu.memory_space<vmem>> -> memref<80xi32, #tpu.memory_space<vmem>>
      %dma_wait3A_381 = arith.constant 0 : i32
      %dma_wait3A_382 = arith.constant 0 : i32
      %dma_wait3A_383 = tpu.memref_slice %arg2[%arg0, %dma_wait3A_381, %dma_wait3A_382] : memref<2x10112x24xf32, #tpu.memory_space<hbm>> -> memref<1x10112x24xf32, #tpu.memory_space<hbm>>
      %dma_wait3A_384 = tpu.memref_squeeze %dma_wait3A_383 : memref<1x10112x24xf32, #tpu.memory_space<hbm>> -> memref<10112x24xf32, #tpu.memory_space<hbm>>
      %dma_wait3A_385 = arith.constant 0 : i32
      %dma_wait3A_386 = arith.constant 0 : i32
      %dma_wait3A_387 = tpu.memref_slice %dma_wait3A_384[%dma_wait3A_385, %dma_wait3A_386] : memref<10112x24xf32, #tpu.memory_space<hbm>> -> memref<10112x24xf32, #tpu.memory_space<hbm>>
      tpu.wait_indirect_dma semaphore(%arg25 : memref<!tpu.dma_semaphore, #tpu.memory_space<semaphore_mem>>) src(%dma_wait3A_387 : memref<10112x24xf32, #tpu.memory_space<hbm>>) dst(%arg17 : memref<80x24xf32, #tpu.memory_space<vmem>>)
      "tpu.region"() ({
        %run_scoped3A_402 = tpu.sem_alloc : memref<!tpu.dma_semaphore, #tpu.memory_space<semaphore_mem>>
        %dma_start3A_403 = arith.constant 0 : i32
        %dma_start3A_404 = tpu.memref_slice %arg9[%add3A_377, %dma_start3A_403] : memref<256x80xi32, #tpu.memory_space<vmem>> -> memref<1x80xi32, #tpu.memory_space<vmem>>
        %dma_start3A_405 = tpu.memref_squeeze %dma_start3A_404 : memref<1x80xi32, #tpu.memory_space<vmem>> -> memref<80xi32, #tpu.memory_space<vmem>>
        %dma_start3A_406 = arith.constant 0 : i32
        %dma_start3A_407 = arith.constant 0 : i32
        %dma_start3A_408 = tpu.memref_slice %arg7[%dma_start3A_406, %dma_start3A_407] : memref<10112x24xf32, #tpu.memory_space<vmem_shared>> -> memref<10112x24xf32, #tpu.memory_space<vmem_shared>>
        tpu.enqueue_indirect_dma source(%arg17 : memref<80x24xf32, #tpu.memory_space<vmem>>) target(%dma_start3A_408 : memref<10112x24xf32, #tpu.memory_space<vmem_shared>>) offsets(%dma_start3A_405 : memref<80xi32, #tpu.memory_space<vmem>>) semaphore(%run_scoped3A_402 : memref<!tpu.dma_semaphore, #tpu.memory_space<semaphore_mem>>) {add = true}
        %dma_wait3A_409 = arith.constant 0 : i32
        %dma_wait3A_410 = tpu.memref_slice %arg9[%add3A_377, %dma_wait3A_409] : memref<256x80xi32, #tpu.memory_space<vmem>> -> memref<1x80xi32, #tpu.memory_space<vmem>>
        %dma_wait3A_411 = tpu.memref_squeeze %dma_wait3A_410 : memref<1x80xi32, #tpu.memory_space<vmem>> -> memref<80xi32, #tpu.memory_space<vmem>>
        %dma_wait3A_412 = arith.constant 0 : i32
        %dma_wait3A_413 = arith.constant 0 : i32
        %dma_wait3A_414 = tpu.memref_slice %arg7[%dma_wait3A_412, %dma_wait3A_413] : memref<10112x24xf32, #tpu.memory_space<vmem_shared>> -> memref<10112x24xf32, #tpu.memory_space<vmem_shared>>
        tpu.wait_indirect_dma semaphore(%run_scoped3A_402 : memref<!tpu.dma_semaphore, #tpu.memory_space<semaphore_mem>>) src(%arg17 : memref<80x24xf32, #tpu.memory_space<vmem>>) dst(%dma_wait3A_414 : memref<10112x24xf32, #tpu.memory_space<vmem_shared>>)
        tpu.yield
      }) : () -> ()
      %add3A_388 = arith.constant 7 : i32
      %add3A_389 = arith.addi %mul3A_194, %add3A_388 : i32
      %add3A_390 = arith.constant 8 : i32
      %add3A_391 = arith.addi %add3A_389, %add3A_390 : i32
      %dma_start3A_392 = arith.constant 0 : i32
      %dma_start3A_393 = tpu.memref_slice %arg8[%add3A_391, %dma_start3A_392] : memref<256x80xi32, #tpu.memory_space<vmem>> -> memref<1x80xi32, #tpu.memory_space<vmem>>
      %dma_start3A_394 = tpu.memref_squeeze %dma_start3A_393 : memref<1x80xi32, #tpu.memory_space<vmem>> -> memref<80xi32, #tpu.memory_space<vmem>>
      %dma_start3A_395 = arith.constant 0 : i32
      %dma_start3A_396 = arith.constant 0 : i32
      %dma_start3A_397 = tpu.memref_slice %arg2[%arg0, %dma_start3A_395, %dma_start3A_396] : memref<2x10112x24xf32, #tpu.memory_space<hbm>> -> memref<1x10112x24xf32, #tpu.memory_space<hbm>>
      %dma_start3A_398 = tpu.memref_squeeze %dma_start3A_397 : memref<1x10112x24xf32, #tpu.memory_space<hbm>> -> memref<10112x24xf32, #tpu.memory_space<hbm>>
      %dma_start3A_399 = arith.constant 0 : i32
      %dma_start3A_400 = arith.constant 0 : i32
      %dma_start3A_401 = tpu.memref_slice %dma_start3A_398[%dma_start3A_399, %dma_start3A_400] : memref<10112x24xf32, #tpu.memory_space<hbm>> -> memref<10112x24xf32, #tpu.memory_space<hbm>>
      tpu.enqueue_indirect_dma source(%dma_start3A_401 : memref<10112x24xf32, #tpu.memory_space<hbm>>) target(%arg17 : memref<80x24xf32, #tpu.memory_space<vmem>>) offsets(%dma_start3A_394 : memref<80xi32, #tpu.memory_space<vmem>>) semaphore(%arg25 : memref<!tpu.dma_semaphore, #tpu.memory_space<semaphore_mem>>)
    }
    %scan3A_92 = arith.constant 31 : i32
    %dma_wait3A = arith.constant 248 : i32
    %dma_wait3A_93 = arith.constant 0 : i32
    %dma_wait3A_94 = tpu.memref_slice %arg8[%dma_wait3A, %dma_wait3A_93] : memref<256x80xi32, #tpu.memory_space<vmem>> -> memref<1x80xi32, #tpu.memory_space<vmem>>
    %dma_wait3A_95 = tpu.memref_squeeze %dma_wait3A_94 : memref<1x80xi32, #tpu.memory_space<vmem>> -> memref<80xi32, #tpu.memory_space<vmem>>
    %dma_wait3A_96 = arith.constant 0 : i32
    %dma_wait3A_97 = arith.constant 0 : i32
    %dma_wait3A_98 = tpu.memref_slice %arg2[%arg0, %dma_wait3A_96, %dma_wait3A_97] : memref<2x10112x24xf32, #tpu.memory_space<hbm>> -> memref<1x10112x24xf32, #tpu.memory_space<hbm>>
    %dma_wait3A_99 = tpu.memref_squeeze %dma_wait3A_98 : memref<1x10112x24xf32, #tpu.memory_space<hbm>> -> memref<10112x24xf32, #tpu.memory_space<hbm>>
    %dma_wait3A_100 = arith.constant 0 : i32
    %dma_wait3A_101 = arith.constant 0 : i32
    %dma_wait3A_102 = tpu.memref_slice %dma_wait3A_99[%dma_wait3A_100, %dma_wait3A_101] : memref<10112x24xf32, #tpu.memory_space<hbm>> -> memref<10112x24xf32, #tpu.memory_space<hbm>>
    tpu.wait_indirect_dma semaphore(%arg18 : memref<!tpu.dma_semaphore, #tpu.memory_space<semaphore_mem>>) src(%dma_wait3A_102 : memref<10112x24xf32, #tpu.memory_space<hbm>>) dst(%arg10 : memref<80x24xf32, #tpu.memory_space<vmem>>)
    %run_scoped3A = arith.constant 248 : i32
    "tpu.region"() ({
      %run_scoped3A_192 = tpu.sem_alloc : memref<!tpu.dma_semaphore, #tpu.memory_space<semaphore_mem>>
      %dma_start3A_193 = arith.constant 0 : i32
      %dma_start3A_194 = tpu.memref_slice %arg9[%run_scoped3A, %dma_start3A_193] : memref<256x80xi32, #tpu.memory_space<vmem>> -> memref<1x80xi32, #tpu.memory_space<vmem>>
      %dma_start3A_195 = tpu.memref_squeeze %dma_start3A_194 : memref<1x80xi32, #tpu.memory_space<vmem>> -> memref<80xi32, #tpu.memory_space<vmem>>
      %dma_start3A_196 = arith.constant 0 : i32
      %dma_start3A_197 = arith.constant 0 : i32
      %dma_start3A_198 = tpu.memref_slice %arg7[%dma_start3A_196, %dma_start3A_197] : memref<10112x24xf32, #tpu.memory_space<vmem_shared>> -> memref<10112x24xf32, #tpu.memory_space<vmem_shared>>
      tpu.enqueue_indirect_dma source(%arg10 : memref<80x24xf32, #tpu.memory_space<vmem>>) target(%dma_start3A_198 : memref<10112x24xf32, #tpu.memory_space<vmem_shared>>) offsets(%dma_start3A_195 : memref<80xi32, #tpu.memory_space<vmem>>) semaphore(%run_scoped3A_192 : memref<!tpu.dma_semaphore, #tpu.memory_space<semaphore_mem>>) {add = true}
      %dma_wait3A_199 = arith.constant 0 : i32
      %dma_wait3A_200 = tpu.memref_slice %arg9[%run_scoped3A, %dma_wait3A_199] : memref<256x80xi32, #tpu.memory_space<vmem>> -> memref<1x80xi32, #tpu.memory_space<vmem>>
      %dma_wait3A_201 = tpu.memref_squeeze %dma_wait3A_200 : memref<1x80xi32, #tpu.memory_space<vmem>> -> memref<80xi32, #tpu.memory_space<vmem>>
      %dma_wait3A_202 = arith.constant 0 : i32
      %dma_wait3A_203 = arith.constant 0 : i32
      %dma_wait3A_204 = tpu.memref_slice %arg7[%dma_wait3A_202, %dma_wait3A_203] : memref<10112x24xf32, #tpu.memory_space<vmem_shared>> -> memref<10112x24xf32, #tpu.memory_space<vmem_shared>>
      tpu.wait_indirect_dma semaphore(%run_scoped3A_192 : memref<!tpu.dma_semaphore, #tpu.memory_space<semaphore_mem>>) src(%arg10 : memref<80x24xf32, #tpu.memory_space<vmem>>) dst(%dma_wait3A_204 : memref<10112x24xf32, #tpu.memory_space<vmem_shared>>)
      tpu.yield
    }) : () -> ()
    %dma_wait3A_103 = arith.constant 249 : i32
    %dma_wait3A_104 = arith.constant 0 : i32
    %dma_wait3A_105 = tpu.memref_slice %arg8[%dma_wait3A_103, %dma_wait3A_104] : memref<256x80xi32, #tpu.memory_space<vmem>> -> memref<1x80xi32, #tpu.memory_space<vmem>>
    %dma_wait3A_106 = tpu.memref_squeeze %dma_wait3A_105 : memref<1x80xi32, #tpu.memory_space<vmem>> -> memref<80xi32, #tpu.memory_space<vmem>>
    %dma_wait3A_107 = arith.constant 0 : i32
    %dma_wait3A_108 = arith.constant 0 : i32
    %dma_wait3A_109 = tpu.memref_slice %arg2[%arg0, %dma_wait3A_107, %dma_wait3A_108] : memref<2x10112x24xf32, #tpu.memory_space<hbm>> -> memref<1x10112x24xf32, #tpu.memory_space<hbm>>
    %dma_wait3A_110 = tpu.memref_squeeze %dma_wait3A_109 : memref<1x10112x24xf32, #tpu.memory_space<hbm>> -> memref<10112x24xf32, #tpu.memory_space<hbm>>
    %dma_wait3A_111 = arith.constant 0 : i32
    %dma_wait3A_112 = arith.constant 0 : i32
    %dma_wait3A_113 = tpu.memref_slice %dma_wait3A_110[%dma_wait3A_111, %dma_wait3A_112] : memref<10112x24xf32, #tpu.memory_space<hbm>> -> memref<10112x24xf32, #tpu.memory_space<hbm>>
    tpu.wait_indirect_dma semaphore(%arg19 : memref<!tpu.dma_semaphore, #tpu.memory_space<semaphore_mem>>) src(%dma_wait3A_113 : memref<10112x24xf32, #tpu.memory_space<hbm>>) dst(%arg11 : memref<80x24xf32, #tpu.memory_space<vmem>>)
    %run_scoped3A_114 = arith.constant 249 : i32
    "tpu.region"() ({
      %run_scoped3A_192 = tpu.sem_alloc : memref<!tpu.dma_semaphore, #tpu.memory_space<semaphore_mem>>
      %dma_start3A_193 = arith.constant 0 : i32
      %dma_start3A_194 = tpu.memref_slice %arg9[%run_scoped3A_114, %dma_start3A_193] : memref<256x80xi32, #tpu.memory_space<vmem>> -> memref<1x80xi32, #tpu.memory_space<vmem>>
      %dma_start3A_195 = tpu.memref_squeeze %dma_start3A_194 : memref<1x80xi32, #tpu.memory_space<vmem>> -> memref<80xi32, #tpu.memory_space<vmem>>
      %dma_start3A_196 = arith.constant 0 : i32
      %dma_start3A_197 = arith.constant 0 : i32
      %dma_start3A_198 = tpu.memref_slice %arg7[%dma_start3A_196, %dma_start3A_197] : memref<10112x24xf32, #tpu.memory_space<vmem_shared>> -> memref<10112x24xf32, #tpu.memory_space<vmem_shared>>
      tpu.enqueue_indirect_dma source(%arg11 : memref<80x24xf32, #tpu.memory_space<vmem>>) target(%dma_start3A_198 : memref<10112x24xf32, #tpu.memory_space<vmem_shared>>) offsets(%dma_start3A_195 : memref<80xi32, #tpu.memory_space<vmem>>) semaphore(%run_scoped3A_192 : memref<!tpu.dma_semaphore, #tpu.memory_space<semaphore_mem>>) {add = true}
      %dma_wait3A_199 = arith.constant 0 : i32
      %dma_wait3A_200 = tpu.memref_slice %arg9[%run_scoped3A_114, %dma_wait3A_199] : memref<256x80xi32, #tpu.memory_space<vmem>> -> memref<1x80xi32, #tpu.memory_space<vmem>>
      %dma_wait3A_201 = tpu.memref_squeeze %dma_wait3A_200 : memref<1x80xi32, #tpu.memory_space<vmem>> -> memref<80xi32, #tpu.memory_space<vmem>>
      %dma_wait3A_202 = arith.constant 0 : i32
      %dma_wait3A_203 = arith.constant 0 : i32
      %dma_wait3A_204 = tpu.memref_slice %arg7[%dma_wait3A_202, %dma_wait3A_203] : memref<10112x24xf32, #tpu.memory_space<vmem_shared>> -> memref<10112x24xf32, #tpu.memory_space<vmem_shared>>
      tpu.wait_indirect_dma semaphore(%run_scoped3A_192 : memref<!tpu.dma_semaphore, #tpu.memory_space<semaphore_mem>>) src(%arg11 : memref<80x24xf32, #tpu.memory_space<vmem>>) dst(%dma_wait3A_204 : memref<10112x24xf32, #tpu.memory_space<vmem_shared>>)
      tpu.yield
    }) : () -> ()
    %dma_wait3A_115 = arith.constant 250 : i32
    %dma_wait3A_116 = arith.constant 0 : i32
    %dma_wait3A_117 = tpu.memref_slice %arg8[%dma_wait3A_115, %dma_wait3A_116] : memref<256x80xi32, #tpu.memory_space<vmem>> -> memref<1x80xi32, #tpu.memory_space<vmem>>
    %dma_wait3A_118 = tpu.memref_squeeze %dma_wait3A_117 : memref<1x80xi32, #tpu.memory_space<vmem>> -> memref<80xi32, #tpu.memory_space<vmem>>
    %dma_wait3A_119 = arith.constant 0 : i32
    %dma_wait3A_120 = arith.constant 0 : i32
    %dma_wait3A_121 = tpu.memref_slice %arg2[%arg0, %dma_wait3A_119, %dma_wait3A_120] : memref<2x10112x24xf32, #tpu.memory_space<hbm>> -> memref<1x10112x24xf32, #tpu.memory_space<hbm>>
    %dma_wait3A_122 = tpu.memref_squeeze %dma_wait3A_121 : memref<1x10112x24xf32, #tpu.memory_space<hbm>> -> memref<10112x24xf32, #tpu.memory_space<hbm>>
    %dma_wait3A_123 = arith.constant 0 : i32
    %dma_wait3A_124 = arith.constant 0 : i32
    %dma_wait3A_125 = tpu.memref_slice %dma_wait3A_122[%dma_wait3A_123, %dma_wait3A_124] : memref<10112x24xf32, #tpu.memory_space<hbm>> -> memref<10112x24xf32, #tpu.memory_space<hbm>>
    tpu.wait_indirect_dma semaphore(%arg20 : memref<!tpu.dma_semaphore, #tpu.memory_space<semaphore_mem>>) src(%dma_wait3A_125 : memref<10112x24xf32, #tpu.memory_space<hbm>>) dst(%arg12 : memref<80x24xf32, #tpu.memory_space<vmem>>)
    %run_scoped3A_126 = arith.constant 250 : i32
    "tpu.region"() ({
      %run_scoped3A_192 = tpu.sem_alloc : memref<!tpu.dma_semaphore, #tpu.memory_space<semaphore_mem>>
      %dma_start3A_193 = arith.constant 0 : i32
      %dma_start3A_194 = tpu.memref_slice %arg9[%run_scoped3A_126, %dma_start3A_193] : memref<256x80xi32, #tpu.memory_space<vmem>> -> memref<1x80xi32, #tpu.memory_space<vmem>>
      %dma_start3A_195 = tpu.memref_squeeze %dma_start3A_194 : memref<1x80xi32, #tpu.memory_space<vmem>> -> memref<80xi32, #tpu.memory_space<vmem>>
      %dma_start3A_196 = arith.constant 0 : i32
      %dma_start3A_197 = arith.constant 0 : i32
      %dma_start3A_198 = tpu.memref_slice %arg7[%dma_start3A_196, %dma_start3A_197] : memref<10112x24xf32, #tpu.memory_space<vmem_shared>> -> memref<10112x24xf32, #tpu.memory_space<vmem_shared>>
      tpu.enqueue_indirect_dma source(%arg12 : memref<80x24xf32, #tpu.memory_space<vmem>>) target(%dma_start3A_198 : memref<10112x24xf32, #tpu.memory_space<vmem_shared>>) offsets(%dma_start3A_195 : memref<80xi32, #tpu.memory_space<vmem>>) semaphore(%run_scoped3A_192 : memref<!tpu.dma_semaphore, #tpu.memory_space<semaphore_mem>>) {add = true}
      %dma_wait3A_199 = arith.constant 0 : i32
      %dma_wait3A_200 = tpu.memref_slice %arg9[%run_scoped3A_126, %dma_wait3A_199] : memref<256x80xi32, #tpu.memory_space<vmem>> -> memref<1x80xi32, #tpu.memory_space<vmem>>
      %dma_wait3A_201 = tpu.memref_squeeze %dma_wait3A_200 : memref<1x80xi32, #tpu.memory_space<vmem>> -> memref<80xi32, #tpu.memory_space<vmem>>
      %dma_wait3A_202 = arith.constant 0 : i32
      %dma_wait3A_203 = arith.constant 0 : i32
      %dma_wait3A_204 = tpu.memref_slice %arg7[%dma_wait3A_202, %dma_wait3A_203] : memref<10112x24xf32, #tpu.memory_space<vmem_shared>> -> memref<10112x24xf32, #tpu.memory_space<vmem_shared>>
      tpu.wait_indirect_dma semaphore(%run_scoped3A_192 : memref<!tpu.dma_semaphore, #tpu.memory_space<semaphore_mem>>) src(%arg12 : memref<80x24xf32, #tpu.memory_space<vmem>>) dst(%dma_wait3A_204 : memref<10112x24xf32, #tpu.memory_space<vmem_shared>>)
      tpu.yield
    }) : () -> ()
    %dma_wait3A_127 = arith.constant 251 : i32
    %dma_wait3A_128 = arith.constant 0 : i32
    %dma_wait3A_129 = tpu.memref_slice %arg8[%dma_wait3A_127, %dma_wait3A_128] : memref<256x80xi32, #tpu.memory_space<vmem>> -> memref<1x80xi32, #tpu.memory_space<vmem>>
    %dma_wait3A_130 = tpu.memref_squeeze %dma_wait3A_129 : memref<1x80xi32, #tpu.memory_space<vmem>> -> memref<80xi32, #tpu.memory_space<vmem>>
    %dma_wait3A_131 = arith.constant 0 : i32
    %dma_wait3A_132 = arith.constant 0 : i32
    %dma_wait3A_133 = tpu.memref_slice %arg2[%arg0, %dma_wait3A_131, %dma_wait3A_132] : memref<2x10112x24xf32, #tpu.memory_space<hbm>> -> memref<1x10112x24xf32, #tpu.memory_space<hbm>>
    %dma_wait3A_134 = tpu.memref_squeeze %dma_wait3A_133 : memref<1x10112x24xf32, #tpu.memory_space<hbm>> -> memref<10112x24xf32, #tpu.memory_space<hbm>>
    %dma_wait3A_135 = arith.constant 0 : i32
    %dma_wait3A_136 = arith.constant 0 : i32
    %dma_wait3A_137 = tpu.memref_slice %dma_wait3A_134[%dma_wait3A_135, %dma_wait3A_136] : memref<10112x24xf32, #tpu.memory_space<hbm>> -> memref<10112x24xf32, #tpu.memory_space<hbm>>
    tpu.wait_indirect_dma semaphore(%arg21 : memref<!tpu.dma_semaphore, #tpu.memory_space<semaphore_mem>>) src(%dma_wait3A_137 : memref<10112x24xf32, #tpu.memory_space<hbm>>) dst(%arg13 : memref<80x24xf32, #tpu.memory_space<vmem>>)
    %run_scoped3A_138 = arith.constant 251 : i32
    "tpu.region"() ({
      %run_scoped3A_192 = tpu.sem_alloc : memref<!tpu.dma_semaphore, #tpu.memory_space<semaphore_mem>>
      %dma_start3A_193 = arith.constant 0 : i32
      %dma_start3A_194 = tpu.memref_slice %arg9[%run_scoped3A_138, %dma_start3A_193] : memref<256x80xi32, #tpu.memory_space<vmem>> -> memref<1x80xi32, #tpu.memory_space<vmem>>
      %dma_start3A_195 = tpu.memref_squeeze %dma_start3A_194 : memref<1x80xi32, #tpu.memory_space<vmem>> -> memref<80xi32, #tpu.memory_space<vmem>>
      %dma_start3A_196 = arith.constant 0 : i32
      %dma_start3A_197 = arith.constant 0 : i32
      %dma_start3A_198 = tpu.memref_slice %arg7[%dma_start3A_196, %dma_start3A_197] : memref<10112x24xf32, #tpu.memory_space<vmem_shared>> -> memref<10112x24xf32, #tpu.memory_space<vmem_shared>>
      tpu.enqueue_indirect_dma source(%arg13 : memref<80x24xf32, #tpu.memory_space<vmem>>) target(%dma_start3A_198 : memref<10112x24xf32, #tpu.memory_space<vmem_shared>>) offsets(%dma_start3A_195 : memref<80xi32, #tpu.memory_space<vmem>>) semaphore(%run_scoped3A_192 : memref<!tpu.dma_semaphore, #tpu.memory_space<semaphore_mem>>) {add = true}
      %dma_wait3A_199 = arith.constant 0 : i32
      %dma_wait3A_200 = tpu.memref_slice %arg9[%run_scoped3A_138, %dma_wait3A_199] : memref<256x80xi32, #tpu.memory_space<vmem>> -> memref<1x80xi32, #tpu.memory_space<vmem>>
      %dma_wait3A_201 = tpu.memref_squeeze %dma_wait3A_200 : memref<1x80xi32, #tpu.memory_space<vmem>> -> memref<80xi32, #tpu.memory_space<vmem>>
      %dma_wait3A_202 = arith.constant 0 : i32
      %dma_wait3A_203 = arith.constant 0 : i32
      %dma_wait3A_204 = tpu.memref_slice %arg7[%dma_wait3A_202, %dma_wait3A_203] : memref<10112x24xf32, #tpu.memory_space<vmem_shared>> -> memref<10112x24xf32, #tpu.memory_space<vmem_shared>>
      tpu.wait_indirect_dma semaphore(%run_scoped3A_192 : memref<!tpu.dma_semaphore, #tpu.memory_space<semaphore_mem>>) src(%arg13 : memref<80x24xf32, #tpu.memory_space<vmem>>) dst(%dma_wait3A_204 : memref<10112x24xf32, #tpu.memory_space<vmem_shared>>)
      tpu.yield
    }) : () -> ()
    %dma_wait3A_139 = arith.constant 252 : i32
    %dma_wait3A_140 = arith.constant 0 : i32
    %dma_wait3A_141 = tpu.memref_slice %arg8[%dma_wait3A_139, %dma_wait3A_140] : memref<256x80xi32, #tpu.memory_space<vmem>> -> memref<1x80xi32, #tpu.memory_space<vmem>>
    %dma_wait3A_142 = tpu.memref_squeeze %dma_wait3A_141 : memref<1x80xi32, #tpu.memory_space<vmem>> -> memref<80xi32, #tpu.memory_space<vmem>>
    %dma_wait3A_143 = arith.constant 0 : i32
    %dma_wait3A_144 = arith.constant 0 : i32
    %dma_wait3A_145 = tpu.memref_slice %arg2[%arg0, %dma_wait3A_143, %dma_wait3A_144] : memref<2x10112x24xf32, #tpu.memory_space<hbm>> -> memref<1x10112x24xf32, #tpu.memory_space<hbm>>
    %dma_wait3A_146 = tpu.memref_squeeze %dma_wait3A_145 : memref<1x10112x24xf32, #tpu.memory_space<hbm>> -> memref<10112x24xf32, #tpu.memory_space<hbm>>
    %dma_wait3A_147 = arith.constant 0 : i32
    %dma_wait3A_148 = arith.constant 0 : i32
    %dma_wait3A_149 = tpu.memref_slice %dma_wait3A_146[%dma_wait3A_147, %dma_wait3A_148] : memref<10112x24xf32, #tpu.memory_space<hbm>> -> memref<10112x24xf32, #tpu.memory_space<hbm>>
    tpu.wait_indirect_dma semaphore(%arg22 : memref<!tpu.dma_semaphore, #tpu.memory_space<semaphore_mem>>) src(%dma_wait3A_149 : memref<10112x24xf32, #tpu.memory_space<hbm>>) dst(%arg14 : memref<80x24xf32, #tpu.memory_space<vmem>>)
    %run_scoped3A_150 = arith.constant 252 : i32
    "tpu.region"() ({
      %run_scoped3A_192 = tpu.sem_alloc : memref<!tpu.dma_semaphore, #tpu.memory_space<semaphore_mem>>
      %dma_start3A_193 = arith.constant 0 : i32
      %dma_start3A_194 = tpu.memref_slice %arg9[%run_scoped3A_150, %dma_start3A_193] : memref<256x80xi32, #tpu.memory_space<vmem>> -> memref<1x80xi32, #tpu.memory_space<vmem>>
      %dma_start3A_195 = tpu.memref_squeeze %dma_start3A_194 : memref<1x80xi32, #tpu.memory_space<vmem>> -> memref<80xi32, #tpu.memory_space<vmem>>
      %dma_start3A_196 = arith.constant 0 : i32
      %dma_start3A_197 = arith.constant 0 : i32
      %dma_start3A_198 = tpu.memref_slice %arg7[%dma_start3A_196, %dma_start3A_197] : memref<10112x24xf32, #tpu.memory_space<vmem_shared>> -> memref<10112x24xf32, #tpu.memory_space<vmem_shared>>
      tpu.enqueue_indirect_dma source(%arg14 : memref<80x24xf32, #tpu.memory_space<vmem>>) target(%dma_start3A_198 : memref<10112x24xf32, #tpu.memory_space<vmem_shared>>) offsets(%dma_start3A_195 : memref<80xi32, #tpu.memory_space<vmem>>) semaphore(%run_scoped3A_192 : memref<!tpu.dma_semaphore, #tpu.memory_space<semaphore_mem>>) {add = true}
      %dma_wait3A_199 = arith.constant 0 : i32
      %dma_wait3A_200 = tpu.memref_slice %arg9[%run_scoped3A_150, %dma_wait3A_199] : memref<256x80xi32, #tpu.memory_space<vmem>> -> memref<1x80xi32, #tpu.memory_space<vmem>>
      %dma_wait3A_201 = tpu.memref_squeeze %dma_wait3A_200 : memref<1x80xi32, #tpu.memory_space<vmem>> -> memref<80xi32, #tpu.memory_space<vmem>>
      %dma_wait3A_202 = arith.constant 0 : i32
      %dma_wait3A_203 = arith.constant 0 : i32
      %dma_wait3A_204 = tpu.memref_slice %arg7[%dma_wait3A_202, %dma_wait3A_203] : memref<10112x24xf32, #tpu.memory_space<vmem_shared>> -> memref<10112x24xf32, #tpu.memory_space<vmem_shared>>
      tpu.wait_indirect_dma semaphore(%run_scoped3A_192 : memref<!tpu.dma_semaphore, #tpu.memory_space<semaphore_mem>>) src(%arg14 : memref<80x24xf32, #tpu.memory_space<vmem>>) dst(%dma_wait3A_204 : memref<10112x24xf32, #tpu.memory_space<vmem_shared>>)
      tpu.yield
    }) : () -> ()
    %dma_wait3A_151 = arith.constant 253 : i32
    %dma_wait3A_152 = arith.constant 0 : i32
    %dma_wait3A_153 = tpu.memref_slice %arg8[%dma_wait3A_151, %dma_wait3A_152] : memref<256x80xi32, #tpu.memory_space<vmem>> -> memref<1x80xi32, #tpu.memory_space<vmem>>
    %dma_wait3A_154 = tpu.memref_squeeze %dma_wait3A_153 : memref<1x80xi32, #tpu.memory_space<vmem>> -> memref<80xi32, #tpu.memory_space<vmem>>
    %dma_wait3A_155 = arith.constant 0 : i32
    %dma_wait3A_156 = arith.constant 0 : i32
    %dma_wait3A_157 = tpu.memref_slice %arg2[%arg0, %dma_wait3A_155, %dma_wait3A_156] : memref<2x10112x24xf32, #tpu.memory_space<hbm>> -> memref<1x10112x24xf32, #tpu.memory_space<hbm>>
    %dma_wait3A_158 = tpu.memref_squeeze %dma_wait3A_157 : memref<1x10112x24xf32, #tpu.memory_space<hbm>> -> memref<10112x24xf32, #tpu.memory_space<hbm>>
    %dma_wait3A_159 = arith.constant 0 : i32
    %dma_wait3A_160 = arith.constant 0 : i32
    %dma_wait3A_161 = tpu.memref_slice %dma_wait3A_158[%dma_wait3A_159, %dma_wait3A_160] : memref<10112x24xf32, #tpu.memory_space<hbm>> -> memref<10112x24xf32, #tpu.memory_space<hbm>>
    tpu.wait_indirect_dma semaphore(%arg23 : memref<!tpu.dma_semaphore, #tpu.memory_space<semaphore_mem>>) src(%dma_wait3A_161 : memref<10112x24xf32, #tpu.memory_space<hbm>>) dst(%arg15 : memref<80x24xf32, #tpu.memory_space<vmem>>)
    %run_scoped3A_162 = arith.constant 253 : i32
    "tpu.region"() ({
      %run_scoped3A_192 = tpu.sem_alloc : memref<!tpu.dma_semaphore, #tpu.memory_space<semaphore_mem>>
      %dma_start3A_193 = arith.constant 0 : i32
      %dma_start3A_194 = tpu.memref_slice %arg9[%run_scoped3A_162, %dma_start3A_193] : memref<256x80xi32, #tpu.memory_space<vmem>> -> memref<1x80xi32, #tpu.memory_space<vmem>>
      %dma_start3A_195 = tpu.memref_squeeze %dma_start3A_194 : memref<1x80xi32, #tpu.memory_space<vmem>> -> memref<80xi32, #tpu.memory_space<vmem>>
      %dma_start3A_196 = arith.constant 0 : i32
      %dma_start3A_197 = arith.constant 0 : i32
      %dma_start3A_198 = tpu.memref_slice %arg7[%dma_start3A_196, %dma_start3A_197] : memref<10112x24xf32, #tpu.memory_space<vmem_shared>> -> memref<10112x24xf32, #tpu.memory_space<vmem_shared>>
      tpu.enqueue_indirect_dma source(%arg15 : memref<80x24xf32, #tpu.memory_space<vmem>>) target(%dma_start3A_198 : memref<10112x24xf32, #tpu.memory_space<vmem_shared>>) offsets(%dma_start3A_195 : memref<80xi32, #tpu.memory_space<vmem>>) semaphore(%run_scoped3A_192 : memref<!tpu.dma_semaphore, #tpu.memory_space<semaphore_mem>>) {add = true}
      %dma_wait3A_199 = arith.constant 0 : i32
      %dma_wait3A_200 = tpu.memref_slice %arg9[%run_scoped3A_162, %dma_wait3A_199] : memref<256x80xi32, #tpu.memory_space<vmem>> -> memref<1x80xi32, #tpu.memory_space<vmem>>
      %dma_wait3A_201 = tpu.memref_squeeze %dma_wait3A_200 : memref<1x80xi32, #tpu.memory_space<vmem>> -> memref<80xi32, #tpu.memory_space<vmem>>
      %dma_wait3A_202 = arith.constant 0 : i32
      %dma_wait3A_203 = arith.constant 0 : i32
      %dma_wait3A_204 = tpu.memref_slice %arg7[%dma_wait3A_202, %dma_wait3A_203] : memref<10112x24xf32, #tpu.memory_space<vmem_shared>> -> memref<10112x24xf32, #tpu.memory_space<vmem_shared>>
      tpu.wait_indirect_dma semaphore(%run_scoped3A_192 : memref<!tpu.dma_semaphore, #tpu.memory_space<semaphore_mem>>) src(%arg15 : memref<80x24xf32, #tpu.memory_space<vmem>>) dst(%dma_wait3A_204 : memref<10112x24xf32, #tpu.memory_space<vmem_shared>>)
      tpu.yield
    }) : () -> ()
    %dma_wait3A_163 = arith.constant 254 : i32
    %dma_wait3A_164 = arith.constant 0 : i32
    %dma_wait3A_165 = tpu.memref_slice %arg8[%dma_wait3A_163, %dma_wait3A_164] : memref<256x80xi32, #tpu.memory_space<vmem>> -> memref<1x80xi32, #tpu.memory_space<vmem>>
    %dma_wait3A_166 = tpu.memref_squeeze %dma_wait3A_165 : memref<1x80xi32, #tpu.memory_space<vmem>> -> memref<80xi32, #tpu.memory_space<vmem>>
    %dma_wait3A_167 = arith.constant 0 : i32
    %dma_wait3A_168 = arith.constant 0 : i32
    %dma_wait3A_169 = tpu.memref_slice %arg2[%arg0, %dma_wait3A_167, %dma_wait3A_168] : memref<2x10112x24xf32, #tpu.memory_space<hbm>> -> memref<1x10112x24xf32, #tpu.memory_space<hbm>>
    %dma_wait3A_170 = tpu.memref_squeeze %dma_wait3A_169 : memref<1x10112x24xf32, #tpu.memory_space<hbm>> -> memref<10112x24xf32, #tpu.memory_space<hbm>>
    %dma_wait3A_171 = arith.constant 0 : i32
    %dma_wait3A_172 = arith.constant 0 : i32
    %dma_wait3A_173 = tpu.memref_slice %dma_wait3A_170[%dma_wait3A_171, %dma_wait3A_172] : memref<10112x24xf32, #tpu.memory_space<hbm>> -> memref<10112x24xf32, #tpu.memory_space<hbm>>
    tpu.wait_indirect_dma semaphore(%arg24 : memref<!tpu.dma_semaphore, #tpu.memory_space<semaphore_mem>>) src(%dma_wait3A_173 : memref<10112x24xf32, #tpu.memory_space<hbm>>) dst(%arg16 : memref<80x24xf32, #tpu.memory_space<vmem>>)
    %run_scoped3A_174 = arith.constant 254 : i32
    "tpu.region"() ({
      %run_scoped3A_192 = tpu.sem_alloc : memref<!tpu.dma_semaphore, #tpu.memory_space<semaphore_mem>>
      %dma_start3A_193 = arith.constant 0 : i32
      %dma_start3A_194 = tpu.memref_slice %arg9[%run_scoped3A_174, %dma_start3A_193] : memref<256x80xi32, #tpu.memory_space<vmem>> -> memref<1x80xi32, #tpu.memory_space<vmem>>
      %dma_start3A_195 = tpu.memref_squeeze %dma_start3A_194 : memref<1x80xi32, #tpu.memory_space<vmem>> -> memref<80xi32, #tpu.memory_space<vmem>>
      %dma_start3A_196 = arith.constant 0 : i32
      %dma_start3A_197 = arith.constant 0 : i32
      %dma_start3A_198 = tpu.memref_slice %arg7[%dma_start3A_196, %dma_start3A_197] : memref<10112x24xf32, #tpu.memory_space<vmem_shared>> -> memref<10112x24xf32, #tpu.memory_space<vmem_shared>>
      tpu.enqueue_indirect_dma source(%arg16 : memref<80x24xf32, #tpu.memory_space<vmem>>) target(%dma_start3A_198 : memref<10112x24xf32, #tpu.memory_space<vmem_shared>>) offsets(%dma_start3A_195 : memref<80xi32, #tpu.memory_space<vmem>>) semaphore(%run_scoped3A_192 : memref<!tpu.dma_semaphore, #tpu.memory_space<semaphore_mem>>) {add = true}
      %dma_wait3A_199 = arith.constant 0 : i32
      %dma_wait3A_200 = tpu.memref_slice %arg9[%run_scoped3A_174, %dma_wait3A_199] : memref<256x80xi32, #tpu.memory_space<vmem>> -> memref<1x80xi32, #tpu.memory_space<vmem>>
      %dma_wait3A_201 = tpu.memref_squeeze %dma_wait3A_200 : memref<1x80xi32, #tpu.memory_space<vmem>> -> memref<80xi32, #tpu.memory_space<vmem>>
      %dma_wait3A_202 = arith.constant 0 : i32
      %dma_wait3A_203 = arith.constant 0 : i32
      %dma_wait3A_204 = tpu.memref_slice %arg7[%dma_wait3A_202, %dma_wait3A_203] : memref<10112x24xf32, #tpu.memory_space<vmem_shared>> -> memref<10112x24xf32, #tpu.memory_space<vmem_shared>>
      tpu.wait_indirect_dma semaphore(%run_scoped3A_192 : memref<!tpu.dma_semaphore, #tpu.memory_space<semaphore_mem>>) src(%arg16 : memref<80x24xf32, #tpu.memory_space<vmem>>) dst(%dma_wait3A_204 : memref<10112x24xf32, #tpu.memory_space<vmem_shared>>)
      tpu.yield
    }) : () -> ()
    %dma_wait3A_175 = arith.constant 255 : i32
    %dma_wait3A_176 = arith.constant 0 : i32
    %dma_wait3A_177 = tpu.memref_slice %arg8[%dma_wait3A_175, %dma_wait3A_176] : memref<256x80xi32, #tpu.memory_space<vmem>> -> memref<1x80xi32, #tpu.memory_space<vmem>>
    %dma_wait3A_178 = tpu.memref_squeeze %dma_wait3A_177 : memref<1x80xi32, #tpu.memory_space<vmem>> -> memref<80xi32, #tpu.memory_space<vmem>>
    %dma_wait3A_179 = arith.constant 0 : i32
    %dma_wait3A_180 = arith.constant 0 : i32
    %dma_wait3A_181 = tpu.memref_slice %arg2[%arg0, %dma_wait3A_179, %dma_wait3A_180] : memref<2x10112x24xf32, #tpu.memory_space<hbm>> -> memref<1x10112x24xf32, #tpu.memory_space<hbm>>
    %dma_wait3A_182 = tpu.memref_squeeze %dma_wait3A_181 : memref<1x10112x24xf32, #tpu.memory_space<hbm>> -> memref<10112x24xf32, #tpu.memory_space<hbm>>
    %dma_wait3A_183 = arith.constant 0 : i32
    %dma_wait3A_184 = arith.constant 0 : i32
    %dma_wait3A_185 = tpu.memref_slice %dma_wait3A_182[%dma_wait3A_183, %dma_wait3A_184] : memref<10112x24xf32, #tpu.memory_space<hbm>> -> memref<10112x24xf32, #tpu.memory_space<hbm>>
    tpu.wait_indirect_dma semaphore(%arg25 : memref<!tpu.dma_semaphore, #tpu.memory_space<semaphore_mem>>) src(%dma_wait3A_185 : memref<10112x24xf32, #tpu.memory_space<hbm>>) dst(%arg17 : memref<80x24xf32, #tpu.memory_space<vmem>>)
    %run_scoped3A_186 = arith.constant 255 : i32
    "tpu.region"() ({
      %run_scoped3A_192 = tpu.sem_alloc : memref<!tpu.dma_semaphore, #tpu.memory_space<semaphore_mem>>
      %dma_start3A_193 = arith.constant 0 : i32
      %dma_start3A_194 = tpu.memref_slice %arg9[%run_scoped3A_186, %dma_start3A_193] : memref<256x80xi32, #tpu.memory_space<vmem>> -> memref<1x80xi32, #tpu.memory_space<vmem>>
      %dma_start3A_195 = tpu.memref_squeeze %dma_start3A_194 : memref<1x80xi32, #tpu.memory_space<vmem>> -> memref<80xi32, #tpu.memory_space<vmem>>
      %dma_start3A_196 = arith.constant 0 : i32
      %dma_start3A_197 = arith.constant 0 : i32
      %dma_start3A_198 = tpu.memref_slice %arg7[%dma_start3A_196, %dma_start3A_197] : memref<10112x24xf32, #tpu.memory_space<vmem_shared>> -> memref<10112x24xf32, #tpu.memory_space<vmem_shared>>
      tpu.enqueue_indirect_dma source(%arg17 : memref<80x24xf32, #tpu.memory_space<vmem>>) target(%dma_start3A_198 : memref<10112x24xf32, #tpu.memory_space<vmem_shared>>) offsets(%dma_start3A_195 : memref<80xi32, #tpu.memory_space<vmem>>) semaphore(%run_scoped3A_192 : memref<!tpu.dma_semaphore, #tpu.memory_space<semaphore_mem>>) {add = true}
      %dma_wait3A_199 = arith.constant 0 : i32
      %dma_wait3A_200 = tpu.memref_slice %arg9[%run_scoped3A_186, %dma_wait3A_199] : memref<256x80xi32, #tpu.memory_space<vmem>> -> memref<1x80xi32, #tpu.memory_space<vmem>>
      %dma_wait3A_201 = tpu.memref_squeeze %dma_wait3A_200 : memref<1x80xi32, #tpu.memory_space<vmem>> -> memref<80xi32, #tpu.memory_space<vmem>>
      %dma_wait3A_202 = arith.constant 0 : i32
      %dma_wait3A_203 = arith.constant 0 : i32
      %dma_wait3A_204 = tpu.memref_slice %arg7[%dma_wait3A_202, %dma_wait3A_203] : memref<10112x24xf32, #tpu.memory_space<vmem_shared>> -> memref<10112x24xf32, #tpu.memory_space<vmem_shared>>
      tpu.wait_indirect_dma semaphore(%run_scoped3A_192 : memref<!tpu.dma_semaphore, #tpu.memory_space<semaphore_mem>>) src(%arg17 : memref<80x24xf32, #tpu.memory_space<vmem>>) dst(%dma_wait3A_204 : memref<10112x24xf32, #tpu.memory_space<vmem_shared>>)
      tpu.yield
    }) : () -> ()
    %barrier3A_187 = arith.constant 0 : index
    tpu.barrier barrier_id(%barrier3A_187)
    %mul3A_188 = arith.constant 632 : i32
    %mul3A_189 = arith.muli %arg1, %mul3A_188 : i32
    %mul3A_190 = arith.constant 632 : i32
    %mul3A_191 = arith.muli %arg1, %mul3A_190 : i32
    "tpu.region"() ({
      %run_scoped3A_192 = tpu.sem_alloc : memref<!tpu.dma_semaphore, #tpu.memory_space<semaphore_mem>>
      %dma_start3A_193 = arith.constant 0 : i32
      %dma_start3A_194 = tpu.memref_slice %arg6[%arg0, %mul3A_191, %dma_start3A_193] : memref<2x10112x24xf32, #tpu.memory_space<hbm>> -> memref<1x632x24xf32, #tpu.memory_space<hbm>>
      %dma_start3A_195 = tpu.memref_squeeze %dma_start3A_194 : memref<1x632x24xf32, #tpu.memory_space<hbm>> -> memref<632x24xf32, #tpu.memory_space<hbm>>
      %dma_start3A_196 = arith.constant 0 : i32
      %dma_start3A_197 = tpu.memref_slice %arg7[%mul3A_189, %dma_start3A_196] : memref<10112x24xf32, #tpu.memory_space<vmem_shared>> -> memref<632x24xf32, #tpu.memory_space<vmem_shared>>
      tpu.enqueue_dma source(%dma_start3A_197 : memref<632x24xf32, #tpu.memory_space<vmem_shared>>) target(%dma_start3A_195 : memref<632x24xf32, #tpu.memory_space<hbm>>) target_semaphore(%run_scoped3A_192 : memref<!tpu.dma_semaphore, #tpu.memory_space<semaphore_mem>>)
      %dma_wait3A_198 = arith.constant 0 : i32
      %dma_wait3A_199 = tpu.memref_slice %arg6[%arg0, %mul3A_191, %dma_wait3A_198] : memref<2x10112x24xf32, #tpu.memory_space<hbm>> -> memref<1x632x24xf32, #tpu.memory_space<hbm>>
      %dma_wait3A_200 = tpu.memref_squeeze %dma_wait3A_199 : memref<1x632x24xf32, #tpu.memory_space<hbm>> -> memref<632x24xf32, #tpu.memory_space<hbm>>
      %dma_wait3A_201 = arith.constant 0 : i32
      %dma_wait3A_202 = tpu.memref_slice %arg7[%mul3A_189, %dma_wait3A_201] : memref<10112x24xf32, #tpu.memory_space<vmem_shared>> -> memref<632x24xf32, #tpu.memory_space<vmem_shared>>
      tpu.wait_dma2 semaphore(%run_scoped3A_192 : memref<!tpu.dma_semaphore, #tpu.memory_space<semaphore_mem>>) src(%dma_wait3A_202 : memref<632x24xf32, #tpu.memory_space<vmem_shared>>) dst(%dma_wait3A_200 : memref<632x24xf32, #tpu.memory_space<hbm>>)
      tpu.yield
    }) : () -> ()
    return
  }
}

#map = affine_map<(d0, d1) -> (0, 0)>
#map1 = affine_map<(d0, d1) -> (0, 0, 0)>
module attributes {stable_mosaic.version = 14 : i64} {
  func.func @body(%arg0: i32, %arg1: i32, %arg2: memref<10112x128xf32, #tpu.memory_space<hbm>>, %arg3: memref<32x128x80xi32, #tpu.memory_space<hbm>>, %arg4: memref<32x128x80xi32, #tpu.memory_space<hbm>>, %arg5: memref<632x128xf32, #tpu.memory_space<hbm>>, %arg6: memref<2x10112x128xf32, #tpu.memory_space<hbm>>, %arg7: memref<10112x128xf32, #tpu.memory_space<vmem_shared>>, %arg8: memref<16x80xi32, #tpu.memory_space<vmem>>, %arg9: memref<16x80xi32, #tpu.memory_space<vmem>>, %arg10: memref<80x128xf32, #tpu.memory_space<vmem>>, %arg11: memref<80x128xf32, #tpu.memory_space<vmem>>, %arg12: memref<80x128xf32, #tpu.memory_space<vmem>>, %arg13: memref<80x128xf32, #tpu.memory_space<vmem>>, %arg14: memref<!tpu.dma_semaphore, #tpu.memory_space<semaphore_mem>>, %arg15: memref<!tpu.dma_semaphore, #tpu.memory_space<semaphore_mem>>, %arg16: memref<!tpu.dma_semaphore, #tpu.memory_space<semaphore_mem>>, %arg17: memref<!tpu.dma_semaphore, #tpu.memory_space<semaphore_mem>>, %arg18: memref<!tpu.dma_semaphore, #tpu.memory_space<semaphore_mem>>) attributes {dimension_semantics = [#tpu.dimension_semantics<core_parallel>, #tpu.dimension_semantics<subcore_parallel>], iteration_bounds = array<i64: 2, 16>, scalar_prefetch = 0 : i64, scratch_operands = 12 : i64, tpu.core_type = #tpu.core_type<sc_vector_subcore>, window_params = [{transform_indices = #map}, {transform_indices = #map1}, {transform_indices = #map1}, {transform_indices = #map}, {transform_indices = #map1}]} {
    %mul3A = arith.constant 16 : i32
    %mul3A_0 = arith.muli %arg0, %mul3A : i32
    %add3A = arith.addi %mul3A_0, %arg1 : i32
    %mul3A_1 = arith.constant 632 : i32
    %mul3A_2 = arith.muli %arg1, %mul3A_1 : i32
    "tpu.region"() ({
      %run_scoped3A_362 = tpu.sem_alloc : memref<!tpu.dma_semaphore, #tpu.memory_space<semaphore_mem>>
      %dma_start3A_363 = arith.constant 0 : i32
      %dma_start3A_364 = tpu.memref_slice %arg7[%mul3A_2, %dma_start3A_363] : memref<10112x128xf32, #tpu.memory_space<vmem_shared>> -> memref<632x128xf32, #tpu.memory_space<vmem_shared>>
      tpu.enqueue_dma source(%arg5 : memref<632x128xf32, #tpu.memory_space<hbm>>) target(%dma_start3A_364 : memref<632x128xf32, #tpu.memory_space<vmem_shared>>) target_semaphore(%run_scoped3A_362 : memref<!tpu.dma_semaphore, #tpu.memory_space<semaphore_mem>>)
      %dma_wait3A_365 = arith.constant 0 : i32
      %dma_wait3A_366 = tpu.memref_slice %arg7[%mul3A_2, %dma_wait3A_365] : memref<10112x128xf32, #tpu.memory_space<vmem_shared>> -> memref<632x128xf32, #tpu.memory_space<vmem_shared>>
      tpu.wait_dma2 semaphore(%run_scoped3A_362 : memref<!tpu.dma_semaphore, #tpu.memory_space<semaphore_mem>>) src(%arg5 : memref<632x128xf32, #tpu.memory_space<hbm>>) dst(%dma_wait3A_366 : memref<632x128xf32, #tpu.memory_space<vmem_shared>>)
      tpu.yield
    }) : () -> ()
    %dma_start3A = arith.constant 0 : i32
    %dma_start3A_3 = arith.constant 0 : i32
    %dma_start3A_4 = tpu.memref_slice %arg8[%dma_start3A, %dma_start3A_3] : memref<16x80xi32, #tpu.memory_space<vmem>> -> memref<8x80xi32, #tpu.memory_space<vmem>>
    %dma_start3A_5 = arith.constant 0 : i32
    %dma_start3A_6 = arith.constant 0 : i32
    %dma_start3A_7 = tpu.memref_slice %arg3[%add3A, %dma_start3A_5, %dma_start3A_6] : memref<32x128x80xi32, #tpu.memory_space<hbm>> -> memref<1x8x80xi32, #tpu.memory_space<hbm>>
    %dma_start3A_8 = tpu.memref_squeeze %dma_start3A_7 : memref<1x8x80xi32, #tpu.memory_space<hbm>> -> memref<8x80xi32, #tpu.memory_space<hbm>>
    %dma_start3A_9 = arith.constant 0 : i32
    %dma_start3A_10 = arith.constant 0 : i32
    %dma_start3A_11 = tpu.memref_slice %arg8[%dma_start3A_9, %dma_start3A_10] : memref<16x80xi32, #tpu.memory_space<vmem>> -> memref<8x80xi32, #tpu.memory_space<vmem>>
    %dma_start3A_12 = arith.constant 0 : i32
    %dma_start3A_13 = arith.constant 0 : i32
    %dma_start3A_14 = tpu.memref_slice %arg3[%add3A, %dma_start3A_12, %dma_start3A_13] : memref<32x128x80xi32, #tpu.memory_space<hbm>> -> memref<1x8x80xi32, #tpu.memory_space<hbm>>
    %dma_start3A_15 = tpu.memref_squeeze %dma_start3A_14 : memref<1x8x80xi32, #tpu.memory_space<hbm>> -> memref<8x80xi32, #tpu.memory_space<hbm>>
    tpu.enqueue_dma source(%dma_start3A_15 : memref<8x80xi32, #tpu.memory_space<hbm>>) target(%dma_start3A_11 : memref<8x80xi32, #tpu.memory_space<vmem>>) target_semaphore(%arg18 : memref<!tpu.dma_semaphore, #tpu.memory_space<semaphore_mem>>)
    %dma_start3A_16 = arith.constant 0 : i32
    %dma_start3A_17 = arith.constant 0 : i32
    %dma_start3A_18 = tpu.memref_slice %arg9[%dma_start3A_16, %dma_start3A_17] : memref<16x80xi32, #tpu.memory_space<vmem>> -> memref<8x80xi32, #tpu.memory_space<vmem>>
    %dma_start3A_19 = arith.constant 0 : i32
    %dma_start3A_20 = arith.constant 0 : i32
    %dma_start3A_21 = tpu.memref_slice %arg4[%add3A, %dma_start3A_19, %dma_start3A_20] : memref<32x128x80xi32, #tpu.memory_space<hbm>> -> memref<1x8x80xi32, #tpu.memory_space<hbm>>
    %dma_start3A_22 = tpu.memref_squeeze %dma_start3A_21 : memref<1x8x80xi32, #tpu.memory_space<hbm>> -> memref<8x80xi32, #tpu.memory_space<hbm>>
    %dma_start3A_23 = arith.constant 0 : i32
    %dma_start3A_24 = arith.constant 0 : i32
    %dma_start3A_25 = tpu.memref_slice %arg9[%dma_start3A_23, %dma_start3A_24] : memref<16x80xi32, #tpu.memory_space<vmem>> -> memref<8x80xi32, #tpu.memory_space<vmem>>
    %dma_start3A_26 = arith.constant 0 : i32
    %dma_start3A_27 = arith.constant 0 : i32
    %dma_start3A_28 = tpu.memref_slice %arg4[%add3A, %dma_start3A_26, %dma_start3A_27] : memref<32x128x80xi32, #tpu.memory_space<hbm>> -> memref<1x8x80xi32, #tpu.memory_space<hbm>>
    %dma_start3A_29 = tpu.memref_squeeze %dma_start3A_28 : memref<1x8x80xi32, #tpu.memory_space<hbm>> -> memref<8x80xi32, #tpu.memory_space<hbm>>
    tpu.enqueue_dma source(%dma_start3A_29 : memref<8x80xi32, #tpu.memory_space<hbm>>) target(%dma_start3A_25 : memref<8x80xi32, #tpu.memory_space<vmem>>) target_semaphore(%arg18 : memref<!tpu.dma_semaphore, #tpu.memory_space<semaphore_mem>>)
    %dma_wait3A = arith.constant 0 : i32
    %dma_wait3A_30 = arith.constant 0 : i32
    %dma_wait3A_31 = tpu.memref_slice %arg8[%dma_wait3A, %dma_wait3A_30] : memref<16x80xi32, #tpu.memory_space<vmem>> -> memref<8x80xi32, #tpu.memory_space<vmem>>
    %dma_wait3A_32 = arith.constant 0 : i32
    %dma_wait3A_33 = arith.constant 0 : i32
    %dma_wait3A_34 = tpu.memref_slice %arg3[%add3A, %dma_wait3A_32, %dma_wait3A_33] : memref<32x128x80xi32, #tpu.memory_space<hbm>> -> memref<1x8x80xi32, #tpu.memory_space<hbm>>
    %dma_wait3A_35 = tpu.memref_squeeze %dma_wait3A_34 : memref<1x8x80xi32, #tpu.memory_space<hbm>> -> memref<8x80xi32, #tpu.memory_space<hbm>>
    %dma_wait3A_36 = arith.constant 0 : i32
    %dma_wait3A_37 = arith.constant 0 : i32
    %dma_wait3A_38 = tpu.memref_slice %arg8[%dma_wait3A_36, %dma_wait3A_37] : memref<16x80xi32, #tpu.memory_space<vmem>> -> memref<8x80xi32, #tpu.memory_space<vmem>>
    %dma_wait3A_39 = arith.constant 0 : i32
    %dma_wait3A_40 = arith.constant 0 : i32
    %dma_wait3A_41 = tpu.memref_slice %arg3[%add3A, %dma_wait3A_39, %dma_wait3A_40] : memref<32x128x80xi32, #tpu.memory_space<hbm>> -> memref<1x8x80xi32, #tpu.memory_space<hbm>>
    %dma_wait3A_42 = tpu.memref_squeeze %dma_wait3A_41 : memref<1x8x80xi32, #tpu.memory_space<hbm>> -> memref<8x80xi32, #tpu.memory_space<hbm>>
    tpu.wait_dma2 semaphore(%arg18 : memref<!tpu.dma_semaphore, #tpu.memory_space<semaphore_mem>>) src(%dma_wait3A_42 : memref<8x80xi32, #tpu.memory_space<hbm>>) dst(%dma_wait3A_38 : memref<8x80xi32, #tpu.memory_space<vmem>>)
    %dma_wait3A_43 = arith.constant 0 : i32
    %dma_wait3A_44 = arith.constant 0 : i32
    %dma_wait3A_45 = tpu.memref_slice %arg9[%dma_wait3A_43, %dma_wait3A_44] : memref<16x80xi32, #tpu.memory_space<vmem>> -> memref<8x80xi32, #tpu.memory_space<vmem>>
    %dma_wait3A_46 = arith.constant 0 : i32
    %dma_wait3A_47 = arith.constant 0 : i32
    %dma_wait3A_48 = tpu.memref_slice %arg4[%add3A, %dma_wait3A_46, %dma_wait3A_47] : memref<32x128x80xi32, #tpu.memory_space<hbm>> -> memref<1x8x80xi32, #tpu.memory_space<hbm>>
    %dma_wait3A_49 = tpu.memref_squeeze %dma_wait3A_48 : memref<1x8x80xi32, #tpu.memory_space<hbm>> -> memref<8x80xi32, #tpu.memory_space<hbm>>
    %dma_wait3A_50 = arith.constant 0 : i32
    %dma_wait3A_51 = arith.constant 0 : i32
    %dma_wait3A_52 = tpu.memref_slice %arg9[%dma_wait3A_50, %dma_wait3A_51] : memref<16x80xi32, #tpu.memory_space<vmem>> -> memref<8x80xi32, #tpu.memory_space<vmem>>
    %dma_wait3A_53 = arith.constant 0 : i32
    %dma_wait3A_54 = arith.constant 0 : i32
    %dma_wait3A_55 = tpu.memref_slice %arg4[%add3A, %dma_wait3A_53, %dma_wait3A_54] : memref<32x128x80xi32, #tpu.memory_space<hbm>> -> memref<1x8x80xi32, #tpu.memory_space<hbm>>
    %dma_wait3A_56 = tpu.memref_squeeze %dma_wait3A_55 : memref<1x8x80xi32, #tpu.memory_space<hbm>> -> memref<8x80xi32, #tpu.memory_space<hbm>>
    tpu.wait_dma2 semaphore(%arg18 : memref<!tpu.dma_semaphore, #tpu.memory_space<semaphore_mem>>) src(%dma_wait3A_56 : memref<8x80xi32, #tpu.memory_space<hbm>>) dst(%dma_wait3A_52 : memref<8x80xi32, #tpu.memory_space<vmem>>)
    %dma_start3A_57 = arith.constant 8 : i32
    %dma_start3A_58 = arith.constant 0 : i32
    %dma_start3A_59 = tpu.memref_slice %arg8[%dma_start3A_57, %dma_start3A_58] : memref<16x80xi32, #tpu.memory_space<vmem>> -> memref<8x80xi32, #tpu.memory_space<vmem>>
    %dma_start3A_60 = arith.constant 8 : i32
    %dma_start3A_61 = arith.constant 0 : i32
    %dma_start3A_62 = tpu.memref_slice %arg3[%add3A, %dma_start3A_60, %dma_start3A_61] : memref<32x128x80xi32, #tpu.memory_space<hbm>> -> memref<1x8x80xi32, #tpu.memory_space<hbm>>
    %dma_start3A_63 = tpu.memref_squeeze %dma_start3A_62 : memref<1x8x80xi32, #tpu.memory_space<hbm>> -> memref<8x80xi32, #tpu.memory_space<hbm>>
    %dma_start3A_64 = arith.constant 8 : i32
    %dma_start3A_65 = arith.constant 0 : i32
    %dma_start3A_66 = tpu.memref_slice %arg8[%dma_start3A_64, %dma_start3A_65] : memref<16x80xi32, #tpu.memory_space<vmem>> -> memref<8x80xi32, #tpu.memory_space<vmem>>
    %dma_start3A_67 = arith.constant 8 : i32
    %dma_start3A_68 = arith.constant 0 : i32
    %dma_start3A_69 = tpu.memref_slice %arg3[%add3A, %dma_start3A_67, %dma_start3A_68] : memref<32x128x80xi32, #tpu.memory_space<hbm>> -> memref<1x8x80xi32, #tpu.memory_space<hbm>>
    %dma_start3A_70 = tpu.memref_squeeze %dma_start3A_69 : memref<1x8x80xi32, #tpu.memory_space<hbm>> -> memref<8x80xi32, #tpu.memory_space<hbm>>
    tpu.enqueue_dma source(%dma_start3A_70 : memref<8x80xi32, #tpu.memory_space<hbm>>) target(%dma_start3A_66 : memref<8x80xi32, #tpu.memory_space<vmem>>) target_semaphore(%arg18 : memref<!tpu.dma_semaphore, #tpu.memory_space<semaphore_mem>>)
    %dma_start3A_71 = arith.constant 8 : i32
    %dma_start3A_72 = arith.constant 0 : i32
    %dma_start3A_73 = tpu.memref_slice %arg9[%dma_start3A_71, %dma_start3A_72] : memref<16x80xi32, #tpu.memory_space<vmem>> -> memref<8x80xi32, #tpu.memory_space<vmem>>
    %dma_start3A_74 = arith.constant 8 : i32
    %dma_start3A_75 = arith.constant 0 : i32
    %dma_start3A_76 = tpu.memref_slice %arg4[%add3A, %dma_start3A_74, %dma_start3A_75] : memref<32x128x80xi32, #tpu.memory_space<hbm>> -> memref<1x8x80xi32, #tpu.memory_space<hbm>>
    %dma_start3A_77 = tpu.memref_squeeze %dma_start3A_76 : memref<1x8x80xi32, #tpu.memory_space<hbm>> -> memref<8x80xi32, #tpu.memory_space<hbm>>
    %dma_start3A_78 = arith.constant 8 : i32
    %dma_start3A_79 = arith.constant 0 : i32
    %dma_start3A_80 = tpu.memref_slice %arg9[%dma_start3A_78, %dma_start3A_79] : memref<16x80xi32, #tpu.memory_space<vmem>> -> memref<8x80xi32, #tpu.memory_space<vmem>>
    %dma_start3A_81 = arith.constant 8 : i32
    %dma_start3A_82 = arith.constant 0 : i32
    %dma_start3A_83 = tpu.memref_slice %arg4[%add3A, %dma_start3A_81, %dma_start3A_82] : memref<32x128x80xi32, #tpu.memory_space<hbm>> -> memref<1x8x80xi32, #tpu.memory_space<hbm>>
    %dma_start3A_84 = tpu.memref_squeeze %dma_start3A_83 : memref<1x8x80xi32, #tpu.memory_space<hbm>> -> memref<8x80xi32, #tpu.memory_space<hbm>>
    tpu.enqueue_dma source(%dma_start3A_84 : memref<8x80xi32, #tpu.memory_space<hbm>>) target(%dma_start3A_80 : memref<8x80xi32, #tpu.memory_space<vmem>>) target_semaphore(%arg18 : memref<!tpu.dma_semaphore, #tpu.memory_space<semaphore_mem>>)
    %barrier3A = arith.constant 0 : index
    tpu.barrier barrier_id(%barrier3A)
    %dma_start3A_85 = arith.constant 0 : i32
    %dma_start3A_86 = arith.constant 0 : i32
    %dma_start3A_87 = tpu.memref_slice %arg8[%dma_start3A_85, %dma_start3A_86] : memref<16x80xi32, #tpu.memory_space<vmem>> -> memref<1x80xi32, #tpu.memory_space<vmem>>
    %dma_start3A_88 = tpu.memref_squeeze %dma_start3A_87 : memref<1x80xi32, #tpu.memory_space<vmem>> -> memref<80xi32, #tpu.memory_space<vmem>>
    %dma_start3A_89 = arith.constant 0 : i32
    %dma_start3A_90 = arith.constant 0 : i32
    %dma_start3A_91 = tpu.memref_slice %arg2[%dma_start3A_89, %dma_start3A_90] : memref<10112x128xf32, #tpu.memory_space<hbm>> -> memref<10112x128xf32, #tpu.memory_space<hbm>>
    tpu.enqueue_indirect_dma source(%dma_start3A_91 : memref<10112x128xf32, #tpu.memory_space<hbm>>) target(%arg10 : memref<80x128xf32, #tpu.memory_space<vmem>>) offsets(%dma_start3A_88 : memref<80xi32, #tpu.memory_space<vmem>>) semaphore(%arg14 : memref<!tpu.dma_semaphore, #tpu.memory_space<semaphore_mem>>)
    %dma_start3A_92 = arith.constant 1 : i32
    %dma_start3A_93 = arith.constant 0 : i32
    %dma_start3A_94 = tpu.memref_slice %arg8[%dma_start3A_92, %dma_start3A_93] : memref<16x80xi32, #tpu.memory_space<vmem>> -> memref<1x80xi32, #tpu.memory_space<vmem>>
    %dma_start3A_95 = tpu.memref_squeeze %dma_start3A_94 : memref<1x80xi32, #tpu.memory_space<vmem>> -> memref<80xi32, #tpu.memory_space<vmem>>
    %dma_start3A_96 = arith.constant 0 : i32
    %dma_start3A_97 = arith.constant 0 : i32
    %dma_start3A_98 = tpu.memref_slice %arg2[%dma_start3A_96, %dma_start3A_97] : memref<10112x128xf32, #tpu.memory_space<hbm>> -> memref<10112x128xf32, #tpu.memory_space<hbm>>
    tpu.enqueue_indirect_dma source(%dma_start3A_98 : memref<10112x128xf32, #tpu.memory_space<hbm>>) target(%arg11 : memref<80x128xf32, #tpu.memory_space<vmem>>) offsets(%dma_start3A_95 : memref<80xi32, #tpu.memory_space<vmem>>) semaphore(%arg15 : memref<!tpu.dma_semaphore, #tpu.memory_space<semaphore_mem>>)
    %dma_start3A_99 = arith.constant 2 : i32
    %dma_start3A_100 = arith.constant 0 : i32
    %dma_start3A_101 = tpu.memref_slice %arg8[%dma_start3A_99, %dma_start3A_100] : memref<16x80xi32, #tpu.memory_space<vmem>> -> memref<1x80xi32, #tpu.memory_space<vmem>>
    %dma_start3A_102 = tpu.memref_squeeze %dma_start3A_101 : memref<1x80xi32, #tpu.memory_space<vmem>> -> memref<80xi32, #tpu.memory_space<vmem>>
    %dma_start3A_103 = arith.constant 0 : i32
    %dma_start3A_104 = arith.constant 0 : i32
    %dma_start3A_105 = tpu.memref_slice %arg2[%dma_start3A_103, %dma_start3A_104] : memref<10112x128xf32, #tpu.memory_space<hbm>> -> memref<10112x128xf32, #tpu.memory_space<hbm>>
    tpu.enqueue_indirect_dma source(%dma_start3A_105 : memref<10112x128xf32, #tpu.memory_space<hbm>>) target(%arg12 : memref<80x128xf32, #tpu.memory_space<vmem>>) offsets(%dma_start3A_102 : memref<80xi32, #tpu.memory_space<vmem>>) semaphore(%arg16 : memref<!tpu.dma_semaphore, #tpu.memory_space<semaphore_mem>>)
    %dma_start3A_106 = arith.constant 3 : i32
    %dma_start3A_107 = arith.constant 0 : i32
    %dma_start3A_108 = tpu.memref_slice %arg8[%dma_start3A_106, %dma_start3A_107] : memref<16x80xi32, #tpu.memory_space<vmem>> -> memref<1x80xi32, #tpu.memory_space<vmem>>
    %dma_start3A_109 = tpu.memref_squeeze %dma_start3A_108 : memref<1x80xi32, #tpu.memory_space<vmem>> -> memref<80xi32, #tpu.memory_space<vmem>>
    %dma_start3A_110 = arith.constant 0 : i32
    %dma_start3A_111 = arith.constant 0 : i32
    %dma_start3A_112 = tpu.memref_slice %arg2[%dma_start3A_110, %dma_start3A_111] : memref<10112x128xf32, #tpu.memory_space<hbm>> -> memref<10112x128xf32, #tpu.memory_space<hbm>>
    tpu.enqueue_indirect_dma source(%dma_start3A_112 : memref<10112x128xf32, #tpu.memory_space<hbm>>) target(%arg13 : memref<80x128xf32, #tpu.memory_space<vmem>>) offsets(%dma_start3A_109 : memref<80xi32, #tpu.memory_space<vmem>>) semaphore(%arg17 : memref<!tpu.dma_semaphore, #tpu.memory_space<semaphore_mem>>)
    %scan3A = arith.constant 0 : i32
    %scan3A_113 = arith.constant 0 : i32
    %scan3A_114 = arith.constant 14 : i32
    %scan3A_115 = arith.addi %scan3A_113, %scan3A_114 : i32
    %scan3A_116 = arith.constant 1 : i32
    scf.for %scan3A_362 = %scan3A_113 to %scan3A_115 step %scan3A_116  : i32 {
      %jit3A = arith.constant 2 : i32
      %eq3A = arith.constant 0 : i32
      %eq3A_363 = arith.cmpi eq, %jit3A, %eq3A : i32
      %jit3A_364 = arith.constant 1 : i32
      %select_n3A = arith.select %eq3A_363, %jit3A_364, %jit3A : i32
      %rem3A = arith.remsi %scan3A_362, %select_n3A : i32
      %ne3A = arith.constant 0 : i32
      %ne3A_365 = arith.cmpi ne, %rem3A, %ne3A : i32
      %lt3A = arith.constant 0 : i32
      %lt3A_366 = arith.cmpi slt, %rem3A, %lt3A : i32
      %lt3A_367 = arith.constant 0 : i32
      %lt3A_368 = arith.cmpi slt, %select_n3A, %lt3A_367 : i32
      %ne3A_369 = arith.xori %lt3A_366, %lt3A_368 : i1
      %and3A = arith.andi %ne3A_369, %ne3A_365 : i1
      %add3A_370 = arith.addi %rem3A, %select_n3A : i32
      %select_n3A_371 = arith.select %and3A, %add3A_370, %rem3A : i32
      %mul3A_372 = arith.constant 8 : i32
      %mul3A_373 = arith.muli %select_n3A_371, %mul3A_372 : i32
      %add3A_374 = arith.constant 1 : i32
      %add3A_375 = arith.addi %scan3A_362, %add3A_374 : i32
      %jit3A_376 = arith.constant 2 : i32
      %eq3A_377 = arith.constant 0 : i32
      %eq3A_378 = arith.cmpi eq, %jit3A_376, %eq3A_377 : i32
      %jit3A_379 = arith.constant 1 : i32
      %select_n3A_380 = arith.select %eq3A_378, %jit3A_379, %jit3A_376 : i32
      %rem3A_381 = arith.remsi %add3A_375, %select_n3A_380 : i32
      %ne3A_382 = arith.constant 0 : i32
      %ne3A_383 = arith.cmpi ne, %rem3A_381, %ne3A_382 : i32
      %lt3A_384 = arith.constant 0 : i32
      %lt3A_385 = arith.cmpi slt, %rem3A_381, %lt3A_384 : i32
      %lt3A_386 = arith.constant 0 : i32
      %lt3A_387 = arith.cmpi slt, %select_n3A_380, %lt3A_386 : i32
      %ne3A_388 = arith.xori %lt3A_385, %lt3A_387 : i1
      %and3A_389 = arith.andi %ne3A_388, %ne3A_383 : i1
      %add3A_390 = arith.addi %rem3A_381, %select_n3A_380 : i32
      %select_n3A_391 = arith.select %and3A_389, %add3A_390, %rem3A_381 : i32
      %mul3A_392 = arith.constant 8 : i32
      %mul3A_393 = arith.muli %select_n3A_391, %mul3A_392 : i32
      %add3A_394 = arith.constant 0 : i32
      %add3A_395 = arith.addi %mul3A_373, %add3A_394 : i32
      %dma_wait3A_396 = arith.constant 0 : i32
      %dma_wait3A_397 = tpu.memref_slice %arg8[%add3A_395, %dma_wait3A_396] : memref<16x80xi32, #tpu.memory_space<vmem>> -> memref<1x80xi32, #tpu.memory_space<vmem>>
      %dma_wait3A_398 = tpu.memref_squeeze %dma_wait3A_397 : memref<1x80xi32, #tpu.memory_space<vmem>> -> memref<80xi32, #tpu.memory_space<vmem>>
      %dma_wait3A_399 = arith.constant 0 : i32
      %dma_wait3A_400 = arith.constant 0 : i32
      %dma_wait3A_401 = tpu.memref_slice %arg2[%dma_wait3A_399, %dma_wait3A_400] : memref<10112x128xf32, #tpu.memory_space<hbm>> -> memref<10112x128xf32, #tpu.memory_space<hbm>>
      tpu.wait_indirect_dma semaphore(%arg14 : memref<!tpu.dma_semaphore, #tpu.memory_space<semaphore_mem>>) src(%dma_wait3A_401 : memref<10112x128xf32, #tpu.memory_space<hbm>>) dst(%arg10 : memref<80x128xf32, #tpu.memory_space<vmem>>)
      "tpu.region"() ({
        %run_scoped3A_623 = tpu.sem_alloc : memref<!tpu.dma_semaphore, #tpu.memory_space<semaphore_mem>>
        %dma_start3A_624 = arith.constant 0 : i32
        %dma_start3A_625 = tpu.memref_slice %arg9[%add3A_395, %dma_start3A_624] : memref<16x80xi32, #tpu.memory_space<vmem>> -> memref<1x80xi32, #tpu.memory_space<vmem>>
        %dma_start3A_626 = tpu.memref_squeeze %dma_start3A_625 : memref<1x80xi32, #tpu.memory_space<vmem>> -> memref<80xi32, #tpu.memory_space<vmem>>
        %dma_start3A_627 = arith.constant 0 : i32
        %dma_start3A_628 = arith.constant 0 : i32
        %dma_start3A_629 = tpu.memref_slice %arg7[%dma_start3A_627, %dma_start3A_628] : memref<10112x128xf32, #tpu.memory_space<vmem_shared>> -> memref<10112x128xf32, #tpu.memory_space<vmem_shared>>
        tpu.enqueue_indirect_dma source(%arg10 : memref<80x128xf32, #tpu.memory_space<vmem>>) target(%dma_start3A_629 : memref<10112x128xf32, #tpu.memory_space<vmem_shared>>) offsets(%dma_start3A_626 : memref<80xi32, #tpu.memory_space<vmem>>) semaphore(%run_scoped3A_623 : memref<!tpu.dma_semaphore, #tpu.memory_space<semaphore_mem>>) {add = true}
        %dma_wait3A_630 = arith.constant 0 : i32
        %dma_wait3A_631 = tpu.memref_slice %arg9[%add3A_395, %dma_wait3A_630] : memref<16x80xi32, #tpu.memory_space<vmem>> -> memref<1x80xi32, #tpu.memory_space<vmem>>
        %dma_wait3A_632 = tpu.memref_squeeze %dma_wait3A_631 : memref<1x80xi32, #tpu.memory_space<vmem>> -> memref<80xi32, #tpu.memory_space<vmem>>
        %dma_wait3A_633 = arith.constant 0 : i32
        %dma_wait3A_634 = arith.constant 0 : i32
        %dma_wait3A_635 = tpu.memref_slice %arg7[%dma_wait3A_633, %dma_wait3A_634] : memref<10112x128xf32, #tpu.memory_space<vmem_shared>> -> memref<10112x128xf32, #tpu.memory_space<vmem_shared>>
        tpu.wait_indirect_dma semaphore(%run_scoped3A_623 : memref<!tpu.dma_semaphore, #tpu.memory_space<semaphore_mem>>) src(%arg10 : memref<80x128xf32, #tpu.memory_space<vmem>>) dst(%dma_wait3A_635 : memref<10112x128xf32, #tpu.memory_space<vmem_shared>>)
        tpu.yield
      }) : () -> ()
      %add3A_402 = arith.constant 0 : i32
      %add3A_403 = arith.addi %mul3A_373, %add3A_402 : i32
      %add3A_404 = arith.constant 4 : i32
      %add3A_405 = arith.addi %add3A_403, %add3A_404 : i32
      %dma_start3A_406 = arith.constant 0 : i32
      %dma_start3A_407 = tpu.memref_slice %arg8[%add3A_405, %dma_start3A_406] : memref<16x80xi32, #tpu.memory_space<vmem>> -> memref<1x80xi32, #tpu.memory_space<vmem>>
      %dma_start3A_408 = tpu.memref_squeeze %dma_start3A_407 : memref<1x80xi32, #tpu.memory_space<vmem>> -> memref<80xi32, #tpu.memory_space<vmem>>
      %dma_start3A_409 = arith.constant 0 : i32
      %dma_start3A_410 = arith.constant 0 : i32
      %dma_start3A_411 = tpu.memref_slice %arg2[%dma_start3A_409, %dma_start3A_410] : memref<10112x128xf32, #tpu.memory_space<hbm>> -> memref<10112x128xf32, #tpu.memory_space<hbm>>
      tpu.enqueue_indirect_dma source(%dma_start3A_411 : memref<10112x128xf32, #tpu.memory_space<hbm>>) target(%arg10 : memref<80x128xf32, #tpu.memory_space<vmem>>) offsets(%dma_start3A_408 : memref<80xi32, #tpu.memory_space<vmem>>) semaphore(%arg14 : memref<!tpu.dma_semaphore, #tpu.memory_space<semaphore_mem>>)
      %add3A_412 = arith.constant 1 : i32
      %add3A_413 = arith.addi %mul3A_373, %add3A_412 : i32
      %dma_wait3A_414 = arith.constant 0 : i32
      %dma_wait3A_415 = tpu.memref_slice %arg8[%add3A_413, %dma_wait3A_414] : memref<16x80xi32, #tpu.memory_space<vmem>> -> memref<1x80xi32, #tpu.memory_space<vmem>>
      %dma_wait3A_416 = tpu.memref_squeeze %dma_wait3A_415 : memref<1x80xi32, #tpu.memory_space<vmem>> -> memref<80xi32, #tpu.memory_space<vmem>>
      %dma_wait3A_417 = arith.constant 0 : i32
      %dma_wait3A_418 = arith.constant 0 : i32
      %dma_wait3A_419 = tpu.memref_slice %arg2[%dma_wait3A_417, %dma_wait3A_418] : memref<10112x128xf32, #tpu.memory_space<hbm>> -> memref<10112x128xf32, #tpu.memory_space<hbm>>
      tpu.wait_indirect_dma semaphore(%arg15 : memref<!tpu.dma_semaphore, #tpu.memory_space<semaphore_mem>>) src(%dma_wait3A_419 : memref<10112x128xf32, #tpu.memory_space<hbm>>) dst(%arg11 : memref<80x128xf32, #tpu.memory_space<vmem>>)
      "tpu.region"() ({
        %run_scoped3A_623 = tpu.sem_alloc : memref<!tpu.dma_semaphore, #tpu.memory_space<semaphore_mem>>
        %dma_start3A_624 = arith.constant 0 : i32
        %dma_start3A_625 = tpu.memref_slice %arg9[%add3A_413, %dma_start3A_624] : memref<16x80xi32, #tpu.memory_space<vmem>> -> memref<1x80xi32, #tpu.memory_space<vmem>>
        %dma_start3A_626 = tpu.memref_squeeze %dma_start3A_625 : memref<1x80xi32, #tpu.memory_space<vmem>> -> memref<80xi32, #tpu.memory_space<vmem>>
        %dma_start3A_627 = arith.constant 0 : i32
        %dma_start3A_628 = arith.constant 0 : i32
        %dma_start3A_629 = tpu.memref_slice %arg7[%dma_start3A_627, %dma_start3A_628] : memref<10112x128xf32, #tpu.memory_space<vmem_shared>> -> memref<10112x128xf32, #tpu.memory_space<vmem_shared>>
        tpu.enqueue_indirect_dma source(%arg11 : memref<80x128xf32, #tpu.memory_space<vmem>>) target(%dma_start3A_629 : memref<10112x128xf32, #tpu.memory_space<vmem_shared>>) offsets(%dma_start3A_626 : memref<80xi32, #tpu.memory_space<vmem>>) semaphore(%run_scoped3A_623 : memref<!tpu.dma_semaphore, #tpu.memory_space<semaphore_mem>>) {add = true}
        %dma_wait3A_630 = arith.constant 0 : i32
        %dma_wait3A_631 = tpu.memref_slice %arg9[%add3A_413, %dma_wait3A_630] : memref<16x80xi32, #tpu.memory_space<vmem>> -> memref<1x80xi32, #tpu.memory_space<vmem>>
        %dma_wait3A_632 = tpu.memref_squeeze %dma_wait3A_631 : memref<1x80xi32, #tpu.memory_space<vmem>> -> memref<80xi32, #tpu.memory_space<vmem>>
        %dma_wait3A_633 = arith.constant 0 : i32
        %dma_wait3A_634 = arith.constant 0 : i32
        %dma_wait3A_635 = tpu.memref_slice %arg7[%dma_wait3A_633, %dma_wait3A_634] : memref<10112x128xf32, #tpu.memory_space<vmem_shared>> -> memref<10112x128xf32, #tpu.memory_space<vmem_shared>>
        tpu.wait_indirect_dma semaphore(%run_scoped3A_623 : memref<!tpu.dma_semaphore, #tpu.memory_space<semaphore_mem>>) src(%arg11 : memref<80x128xf32, #tpu.memory_space<vmem>>) dst(%dma_wait3A_635 : memref<10112x128xf32, #tpu.memory_space<vmem_shared>>)
        tpu.yield
      }) : () -> ()
      %add3A_420 = arith.constant 1 : i32
      %add3A_421 = arith.addi %mul3A_373, %add3A_420 : i32
      %add3A_422 = arith.constant 4 : i32
      %add3A_423 = arith.addi %add3A_421, %add3A_422 : i32
      %dma_start3A_424 = arith.constant 0 : i32
      %dma_start3A_425 = tpu.memref_slice %arg8[%add3A_423, %dma_start3A_424] : memref<16x80xi32, #tpu.memory_space<vmem>> -> memref<1x80xi32, #tpu.memory_space<vmem>>
      %dma_start3A_426 = tpu.memref_squeeze %dma_start3A_425 : memref<1x80xi32, #tpu.memory_space<vmem>> -> memref<80xi32, #tpu.memory_space<vmem>>
      %dma_start3A_427 = arith.constant 0 : i32
      %dma_start3A_428 = arith.constant 0 : i32
      %dma_start3A_429 = tpu.memref_slice %arg2[%dma_start3A_427, %dma_start3A_428] : memref<10112x128xf32, #tpu.memory_space<hbm>> -> memref<10112x128xf32, #tpu.memory_space<hbm>>
      tpu.enqueue_indirect_dma source(%dma_start3A_429 : memref<10112x128xf32, #tpu.memory_space<hbm>>) target(%arg11 : memref<80x128xf32, #tpu.memory_space<vmem>>) offsets(%dma_start3A_426 : memref<80xi32, #tpu.memory_space<vmem>>) semaphore(%arg15 : memref<!tpu.dma_semaphore, #tpu.memory_space<semaphore_mem>>)
      %add3A_430 = arith.constant 2 : i32
      %add3A_431 = arith.addi %mul3A_373, %add3A_430 : i32
      %dma_wait3A_432 = arith.constant 0 : i32
      %dma_wait3A_433 = tpu.memref_slice %arg8[%add3A_431, %dma_wait3A_432] : memref<16x80xi32, #tpu.memory_space<vmem>> -> memref<1x80xi32, #tpu.memory_space<vmem>>
      %dma_wait3A_434 = tpu.memref_squeeze %dma_wait3A_433 : memref<1x80xi32, #tpu.memory_space<vmem>> -> memref<80xi32, #tpu.memory_space<vmem>>
      %dma_wait3A_435 = arith.constant 0 : i32
      %dma_wait3A_436 = arith.constant 0 : i32
      %dma_wait3A_437 = tpu.memref_slice %arg2[%dma_wait3A_435, %dma_wait3A_436] : memref<10112x128xf32, #tpu.memory_space<hbm>> -> memref<10112x128xf32, #tpu.memory_space<hbm>>
      tpu.wait_indirect_dma semaphore(%arg16 : memref<!tpu.dma_semaphore, #tpu.memory_space<semaphore_mem>>) src(%dma_wait3A_437 : memref<10112x128xf32, #tpu.memory_space<hbm>>) dst(%arg12 : memref<80x128xf32, #tpu.memory_space<vmem>>)
      "tpu.region"() ({
        %run_scoped3A_623 = tpu.sem_alloc : memref<!tpu.dma_semaphore, #tpu.memory_space<semaphore_mem>>
        %dma_start3A_624 = arith.constant 0 : i32
        %dma_start3A_625 = tpu.memref_slice %arg9[%add3A_431, %dma_start3A_624] : memref<16x80xi32, #tpu.memory_space<vmem>> -> memref<1x80xi32, #tpu.memory_space<vmem>>
        %dma_start3A_626 = tpu.memref_squeeze %dma_start3A_625 : memref<1x80xi32, #tpu.memory_space<vmem>> -> memref<80xi32, #tpu.memory_space<vmem>>
        %dma_start3A_627 = arith.constant 0 : i32
        %dma_start3A_628 = arith.constant 0 : i32
        %dma_start3A_629 = tpu.memref_slice %arg7[%dma_start3A_627, %dma_start3A_628] : memref<10112x128xf32, #tpu.memory_space<vmem_shared>> -> memref<10112x128xf32, #tpu.memory_space<vmem_shared>>
        tpu.enqueue_indirect_dma source(%arg12 : memref<80x128xf32, #tpu.memory_space<vmem>>) target(%dma_start3A_629 : memref<10112x128xf32, #tpu.memory_space<vmem_shared>>) offsets(%dma_start3A_626 : memref<80xi32, #tpu.memory_space<vmem>>) semaphore(%run_scoped3A_623 : memref<!tpu.dma_semaphore, #tpu.memory_space<semaphore_mem>>) {add = true}
        %dma_wait3A_630 = arith.constant 0 : i32
        %dma_wait3A_631 = tpu.memref_slice %arg9[%add3A_431, %dma_wait3A_630] : memref<16x80xi32, #tpu.memory_space<vmem>> -> memref<1x80xi32, #tpu.memory_space<vmem>>
        %dma_wait3A_632 = tpu.memref_squeeze %dma_wait3A_631 : memref<1x80xi32, #tpu.memory_space<vmem>> -> memref<80xi32, #tpu.memory_space<vmem>>
        %dma_wait3A_633 = arith.constant 0 : i32
        %dma_wait3A_634 = arith.constant 0 : i32
        %dma_wait3A_635 = tpu.memref_slice %arg7[%dma_wait3A_633, %dma_wait3A_634] : memref<10112x128xf32, #tpu.memory_space<vmem_shared>> -> memref<10112x128xf32, #tpu.memory_space<vmem_shared>>
        tpu.wait_indirect_dma semaphore(%run_scoped3A_623 : memref<!tpu.dma_semaphore, #tpu.memory_space<semaphore_mem>>) src(%arg12 : memref<80x128xf32, #tpu.memory_space<vmem>>) dst(%dma_wait3A_635 : memref<10112x128xf32, #tpu.memory_space<vmem_shared>>)
        tpu.yield
      }) : () -> ()
      %add3A_438 = arith.constant 2 : i32
      %add3A_439 = arith.addi %mul3A_373, %add3A_438 : i32
      %add3A_440 = arith.constant 4 : i32
      %add3A_441 = arith.addi %add3A_439, %add3A_440 : i32
      %dma_start3A_442 = arith.constant 0 : i32
      %dma_start3A_443 = tpu.memref_slice %arg8[%add3A_441, %dma_start3A_442] : memref<16x80xi32, #tpu.memory_space<vmem>> -> memref<1x80xi32, #tpu.memory_space<vmem>>
      %dma_start3A_444 = tpu.memref_squeeze %dma_start3A_443 : memref<1x80xi32, #tpu.memory_space<vmem>> -> memref<80xi32, #tpu.memory_space<vmem>>
      %dma_start3A_445 = arith.constant 0 : i32
      %dma_start3A_446 = arith.constant 0 : i32
      %dma_start3A_447 = tpu.memref_slice %arg2[%dma_start3A_445, %dma_start3A_446] : memref<10112x128xf32, #tpu.memory_space<hbm>> -> memref<10112x128xf32, #tpu.memory_space<hbm>>
      tpu.enqueue_indirect_dma source(%dma_start3A_447 : memref<10112x128xf32, #tpu.memory_space<hbm>>) target(%arg12 : memref<80x128xf32, #tpu.memory_space<vmem>>) offsets(%dma_start3A_444 : memref<80xi32, #tpu.memory_space<vmem>>) semaphore(%arg16 : memref<!tpu.dma_semaphore, #tpu.memory_space<semaphore_mem>>)
      %add3A_448 = arith.constant 3 : i32
      %add3A_449 = arith.addi %mul3A_373, %add3A_448 : i32
      %dma_wait3A_450 = arith.constant 0 : i32
      %dma_wait3A_451 = tpu.memref_slice %arg8[%add3A_449, %dma_wait3A_450] : memref<16x80xi32, #tpu.memory_space<vmem>> -> memref<1x80xi32, #tpu.memory_space<vmem>>
      %dma_wait3A_452 = tpu.memref_squeeze %dma_wait3A_451 : memref<1x80xi32, #tpu.memory_space<vmem>> -> memref<80xi32, #tpu.memory_space<vmem>>
      %dma_wait3A_453 = arith.constant 0 : i32
      %dma_wait3A_454 = arith.constant 0 : i32
      %dma_wait3A_455 = tpu.memref_slice %arg2[%dma_wait3A_453, %dma_wait3A_454] : memref<10112x128xf32, #tpu.memory_space<hbm>> -> memref<10112x128xf32, #tpu.memory_space<hbm>>
      tpu.wait_indirect_dma semaphore(%arg17 : memref<!tpu.dma_semaphore, #tpu.memory_space<semaphore_mem>>) src(%dma_wait3A_455 : memref<10112x128xf32, #tpu.memory_space<hbm>>) dst(%arg13 : memref<80x128xf32, #tpu.memory_space<vmem>>)
      "tpu.region"() ({
        %run_scoped3A_623 = tpu.sem_alloc : memref<!tpu.dma_semaphore, #tpu.memory_space<semaphore_mem>>
        %dma_start3A_624 = arith.constant 0 : i32
        %dma_start3A_625 = tpu.memref_slice %arg9[%add3A_449, %dma_start3A_624] : memref<16x80xi32, #tpu.memory_space<vmem>> -> memref<1x80xi32, #tpu.memory_space<vmem>>
        %dma_start3A_626 = tpu.memref_squeeze %dma_start3A_625 : memref<1x80xi32, #tpu.memory_space<vmem>> -> memref<80xi32, #tpu.memory_space<vmem>>
        %dma_start3A_627 = arith.constant 0 : i32
        %dma_start3A_628 = arith.constant 0 : i32
        %dma_start3A_629 = tpu.memref_slice %arg7[%dma_start3A_627, %dma_start3A_628] : memref<10112x128xf32, #tpu.memory_space<vmem_shared>> -> memref<10112x128xf32, #tpu.memory_space<vmem_shared>>
        tpu.enqueue_indirect_dma source(%arg13 : memref<80x128xf32, #tpu.memory_space<vmem>>) target(%dma_start3A_629 : memref<10112x128xf32, #tpu.memory_space<vmem_shared>>) offsets(%dma_start3A_626 : memref<80xi32, #tpu.memory_space<vmem>>) semaphore(%run_scoped3A_623 : memref<!tpu.dma_semaphore, #tpu.memory_space<semaphore_mem>>) {add = true}
        %dma_wait3A_630 = arith.constant 0 : i32
        %dma_wait3A_631 = tpu.memref_slice %arg9[%add3A_449, %dma_wait3A_630] : memref<16x80xi32, #tpu.memory_space<vmem>> -> memref<1x80xi32, #tpu.memory_space<vmem>>
        %dma_wait3A_632 = tpu.memref_squeeze %dma_wait3A_631 : memref<1x80xi32, #tpu.memory_space<vmem>> -> memref<80xi32, #tpu.memory_space<vmem>>
        %dma_wait3A_633 = arith.constant 0 : i32
        %dma_wait3A_634 = arith.constant 0 : i32
        %dma_wait3A_635 = tpu.memref_slice %arg7[%dma_wait3A_633, %dma_wait3A_634] : memref<10112x128xf32, #tpu.memory_space<vmem_shared>> -> memref<10112x128xf32, #tpu.memory_space<vmem_shared>>
        tpu.wait_indirect_dma semaphore(%run_scoped3A_623 : memref<!tpu.dma_semaphore, #tpu.memory_space<semaphore_mem>>) src(%arg13 : memref<80x128xf32, #tpu.memory_space<vmem>>) dst(%dma_wait3A_635 : memref<10112x128xf32, #tpu.memory_space<vmem_shared>>)
        tpu.yield
      }) : () -> ()
      %add3A_456 = arith.constant 3 : i32
      %add3A_457 = arith.addi %mul3A_373, %add3A_456 : i32
      %add3A_458 = arith.constant 4 : i32
      %add3A_459 = arith.addi %add3A_457, %add3A_458 : i32
      %dma_start3A_460 = arith.constant 0 : i32
      %dma_start3A_461 = tpu.memref_slice %arg8[%add3A_459, %dma_start3A_460] : memref<16x80xi32, #tpu.memory_space<vmem>> -> memref<1x80xi32, #tpu.memory_space<vmem>>
      %dma_start3A_462 = tpu.memref_squeeze %dma_start3A_461 : memref<1x80xi32, #tpu.memory_space<vmem>> -> memref<80xi32, #tpu.memory_space<vmem>>
      %dma_start3A_463 = arith.constant 0 : i32
      %dma_start3A_464 = arith.constant 0 : i32
      %dma_start3A_465 = tpu.memref_slice %arg2[%dma_start3A_463, %dma_start3A_464] : memref<10112x128xf32, #tpu.memory_space<hbm>> -> memref<10112x128xf32, #tpu.memory_space<hbm>>
      tpu.enqueue_indirect_dma source(%dma_start3A_465 : memref<10112x128xf32, #tpu.memory_space<hbm>>) target(%arg13 : memref<80x128xf32, #tpu.memory_space<vmem>>) offsets(%dma_start3A_462 : memref<80xi32, #tpu.memory_space<vmem>>) semaphore(%arg17 : memref<!tpu.dma_semaphore, #tpu.memory_space<semaphore_mem>>)
      %add3A_466 = arith.constant 1 : i32
      %add3A_467 = arith.addi %scan3A_362, %add3A_466 : i32
      %add3A_468 = arith.constant 1 : i32
      %add3A_469 = arith.addi %scan3A_362, %add3A_468 : i32
      %jit3A_470 = arith.constant 2 : i32
      %eq3A_471 = arith.constant 0 : i32
      %eq3A_472 = arith.cmpi eq, %jit3A_470, %eq3A_471 : i32
      %jit3A_473 = arith.constant 1 : i32
      %select_n3A_474 = arith.select %eq3A_472, %jit3A_473, %jit3A_470 : i32
      %rem3A_475 = arith.remsi %add3A_469, %select_n3A_474 : i32
      %ne3A_476 = arith.constant 0 : i32
      %ne3A_477 = arith.cmpi ne, %rem3A_475, %ne3A_476 : i32
      %lt3A_478 = arith.constant 0 : i32
      %lt3A_479 = arith.cmpi slt, %rem3A_475, %lt3A_478 : i32
      %lt3A_480 = arith.constant 0 : i32
      %lt3A_481 = arith.cmpi slt, %select_n3A_474, %lt3A_480 : i32
      %ne3A_482 = arith.xori %lt3A_479, %lt3A_481 : i1
      %and3A_483 = arith.andi %ne3A_482, %ne3A_477 : i1
      %add3A_484 = arith.addi %rem3A_475, %select_n3A_474 : i32
      %select_n3A_485 = arith.select %and3A_483, %add3A_484, %rem3A_475 : i32
      %mul3A_486 = arith.constant 8 : i32
      %mul3A_487 = arith.muli %add3A_467, %mul3A_486 : i32
      %mul3A_488 = arith.constant 8 : i32
      %mul3A_489 = arith.muli %select_n3A_485, %mul3A_488 : i32
      %dma_wait3A_490 = arith.constant 0 : i32
      %dma_wait3A_491 = tpu.memref_slice %arg8[%mul3A_489, %dma_wait3A_490] : memref<16x80xi32, #tpu.memory_space<vmem>> -> memref<8x80xi32, #tpu.memory_space<vmem>>
      %dma_wait3A_492 = arith.constant 0 : i32
      %dma_wait3A_493 = tpu.memref_slice %arg3[%add3A, %mul3A_487, %dma_wait3A_492] : memref<32x128x80xi32, #tpu.memory_space<hbm>> -> memref<1x8x80xi32, #tpu.memory_space<hbm>>
      %dma_wait3A_494 = tpu.memref_squeeze %dma_wait3A_493 : memref<1x8x80xi32, #tpu.memory_space<hbm>> -> memref<8x80xi32, #tpu.memory_space<hbm>>
      %dma_wait3A_495 = arith.constant 0 : i32
      %dma_wait3A_496 = tpu.memref_slice %arg8[%mul3A_489, %dma_wait3A_495] : memref<16x80xi32, #tpu.memory_space<vmem>> -> memref<8x80xi32, #tpu.memory_space<vmem>>
      %dma_wait3A_497 = arith.constant 0 : i32
      %dma_wait3A_498 = tpu.memref_slice %arg3[%add3A, %mul3A_487, %dma_wait3A_497] : memref<32x128x80xi32, #tpu.memory_space<hbm>> -> memref<1x8x80xi32, #tpu.memory_space<hbm>>
      %dma_wait3A_499 = tpu.memref_squeeze %dma_wait3A_498 : memref<1x8x80xi32, #tpu.memory_space<hbm>> -> memref<8x80xi32, #tpu.memory_space<hbm>>
      tpu.wait_dma2 semaphore(%arg18 : memref<!tpu.dma_semaphore, #tpu.memory_space<semaphore_mem>>) src(%dma_wait3A_499 : memref<8x80xi32, #tpu.memory_space<hbm>>) dst(%dma_wait3A_496 : memref<8x80xi32, #tpu.memory_space<vmem>>)
      %dma_wait3A_500 = arith.constant 0 : i32
      %dma_wait3A_501 = tpu.memref_slice %arg9[%mul3A_489, %dma_wait3A_500] : memref<16x80xi32, #tpu.memory_space<vmem>> -> memref<8x80xi32, #tpu.memory_space<vmem>>
      %dma_wait3A_502 = arith.constant 0 : i32
      %dma_wait3A_503 = tpu.memref_slice %arg4[%add3A, %mul3A_487, %dma_wait3A_502] : memref<32x128x80xi32, #tpu.memory_space<hbm>> -> memref<1x8x80xi32, #tpu.memory_space<hbm>>
      %dma_wait3A_504 = tpu.memref_squeeze %dma_wait3A_503 : memref<1x8x80xi32, #tpu.memory_space<hbm>> -> memref<8x80xi32, #tpu.memory_space<hbm>>
      %dma_wait3A_505 = arith.constant 0 : i32
      %dma_wait3A_506 = tpu.memref_slice %arg9[%mul3A_489, %dma_wait3A_505] : memref<16x80xi32, #tpu.memory_space<vmem>> -> memref<8x80xi32, #tpu.memory_space<vmem>>
      %dma_wait3A_507 = arith.constant 0 : i32
      %dma_wait3A_508 = tpu.memref_slice %arg4[%add3A, %mul3A_487, %dma_wait3A_507] : memref<32x128x80xi32, #tpu.memory_space<hbm>> -> memref<1x8x80xi32, #tpu.memory_space<hbm>>
      %dma_wait3A_509 = tpu.memref_squeeze %dma_wait3A_508 : memref<1x8x80xi32, #tpu.memory_space<hbm>> -> memref<8x80xi32, #tpu.memory_space<hbm>>
      tpu.wait_dma2 semaphore(%arg18 : memref<!tpu.dma_semaphore, #tpu.memory_space<semaphore_mem>>) src(%dma_wait3A_509 : memref<8x80xi32, #tpu.memory_space<hbm>>) dst(%dma_wait3A_506 : memref<8x80xi32, #tpu.memory_space<vmem>>)
      %add3A_510 = arith.constant 4 : i32
      %add3A_511 = arith.addi %mul3A_373, %add3A_510 : i32
      %dma_wait3A_512 = arith.constant 0 : i32
      %dma_wait3A_513 = tpu.memref_slice %arg8[%add3A_511, %dma_wait3A_512] : memref<16x80xi32, #tpu.memory_space<vmem>> -> memref<1x80xi32, #tpu.memory_space<vmem>>
      %dma_wait3A_514 = tpu.memref_squeeze %dma_wait3A_513 : memref<1x80xi32, #tpu.memory_space<vmem>> -> memref<80xi32, #tpu.memory_space<vmem>>
      %dma_wait3A_515 = arith.constant 0 : i32
      %dma_wait3A_516 = arith.constant 0 : i32
      %dma_wait3A_517 = tpu.memref_slice %arg2[%dma_wait3A_515, %dma_wait3A_516] : memref<10112x128xf32, #tpu.memory_space<hbm>> -> memref<10112x128xf32, #tpu.memory_space<hbm>>
      tpu.wait_indirect_dma semaphore(%arg14 : memref<!tpu.dma_semaphore, #tpu.memory_space<semaphore_mem>>) src(%dma_wait3A_517 : memref<10112x128xf32, #tpu.memory_space<hbm>>) dst(%arg10 : memref<80x128xf32, #tpu.memory_space<vmem>>)
      "tpu.region"() ({
        %run_scoped3A_623 = tpu.sem_alloc : memref<!tpu.dma_semaphore, #tpu.memory_space<semaphore_mem>>
        %dma_start3A_624 = arith.constant 0 : i32
        %dma_start3A_625 = tpu.memref_slice %arg9[%add3A_511, %dma_start3A_624] : memref<16x80xi32, #tpu.memory_space<vmem>> -> memref<1x80xi32, #tpu.memory_space<vmem>>
        %dma_start3A_626 = tpu.memref_squeeze %dma_start3A_625 : memref<1x80xi32, #tpu.memory_space<vmem>> -> memref<80xi32, #tpu.memory_space<vmem>>
        %dma_start3A_627 = arith.constant 0 : i32
        %dma_start3A_628 = arith.constant 0 : i32
        %dma_start3A_629 = tpu.memref_slice %arg7[%dma_start3A_627, %dma_start3A_628] : memref<10112x128xf32, #tpu.memory_space<vmem_shared>> -> memref<10112x128xf32, #tpu.memory_space<vmem_shared>>
        tpu.enqueue_indirect_dma source(%arg10 : memref<80x128xf32, #tpu.memory_space<vmem>>) target(%dma_start3A_629 : memref<10112x128xf32, #tpu.memory_space<vmem_shared>>) offsets(%dma_start3A_626 : memref<80xi32, #tpu.memory_space<vmem>>) semaphore(%run_scoped3A_623 : memref<!tpu.dma_semaphore, #tpu.memory_space<semaphore_mem>>) {add = true}
        %dma_wait3A_630 = arith.constant 0 : i32
        %dma_wait3A_631 = tpu.memref_slice %arg9[%add3A_511, %dma_wait3A_630] : memref<16x80xi32, #tpu.memory_space<vmem>> -> memref<1x80xi32, #tpu.memory_space<vmem>>
        %dma_wait3A_632 = tpu.memref_squeeze %dma_wait3A_631 : memref<1x80xi32, #tpu.memory_space<vmem>> -> memref<80xi32, #tpu.memory_space<vmem>>
        %dma_wait3A_633 = arith.constant 0 : i32
        %dma_wait3A_634 = arith.constant 0 : i32
        %dma_wait3A_635 = tpu.memref_slice %arg7[%dma_wait3A_633, %dma_wait3A_634] : memref<10112x128xf32, #tpu.memory_space<vmem_shared>> -> memref<10112x128xf32, #tpu.memory_space<vmem_shared>>
        tpu.wait_indirect_dma semaphore(%run_scoped3A_623 : memref<!tpu.dma_semaphore, #tpu.memory_space<semaphore_mem>>) src(%arg10 : memref<80x128xf32, #tpu.memory_space<vmem>>) dst(%dma_wait3A_635 : memref<10112x128xf32, #tpu.memory_space<vmem_shared>>)
        tpu.yield
      }) : () -> ()
      %add3A_518 = arith.constant 4 : i32
      %add3A_519 = arith.addi %mul3A_393, %add3A_518 : i32
      %sub3A = arith.constant 4 : i32
      %sub3A_520 = arith.subi %add3A_519, %sub3A : i32
      %dma_start3A_521 = arith.constant 0 : i32
      %dma_start3A_522 = tpu.memref_slice %arg8[%sub3A_520, %dma_start3A_521] : memref<16x80xi32, #tpu.memory_space<vmem>> -> memref<1x80xi32, #tpu.memory_space<vmem>>
      %dma_start3A_523 = tpu.memref_squeeze %dma_start3A_522 : memref<1x80xi32, #tpu.memory_space<vmem>> -> memref<80xi32, #tpu.memory_space<vmem>>
      %dma_start3A_524 = arith.constant 0 : i32
      %dma_start3A_525 = arith.constant 0 : i32
      %dma_start3A_526 = tpu.memref_slice %arg2[%dma_start3A_524, %dma_start3A_525] : memref<10112x128xf32, #tpu.memory_space<hbm>> -> memref<10112x128xf32, #tpu.memory_space<hbm>>
      tpu.enqueue_indirect_dma source(%dma_start3A_526 : memref<10112x128xf32, #tpu.memory_space<hbm>>) target(%arg10 : memref<80x128xf32, #tpu.memory_space<vmem>>) offsets(%dma_start3A_523 : memref<80xi32, #tpu.memory_space<vmem>>) semaphore(%arg14 : memref<!tpu.dma_semaphore, #tpu.memory_space<semaphore_mem>>)
      %add3A_527 = arith.constant 5 : i32
      %add3A_528 = arith.addi %mul3A_373, %add3A_527 : i32
      %dma_wait3A_529 = arith.constant 0 : i32
      %dma_wait3A_530 = tpu.memref_slice %arg8[%add3A_528, %dma_wait3A_529] : memref<16x80xi32, #tpu.memory_space<vmem>> -> memref<1x80xi32, #tpu.memory_space<vmem>>
      %dma_wait3A_531 = tpu.memref_squeeze %dma_wait3A_530 : memref<1x80xi32, #tpu.memory_space<vmem>> -> memref<80xi32, #tpu.memory_space<vmem>>
      %dma_wait3A_532 = arith.constant 0 : i32
      %dma_wait3A_533 = arith.constant 0 : i32
      %dma_wait3A_534 = tpu.memref_slice %arg2[%dma_wait3A_532, %dma_wait3A_533] : memref<10112x128xf32, #tpu.memory_space<hbm>> -> memref<10112x128xf32, #tpu.memory_space<hbm>>
      tpu.wait_indirect_dma semaphore(%arg15 : memref<!tpu.dma_semaphore, #tpu.memory_space<semaphore_mem>>) src(%dma_wait3A_534 : memref<10112x128xf32, #tpu.memory_space<hbm>>) dst(%arg11 : memref<80x128xf32, #tpu.memory_space<vmem>>)
      "tpu.region"() ({
        %run_scoped3A_623 = tpu.sem_alloc : memref<!tpu.dma_semaphore, #tpu.memory_space<semaphore_mem>>
        %dma_start3A_624 = arith.constant 0 : i32
        %dma_start3A_625 = tpu.memref_slice %arg9[%add3A_528, %dma_start3A_624] : memref<16x80xi32, #tpu.memory_space<vmem>> -> memref<1x80xi32, #tpu.memory_space<vmem>>
        %dma_start3A_626 = tpu.memref_squeeze %dma_start3A_625 : memref<1x80xi32, #tpu.memory_space<vmem>> -> memref<80xi32, #tpu.memory_space<vmem>>
        %dma_start3A_627 = arith.constant 0 : i32
        %dma_start3A_628 = arith.constant 0 : i32
        %dma_start3A_629 = tpu.memref_slice %arg7[%dma_start3A_627, %dma_start3A_628] : memref<10112x128xf32, #tpu.memory_space<vmem_shared>> -> memref<10112x128xf32, #tpu.memory_space<vmem_shared>>
        tpu.enqueue_indirect_dma source(%arg11 : memref<80x128xf32, #tpu.memory_space<vmem>>) target(%dma_start3A_629 : memref<10112x128xf32, #tpu.memory_space<vmem_shared>>) offsets(%dma_start3A_626 : memref<80xi32, #tpu.memory_space<vmem>>) semaphore(%run_scoped3A_623 : memref<!tpu.dma_semaphore, #tpu.memory_space<semaphore_mem>>) {add = true}
        %dma_wait3A_630 = arith.constant 0 : i32
        %dma_wait3A_631 = tpu.memref_slice %arg9[%add3A_528, %dma_wait3A_630] : memref<16x80xi32, #tpu.memory_space<vmem>> -> memref<1x80xi32, #tpu.memory_space<vmem>>
        %dma_wait3A_632 = tpu.memref_squeeze %dma_wait3A_631 : memref<1x80xi32, #tpu.memory_space<vmem>> -> memref<80xi32, #tpu.memory_space<vmem>>
        %dma_wait3A_633 = arith.constant 0 : i32
        %dma_wait3A_634 = arith.constant 0 : i32
        %dma_wait3A_635 = tpu.memref_slice %arg7[%dma_wait3A_633, %dma_wait3A_634] : memref<10112x128xf32, #tpu.memory_space<vmem_shared>> -> memref<10112x128xf32, #tpu.memory_space<vmem_shared>>
        tpu.wait_indirect_dma semaphore(%run_scoped3A_623 : memref<!tpu.dma_semaphore, #tpu.memory_space<semaphore_mem>>) src(%arg11 : memref<80x128xf32, #tpu.memory_space<vmem>>) dst(%dma_wait3A_635 : memref<10112x128xf32, #tpu.memory_space<vmem_shared>>)
        tpu.yield
      }) : () -> ()
      %add3A_535 = arith.constant 5 : i32
      %add3A_536 = arith.addi %mul3A_393, %add3A_535 : i32
      %sub3A_537 = arith.constant 4 : i32
      %sub3A_538 = arith.subi %add3A_536, %sub3A_537 : i32
      %dma_start3A_539 = arith.constant 0 : i32
      %dma_start3A_540 = tpu.memref_slice %arg8[%sub3A_538, %dma_start3A_539] : memref<16x80xi32, #tpu.memory_space<vmem>> -> memref<1x80xi32, #tpu.memory_space<vmem>>
      %dma_start3A_541 = tpu.memref_squeeze %dma_start3A_540 : memref<1x80xi32, #tpu.memory_space<vmem>> -> memref<80xi32, #tpu.memory_space<vmem>>
      %dma_start3A_542 = arith.constant 0 : i32
      %dma_start3A_543 = arith.constant 0 : i32
      %dma_start3A_544 = tpu.memref_slice %arg2[%dma_start3A_542, %dma_start3A_543] : memref<10112x128xf32, #tpu.memory_space<hbm>> -> memref<10112x128xf32, #tpu.memory_space<hbm>>
      tpu.enqueue_indirect_dma source(%dma_start3A_544 : memref<10112x128xf32, #tpu.memory_space<hbm>>) target(%arg11 : memref<80x128xf32, #tpu.memory_space<vmem>>) offsets(%dma_start3A_541 : memref<80xi32, #tpu.memory_space<vmem>>) semaphore(%arg15 : memref<!tpu.dma_semaphore, #tpu.memory_space<semaphore_mem>>)
      %add3A_545 = arith.constant 6 : i32
      %add3A_546 = arith.addi %mul3A_373, %add3A_545 : i32
      %dma_wait3A_547 = arith.constant 0 : i32
      %dma_wait3A_548 = tpu.memref_slice %arg8[%add3A_546, %dma_wait3A_547] : memref<16x80xi32, #tpu.memory_space<vmem>> -> memref<1x80xi32, #tpu.memory_space<vmem>>
      %dma_wait3A_549 = tpu.memref_squeeze %dma_wait3A_548 : memref<1x80xi32, #tpu.memory_space<vmem>> -> memref<80xi32, #tpu.memory_space<vmem>>
      %dma_wait3A_550 = arith.constant 0 : i32
      %dma_wait3A_551 = arith.constant 0 : i32
      %dma_wait3A_552 = tpu.memref_slice %arg2[%dma_wait3A_550, %dma_wait3A_551] : memref<10112x128xf32, #tpu.memory_space<hbm>> -> memref<10112x128xf32, #tpu.memory_space<hbm>>
      tpu.wait_indirect_dma semaphore(%arg16 : memref<!tpu.dma_semaphore, #tpu.memory_space<semaphore_mem>>) src(%dma_wait3A_552 : memref<10112x128xf32, #tpu.memory_space<hbm>>) dst(%arg12 : memref<80x128xf32, #tpu.memory_space<vmem>>)
      "tpu.region"() ({
        %run_scoped3A_623 = tpu.sem_alloc : memref<!tpu.dma_semaphore, #tpu.memory_space<semaphore_mem>>
        %dma_start3A_624 = arith.constant 0 : i32
        %dma_start3A_625 = tpu.memref_slice %arg9[%add3A_546, %dma_start3A_624] : memref<16x80xi32, #tpu.memory_space<vmem>> -> memref<1x80xi32, #tpu.memory_space<vmem>>
        %dma_start3A_626 = tpu.memref_squeeze %dma_start3A_625 : memref<1x80xi32, #tpu.memory_space<vmem>> -> memref<80xi32, #tpu.memory_space<vmem>>
        %dma_start3A_627 = arith.constant 0 : i32
        %dma_start3A_628 = arith.constant 0 : i32
        %dma_start3A_629 = tpu.memref_slice %arg7[%dma_start3A_627, %dma_start3A_628] : memref<10112x128xf32, #tpu.memory_space<vmem_shared>> -> memref<10112x128xf32, #tpu.memory_space<vmem_shared>>
        tpu.enqueue_indirect_dma source(%arg12 : memref<80x128xf32, #tpu.memory_space<vmem>>) target(%dma_start3A_629 : memref<10112x128xf32, #tpu.memory_space<vmem_shared>>) offsets(%dma_start3A_626 : memref<80xi32, #tpu.memory_space<vmem>>) semaphore(%run_scoped3A_623 : memref<!tpu.dma_semaphore, #tpu.memory_space<semaphore_mem>>) {add = true}
        %dma_wait3A_630 = arith.constant 0 : i32
        %dma_wait3A_631 = tpu.memref_slice %arg9[%add3A_546, %dma_wait3A_630] : memref<16x80xi32, #tpu.memory_space<vmem>> -> memref<1x80xi32, #tpu.memory_space<vmem>>
        %dma_wait3A_632 = tpu.memref_squeeze %dma_wait3A_631 : memref<1x80xi32, #tpu.memory_space<vmem>> -> memref<80xi32, #tpu.memory_space<vmem>>
        %dma_wait3A_633 = arith.constant 0 : i32
        %dma_wait3A_634 = arith.constant 0 : i32
        %dma_wait3A_635 = tpu.memref_slice %arg7[%dma_wait3A_633, %dma_wait3A_634] : memref<10112x128xf32, #tpu.memory_space<vmem_shared>> -> memref<10112x128xf32, #tpu.memory_space<vmem_shared>>
        tpu.wait_indirect_dma semaphore(%run_scoped3A_623 : memref<!tpu.dma_semaphore, #tpu.memory_space<semaphore_mem>>) src(%arg12 : memref<80x128xf32, #tpu.memory_space<vmem>>) dst(%dma_wait3A_635 : memref<10112x128xf32, #tpu.memory_space<vmem_shared>>)
        tpu.yield
      }) : () -> ()
      %add3A_553 = arith.constant 6 : i32
      %add3A_554 = arith.addi %mul3A_393, %add3A_553 : i32
      %sub3A_555 = arith.constant 4 : i32
      %sub3A_556 = arith.subi %add3A_554, %sub3A_555 : i32
      %dma_start3A_557 = arith.constant 0 : i32
      %dma_start3A_558 = tpu.memref_slice %arg8[%sub3A_556, %dma_start3A_557] : memref<16x80xi32, #tpu.memory_space<vmem>> -> memref<1x80xi32, #tpu.memory_space<vmem>>
      %dma_start3A_559 = tpu.memref_squeeze %dma_start3A_558 : memref<1x80xi32, #tpu.memory_space<vmem>> -> memref<80xi32, #tpu.memory_space<vmem>>
      %dma_start3A_560 = arith.constant 0 : i32
      %dma_start3A_561 = arith.constant 0 : i32
      %dma_start3A_562 = tpu.memref_slice %arg2[%dma_start3A_560, %dma_start3A_561] : memref<10112x128xf32, #tpu.memory_space<hbm>> -> memref<10112x128xf32, #tpu.memory_space<hbm>>
      tpu.enqueue_indirect_dma source(%dma_start3A_562 : memref<10112x128xf32, #tpu.memory_space<hbm>>) target(%arg12 : memref<80x128xf32, #tpu.memory_space<vmem>>) offsets(%dma_start3A_559 : memref<80xi32, #tpu.memory_space<vmem>>) semaphore(%arg16 : memref<!tpu.dma_semaphore, #tpu.memory_space<semaphore_mem>>)
      %add3A_563 = arith.constant 7 : i32
      %add3A_564 = arith.addi %mul3A_373, %add3A_563 : i32
      %dma_wait3A_565 = arith.constant 0 : i32
      %dma_wait3A_566 = tpu.memref_slice %arg8[%add3A_564, %dma_wait3A_565] : memref<16x80xi32, #tpu.memory_space<vmem>> -> memref<1x80xi32, #tpu.memory_space<vmem>>
      %dma_wait3A_567 = tpu.memref_squeeze %dma_wait3A_566 : memref<1x80xi32, #tpu.memory_space<vmem>> -> memref<80xi32, #tpu.memory_space<vmem>>
      %dma_wait3A_568 = arith.constant 0 : i32
      %dma_wait3A_569 = arith.constant 0 : i32
      %dma_wait3A_570 = tpu.memref_slice %arg2[%dma_wait3A_568, %dma_wait3A_569] : memref<10112x128xf32, #tpu.memory_space<hbm>> -> memref<10112x128xf32, #tpu.memory_space<hbm>>
      tpu.wait_indirect_dma semaphore(%arg17 : memref<!tpu.dma_semaphore, #tpu.memory_space<semaphore_mem>>) src(%dma_wait3A_570 : memref<10112x128xf32, #tpu.memory_space<hbm>>) dst(%arg13 : memref<80x128xf32, #tpu.memory_space<vmem>>)
      "tpu.region"() ({
        %run_scoped3A_623 = tpu.sem_alloc : memref<!tpu.dma_semaphore, #tpu.memory_space<semaphore_mem>>
        %dma_start3A_624 = arith.constant 0 : i32
        %dma_start3A_625 = tpu.memref_slice %arg9[%add3A_564, %dma_start3A_624] : memref<16x80xi32, #tpu.memory_space<vmem>> -> memref<1x80xi32, #tpu.memory_space<vmem>>
        %dma_start3A_626 = tpu.memref_squeeze %dma_start3A_625 : memref<1x80xi32, #tpu.memory_space<vmem>> -> memref<80xi32, #tpu.memory_space<vmem>>
        %dma_start3A_627 = arith.constant 0 : i32
        %dma_start3A_628 = arith.constant 0 : i32
        %dma_start3A_629 = tpu.memref_slice %arg7[%dma_start3A_627, %dma_start3A_628] : memref<10112x128xf32, #tpu.memory_space<vmem_shared>> -> memref<10112x128xf32, #tpu.memory_space<vmem_shared>>
        tpu.enqueue_indirect_dma source(%arg13 : memref<80x128xf32, #tpu.memory_space<vmem>>) target(%dma_start3A_629 : memref<10112x128xf32, #tpu.memory_space<vmem_shared>>) offsets(%dma_start3A_626 : memref<80xi32, #tpu.memory_space<vmem>>) semaphore(%run_scoped3A_623 : memref<!tpu.dma_semaphore, #tpu.memory_space<semaphore_mem>>) {add = true}
        %dma_wait3A_630 = arith.constant 0 : i32
        %dma_wait3A_631 = tpu.memref_slice %arg9[%add3A_564, %dma_wait3A_630] : memref<16x80xi32, #tpu.memory_space<vmem>> -> memref<1x80xi32, #tpu.memory_space<vmem>>
        %dma_wait3A_632 = tpu.memref_squeeze %dma_wait3A_631 : memref<1x80xi32, #tpu.memory_space<vmem>> -> memref<80xi32, #tpu.memory_space<vmem>>
        %dma_wait3A_633 = arith.constant 0 : i32
        %dma_wait3A_634 = arith.constant 0 : i32
        %dma_wait3A_635 = tpu.memref_slice %arg7[%dma_wait3A_633, %dma_wait3A_634] : memref<10112x128xf32, #tpu.memory_space<vmem_shared>> -> memref<10112x128xf32, #tpu.memory_space<vmem_shared>>
        tpu.wait_indirect_dma semaphore(%run_scoped3A_623 : memref<!tpu.dma_semaphore, #tpu.memory_space<semaphore_mem>>) src(%arg13 : memref<80x128xf32, #tpu.memory_space<vmem>>) dst(%dma_wait3A_635 : memref<10112x128xf32, #tpu.memory_space<vmem_shared>>)
        tpu.yield
      }) : () -> ()
      %add3A_571 = arith.constant 7 : i32
      %add3A_572 = arith.addi %mul3A_393, %add3A_571 : i32
      %sub3A_573 = arith.constant 4 : i32
      %sub3A_574 = arith.subi %add3A_572, %sub3A_573 : i32
      %dma_start3A_575 = arith.constant 0 : i32
      %dma_start3A_576 = tpu.memref_slice %arg8[%sub3A_574, %dma_start3A_575] : memref<16x80xi32, #tpu.memory_space<vmem>> -> memref<1x80xi32, #tpu.memory_space<vmem>>
      %dma_start3A_577 = tpu.memref_squeeze %dma_start3A_576 : memref<1x80xi32, #tpu.memory_space<vmem>> -> memref<80xi32, #tpu.memory_space<vmem>>
      %dma_start3A_578 = arith.constant 0 : i32
      %dma_start3A_579 = arith.constant 0 : i32
      %dma_start3A_580 = tpu.memref_slice %arg2[%dma_start3A_578, %dma_start3A_579] : memref<10112x128xf32, #tpu.memory_space<hbm>> -> memref<10112x128xf32, #tpu.memory_space<hbm>>
      tpu.enqueue_indirect_dma source(%dma_start3A_580 : memref<10112x128xf32, #tpu.memory_space<hbm>>) target(%arg13 : memref<80x128xf32, #tpu.memory_space<vmem>>) offsets(%dma_start3A_577 : memref<80xi32, #tpu.memory_space<vmem>>) semaphore(%arg17 : memref<!tpu.dma_semaphore, #tpu.memory_space<semaphore_mem>>)
      %add3A_581 = arith.constant 2 : i32
      %add3A_582 = arith.addi %scan3A_362, %add3A_581 : i32
      %jit3A_583 = arith.constant 2 : i32
      %eq3A_584 = arith.constant 0 : i32
      %eq3A_585 = arith.cmpi eq, %jit3A_583, %eq3A_584 : i32
      %jit3A_586 = arith.constant 1 : i32
      %select_n3A_587 = arith.select %eq3A_585, %jit3A_586, %jit3A_583 : i32
      %rem3A_588 = arith.remsi %scan3A_362, %select_n3A_587 : i32
      %ne3A_589 = arith.constant 0 : i32
      %ne3A_590 = arith.cmpi ne, %rem3A_588, %ne3A_589 : i32
      %lt3A_591 = arith.constant 0 : i32
      %lt3A_592 = arith.cmpi slt, %rem3A_588, %lt3A_591 : i32
      %lt3A_593 = arith.constant 0 : i32
      %lt3A_594 = arith.cmpi slt, %select_n3A_587, %lt3A_593 : i32
      %ne3A_595 = arith.xori %lt3A_592, %lt3A_594 : i1
      %and3A_596 = arith.andi %ne3A_595, %ne3A_590 : i1
      %add3A_597 = arith.addi %rem3A_588, %select_n3A_587 : i32
      %select_n3A_598 = arith.select %and3A_596, %add3A_597, %rem3A_588 : i32
      %mul3A_599 = arith.constant 8 : i32
      %mul3A_600 = arith.muli %add3A_582, %mul3A_599 : i32
      %mul3A_601 = arith.constant 8 : i32
      %mul3A_602 = arith.muli %select_n3A_598, %mul3A_601 : i32
      %dma_start3A_603 = arith.constant 0 : i32
      %dma_start3A_604 = tpu.memref_slice %arg8[%mul3A_602, %dma_start3A_603] : memref<16x80xi32, #tpu.memory_space<vmem>> -> memref<8x80xi32, #tpu.memory_space<vmem>>
      %dma_start3A_605 = arith.constant 0 : i32
      %dma_start3A_606 = tpu.memref_slice %arg3[%add3A, %mul3A_600, %dma_start3A_605] : memref<32x128x80xi32, #tpu.memory_space<hbm>> -> memref<1x8x80xi32, #tpu.memory_space<hbm>>
      %dma_start3A_607 = tpu.memref_squeeze %dma_start3A_606 : memref<1x8x80xi32, #tpu.memory_space<hbm>> -> memref<8x80xi32, #tpu.memory_space<hbm>>
      %dma_start3A_608 = arith.constant 0 : i32
      %dma_start3A_609 = tpu.memref_slice %arg8[%mul3A_602, %dma_start3A_608] : memref<16x80xi32, #tpu.memory_space<vmem>> -> memref<8x80xi32, #tpu.memory_space<vmem>>
      %dma_start3A_610 = arith.constant 0 : i32
      %dma_start3A_611 = tpu.memref_slice %arg3[%add3A, %mul3A_600, %dma_start3A_610] : memref<32x128x80xi32, #tpu.memory_space<hbm>> -> memref<1x8x80xi32, #tpu.memory_space<hbm>>
      %dma_start3A_612 = tpu.memref_squeeze %dma_start3A_611 : memref<1x8x80xi32, #tpu.memory_space<hbm>> -> memref<8x80xi32, #tpu.memory_space<hbm>>
      tpu.enqueue_dma source(%dma_start3A_612 : memref<8x80xi32, #tpu.memory_space<hbm>>) target(%dma_start3A_609 : memref<8x80xi32, #tpu.memory_space<vmem>>) target_semaphore(%arg18 : memref<!tpu.dma_semaphore, #tpu.memory_space<semaphore_mem>>)
      %dma_start3A_613 = arith.constant 0 : i32
      %dma_start3A_614 = tpu.memref_slice %arg9[%mul3A_602, %dma_start3A_613] : memref<16x80xi32, #tpu.memory_space<vmem>> -> memref<8x80xi32, #tpu.memory_space<vmem>>
      %dma_start3A_615 = arith.constant 0 : i32
      %dma_start3A_616 = tpu.memref_slice %arg4[%add3A, %mul3A_600, %dma_start3A_615] : memref<32x128x80xi32, #tpu.memory_space<hbm>> -> memref<1x8x80xi32, #tpu.memory_space<hbm>>
      %dma_start3A_617 = tpu.memref_squeeze %dma_start3A_616 : memref<1x8x80xi32, #tpu.memory_space<hbm>> -> memref<8x80xi32, #tpu.memory_space<hbm>>
      %dma_start3A_618 = arith.constant 0 : i32
      %dma_start3A_619 = tpu.memref_slice %arg9[%mul3A_602, %dma_start3A_618] : memref<16x80xi32, #tpu.memory_space<vmem>> -> memref<8x80xi32, #tpu.memory_space<vmem>>
      %dma_start3A_620 = arith.constant 0 : i32
      %dma_start3A_621 = tpu.memref_slice %arg4[%add3A, %mul3A_600, %dma_start3A_620] : memref<32x128x80xi32, #tpu.memory_space<hbm>> -> memref<1x8x80xi32, #tpu.memory_space<hbm>>
      %dma_start3A_622 = tpu.memref_squeeze %dma_start3A_621 : memref<1x8x80xi32, #tpu.memory_space<hbm>> -> memref<8x80xi32, #tpu.memory_space<hbm>>
      tpu.enqueue_dma source(%dma_start3A_622 : memref<8x80xi32, #tpu.memory_space<hbm>>) target(%dma_start3A_619 : memref<8x80xi32, #tpu.memory_space<vmem>>) target_semaphore(%arg18 : memref<!tpu.dma_semaphore, #tpu.memory_space<semaphore_mem>>)
    }
    %scan3A_117 = arith.constant 14 : i32
    %dma_wait3A_118 = arith.constant 0 : i32
    %dma_wait3A_119 = arith.constant 0 : i32
    %dma_wait3A_120 = tpu.memref_slice %arg8[%dma_wait3A_118, %dma_wait3A_119] : memref<16x80xi32, #tpu.memory_space<vmem>> -> memref<1x80xi32, #tpu.memory_space<vmem>>
    %dma_wait3A_121 = tpu.memref_squeeze %dma_wait3A_120 : memref<1x80xi32, #tpu.memory_space<vmem>> -> memref<80xi32, #tpu.memory_space<vmem>>
    %dma_wait3A_122 = arith.constant 0 : i32
    %dma_wait3A_123 = arith.constant 0 : i32
    %dma_wait3A_124 = tpu.memref_slice %arg2[%dma_wait3A_122, %dma_wait3A_123] : memref<10112x128xf32, #tpu.memory_space<hbm>> -> memref<10112x128xf32, #tpu.memory_space<hbm>>
    tpu.wait_indirect_dma semaphore(%arg14 : memref<!tpu.dma_semaphore, #tpu.memory_space<semaphore_mem>>) src(%dma_wait3A_124 : memref<10112x128xf32, #tpu.memory_space<hbm>>) dst(%arg10 : memref<80x128xf32, #tpu.memory_space<vmem>>)
    %run_scoped3A = arith.constant 0 : i32
    "tpu.region"() ({
      %run_scoped3A_362 = tpu.sem_alloc : memref<!tpu.dma_semaphore, #tpu.memory_space<semaphore_mem>>
      %dma_start3A_363 = arith.constant 0 : i32
      %dma_start3A_364 = tpu.memref_slice %arg9[%run_scoped3A, %dma_start3A_363] : memref<16x80xi32, #tpu.memory_space<vmem>> -> memref<1x80xi32, #tpu.memory_space<vmem>>
      %dma_start3A_365 = tpu.memref_squeeze %dma_start3A_364 : memref<1x80xi32, #tpu.memory_space<vmem>> -> memref<80xi32, #tpu.memory_space<vmem>>
      %dma_start3A_366 = arith.constant 0 : i32
      %dma_start3A_367 = arith.constant 0 : i32
      %dma_start3A_368 = tpu.memref_slice %arg7[%dma_start3A_366, %dma_start3A_367] : memref<10112x128xf32, #tpu.memory_space<vmem_shared>> -> memref<10112x128xf32, #tpu.memory_space<vmem_shared>>
      tpu.enqueue_indirect_dma source(%arg10 : memref<80x128xf32, #tpu.memory_space<vmem>>) target(%dma_start3A_368 : memref<10112x128xf32, #tpu.memory_space<vmem_shared>>) offsets(%dma_start3A_365 : memref<80xi32, #tpu.memory_space<vmem>>) semaphore(%run_scoped3A_362 : memref<!tpu.dma_semaphore, #tpu.memory_space<semaphore_mem>>) {add = true}
      %dma_wait3A_369 = arith.constant 0 : i32
      %dma_wait3A_370 = tpu.memref_slice %arg9[%run_scoped3A, %dma_wait3A_369] : memref<16x80xi32, #tpu.memory_space<vmem>> -> memref<1x80xi32, #tpu.memory_space<vmem>>
      %dma_wait3A_371 = tpu.memref_squeeze %dma_wait3A_370 : memref<1x80xi32, #tpu.memory_space<vmem>> -> memref<80xi32, #tpu.memory_space<vmem>>
      %dma_wait3A_372 = arith.constant 0 : i32
      %dma_wait3A_373 = arith.constant 0 : i32
      %dma_wait3A_374 = tpu.memref_slice %arg7[%dma_wait3A_372, %dma_wait3A_373] : memref<10112x128xf32, #tpu.memory_space<vmem_shared>> -> memref<10112x128xf32, #tpu.memory_space<vmem_shared>>
      tpu.wait_indirect_dma semaphore(%run_scoped3A_362 : memref<!tpu.dma_semaphore, #tpu.memory_space<semaphore_mem>>) src(%arg10 : memref<80x128xf32, #tpu.memory_space<vmem>>) dst(%dma_wait3A_374 : memref<10112x128xf32, #tpu.memory_space<vmem_shared>>)
      tpu.yield
    }) : () -> ()
    %dma_start3A_125 = arith.constant 4 : i32
    %dma_start3A_126 = arith.constant 0 : i32
    %dma_start3A_127 = tpu.memref_slice %arg8[%dma_start3A_125, %dma_start3A_126] : memref<16x80xi32, #tpu.memory_space<vmem>> -> memref<1x80xi32, #tpu.memory_space<vmem>>
    %dma_start3A_128 = tpu.memref_squeeze %dma_start3A_127 : memref<1x80xi32, #tpu.memory_space<vmem>> -> memref<80xi32, #tpu.memory_space<vmem>>
    %dma_start3A_129 = arith.constant 0 : i32
    %dma_start3A_130 = arith.constant 0 : i32
    %dma_start3A_131 = tpu.memref_slice %arg2[%dma_start3A_129, %dma_start3A_130] : memref<10112x128xf32, #tpu.memory_space<hbm>> -> memref<10112x128xf32, #tpu.memory_space<hbm>>
    tpu.enqueue_indirect_dma source(%dma_start3A_131 : memref<10112x128xf32, #tpu.memory_space<hbm>>) target(%arg10 : memref<80x128xf32, #tpu.memory_space<vmem>>) offsets(%dma_start3A_128 : memref<80xi32, #tpu.memory_space<vmem>>) semaphore(%arg14 : memref<!tpu.dma_semaphore, #tpu.memory_space<semaphore_mem>>)
    %dma_wait3A_132 = arith.constant 1 : i32
    %dma_wait3A_133 = arith.constant 0 : i32
    %dma_wait3A_134 = tpu.memref_slice %arg8[%dma_wait3A_132, %dma_wait3A_133] : memref<16x80xi32, #tpu.memory_space<vmem>> -> memref<1x80xi32, #tpu.memory_space<vmem>>
    %dma_wait3A_135 = tpu.memref_squeeze %dma_wait3A_134 : memref<1x80xi32, #tpu.memory_space<vmem>> -> memref<80xi32, #tpu.memory_space<vmem>>
    %dma_wait3A_136 = arith.constant 0 : i32
    %dma_wait3A_137 = arith.constant 0 : i32
    %dma_wait3A_138 = tpu.memref_slice %arg2[%dma_wait3A_136, %dma_wait3A_137] : memref<10112x128xf32, #tpu.memory_space<hbm>> -> memref<10112x128xf32, #tpu.memory_space<hbm>>
    tpu.wait_indirect_dma semaphore(%arg15 : memref<!tpu.dma_semaphore, #tpu.memory_space<semaphore_mem>>) src(%dma_wait3A_138 : memref<10112x128xf32, #tpu.memory_space<hbm>>) dst(%arg11 : memref<80x128xf32, #tpu.memory_space<vmem>>)
    %run_scoped3A_139 = arith.constant 1 : i32
    "tpu.region"() ({
      %run_scoped3A_362 = tpu.sem_alloc : memref<!tpu.dma_semaphore, #tpu.memory_space<semaphore_mem>>
      %dma_start3A_363 = arith.constant 0 : i32
      %dma_start3A_364 = tpu.memref_slice %arg9[%run_scoped3A_139, %dma_start3A_363] : memref<16x80xi32, #tpu.memory_space<vmem>> -> memref<1x80xi32, #tpu.memory_space<vmem>>
      %dma_start3A_365 = tpu.memref_squeeze %dma_start3A_364 : memref<1x80xi32, #tpu.memory_space<vmem>> -> memref<80xi32, #tpu.memory_space<vmem>>
      %dma_start3A_366 = arith.constant 0 : i32
      %dma_start3A_367 = arith.constant 0 : i32
      %dma_start3A_368 = tpu.memref_slice %arg7[%dma_start3A_366, %dma_start3A_367] : memref<10112x128xf32, #tpu.memory_space<vmem_shared>> -> memref<10112x128xf32, #tpu.memory_space<vmem_shared>>
      tpu.enqueue_indirect_dma source(%arg11 : memref<80x128xf32, #tpu.memory_space<vmem>>) target(%dma_start3A_368 : memref<10112x128xf32, #tpu.memory_space<vmem_shared>>) offsets(%dma_start3A_365 : memref<80xi32, #tpu.memory_space<vmem>>) semaphore(%run_scoped3A_362 : memref<!tpu.dma_semaphore, #tpu.memory_space<semaphore_mem>>) {add = true}
      %dma_wait3A_369 = arith.constant 0 : i32
      %dma_wait3A_370 = tpu.memref_slice %arg9[%run_scoped3A_139, %dma_wait3A_369] : memref<16x80xi32, #tpu.memory_space<vmem>> -> memref<1x80xi32, #tpu.memory_space<vmem>>
      %dma_wait3A_371 = tpu.memref_squeeze %dma_wait3A_370 : memref<1x80xi32, #tpu.memory_space<vmem>> -> memref<80xi32, #tpu.memory_space<vmem>>
      %dma_wait3A_372 = arith.constant 0 : i32
      %dma_wait3A_373 = arith.constant 0 : i32
      %dma_wait3A_374 = tpu.memref_slice %arg7[%dma_wait3A_372, %dma_wait3A_373] : memref<10112x128xf32, #tpu.memory_space<vmem_shared>> -> memref<10112x128xf32, #tpu.memory_space<vmem_shared>>
      tpu.wait_indirect_dma semaphore(%run_scoped3A_362 : memref<!tpu.dma_semaphore, #tpu.memory_space<semaphore_mem>>) src(%arg11 : memref<80x128xf32, #tpu.memory_space<vmem>>) dst(%dma_wait3A_374 : memref<10112x128xf32, #tpu.memory_space<vmem_shared>>)
      tpu.yield
    }) : () -> ()
    %dma_start3A_140 = arith.constant 5 : i32
    %dma_start3A_141 = arith.constant 0 : i32
    %dma_start3A_142 = tpu.memref_slice %arg8[%dma_start3A_140, %dma_start3A_141] : memref<16x80xi32, #tpu.memory_space<vmem>> -> memref<1x80xi32, #tpu.memory_space<vmem>>
    %dma_start3A_143 = tpu.memref_squeeze %dma_start3A_142 : memref<1x80xi32, #tpu.memory_space<vmem>> -> memref<80xi32, #tpu.memory_space<vmem>>
    %dma_start3A_144 = arith.constant 0 : i32
    %dma_start3A_145 = arith.constant 0 : i32
    %dma_start3A_146 = tpu.memref_slice %arg2[%dma_start3A_144, %dma_start3A_145] : memref<10112x128xf32, #tpu.memory_space<hbm>> -> memref<10112x128xf32, #tpu.memory_space<hbm>>
    tpu.enqueue_indirect_dma source(%dma_start3A_146 : memref<10112x128xf32, #tpu.memory_space<hbm>>) target(%arg11 : memref<80x128xf32, #tpu.memory_space<vmem>>) offsets(%dma_start3A_143 : memref<80xi32, #tpu.memory_space<vmem>>) semaphore(%arg15 : memref<!tpu.dma_semaphore, #tpu.memory_space<semaphore_mem>>)
    %dma_wait3A_147 = arith.constant 2 : i32
    %dma_wait3A_148 = arith.constant 0 : i32
    %dma_wait3A_149 = tpu.memref_slice %arg8[%dma_wait3A_147, %dma_wait3A_148] : memref<16x80xi32, #tpu.memory_space<vmem>> -> memref<1x80xi32, #tpu.memory_space<vmem>>
    %dma_wait3A_150 = tpu.memref_squeeze %dma_wait3A_149 : memref<1x80xi32, #tpu.memory_space<vmem>> -> memref<80xi32, #tpu.memory_space<vmem>>
    %dma_wait3A_151 = arith.constant 0 : i32
    %dma_wait3A_152 = arith.constant 0 : i32
    %dma_wait3A_153 = tpu.memref_slice %arg2[%dma_wait3A_151, %dma_wait3A_152] : memref<10112x128xf32, #tpu.memory_space<hbm>> -> memref<10112x128xf32, #tpu.memory_space<hbm>>
    tpu.wait_indirect_dma semaphore(%arg16 : memref<!tpu.dma_semaphore, #tpu.memory_space<semaphore_mem>>) src(%dma_wait3A_153 : memref<10112x128xf32, #tpu.memory_space<hbm>>) dst(%arg12 : memref<80x128xf32, #tpu.memory_space<vmem>>)
    %run_scoped3A_154 = arith.constant 2 : i32
    "tpu.region"() ({
      %run_scoped3A_362 = tpu.sem_alloc : memref<!tpu.dma_semaphore, #tpu.memory_space<semaphore_mem>>
      %dma_start3A_363 = arith.constant 0 : i32
      %dma_start3A_364 = tpu.memref_slice %arg9[%run_scoped3A_154, %dma_start3A_363] : memref<16x80xi32, #tpu.memory_space<vmem>> -> memref<1x80xi32, #tpu.memory_space<vmem>>
      %dma_start3A_365 = tpu.memref_squeeze %dma_start3A_364 : memref<1x80xi32, #tpu.memory_space<vmem>> -> memref<80xi32, #tpu.memory_space<vmem>>
      %dma_start3A_366 = arith.constant 0 : i32
      %dma_start3A_367 = arith.constant 0 : i32
      %dma_start3A_368 = tpu.memref_slice %arg7[%dma_start3A_366, %dma_start3A_367] : memref<10112x128xf32, #tpu.memory_space<vmem_shared>> -> memref<10112x128xf32, #tpu.memory_space<vmem_shared>>
      tpu.enqueue_indirect_dma source(%arg12 : memref<80x128xf32, #tpu.memory_space<vmem>>) target(%dma_start3A_368 : memref<10112x128xf32, #tpu.memory_space<vmem_shared>>) offsets(%dma_start3A_365 : memref<80xi32, #tpu.memory_space<vmem>>) semaphore(%run_scoped3A_362 : memref<!tpu.dma_semaphore, #tpu.memory_space<semaphore_mem>>) {add = true}
      %dma_wait3A_369 = arith.constant 0 : i32
      %dma_wait3A_370 = tpu.memref_slice %arg9[%run_scoped3A_154, %dma_wait3A_369] : memref<16x80xi32, #tpu.memory_space<vmem>> -> memref<1x80xi32, #tpu.memory_space<vmem>>
      %dma_wait3A_371 = tpu.memref_squeeze %dma_wait3A_370 : memref<1x80xi32, #tpu.memory_space<vmem>> -> memref<80xi32, #tpu.memory_space<vmem>>
      %dma_wait3A_372 = arith.constant 0 : i32
      %dma_wait3A_373 = arith.constant 0 : i32
      %dma_wait3A_374 = tpu.memref_slice %arg7[%dma_wait3A_372, %dma_wait3A_373] : memref<10112x128xf32, #tpu.memory_space<vmem_shared>> -> memref<10112x128xf32, #tpu.memory_space<vmem_shared>>
      tpu.wait_indirect_dma semaphore(%run_scoped3A_362 : memref<!tpu.dma_semaphore, #tpu.memory_space<semaphore_mem>>) src(%arg12 : memref<80x128xf32, #tpu.memory_space<vmem>>) dst(%dma_wait3A_374 : memref<10112x128xf32, #tpu.memory_space<vmem_shared>>)
      tpu.yield
    }) : () -> ()
    %dma_start3A_155 = arith.constant 6 : i32
    %dma_start3A_156 = arith.constant 0 : i32
    %dma_start3A_157 = tpu.memref_slice %arg8[%dma_start3A_155, %dma_start3A_156] : memref<16x80xi32, #tpu.memory_space<vmem>> -> memref<1x80xi32, #tpu.memory_space<vmem>>
    %dma_start3A_158 = tpu.memref_squeeze %dma_start3A_157 : memref<1x80xi32, #tpu.memory_space<vmem>> -> memref<80xi32, #tpu.memory_space<vmem>>
    %dma_start3A_159 = arith.constant 0 : i32
    %dma_start3A_160 = arith.constant 0 : i32
    %dma_start3A_161 = tpu.memref_slice %arg2[%dma_start3A_159, %dma_start3A_160] : memref<10112x128xf32, #tpu.memory_space<hbm>> -> memref<10112x128xf32, #tpu.memory_space<hbm>>
    tpu.enqueue_indirect_dma source(%dma_start3A_161 : memref<10112x128xf32, #tpu.memory_space<hbm>>) target(%arg12 : memref<80x128xf32, #tpu.memory_space<vmem>>) offsets(%dma_start3A_158 : memref<80xi32, #tpu.memory_space<vmem>>) semaphore(%arg16 : memref<!tpu.dma_semaphore, #tpu.memory_space<semaphore_mem>>)
    %dma_wait3A_162 = arith.constant 3 : i32
    %dma_wait3A_163 = arith.constant 0 : i32
    %dma_wait3A_164 = tpu.memref_slice %arg8[%dma_wait3A_162, %dma_wait3A_163] : memref<16x80xi32, #tpu.memory_space<vmem>> -> memref<1x80xi32, #tpu.memory_space<vmem>>
    %dma_wait3A_165 = tpu.memref_squeeze %dma_wait3A_164 : memref<1x80xi32, #tpu.memory_space<vmem>> -> memref<80xi32, #tpu.memory_space<vmem>>
    %dma_wait3A_166 = arith.constant 0 : i32
    %dma_wait3A_167 = arith.constant 0 : i32
    %dma_wait3A_168 = tpu.memref_slice %arg2[%dma_wait3A_166, %dma_wait3A_167] : memref<10112x128xf32, #tpu.memory_space<hbm>> -> memref<10112x128xf32, #tpu.memory_space<hbm>>
    tpu.wait_indirect_dma semaphore(%arg17 : memref<!tpu.dma_semaphore, #tpu.memory_space<semaphore_mem>>) src(%dma_wait3A_168 : memref<10112x128xf32, #tpu.memory_space<hbm>>) dst(%arg13 : memref<80x128xf32, #tpu.memory_space<vmem>>)
    %run_scoped3A_169 = arith.constant 3 : i32
    "tpu.region"() ({
      %run_scoped3A_362 = tpu.sem_alloc : memref<!tpu.dma_semaphore, #tpu.memory_space<semaphore_mem>>
      %dma_start3A_363 = arith.constant 0 : i32
      %dma_start3A_364 = tpu.memref_slice %arg9[%run_scoped3A_169, %dma_start3A_363] : memref<16x80xi32, #tpu.memory_space<vmem>> -> memref<1x80xi32, #tpu.memory_space<vmem>>
      %dma_start3A_365 = tpu.memref_squeeze %dma_start3A_364 : memref<1x80xi32, #tpu.memory_space<vmem>> -> memref<80xi32, #tpu.memory_space<vmem>>
      %dma_start3A_366 = arith.constant 0 : i32
      %dma_start3A_367 = arith.constant 0 : i32
      %dma_start3A_368 = tpu.memref_slice %arg7[%dma_start3A_366, %dma_start3A_367] : memref<10112x128xf32, #tpu.memory_space<vmem_shared>> -> memref<10112x128xf32, #tpu.memory_space<vmem_shared>>
      tpu.enqueue_indirect_dma source(%arg13 : memref<80x128xf32, #tpu.memory_space<vmem>>) target(%dma_start3A_368 : memref<10112x128xf32, #tpu.memory_space<vmem_shared>>) offsets(%dma_start3A_365 : memref<80xi32, #tpu.memory_space<vmem>>) semaphore(%run_scoped3A_362 : memref<!tpu.dma_semaphore, #tpu.memory_space<semaphore_mem>>) {add = true}
      %dma_wait3A_369 = arith.constant 0 : i32
      %dma_wait3A_370 = tpu.memref_slice %arg9[%run_scoped3A_169, %dma_wait3A_369] : memref<16x80xi32, #tpu.memory_space<vmem>> -> memref<1x80xi32, #tpu.memory_space<vmem>>
      %dma_wait3A_371 = tpu.memref_squeeze %dma_wait3A_370 : memref<1x80xi32, #tpu.memory_space<vmem>> -> memref<80xi32, #tpu.memory_space<vmem>>
      %dma_wait3A_372 = arith.constant 0 : i32
      %dma_wait3A_373 = arith.constant 0 : i32
      %dma_wait3A_374 = tpu.memref_slice %arg7[%dma_wait3A_372, %dma_wait3A_373] : memref<10112x128xf32, #tpu.memory_space<vmem_shared>> -> memref<10112x128xf32, #tpu.memory_space<vmem_shared>>
      tpu.wait_indirect_dma semaphore(%run_scoped3A_362 : memref<!tpu.dma_semaphore, #tpu.memory_space<semaphore_mem>>) src(%arg13 : memref<80x128xf32, #tpu.memory_space<vmem>>) dst(%dma_wait3A_374 : memref<10112x128xf32, #tpu.memory_space<vmem_shared>>)
      tpu.yield
    }) : () -> ()
    %dma_start3A_170 = arith.constant 7 : i32
    %dma_start3A_171 = arith.constant 0 : i32
    %dma_start3A_172 = tpu.memref_slice %arg8[%dma_start3A_170, %dma_start3A_171] : memref<16x80xi32, #tpu.memory_space<vmem>> -> memref<1x80xi32, #tpu.memory_space<vmem>>
    %dma_start3A_173 = tpu.memref_squeeze %dma_start3A_172 : memref<1x80xi32, #tpu.memory_space<vmem>> -> memref<80xi32, #tpu.memory_space<vmem>>
    %dma_start3A_174 = arith.constant 0 : i32
    %dma_start3A_175 = arith.constant 0 : i32
    %dma_start3A_176 = tpu.memref_slice %arg2[%dma_start3A_174, %dma_start3A_175] : memref<10112x128xf32, #tpu.memory_space<hbm>> -> memref<10112x128xf32, #tpu.memory_space<hbm>>
    tpu.enqueue_indirect_dma source(%dma_start3A_176 : memref<10112x128xf32, #tpu.memory_space<hbm>>) target(%arg13 : memref<80x128xf32, #tpu.memory_space<vmem>>) offsets(%dma_start3A_173 : memref<80xi32, #tpu.memory_space<vmem>>) semaphore(%arg17 : memref<!tpu.dma_semaphore, #tpu.memory_space<semaphore_mem>>)
    %dma_wait3A_177 = arith.constant 8 : i32
    %dma_wait3A_178 = arith.constant 0 : i32
    %dma_wait3A_179 = tpu.memref_slice %arg8[%dma_wait3A_177, %dma_wait3A_178] : memref<16x80xi32, #tpu.memory_space<vmem>> -> memref<8x80xi32, #tpu.memory_space<vmem>>
    %dma_wait3A_180 = arith.constant 120 : i32
    %dma_wait3A_181 = arith.constant 0 : i32
    %dma_wait3A_182 = tpu.memref_slice %arg3[%add3A, %dma_wait3A_180, %dma_wait3A_181] : memref<32x128x80xi32, #tpu.memory_space<hbm>> -> memref<1x8x80xi32, #tpu.memory_space<hbm>>
    %dma_wait3A_183 = tpu.memref_squeeze %dma_wait3A_182 : memref<1x8x80xi32, #tpu.memory_space<hbm>> -> memref<8x80xi32, #tpu.memory_space<hbm>>
    %dma_wait3A_184 = arith.constant 8 : i32
    %dma_wait3A_185 = arith.constant 0 : i32
    %dma_wait3A_186 = tpu.memref_slice %arg8[%dma_wait3A_184, %dma_wait3A_185] : memref<16x80xi32, #tpu.memory_space<vmem>> -> memref<8x80xi32, #tpu.memory_space<vmem>>
    %dma_wait3A_187 = arith.constant 120 : i32
    %dma_wait3A_188 = arith.constant 0 : i32
    %dma_wait3A_189 = tpu.memref_slice %arg3[%add3A, %dma_wait3A_187, %dma_wait3A_188] : memref<32x128x80xi32, #tpu.memory_space<hbm>> -> memref<1x8x80xi32, #tpu.memory_space<hbm>>
    %dma_wait3A_190 = tpu.memref_squeeze %dma_wait3A_189 : memref<1x8x80xi32, #tpu.memory_space<hbm>> -> memref<8x80xi32, #tpu.memory_space<hbm>>
    tpu.wait_dma2 semaphore(%arg18 : memref<!tpu.dma_semaphore, #tpu.memory_space<semaphore_mem>>) src(%dma_wait3A_190 : memref<8x80xi32, #tpu.memory_space<hbm>>) dst(%dma_wait3A_186 : memref<8x80xi32, #tpu.memory_space<vmem>>)
    %dma_wait3A_191 = arith.constant 8 : i32
    %dma_wait3A_192 = arith.constant 0 : i32
    %dma_wait3A_193 = tpu.memref_slice %arg9[%dma_wait3A_191, %dma_wait3A_192] : memref<16x80xi32, #tpu.memory_space<vmem>> -> memref<8x80xi32, #tpu.memory_space<vmem>>
    %dma_wait3A_194 = arith.constant 120 : i32
    %dma_wait3A_195 = arith.constant 0 : i32
    %dma_wait3A_196 = tpu.memref_slice %arg4[%add3A, %dma_wait3A_194, %dma_wait3A_195] : memref<32x128x80xi32, #tpu.memory_space<hbm>> -> memref<1x8x80xi32, #tpu.memory_space<hbm>>
    %dma_wait3A_197 = tpu.memref_squeeze %dma_wait3A_196 : memref<1x8x80xi32, #tpu.memory_space<hbm>> -> memref<8x80xi32, #tpu.memory_space<hbm>>
    %dma_wait3A_198 = arith.constant 8 : i32
    %dma_wait3A_199 = arith.constant 0 : i32
    %dma_wait3A_200 = tpu.memref_slice %arg9[%dma_wait3A_198, %dma_wait3A_199] : memref<16x80xi32, #tpu.memory_space<vmem>> -> memref<8x80xi32, #tpu.memory_space<vmem>>
    %dma_wait3A_201 = arith.constant 120 : i32
    %dma_wait3A_202 = arith.constant 0 : i32
    %dma_wait3A_203 = tpu.memref_slice %arg4[%add3A, %dma_wait3A_201, %dma_wait3A_202] : memref<32x128x80xi32, #tpu.memory_space<hbm>> -> memref<1x8x80xi32, #tpu.memory_space<hbm>>
    %dma_wait3A_204 = tpu.memref_squeeze %dma_wait3A_203 : memref<1x8x80xi32, #tpu.memory_space<hbm>> -> memref<8x80xi32, #tpu.memory_space<hbm>>
    tpu.wait_dma2 semaphore(%arg18 : memref<!tpu.dma_semaphore, #tpu.memory_space<semaphore_mem>>) src(%dma_wait3A_204 : memref<8x80xi32, #tpu.memory_space<hbm>>) dst(%dma_wait3A_200 : memref<8x80xi32, #tpu.memory_space<vmem>>)
    %dma_wait3A_205 = arith.constant 4 : i32
    %dma_wait3A_206 = arith.constant 0 : i32
    %dma_wait3A_207 = tpu.memref_slice %arg8[%dma_wait3A_205, %dma_wait3A_206] : memref<16x80xi32, #tpu.memory_space<vmem>> -> memref<1x80xi32, #tpu.memory_space<vmem>>
    %dma_wait3A_208 = tpu.memref_squeeze %dma_wait3A_207 : memref<1x80xi32, #tpu.memory_space<vmem>> -> memref<80xi32, #tpu.memory_space<vmem>>
    %dma_wait3A_209 = arith.constant 0 : i32
    %dma_wait3A_210 = arith.constant 0 : i32
    %dma_wait3A_211 = tpu.memref_slice %arg2[%dma_wait3A_209, %dma_wait3A_210] : memref<10112x128xf32, #tpu.memory_space<hbm>> -> memref<10112x128xf32, #tpu.memory_space<hbm>>
    tpu.wait_indirect_dma semaphore(%arg14 : memref<!tpu.dma_semaphore, #tpu.memory_space<semaphore_mem>>) src(%dma_wait3A_211 : memref<10112x128xf32, #tpu.memory_space<hbm>>) dst(%arg10 : memref<80x128xf32, #tpu.memory_space<vmem>>)
    %run_scoped3A_212 = arith.constant 4 : i32
    "tpu.region"() ({
      %run_scoped3A_362 = tpu.sem_alloc : memref<!tpu.dma_semaphore, #tpu.memory_space<semaphore_mem>>
      %dma_start3A_363 = arith.constant 0 : i32
      %dma_start3A_364 = tpu.memref_slice %arg9[%run_scoped3A_212, %dma_start3A_363] : memref<16x80xi32, #tpu.memory_space<vmem>> -> memref<1x80xi32, #tpu.memory_space<vmem>>
      %dma_start3A_365 = tpu.memref_squeeze %dma_start3A_364 : memref<1x80xi32, #tpu.memory_space<vmem>> -> memref<80xi32, #tpu.memory_space<vmem>>
      %dma_start3A_366 = arith.constant 0 : i32
      %dma_start3A_367 = arith.constant 0 : i32
      %dma_start3A_368 = tpu.memref_slice %arg7[%dma_start3A_366, %dma_start3A_367] : memref<10112x128xf32, #tpu.memory_space<vmem_shared>> -> memref<10112x128xf32, #tpu.memory_space<vmem_shared>>
      tpu.enqueue_indirect_dma source(%arg10 : memref<80x128xf32, #tpu.memory_space<vmem>>) target(%dma_start3A_368 : memref<10112x128xf32, #tpu.memory_space<vmem_shared>>) offsets(%dma_start3A_365 : memref<80xi32, #tpu.memory_space<vmem>>) semaphore(%run_scoped3A_362 : memref<!tpu.dma_semaphore, #tpu.memory_space<semaphore_mem>>) {add = true}
      %dma_wait3A_369 = arith.constant 0 : i32
      %dma_wait3A_370 = tpu.memref_slice %arg9[%run_scoped3A_212, %dma_wait3A_369] : memref<16x80xi32, #tpu.memory_space<vmem>> -> memref<1x80xi32, #tpu.memory_space<vmem>>
      %dma_wait3A_371 = tpu.memref_squeeze %dma_wait3A_370 : memref<1x80xi32, #tpu.memory_space<vmem>> -> memref<80xi32, #tpu.memory_space<vmem>>
      %dma_wait3A_372 = arith.constant 0 : i32
      %dma_wait3A_373 = arith.constant 0 : i32
      %dma_wait3A_374 = tpu.memref_slice %arg7[%dma_wait3A_372, %dma_wait3A_373] : memref<10112x128xf32, #tpu.memory_space<vmem_shared>> -> memref<10112x128xf32, #tpu.memory_space<vmem_shared>>
      tpu.wait_indirect_dma semaphore(%run_scoped3A_362 : memref<!tpu.dma_semaphore, #tpu.memory_space<semaphore_mem>>) src(%arg10 : memref<80x128xf32, #tpu.memory_space<vmem>>) dst(%dma_wait3A_374 : memref<10112x128xf32, #tpu.memory_space<vmem_shared>>)
      tpu.yield
    }) : () -> ()
    %dma_start3A_213 = arith.constant 8 : i32
    %dma_start3A_214 = arith.constant 0 : i32
    %dma_start3A_215 = tpu.memref_slice %arg8[%dma_start3A_213, %dma_start3A_214] : memref<16x80xi32, #tpu.memory_space<vmem>> -> memref<1x80xi32, #tpu.memory_space<vmem>>
    %dma_start3A_216 = tpu.memref_squeeze %dma_start3A_215 : memref<1x80xi32, #tpu.memory_space<vmem>> -> memref<80xi32, #tpu.memory_space<vmem>>
    %dma_start3A_217 = arith.constant 0 : i32
    %dma_start3A_218 = arith.constant 0 : i32
    %dma_start3A_219 = tpu.memref_slice %arg2[%dma_start3A_217, %dma_start3A_218] : memref<10112x128xf32, #tpu.memory_space<hbm>> -> memref<10112x128xf32, #tpu.memory_space<hbm>>
    tpu.enqueue_indirect_dma source(%dma_start3A_219 : memref<10112x128xf32, #tpu.memory_space<hbm>>) target(%arg10 : memref<80x128xf32, #tpu.memory_space<vmem>>) offsets(%dma_start3A_216 : memref<80xi32, #tpu.memory_space<vmem>>) semaphore(%arg14 : memref<!tpu.dma_semaphore, #tpu.memory_space<semaphore_mem>>)
    %dma_wait3A_220 = arith.constant 5 : i32
    %dma_wait3A_221 = arith.constant 0 : i32
    %dma_wait3A_222 = tpu.memref_slice %arg8[%dma_wait3A_220, %dma_wait3A_221] : memref<16x80xi32, #tpu.memory_space<vmem>> -> memref<1x80xi32, #tpu.memory_space<vmem>>
    %dma_wait3A_223 = tpu.memref_squeeze %dma_wait3A_222 : memref<1x80xi32, #tpu.memory_space<vmem>> -> memref<80xi32, #tpu.memory_space<vmem>>
    %dma_wait3A_224 = arith.constant 0 : i32
    %dma_wait3A_225 = arith.constant 0 : i32
    %dma_wait3A_226 = tpu.memref_slice %arg2[%dma_wait3A_224, %dma_wait3A_225] : memref<10112x128xf32, #tpu.memory_space<hbm>> -> memref<10112x128xf32, #tpu.memory_space<hbm>>
    tpu.wait_indirect_dma semaphore(%arg15 : memref<!tpu.dma_semaphore, #tpu.memory_space<semaphore_mem>>) src(%dma_wait3A_226 : memref<10112x128xf32, #tpu.memory_space<hbm>>) dst(%arg11 : memref<80x128xf32, #tpu.memory_space<vmem>>)
    %run_scoped3A_227 = arith.constant 5 : i32
    "tpu.region"() ({
      %run_scoped3A_362 = tpu.sem_alloc : memref<!tpu.dma_semaphore, #tpu.memory_space<semaphore_mem>>
      %dma_start3A_363 = arith.constant 0 : i32
      %dma_start3A_364 = tpu.memref_slice %arg9[%run_scoped3A_227, %dma_start3A_363] : memref<16x80xi32, #tpu.memory_space<vmem>> -> memref<1x80xi32, #tpu.memory_space<vmem>>
      %dma_start3A_365 = tpu.memref_squeeze %dma_start3A_364 : memref<1x80xi32, #tpu.memory_space<vmem>> -> memref<80xi32, #tpu.memory_space<vmem>>
      %dma_start3A_366 = arith.constant 0 : i32
      %dma_start3A_367 = arith.constant 0 : i32
      %dma_start3A_368 = tpu.memref_slice %arg7[%dma_start3A_366, %dma_start3A_367] : memref<10112x128xf32, #tpu.memory_space<vmem_shared>> -> memref<10112x128xf32, #tpu.memory_space<vmem_shared>>
      tpu.enqueue_indirect_dma source(%arg11 : memref<80x128xf32, #tpu.memory_space<vmem>>) target(%dma_start3A_368 : memref<10112x128xf32, #tpu.memory_space<vmem_shared>>) offsets(%dma_start3A_365 : memref<80xi32, #tpu.memory_space<vmem>>) semaphore(%run_scoped3A_362 : memref<!tpu.dma_semaphore, #tpu.memory_space<semaphore_mem>>) {add = true}
      %dma_wait3A_369 = arith.constant 0 : i32
      %dma_wait3A_370 = tpu.memref_slice %arg9[%run_scoped3A_227, %dma_wait3A_369] : memref<16x80xi32, #tpu.memory_space<vmem>> -> memref<1x80xi32, #tpu.memory_space<vmem>>
      %dma_wait3A_371 = tpu.memref_squeeze %dma_wait3A_370 : memref<1x80xi32, #tpu.memory_space<vmem>> -> memref<80xi32, #tpu.memory_space<vmem>>
      %dma_wait3A_372 = arith.constant 0 : i32
      %dma_wait3A_373 = arith.constant 0 : i32
      %dma_wait3A_374 = tpu.memref_slice %arg7[%dma_wait3A_372, %dma_wait3A_373] : memref<10112x128xf32, #tpu.memory_space<vmem_shared>> -> memref<10112x128xf32, #tpu.memory_space<vmem_shared>>
      tpu.wait_indirect_dma semaphore(%run_scoped3A_362 : memref<!tpu.dma_semaphore, #tpu.memory_space<semaphore_mem>>) src(%arg11 : memref<80x128xf32, #tpu.memory_space<vmem>>) dst(%dma_wait3A_374 : memref<10112x128xf32, #tpu.memory_space<vmem_shared>>)
      tpu.yield
    }) : () -> ()
    %dma_start3A_228 = arith.constant 9 : i32
    %dma_start3A_229 = arith.constant 0 : i32
    %dma_start3A_230 = tpu.memref_slice %arg8[%dma_start3A_228, %dma_start3A_229] : memref<16x80xi32, #tpu.memory_space<vmem>> -> memref<1x80xi32, #tpu.memory_space<vmem>>
    %dma_start3A_231 = tpu.memref_squeeze %dma_start3A_230 : memref<1x80xi32, #tpu.memory_space<vmem>> -> memref<80xi32, #tpu.memory_space<vmem>>
    %dma_start3A_232 = arith.constant 0 : i32
    %dma_start3A_233 = arith.constant 0 : i32
    %dma_start3A_234 = tpu.memref_slice %arg2[%dma_start3A_232, %dma_start3A_233] : memref<10112x128xf32, #tpu.memory_space<hbm>> -> memref<10112x128xf32, #tpu.memory_space<hbm>>
    tpu.enqueue_indirect_dma source(%dma_start3A_234 : memref<10112x128xf32, #tpu.memory_space<hbm>>) target(%arg11 : memref<80x128xf32, #tpu.memory_space<vmem>>) offsets(%dma_start3A_231 : memref<80xi32, #tpu.memory_space<vmem>>) semaphore(%arg15 : memref<!tpu.dma_semaphore, #tpu.memory_space<semaphore_mem>>)
    %dma_wait3A_235 = arith.constant 6 : i32
    %dma_wait3A_236 = arith.constant 0 : i32
    %dma_wait3A_237 = tpu.memref_slice %arg8[%dma_wait3A_235, %dma_wait3A_236] : memref<16x80xi32, #tpu.memory_space<vmem>> -> memref<1x80xi32, #tpu.memory_space<vmem>>
    %dma_wait3A_238 = tpu.memref_squeeze %dma_wait3A_237 : memref<1x80xi32, #tpu.memory_space<vmem>> -> memref<80xi32, #tpu.memory_space<vmem>>
    %dma_wait3A_239 = arith.constant 0 : i32
    %dma_wait3A_240 = arith.constant 0 : i32
    %dma_wait3A_241 = tpu.memref_slice %arg2[%dma_wait3A_239, %dma_wait3A_240] : memref<10112x128xf32, #tpu.memory_space<hbm>> -> memref<10112x128xf32, #tpu.memory_space<hbm>>
    tpu.wait_indirect_dma semaphore(%arg16 : memref<!tpu.dma_semaphore, #tpu.memory_space<semaphore_mem>>) src(%dma_wait3A_241 : memref<10112x128xf32, #tpu.memory_space<hbm>>) dst(%arg12 : memref<80x128xf32, #tpu.memory_space<vmem>>)
    %run_scoped3A_242 = arith.constant 6 : i32
    "tpu.region"() ({
      %run_scoped3A_362 = tpu.sem_alloc : memref<!tpu.dma_semaphore, #tpu.memory_space<semaphore_mem>>
      %dma_start3A_363 = arith.constant 0 : i32
      %dma_start3A_364 = tpu.memref_slice %arg9[%run_scoped3A_242, %dma_start3A_363] : memref<16x80xi32, #tpu.memory_space<vmem>> -> memref<1x80xi32, #tpu.memory_space<vmem>>
      %dma_start3A_365 = tpu.memref_squeeze %dma_start3A_364 : memref<1x80xi32, #tpu.memory_space<vmem>> -> memref<80xi32, #tpu.memory_space<vmem>>
      %dma_start3A_366 = arith.constant 0 : i32
      %dma_start3A_367 = arith.constant 0 : i32
      %dma_start3A_368 = tpu.memref_slice %arg7[%dma_start3A_366, %dma_start3A_367] : memref<10112x128xf32, #tpu.memory_space<vmem_shared>> -> memref<10112x128xf32, #tpu.memory_space<vmem_shared>>
      tpu.enqueue_indirect_dma source(%arg12 : memref<80x128xf32, #tpu.memory_space<vmem>>) target(%dma_start3A_368 : memref<10112x128xf32, #tpu.memory_space<vmem_shared>>) offsets(%dma_start3A_365 : memref<80xi32, #tpu.memory_space<vmem>>) semaphore(%run_scoped3A_362 : memref<!tpu.dma_semaphore, #tpu.memory_space<semaphore_mem>>) {add = true}
      %dma_wait3A_369 = arith.constant 0 : i32
      %dma_wait3A_370 = tpu.memref_slice %arg9[%run_scoped3A_242, %dma_wait3A_369] : memref<16x80xi32, #tpu.memory_space<vmem>> -> memref<1x80xi32, #tpu.memory_space<vmem>>
      %dma_wait3A_371 = tpu.memref_squeeze %dma_wait3A_370 : memref<1x80xi32, #tpu.memory_space<vmem>> -> memref<80xi32, #tpu.memory_space<vmem>>
      %dma_wait3A_372 = arith.constant 0 : i32
      %dma_wait3A_373 = arith.constant 0 : i32
      %dma_wait3A_374 = tpu.memref_slice %arg7[%dma_wait3A_372, %dma_wait3A_373] : memref<10112x128xf32, #tpu.memory_space<vmem_shared>> -> memref<10112x128xf32, #tpu.memory_space<vmem_shared>>
      tpu.wait_indirect_dma semaphore(%run_scoped3A_362 : memref<!tpu.dma_semaphore, #tpu.memory_space<semaphore_mem>>) src(%arg12 : memref<80x128xf32, #tpu.memory_space<vmem>>) dst(%dma_wait3A_374 : memref<10112x128xf32, #tpu.memory_space<vmem_shared>>)
      tpu.yield
    }) : () -> ()
    %dma_start3A_243 = arith.constant 10 : i32
    %dma_start3A_244 = arith.constant 0 : i32
    %dma_start3A_245 = tpu.memref_slice %arg8[%dma_start3A_243, %dma_start3A_244] : memref<16x80xi32, #tpu.memory_space<vmem>> -> memref<1x80xi32, #tpu.memory_space<vmem>>
    %dma_start3A_246 = tpu.memref_squeeze %dma_start3A_245 : memref<1x80xi32, #tpu.memory_space<vmem>> -> memref<80xi32, #tpu.memory_space<vmem>>
    %dma_start3A_247 = arith.constant 0 : i32
    %dma_start3A_248 = arith.constant 0 : i32
    %dma_start3A_249 = tpu.memref_slice %arg2[%dma_start3A_247, %dma_start3A_248] : memref<10112x128xf32, #tpu.memory_space<hbm>> -> memref<10112x128xf32, #tpu.memory_space<hbm>>
    tpu.enqueue_indirect_dma source(%dma_start3A_249 : memref<10112x128xf32, #tpu.memory_space<hbm>>) target(%arg12 : memref<80x128xf32, #tpu.memory_space<vmem>>) offsets(%dma_start3A_246 : memref<80xi32, #tpu.memory_space<vmem>>) semaphore(%arg16 : memref<!tpu.dma_semaphore, #tpu.memory_space<semaphore_mem>>)
    %dma_wait3A_250 = arith.constant 7 : i32
    %dma_wait3A_251 = arith.constant 0 : i32
    %dma_wait3A_252 = tpu.memref_slice %arg8[%dma_wait3A_250, %dma_wait3A_251] : memref<16x80xi32, #tpu.memory_space<vmem>> -> memref<1x80xi32, #tpu.memory_space<vmem>>
    %dma_wait3A_253 = tpu.memref_squeeze %dma_wait3A_252 : memref<1x80xi32, #tpu.memory_space<vmem>> -> memref<80xi32, #tpu.memory_space<vmem>>
    %dma_wait3A_254 = arith.constant 0 : i32
    %dma_wait3A_255 = arith.constant 0 : i32
    %dma_wait3A_256 = tpu.memref_slice %arg2[%dma_wait3A_254, %dma_wait3A_255] : memref<10112x128xf32, #tpu.memory_space<hbm>> -> memref<10112x128xf32, #tpu.memory_space<hbm>>
    tpu.wait_indirect_dma semaphore(%arg17 : memref<!tpu.dma_semaphore, #tpu.memory_space<semaphore_mem>>) src(%dma_wait3A_256 : memref<10112x128xf32, #tpu.memory_space<hbm>>) dst(%arg13 : memref<80x128xf32, #tpu.memory_space<vmem>>)
    %run_scoped3A_257 = arith.constant 7 : i32
    "tpu.region"() ({
      %run_scoped3A_362 = tpu.sem_alloc : memref<!tpu.dma_semaphore, #tpu.memory_space<semaphore_mem>>
      %dma_start3A_363 = arith.constant 0 : i32
      %dma_start3A_364 = tpu.memref_slice %arg9[%run_scoped3A_257, %dma_start3A_363] : memref<16x80xi32, #tpu.memory_space<vmem>> -> memref<1x80xi32, #tpu.memory_space<vmem>>
      %dma_start3A_365 = tpu.memref_squeeze %dma_start3A_364 : memref<1x80xi32, #tpu.memory_space<vmem>> -> memref<80xi32, #tpu.memory_space<vmem>>
      %dma_start3A_366 = arith.constant 0 : i32
      %dma_start3A_367 = arith.constant 0 : i32
      %dma_start3A_368 = tpu.memref_slice %arg7[%dma_start3A_366, %dma_start3A_367] : memref<10112x128xf32, #tpu.memory_space<vmem_shared>> -> memref<10112x128xf32, #tpu.memory_space<vmem_shared>>
      tpu.enqueue_indirect_dma source(%arg13 : memref<80x128xf32, #tpu.memory_space<vmem>>) target(%dma_start3A_368 : memref<10112x128xf32, #tpu.memory_space<vmem_shared>>) offsets(%dma_start3A_365 : memref<80xi32, #tpu.memory_space<vmem>>) semaphore(%run_scoped3A_362 : memref<!tpu.dma_semaphore, #tpu.memory_space<semaphore_mem>>) {add = true}
      %dma_wait3A_369 = arith.constant 0 : i32
      %dma_wait3A_370 = tpu.memref_slice %arg9[%run_scoped3A_257, %dma_wait3A_369] : memref<16x80xi32, #tpu.memory_space<vmem>> -> memref<1x80xi32, #tpu.memory_space<vmem>>
      %dma_wait3A_371 = tpu.memref_squeeze %dma_wait3A_370 : memref<1x80xi32, #tpu.memory_space<vmem>> -> memref<80xi32, #tpu.memory_space<vmem>>
      %dma_wait3A_372 = arith.constant 0 : i32
      %dma_wait3A_373 = arith.constant 0 : i32
      %dma_wait3A_374 = tpu.memref_slice %arg7[%dma_wait3A_372, %dma_wait3A_373] : memref<10112x128xf32, #tpu.memory_space<vmem_shared>> -> memref<10112x128xf32, #tpu.memory_space<vmem_shared>>
      tpu.wait_indirect_dma semaphore(%run_scoped3A_362 : memref<!tpu.dma_semaphore, #tpu.memory_space<semaphore_mem>>) src(%arg13 : memref<80x128xf32, #tpu.memory_space<vmem>>) dst(%dma_wait3A_374 : memref<10112x128xf32, #tpu.memory_space<vmem_shared>>)
      tpu.yield
    }) : () -> ()
    %dma_start3A_258 = arith.constant 11 : i32
    %dma_start3A_259 = arith.constant 0 : i32
    %dma_start3A_260 = tpu.memref_slice %arg8[%dma_start3A_258, %dma_start3A_259] : memref<16x80xi32, #tpu.memory_space<vmem>> -> memref<1x80xi32, #tpu.memory_space<vmem>>
    %dma_start3A_261 = tpu.memref_squeeze %dma_start3A_260 : memref<1x80xi32, #tpu.memory_space<vmem>> -> memref<80xi32, #tpu.memory_space<vmem>>
    %dma_start3A_262 = arith.constant 0 : i32
    %dma_start3A_263 = arith.constant 0 : i32
    %dma_start3A_264 = tpu.memref_slice %arg2[%dma_start3A_262, %dma_start3A_263] : memref<10112x128xf32, #tpu.memory_space<hbm>> -> memref<10112x128xf32, #tpu.memory_space<hbm>>
    tpu.enqueue_indirect_dma source(%dma_start3A_264 : memref<10112x128xf32, #tpu.memory_space<hbm>>) target(%arg13 : memref<80x128xf32, #tpu.memory_space<vmem>>) offsets(%dma_start3A_261 : memref<80xi32, #tpu.memory_space<vmem>>) semaphore(%arg17 : memref<!tpu.dma_semaphore, #tpu.memory_space<semaphore_mem>>)
    %dma_wait3A_265 = arith.constant 8 : i32
    %dma_wait3A_266 = arith.constant 0 : i32
    %dma_wait3A_267 = tpu.memref_slice %arg8[%dma_wait3A_265, %dma_wait3A_266] : memref<16x80xi32, #tpu.memory_space<vmem>> -> memref<1x80xi32, #tpu.memory_space<vmem>>
    %dma_wait3A_268 = tpu.memref_squeeze %dma_wait3A_267 : memref<1x80xi32, #tpu.memory_space<vmem>> -> memref<80xi32, #tpu.memory_space<vmem>>
    %dma_wait3A_269 = arith.constant 0 : i32
    %dma_wait3A_270 = arith.constant 0 : i32
    %dma_wait3A_271 = tpu.memref_slice %arg2[%dma_wait3A_269, %dma_wait3A_270] : memref<10112x128xf32, #tpu.memory_space<hbm>> -> memref<10112x128xf32, #tpu.memory_space<hbm>>
    tpu.wait_indirect_dma semaphore(%arg14 : memref<!tpu.dma_semaphore, #tpu.memory_space<semaphore_mem>>) src(%dma_wait3A_271 : memref<10112x128xf32, #tpu.memory_space<hbm>>) dst(%arg10 : memref<80x128xf32, #tpu.memory_space<vmem>>)
    %run_scoped3A_272 = arith.constant 8 : i32
    "tpu.region"() ({
      %run_scoped3A_362 = tpu.sem_alloc : memref<!tpu.dma_semaphore, #tpu.memory_space<semaphore_mem>>
      %dma_start3A_363 = arith.constant 0 : i32
      %dma_start3A_364 = tpu.memref_slice %arg9[%run_scoped3A_272, %dma_start3A_363] : memref<16x80xi32, #tpu.memory_space<vmem>> -> memref<1x80xi32, #tpu.memory_space<vmem>>
      %dma_start3A_365 = tpu.memref_squeeze %dma_start3A_364 : memref<1x80xi32, #tpu.memory_space<vmem>> -> memref<80xi32, #tpu.memory_space<vmem>>
      %dma_start3A_366 = arith.constant 0 : i32
      %dma_start3A_367 = arith.constant 0 : i32
      %dma_start3A_368 = tpu.memref_slice %arg7[%dma_start3A_366, %dma_start3A_367] : memref<10112x128xf32, #tpu.memory_space<vmem_shared>> -> memref<10112x128xf32, #tpu.memory_space<vmem_shared>>
      tpu.enqueue_indirect_dma source(%arg10 : memref<80x128xf32, #tpu.memory_space<vmem>>) target(%dma_start3A_368 : memref<10112x128xf32, #tpu.memory_space<vmem_shared>>) offsets(%dma_start3A_365 : memref<80xi32, #tpu.memory_space<vmem>>) semaphore(%run_scoped3A_362 : memref<!tpu.dma_semaphore, #tpu.memory_space<semaphore_mem>>) {add = true}
      %dma_wait3A_369 = arith.constant 0 : i32
      %dma_wait3A_370 = tpu.memref_slice %arg9[%run_scoped3A_272, %dma_wait3A_369] : memref<16x80xi32, #tpu.memory_space<vmem>> -> memref<1x80xi32, #tpu.memory_space<vmem>>
      %dma_wait3A_371 = tpu.memref_squeeze %dma_wait3A_370 : memref<1x80xi32, #tpu.memory_space<vmem>> -> memref<80xi32, #tpu.memory_space<vmem>>
      %dma_wait3A_372 = arith.constant 0 : i32
      %dma_wait3A_373 = arith.constant 0 : i32
      %dma_wait3A_374 = tpu.memref_slice %arg7[%dma_wait3A_372, %dma_wait3A_373] : memref<10112x128xf32, #tpu.memory_space<vmem_shared>> -> memref<10112x128xf32, #tpu.memory_space<vmem_shared>>
      tpu.wait_indirect_dma semaphore(%run_scoped3A_362 : memref<!tpu.dma_semaphore, #tpu.memory_space<semaphore_mem>>) src(%arg10 : memref<80x128xf32, #tpu.memory_space<vmem>>) dst(%dma_wait3A_374 : memref<10112x128xf32, #tpu.memory_space<vmem_shared>>)
      tpu.yield
    }) : () -> ()
    %dma_start3A_273 = arith.constant 12 : i32
    %dma_start3A_274 = arith.constant 0 : i32
    %dma_start3A_275 = tpu.memref_slice %arg8[%dma_start3A_273, %dma_start3A_274] : memref<16x80xi32, #tpu.memory_space<vmem>> -> memref<1x80xi32, #tpu.memory_space<vmem>>
    %dma_start3A_276 = tpu.memref_squeeze %dma_start3A_275 : memref<1x80xi32, #tpu.memory_space<vmem>> -> memref<80xi32, #tpu.memory_space<vmem>>
    %dma_start3A_277 = arith.constant 0 : i32
    %dma_start3A_278 = arith.constant 0 : i32
    %dma_start3A_279 = tpu.memref_slice %arg2[%dma_start3A_277, %dma_start3A_278] : memref<10112x128xf32, #tpu.memory_space<hbm>> -> memref<10112x128xf32, #tpu.memory_space<hbm>>
    tpu.enqueue_indirect_dma source(%dma_start3A_279 : memref<10112x128xf32, #tpu.memory_space<hbm>>) target(%arg10 : memref<80x128xf32, #tpu.memory_space<vmem>>) offsets(%dma_start3A_276 : memref<80xi32, #tpu.memory_space<vmem>>) semaphore(%arg14 : memref<!tpu.dma_semaphore, #tpu.memory_space<semaphore_mem>>)
    %dma_wait3A_280 = arith.constant 9 : i32
    %dma_wait3A_281 = arith.constant 0 : i32
    %dma_wait3A_282 = tpu.memref_slice %arg8[%dma_wait3A_280, %dma_wait3A_281] : memref<16x80xi32, #tpu.memory_space<vmem>> -> memref<1x80xi32, #tpu.memory_space<vmem>>
    %dma_wait3A_283 = tpu.memref_squeeze %dma_wait3A_282 : memref<1x80xi32, #tpu.memory_space<vmem>> -> memref<80xi32, #tpu.memory_space<vmem>>
    %dma_wait3A_284 = arith.constant 0 : i32
    %dma_wait3A_285 = arith.constant 0 : i32
    %dma_wait3A_286 = tpu.memref_slice %arg2[%dma_wait3A_284, %dma_wait3A_285] : memref<10112x128xf32, #tpu.memory_space<hbm>> -> memref<10112x128xf32, #tpu.memory_space<hbm>>
    tpu.wait_indirect_dma semaphore(%arg15 : memref<!tpu.dma_semaphore, #tpu.memory_space<semaphore_mem>>) src(%dma_wait3A_286 : memref<10112x128xf32, #tpu.memory_space<hbm>>) dst(%arg11 : memref<80x128xf32, #tpu.memory_space<vmem>>)
    %run_scoped3A_287 = arith.constant 9 : i32
    "tpu.region"() ({
      %run_scoped3A_362 = tpu.sem_alloc : memref<!tpu.dma_semaphore, #tpu.memory_space<semaphore_mem>>
      %dma_start3A_363 = arith.constant 0 : i32
      %dma_start3A_364 = tpu.memref_slice %arg9[%run_scoped3A_287, %dma_start3A_363] : memref<16x80xi32, #tpu.memory_space<vmem>> -> memref<1x80xi32, #tpu.memory_space<vmem>>
      %dma_start3A_365 = tpu.memref_squeeze %dma_start3A_364 : memref<1x80xi32, #tpu.memory_space<vmem>> -> memref<80xi32, #tpu.memory_space<vmem>>
      %dma_start3A_366 = arith.constant 0 : i32
      %dma_start3A_367 = arith.constant 0 : i32
      %dma_start3A_368 = tpu.memref_slice %arg7[%dma_start3A_366, %dma_start3A_367] : memref<10112x128xf32, #tpu.memory_space<vmem_shared>> -> memref<10112x128xf32, #tpu.memory_space<vmem_shared>>
      tpu.enqueue_indirect_dma source(%arg11 : memref<80x128xf32, #tpu.memory_space<vmem>>) target(%dma_start3A_368 : memref<10112x128xf32, #tpu.memory_space<vmem_shared>>) offsets(%dma_start3A_365 : memref<80xi32, #tpu.memory_space<vmem>>) semaphore(%run_scoped3A_362 : memref<!tpu.dma_semaphore, #tpu.memory_space<semaphore_mem>>) {add = true}
      %dma_wait3A_369 = arith.constant 0 : i32
      %dma_wait3A_370 = tpu.memref_slice %arg9[%run_scoped3A_287, %dma_wait3A_369] : memref<16x80xi32, #tpu.memory_space<vmem>> -> memref<1x80xi32, #tpu.memory_space<vmem>>
      %dma_wait3A_371 = tpu.memref_squeeze %dma_wait3A_370 : memref<1x80xi32, #tpu.memory_space<vmem>> -> memref<80xi32, #tpu.memory_space<vmem>>
      %dma_wait3A_372 = arith.constant 0 : i32
      %dma_wait3A_373 = arith.constant 0 : i32
      %dma_wait3A_374 = tpu.memref_slice %arg7[%dma_wait3A_372, %dma_wait3A_373] : memref<10112x128xf32, #tpu.memory_space<vmem_shared>> -> memref<10112x128xf32, #tpu.memory_space<vmem_shared>>
      tpu.wait_indirect_dma semaphore(%run_scoped3A_362 : memref<!tpu.dma_semaphore, #tpu.memory_space<semaphore_mem>>) src(%arg11 : memref<80x128xf32, #tpu.memory_space<vmem>>) dst(%dma_wait3A_374 : memref<10112x128xf32, #tpu.memory_space<vmem_shared>>)
      tpu.yield
    }) : () -> ()
    %dma_start3A_288 = arith.constant 13 : i32
    %dma_start3A_289 = arith.constant 0 : i32
    %dma_start3A_290 = tpu.memref_slice %arg8[%dma_start3A_288, %dma_start3A_289] : memref<16x80xi32, #tpu.memory_space<vmem>> -> memref<1x80xi32, #tpu.memory_space<vmem>>
    %dma_start3A_291 = tpu.memref_squeeze %dma_start3A_290 : memref<1x80xi32, #tpu.memory_space<vmem>> -> memref<80xi32, #tpu.memory_space<vmem>>
    %dma_start3A_292 = arith.constant 0 : i32
    %dma_start3A_293 = arith.constant 0 : i32
    %dma_start3A_294 = tpu.memref_slice %arg2[%dma_start3A_292, %dma_start3A_293] : memref<10112x128xf32, #tpu.memory_space<hbm>> -> memref<10112x128xf32, #tpu.memory_space<hbm>>
    tpu.enqueue_indirect_dma source(%dma_start3A_294 : memref<10112x128xf32, #tpu.memory_space<hbm>>) target(%arg11 : memref<80x128xf32, #tpu.memory_space<vmem>>) offsets(%dma_start3A_291 : memref<80xi32, #tpu.memory_space<vmem>>) semaphore(%arg15 : memref<!tpu.dma_semaphore, #tpu.memory_space<semaphore_mem>>)
    %dma_wait3A_295 = arith.constant 10 : i32
    %dma_wait3A_296 = arith.constant 0 : i32
    %dma_wait3A_297 = tpu.memref_slice %arg8[%dma_wait3A_295, %dma_wait3A_296] : memref<16x80xi32, #tpu.memory_space<vmem>> -> memref<1x80xi32, #tpu.memory_space<vmem>>
    %dma_wait3A_298 = tpu.memref_squeeze %dma_wait3A_297 : memref<1x80xi32, #tpu.memory_space<vmem>> -> memref<80xi32, #tpu.memory_space<vmem>>
    %dma_wait3A_299 = arith.constant 0 : i32
    %dma_wait3A_300 = arith.constant 0 : i32
    %dma_wait3A_301 = tpu.memref_slice %arg2[%dma_wait3A_299, %dma_wait3A_300] : memref<10112x128xf32, #tpu.memory_space<hbm>> -> memref<10112x128xf32, #tpu.memory_space<hbm>>
    tpu.wait_indirect_dma semaphore(%arg16 : memref<!tpu.dma_semaphore, #tpu.memory_space<semaphore_mem>>) src(%dma_wait3A_301 : memref<10112x128xf32, #tpu.memory_space<hbm>>) dst(%arg12 : memref<80x128xf32, #tpu.memory_space<vmem>>)
    %run_scoped3A_302 = arith.constant 10 : i32
    "tpu.region"() ({
      %run_scoped3A_362 = tpu.sem_alloc : memref<!tpu.dma_semaphore, #tpu.memory_space<semaphore_mem>>
      %dma_start3A_363 = arith.constant 0 : i32
      %dma_start3A_364 = tpu.memref_slice %arg9[%run_scoped3A_302, %dma_start3A_363] : memref<16x80xi32, #tpu.memory_space<vmem>> -> memref<1x80xi32, #tpu.memory_space<vmem>>
      %dma_start3A_365 = tpu.memref_squeeze %dma_start3A_364 : memref<1x80xi32, #tpu.memory_space<vmem>> -> memref<80xi32, #tpu.memory_space<vmem>>
      %dma_start3A_366 = arith.constant 0 : i32
      %dma_start3A_367 = arith.constant 0 : i32
      %dma_start3A_368 = tpu.memref_slice %arg7[%dma_start3A_366, %dma_start3A_367] : memref<10112x128xf32, #tpu.memory_space<vmem_shared>> -> memref<10112x128xf32, #tpu.memory_space<vmem_shared>>
      tpu.enqueue_indirect_dma source(%arg12 : memref<80x128xf32, #tpu.memory_space<vmem>>) target(%dma_start3A_368 : memref<10112x128xf32, #tpu.memory_space<vmem_shared>>) offsets(%dma_start3A_365 : memref<80xi32, #tpu.memory_space<vmem>>) semaphore(%run_scoped3A_362 : memref<!tpu.dma_semaphore, #tpu.memory_space<semaphore_mem>>) {add = true}
      %dma_wait3A_369 = arith.constant 0 : i32
      %dma_wait3A_370 = tpu.memref_slice %arg9[%run_scoped3A_302, %dma_wait3A_369] : memref<16x80xi32, #tpu.memory_space<vmem>> -> memref<1x80xi32, #tpu.memory_space<vmem>>
      %dma_wait3A_371 = tpu.memref_squeeze %dma_wait3A_370 : memref<1x80xi32, #tpu.memory_space<vmem>> -> memref<80xi32, #tpu.memory_space<vmem>>
      %dma_wait3A_372 = arith.constant 0 : i32
      %dma_wait3A_373 = arith.constant 0 : i32
      %dma_wait3A_374 = tpu.memref_slice %arg7[%dma_wait3A_372, %dma_wait3A_373] : memref<10112x128xf32, #tpu.memory_space<vmem_shared>> -> memref<10112x128xf32, #tpu.memory_space<vmem_shared>>
      tpu.wait_indirect_dma semaphore(%run_scoped3A_362 : memref<!tpu.dma_semaphore, #tpu.memory_space<semaphore_mem>>) src(%arg12 : memref<80x128xf32, #tpu.memory_space<vmem>>) dst(%dma_wait3A_374 : memref<10112x128xf32, #tpu.memory_space<vmem_shared>>)
      tpu.yield
    }) : () -> ()
    %dma_start3A_303 = arith.constant 14 : i32
    %dma_start3A_304 = arith.constant 0 : i32
    %dma_start3A_305 = tpu.memref_slice %arg8[%dma_start3A_303, %dma_start3A_304] : memref<16x80xi32, #tpu.memory_space<vmem>> -> memref<1x80xi32, #tpu.memory_space<vmem>>
    %dma_start3A_306 = tpu.memref_squeeze %dma_start3A_305 : memref<1x80xi32, #tpu.memory_space<vmem>> -> memref<80xi32, #tpu.memory_space<vmem>>
    %dma_start3A_307 = arith.constant 0 : i32
    %dma_start3A_308 = arith.constant 0 : i32
    %dma_start3A_309 = tpu.memref_slice %arg2[%dma_start3A_307, %dma_start3A_308] : memref<10112x128xf32, #tpu.memory_space<hbm>> -> memref<10112x128xf32, #tpu.memory_space<hbm>>
    tpu.enqueue_indirect_dma source(%dma_start3A_309 : memref<10112x128xf32, #tpu.memory_space<hbm>>) target(%arg12 : memref<80x128xf32, #tpu.memory_space<vmem>>) offsets(%dma_start3A_306 : memref<80xi32, #tpu.memory_space<vmem>>) semaphore(%arg16 : memref<!tpu.dma_semaphore, #tpu.memory_space<semaphore_mem>>)
    %dma_wait3A_310 = arith.constant 11 : i32
    %dma_wait3A_311 = arith.constant 0 : i32
    %dma_wait3A_312 = tpu.memref_slice %arg8[%dma_wait3A_310, %dma_wait3A_311] : memref<16x80xi32, #tpu.memory_space<vmem>> -> memref<1x80xi32, #tpu.memory_space<vmem>>
    %dma_wait3A_313 = tpu.memref_squeeze %dma_wait3A_312 : memref<1x80xi32, #tpu.memory_space<vmem>> -> memref<80xi32, #tpu.memory_space<vmem>>
    %dma_wait3A_314 = arith.constant 0 : i32
    %dma_wait3A_315 = arith.constant 0 : i32
    %dma_wait3A_316 = tpu.memref_slice %arg2[%dma_wait3A_314, %dma_wait3A_315] : memref<10112x128xf32, #tpu.memory_space<hbm>> -> memref<10112x128xf32, #tpu.memory_space<hbm>>
    tpu.wait_indirect_dma semaphore(%arg17 : memref<!tpu.dma_semaphore, #tpu.memory_space<semaphore_mem>>) src(%dma_wait3A_316 : memref<10112x128xf32, #tpu.memory_space<hbm>>) dst(%arg13 : memref<80x128xf32, #tpu.memory_space<vmem>>)
    %run_scoped3A_317 = arith.constant 11 : i32
    "tpu.region"() ({
      %run_scoped3A_362 = tpu.sem_alloc : memref<!tpu.dma_semaphore, #tpu.memory_space<semaphore_mem>>
      %dma_start3A_363 = arith.constant 0 : i32
      %dma_start3A_364 = tpu.memref_slice %arg9[%run_scoped3A_317, %dma_start3A_363] : memref<16x80xi32, #tpu.memory_space<vmem>> -> memref<1x80xi32, #tpu.memory_space<vmem>>
      %dma_start3A_365 = tpu.memref_squeeze %dma_start3A_364 : memref<1x80xi32, #tpu.memory_space<vmem>> -> memref<80xi32, #tpu.memory_space<vmem>>
      %dma_start3A_366 = arith.constant 0 : i32
      %dma_start3A_367 = arith.constant 0 : i32
      %dma_start3A_368 = tpu.memref_slice %arg7[%dma_start3A_366, %dma_start3A_367] : memref<10112x128xf32, #tpu.memory_space<vmem_shared>> -> memref<10112x128xf32, #tpu.memory_space<vmem_shared>>
      tpu.enqueue_indirect_dma source(%arg13 : memref<80x128xf32, #tpu.memory_space<vmem>>) target(%dma_start3A_368 : memref<10112x128xf32, #tpu.memory_space<vmem_shared>>) offsets(%dma_start3A_365 : memref<80xi32, #tpu.memory_space<vmem>>) semaphore(%run_scoped3A_362 : memref<!tpu.dma_semaphore, #tpu.memory_space<semaphore_mem>>) {add = true}
      %dma_wait3A_369 = arith.constant 0 : i32
      %dma_wait3A_370 = tpu.memref_slice %arg9[%run_scoped3A_317, %dma_wait3A_369] : memref<16x80xi32, #tpu.memory_space<vmem>> -> memref<1x80xi32, #tpu.memory_space<vmem>>
      %dma_wait3A_371 = tpu.memref_squeeze %dma_wait3A_370 : memref<1x80xi32, #tpu.memory_space<vmem>> -> memref<80xi32, #tpu.memory_space<vmem>>
      %dma_wait3A_372 = arith.constant 0 : i32
      %dma_wait3A_373 = arith.constant 0 : i32
      %dma_wait3A_374 = tpu.memref_slice %arg7[%dma_wait3A_372, %dma_wait3A_373] : memref<10112x128xf32, #tpu.memory_space<vmem_shared>> -> memref<10112x128xf32, #tpu.memory_space<vmem_shared>>
      tpu.wait_indirect_dma semaphore(%run_scoped3A_362 : memref<!tpu.dma_semaphore, #tpu.memory_space<semaphore_mem>>) src(%arg13 : memref<80x128xf32, #tpu.memory_space<vmem>>) dst(%dma_wait3A_374 : memref<10112x128xf32, #tpu.memory_space<vmem_shared>>)
      tpu.yield
    }) : () -> ()
    %dma_start3A_318 = arith.constant 15 : i32
    %dma_start3A_319 = arith.constant 0 : i32
    %dma_start3A_320 = tpu.memref_slice %arg8[%dma_start3A_318, %dma_start3A_319] : memref<16x80xi32, #tpu.memory_space<vmem>> -> memref<1x80xi32, #tpu.memory_space<vmem>>
    %dma_start3A_321 = tpu.memref_squeeze %dma_start3A_320 : memref<1x80xi32, #tpu.memory_space<vmem>> -> memref<80xi32, #tpu.memory_space<vmem>>
    %dma_start3A_322 = arith.constant 0 : i32
    %dma_start3A_323 = arith.constant 0 : i32
    %dma_start3A_324 = tpu.memref_slice %arg2[%dma_start3A_322, %dma_start3A_323] : memref<10112x128xf32, #tpu.memory_space<hbm>> -> memref<10112x128xf32, #tpu.memory_space<hbm>>
    tpu.enqueue_indirect_dma source(%dma_start3A_324 : memref<10112x128xf32, #tpu.memory_space<hbm>>) target(%arg13 : memref<80x128xf32, #tpu.memory_space<vmem>>) offsets(%dma_start3A_321 : memref<80xi32, #tpu.memory_space<vmem>>) semaphore(%arg17 : memref<!tpu.dma_semaphore, #tpu.memory_space<semaphore_mem>>)
    %dma_wait3A_325 = arith.constant 12 : i32
    %dma_wait3A_326 = arith.constant 0 : i32
    %dma_wait3A_327 = tpu.memref_slice %arg8[%dma_wait3A_325, %dma_wait3A_326] : memref<16x80xi32, #tpu.memory_space<vmem>> -> memref<1x80xi32, #tpu.memory_space<vmem>>
    %dma_wait3A_328 = tpu.memref_squeeze %dma_wait3A_327 : memref<1x80xi32, #tpu.memory_space<vmem>> -> memref<80xi32, #tpu.memory_space<vmem>>
    %dma_wait3A_329 = arith.constant 0 : i32
    %dma_wait3A_330 = arith.constant 0 : i32
    %dma_wait3A_331 = tpu.memref_slice %arg2[%dma_wait3A_329, %dma_wait3A_330] : memref<10112x128xf32, #tpu.memory_space<hbm>> -> memref<10112x128xf32, #tpu.memory_space<hbm>>
    tpu.wait_indirect_dma semaphore(%arg14 : memref<!tpu.dma_semaphore, #tpu.memory_space<semaphore_mem>>) src(%dma_wait3A_331 : memref<10112x128xf32, #tpu.memory_space<hbm>>) dst(%arg10 : memref<80x128xf32, #tpu.memory_space<vmem>>)
    %run_scoped3A_332 = arith.constant 12 : i32
    "tpu.region"() ({
      %run_scoped3A_362 = tpu.sem_alloc : memref<!tpu.dma_semaphore, #tpu.memory_space<semaphore_mem>>
      %dma_start3A_363 = arith.constant 0 : i32
      %dma_start3A_364 = tpu.memref_slice %arg9[%run_scoped3A_332, %dma_start3A_363] : memref<16x80xi32, #tpu.memory_space<vmem>> -> memref<1x80xi32, #tpu.memory_space<vmem>>
      %dma_start3A_365 = tpu.memref_squeeze %dma_start3A_364 : memref<1x80xi32, #tpu.memory_space<vmem>> -> memref<80xi32, #tpu.memory_space<vmem>>
      %dma_start3A_366 = arith.constant 0 : i32
      %dma_start3A_367 = arith.constant 0 : i32
      %dma_start3A_368 = tpu.memref_slice %arg7[%dma_start3A_366, %dma_start3A_367] : memref<10112x128xf32, #tpu.memory_space<vmem_shared>> -> memref<10112x128xf32, #tpu.memory_space<vmem_shared>>
      tpu.enqueue_indirect_dma source(%arg10 : memref<80x128xf32, #tpu.memory_space<vmem>>) target(%dma_start3A_368 : memref<10112x128xf32, #tpu.memory_space<vmem_shared>>) offsets(%dma_start3A_365 : memref<80xi32, #tpu.memory_space<vmem>>) semaphore(%run_scoped3A_362 : memref<!tpu.dma_semaphore, #tpu.memory_space<semaphore_mem>>) {add = true}
      %dma_wait3A_369 = arith.constant 0 : i32
      %dma_wait3A_370 = tpu.memref_slice %arg9[%run_scoped3A_332, %dma_wait3A_369] : memref<16x80xi32, #tpu.memory_space<vmem>> -> memref<1x80xi32, #tpu.memory_space<vmem>>
      %dma_wait3A_371 = tpu.memref_squeeze %dma_wait3A_370 : memref<1x80xi32, #tpu.memory_space<vmem>> -> memref<80xi32, #tpu.memory_space<vmem>>
      %dma_wait3A_372 = arith.constant 0 : i32
      %dma_wait3A_373 = arith.constant 0 : i32
      %dma_wait3A_374 = tpu.memref_slice %arg7[%dma_wait3A_372, %dma_wait3A_373] : memref<10112x128xf32, #tpu.memory_space<vmem_shared>> -> memref<10112x128xf32, #tpu.memory_space<vmem_shared>>
      tpu.wait_indirect_dma semaphore(%run_scoped3A_362 : memref<!tpu.dma_semaphore, #tpu.memory_space<semaphore_mem>>) src(%arg10 : memref<80x128xf32, #tpu.memory_space<vmem>>) dst(%dma_wait3A_374 : memref<10112x128xf32, #tpu.memory_space<vmem_shared>>)
      tpu.yield
    }) : () -> ()
    %dma_wait3A_333 = arith.constant 13 : i32
    %dma_wait3A_334 = arith.constant 0 : i32
    %dma_wait3A_335 = tpu.memref_slice %arg8[%dma_wait3A_333, %dma_wait3A_334] : memref<16x80xi32, #tpu.memory_space<vmem>> -> memref<1x80xi32, #tpu.memory_space<vmem>>
    %dma_wait3A_336 = tpu.memref_squeeze %dma_wait3A_335 : memref<1x80xi32, #tpu.memory_space<vmem>> -> memref<80xi32, #tpu.memory_space<vmem>>
    %dma_wait3A_337 = arith.constant 0 : i32
    %dma_wait3A_338 = arith.constant 0 : i32
    %dma_wait3A_339 = tpu.memref_slice %arg2[%dma_wait3A_337, %dma_wait3A_338] : memref<10112x128xf32, #tpu.memory_space<hbm>> -> memref<10112x128xf32, #tpu.memory_space<hbm>>
    tpu.wait_indirect_dma semaphore(%arg15 : memref<!tpu.dma_semaphore, #tpu.memory_space<semaphore_mem>>) src(%dma_wait3A_339 : memref<10112x128xf32, #tpu.memory_space<hbm>>) dst(%arg11 : memref<80x128xf32, #tpu.memory_space<vmem>>)
    %run_scoped3A_340 = arith.constant 13 : i32
    "tpu.region"() ({
      %run_scoped3A_362 = tpu.sem_alloc : memref<!tpu.dma_semaphore, #tpu.memory_space<semaphore_mem>>
      %dma_start3A_363 = arith.constant 0 : i32
      %dma_start3A_364 = tpu.memref_slice %arg9[%run_scoped3A_340, %dma_start3A_363] : memref<16x80xi32, #tpu.memory_space<vmem>> -> memref<1x80xi32, #tpu.memory_space<vmem>>
      %dma_start3A_365 = tpu.memref_squeeze %dma_start3A_364 : memref<1x80xi32, #tpu.memory_space<vmem>> -> memref<80xi32, #tpu.memory_space<vmem>>
      %dma_start3A_366 = arith.constant 0 : i32
      %dma_start3A_367 = arith.constant 0 : i32
      %dma_start3A_368 = tpu.memref_slice %arg7[%dma_start3A_366, %dma_start3A_367] : memref<10112x128xf32, #tpu.memory_space<vmem_shared>> -> memref<10112x128xf32, #tpu.memory_space<vmem_shared>>
      tpu.enqueue_indirect_dma source(%arg11 : memref<80x128xf32, #tpu.memory_space<vmem>>) target(%dma_start3A_368 : memref<10112x128xf32, #tpu.memory_space<vmem_shared>>) offsets(%dma_start3A_365 : memref<80xi32, #tpu.memory_space<vmem>>) semaphore(%run_scoped3A_362 : memref<!tpu.dma_semaphore, #tpu.memory_space<semaphore_mem>>) {add = true}
      %dma_wait3A_369 = arith.constant 0 : i32
      %dma_wait3A_370 = tpu.memref_slice %arg9[%run_scoped3A_340, %dma_wait3A_369] : memref<16x80xi32, #tpu.memory_space<vmem>> -> memref<1x80xi32, #tpu.memory_space<vmem>>
      %dma_wait3A_371 = tpu.memref_squeeze %dma_wait3A_370 : memref<1x80xi32, #tpu.memory_space<vmem>> -> memref<80xi32, #tpu.memory_space<vmem>>
      %dma_wait3A_372 = arith.constant 0 : i32
      %dma_wait3A_373 = arith.constant 0 : i32
      %dma_wait3A_374 = tpu.memref_slice %arg7[%dma_wait3A_372, %dma_wait3A_373] : memref<10112x128xf32, #tpu.memory_space<vmem_shared>> -> memref<10112x128xf32, #tpu.memory_space<vmem_shared>>
      tpu.wait_indirect_dma semaphore(%run_scoped3A_362 : memref<!tpu.dma_semaphore, #tpu.memory_space<semaphore_mem>>) src(%arg11 : memref<80x128xf32, #tpu.memory_space<vmem>>) dst(%dma_wait3A_374 : memref<10112x128xf32, #tpu.memory_space<vmem_shared>>)
      tpu.yield
    }) : () -> ()
    %dma_wait3A_341 = arith.constant 14 : i32
    %dma_wait3A_342 = arith.constant 0 : i32
    %dma_wait3A_343 = tpu.memref_slice %arg8[%dma_wait3A_341, %dma_wait3A_342] : memref<16x80xi32, #tpu.memory_space<vmem>> -> memref<1x80xi32, #tpu.memory_space<vmem>>
    %dma_wait3A_344 = tpu.memref_squeeze %dma_wait3A_343 : memref<1x80xi32, #tpu.memory_space<vmem>> -> memref<80xi32, #tpu.memory_space<vmem>>
    %dma_wait3A_345 = arith.constant 0 : i32
    %dma_wait3A_346 = arith.constant 0 : i32
    %dma_wait3A_347 = tpu.memref_slice %arg2[%dma_wait3A_345, %dma_wait3A_346] : memref<10112x128xf32, #tpu.memory_space<hbm>> -> memref<10112x128xf32, #tpu.memory_space<hbm>>
    tpu.wait_indirect_dma semaphore(%arg16 : memref<!tpu.dma_semaphore, #tpu.memory_space<semaphore_mem>>) src(%dma_wait3A_347 : memref<10112x128xf32, #tpu.memory_space<hbm>>) dst(%arg12 : memref<80x128xf32, #tpu.memory_space<vmem>>)
    %run_scoped3A_348 = arith.constant 14 : i32
    "tpu.region"() ({
      %run_scoped3A_362 = tpu.sem_alloc : memref<!tpu.dma_semaphore, #tpu.memory_space<semaphore_mem>>
      %dma_start3A_363 = arith.constant 0 : i32
      %dma_start3A_364 = tpu.memref_slice %arg9[%run_scoped3A_348, %dma_start3A_363] : memref<16x80xi32, #tpu.memory_space<vmem>> -> memref<1x80xi32, #tpu.memory_space<vmem>>
      %dma_start3A_365 = tpu.memref_squeeze %dma_start3A_364 : memref<1x80xi32, #tpu.memory_space<vmem>> -> memref<80xi32, #tpu.memory_space<vmem>>
      %dma_start3A_366 = arith.constant 0 : i32
      %dma_start3A_367 = arith.constant 0 : i32
      %dma_start3A_368 = tpu.memref_slice %arg7[%dma_start3A_366, %dma_start3A_367] : memref<10112x128xf32, #tpu.memory_space<vmem_shared>> -> memref<10112x128xf32, #tpu.memory_space<vmem_shared>>
      tpu.enqueue_indirect_dma source(%arg12 : memref<80x128xf32, #tpu.memory_space<vmem>>) target(%dma_start3A_368 : memref<10112x128xf32, #tpu.memory_space<vmem_shared>>) offsets(%dma_start3A_365 : memref<80xi32, #tpu.memory_space<vmem>>) semaphore(%run_scoped3A_362 : memref<!tpu.dma_semaphore, #tpu.memory_space<semaphore_mem>>) {add = true}
      %dma_wait3A_369 = arith.constant 0 : i32
      %dma_wait3A_370 = tpu.memref_slice %arg9[%run_scoped3A_348, %dma_wait3A_369] : memref<16x80xi32, #tpu.memory_space<vmem>> -> memref<1x80xi32, #tpu.memory_space<vmem>>
      %dma_wait3A_371 = tpu.memref_squeeze %dma_wait3A_370 : memref<1x80xi32, #tpu.memory_space<vmem>> -> memref<80xi32, #tpu.memory_space<vmem>>
      %dma_wait3A_372 = arith.constant 0 : i32
      %dma_wait3A_373 = arith.constant 0 : i32
      %dma_wait3A_374 = tpu.memref_slice %arg7[%dma_wait3A_372, %dma_wait3A_373] : memref<10112x128xf32, #tpu.memory_space<vmem_shared>> -> memref<10112x128xf32, #tpu.memory_space<vmem_shared>>
      tpu.wait_indirect_dma semaphore(%run_scoped3A_362 : memref<!tpu.dma_semaphore, #tpu.memory_space<semaphore_mem>>) src(%arg12 : memref<80x128xf32, #tpu.memory_space<vmem>>) dst(%dma_wait3A_374 : memref<10112x128xf32, #tpu.memory_space<vmem_shared>>)
      tpu.yield
    }) : () -> ()
    %dma_wait3A_349 = arith.constant 15 : i32
    %dma_wait3A_350 = arith.constant 0 : i32
    %dma_wait3A_351 = tpu.memref_slice %arg8[%dma_wait3A_349, %dma_wait3A_350] : memref<16x80xi32, #tpu.memory_space<vmem>> -> memref<1x80xi32, #tpu.memory_space<vmem>>
    %dma_wait3A_352 = tpu.memref_squeeze %dma_wait3A_351 : memref<1x80xi32, #tpu.memory_space<vmem>> -> memref<80xi32, #tpu.memory_space<vmem>>
    %dma_wait3A_353 = arith.constant 0 : i32
    %dma_wait3A_354 = arith.constant 0 : i32
    %dma_wait3A_355 = tpu.memref_slice %arg2[%dma_wait3A_353, %dma_wait3A_354] : memref<10112x128xf32, #tpu.memory_space<hbm>> -> memref<10112x128xf32, #tpu.memory_space<hbm>>
    tpu.wait_indirect_dma semaphore(%arg17 : memref<!tpu.dma_semaphore, #tpu.memory_space<semaphore_mem>>) src(%dma_wait3A_355 : memref<10112x128xf32, #tpu.memory_space<hbm>>) dst(%arg13 : memref<80x128xf32, #tpu.memory_space<vmem>>)
    %run_scoped3A_356 = arith.constant 15 : i32
    "tpu.region"() ({
      %run_scoped3A_362 = tpu.sem_alloc : memref<!tpu.dma_semaphore, #tpu.memory_space<semaphore_mem>>
      %dma_start3A_363 = arith.constant 0 : i32
      %dma_start3A_364 = tpu.memref_slice %arg9[%run_scoped3A_356, %dma_start3A_363] : memref<16x80xi32, #tpu.memory_space<vmem>> -> memref<1x80xi32, #tpu.memory_space<vmem>>
      %dma_start3A_365 = tpu.memref_squeeze %dma_start3A_364 : memref<1x80xi32, #tpu.memory_space<vmem>> -> memref<80xi32, #tpu.memory_space<vmem>>
      %dma_start3A_366 = arith.constant 0 : i32
      %dma_start3A_367 = arith.constant 0 : i32
      %dma_start3A_368 = tpu.memref_slice %arg7[%dma_start3A_366, %dma_start3A_367] : memref<10112x128xf32, #tpu.memory_space<vmem_shared>> -> memref<10112x128xf32, #tpu.memory_space<vmem_shared>>
      tpu.enqueue_indirect_dma source(%arg13 : memref<80x128xf32, #tpu.memory_space<vmem>>) target(%dma_start3A_368 : memref<10112x128xf32, #tpu.memory_space<vmem_shared>>) offsets(%dma_start3A_365 : memref<80xi32, #tpu.memory_space<vmem>>) semaphore(%run_scoped3A_362 : memref<!tpu.dma_semaphore, #tpu.memory_space<semaphore_mem>>) {add = true}
      %dma_wait3A_369 = arith.constant 0 : i32
      %dma_wait3A_370 = tpu.memref_slice %arg9[%run_scoped3A_356, %dma_wait3A_369] : memref<16x80xi32, #tpu.memory_space<vmem>> -> memref<1x80xi32, #tpu.memory_space<vmem>>
      %dma_wait3A_371 = tpu.memref_squeeze %dma_wait3A_370 : memref<1x80xi32, #tpu.memory_space<vmem>> -> memref<80xi32, #tpu.memory_space<vmem>>
      %dma_wait3A_372 = arith.constant 0 : i32
      %dma_wait3A_373 = arith.constant 0 : i32
      %dma_wait3A_374 = tpu.memref_slice %arg7[%dma_wait3A_372, %dma_wait3A_373] : memref<10112x128xf32, #tpu.memory_space<vmem_shared>> -> memref<10112x128xf32, #tpu.memory_space<vmem_shared>>
      tpu.wait_indirect_dma semaphore(%run_scoped3A_362 : memref<!tpu.dma_semaphore, #tpu.memory_space<semaphore_mem>>) src(%arg13 : memref<80x128xf32, #tpu.memory_space<vmem>>) dst(%dma_wait3A_374 : memref<10112x128xf32, #tpu.memory_space<vmem_shared>>)
      tpu.yield
    }) : () -> ()
    %barrier3A_357 = arith.constant 0 : index
    tpu.barrier barrier_id(%barrier3A_357)
    %mul3A_358 = arith.constant 632 : i32
    %mul3A_359 = arith.muli %arg1, %mul3A_358 : i32
    %mul3A_360 = arith.constant 632 : i32
    %mul3A_361 = arith.muli %arg1, %mul3A_360 : i32
    "tpu.region"() ({
      %run_scoped3A_362 = tpu.sem_alloc : memref<!tpu.dma_semaphore, #tpu.memory_space<semaphore_mem>>
      %dma_start3A_363 = arith.constant 0 : i32
      %dma_start3A_364 = tpu.memref_slice %arg6[%arg0, %mul3A_361, %dma_start3A_363] : memref<2x10112x128xf32, #tpu.memory_space<hbm>> -> memref<1x632x128xf32, #tpu.memory_space<hbm>>
      %dma_start3A_365 = tpu.memref_squeeze %dma_start3A_364 : memref<1x632x128xf32, #tpu.memory_space<hbm>> -> memref<632x128xf32, #tpu.memory_space<hbm>>
      %dma_start3A_366 = arith.constant 0 : i32
      %dma_start3A_367 = tpu.memref_slice %arg7[%mul3A_359, %dma_start3A_366] : memref<10112x128xf32, #tpu.memory_space<vmem_shared>> -> memref<632x128xf32, #tpu.memory_space<vmem_shared>>
      tpu.enqueue_dma source(%dma_start3A_367 : memref<632x128xf32, #tpu.memory_space<vmem_shared>>) target(%dma_start3A_365 : memref<632x128xf32, #tpu.memory_space<hbm>>) target_semaphore(%run_scoped3A_362 : memref<!tpu.dma_semaphore, #tpu.memory_space<semaphore_mem>>)
      %dma_wait3A_368 = arith.constant 0 : i32
      %dma_wait3A_369 = tpu.memref_slice %arg6[%arg0, %mul3A_361, %dma_wait3A_368] : memref<2x10112x128xf32, #tpu.memory_space<hbm>> -> memref<1x632x128xf32, #tpu.memory_space<hbm>>
      %dma_wait3A_370 = tpu.memref_squeeze %dma_wait3A_369 : memref<1x632x128xf32, #tpu.memory_space<hbm>> -> memref<632x128xf32, #tpu.memory_space<hbm>>
      %dma_wait3A_371 = arith.constant 0 : i32
      %dma_wait3A_372 = tpu.memref_slice %arg7[%mul3A_359, %dma_wait3A_371] : memref<10112x128xf32, #tpu.memory_space<vmem_shared>> -> memref<632x128xf32, #tpu.memory_space<vmem_shared>>
      tpu.wait_dma2 semaphore(%run_scoped3A_362 : memref<!tpu.dma_semaphore, #tpu.memory_space<semaphore_mem>>) src(%dma_wait3A_372 : memref<632x128xf32, #tpu.memory_space<vmem_shared>>) dst(%dma_wait3A_370 : memref<632x128xf32, #tpu.memory_space<hbm>>)
      tpu.yield
    }) : () -> ()
    return
  }
}

#map = affine_map<(d0, d1) -> (0, 0, 0)>
#map1 = affine_map<(d0, d1) -> (0, 0)>
module attributes {stable_mosaic.version = 14 : i64} {
  func.func @body(%arg0: i32, %arg1: i32, %arg2: memref<32x128x80xi32, #tpu.memory_space<hbm>>, %arg3: memref<32x128x80xi32, #tpu.memory_space<hbm>>, %arg4: memref<2x80x8xf32, #tpu.memory_space<hbm>>, %arg5: memref<632x8xf32, #tpu.memory_space<hbm>>, %arg6: memref<2x10112x8xf32, #tpu.memory_space<hbm>>, %arg7: memref<10112x8xf32, #tpu.memory_space<vmem_shared>>, %arg8: memref<128x80xi32, #tpu.memory_space<vmem>>, %arg9: memref<128x80xi32, #tpu.memory_space<vmem>>, %arg10: memref<80x8xf32, #tpu.memory_space<vmem>>, %arg11: memref<80x8xf32, #tpu.memory_space<vmem>>, %arg12: memref<!tpu.dma_semaphore, #tpu.memory_space<semaphore_mem>>) attributes {dimension_semantics = [#tpu.dimension_semantics<core_parallel>, #tpu.dimension_semantics<subcore_parallel>], iteration_bounds = array<i64: 2, 16>, scalar_prefetch = 0 : i64, scratch_operands = 6 : i64, tpu.core_type = #tpu.core_type<sc_vector_subcore>, window_params = [{transform_indices = #map}, {transform_indices = #map}, {transform_indices = #map}, {transform_indices = #map1}, {transform_indices = #map}]} {
    %mul3A = arith.constant 16 : i32
    %mul3A_0 = arith.muli %arg0, %mul3A : i32
    %add3A = arith.addi %mul3A_0, %arg1 : i32
    %run_scoped3A = arith.constant 0 : i32
    "tpu.region"() ({
      %run_scoped3A_236 = tpu.sem_alloc : memref<!tpu.dma_semaphore, #tpu.memory_space<semaphore_mem>>
      %dma_start3A_237 = arith.constant 0 : i32
      %dma_start3A_238 = arith.constant 0 : i32
      %dma_start3A_239 = tpu.memref_slice %arg4[%run_scoped3A, %dma_start3A_237, %dma_start3A_238] : memref<2x80x8xf32, #tpu.memory_space<hbm>> -> memref<1x80x8xf32, #tpu.memory_space<hbm>>
      %dma_start3A_240 = tpu.memref_squeeze %dma_start3A_239 : memref<1x80x8xf32, #tpu.memory_space<hbm>> -> memref<80x8xf32, #tpu.memory_space<hbm>>
      %dma_start3A_241 = arith.constant 0 : i32
      %dma_start3A_242 = arith.constant 0 : i32
      %dma_start3A_243 = tpu.memref_slice %arg4[%run_scoped3A, %dma_start3A_241, %dma_start3A_242] : memref<2x80x8xf32, #tpu.memory_space<hbm>> -> memref<1x80x8xf32, #tpu.memory_space<hbm>>
      %dma_start3A_244 = tpu.memref_squeeze %dma_start3A_243 : memref<1x80x8xf32, #tpu.memory_space<hbm>> -> memref<80x8xf32, #tpu.memory_space<hbm>>
      tpu.enqueue_dma source(%dma_start3A_244 : memref<80x8xf32, #tpu.memory_space<hbm>>) target(%arg10 : memref<80x8xf32, #tpu.memory_space<vmem>>) target_semaphore(%run_scoped3A_236 : memref<!tpu.dma_semaphore, #tpu.memory_space<semaphore_mem>>)
      %dma_wait3A_245 = arith.constant 0 : i32
      %dma_wait3A_246 = arith.constant 0 : i32
      %dma_wait3A_247 = tpu.memref_slice %arg4[%run_scoped3A, %dma_wait3A_245, %dma_wait3A_246] : memref<2x80x8xf32, #tpu.memory_space<hbm>> -> memref<1x80x8xf32, #tpu.memory_space<hbm>>
      %dma_wait3A_248 = tpu.memref_squeeze %dma_wait3A_247 : memref<1x80x8xf32, #tpu.memory_space<hbm>> -> memref<80x8xf32, #tpu.memory_space<hbm>>
      %dma_wait3A_249 = arith.constant 0 : i32
      %dma_wait3A_250 = arith.constant 0 : i32
      %dma_wait3A_251 = tpu.memref_slice %arg4[%run_scoped3A, %dma_wait3A_249, %dma_wait3A_250] : memref<2x80x8xf32, #tpu.memory_space<hbm>> -> memref<1x80x8xf32, #tpu.memory_space<hbm>>
      %dma_wait3A_252 = tpu.memref_squeeze %dma_wait3A_251 : memref<1x80x8xf32, #tpu.memory_space<hbm>> -> memref<80x8xf32, #tpu.memory_space<hbm>>
      tpu.wait_dma2 semaphore(%run_scoped3A_236 : memref<!tpu.dma_semaphore, #tpu.memory_space<semaphore_mem>>) src(%dma_wait3A_252 : memref<80x8xf32, #tpu.memory_space<hbm>>) dst(%arg10 : memref<80x8xf32, #tpu.memory_space<vmem>>)
      tpu.yield
    }) : () -> ()
    %run_scoped3A_1 = arith.constant 1 : i32
    "tpu.region"() ({
      %run_scoped3A_236 = tpu.sem_alloc : memref<!tpu.dma_semaphore, #tpu.memory_space<semaphore_mem>>
      %dma_start3A_237 = arith.constant 0 : i32
      %dma_start3A_238 = arith.constant 0 : i32
      %dma_start3A_239 = tpu.memref_slice %arg4[%run_scoped3A_1, %dma_start3A_237, %dma_start3A_238] : memref<2x80x8xf32, #tpu.memory_space<hbm>> -> memref<1x80x8xf32, #tpu.memory_space<hbm>>
      %dma_start3A_240 = tpu.memref_squeeze %dma_start3A_239 : memref<1x80x8xf32, #tpu.memory_space<hbm>> -> memref<80x8xf32, #tpu.memory_space<hbm>>
      %dma_start3A_241 = arith.constant 0 : i32
      %dma_start3A_242 = arith.constant 0 : i32
      %dma_start3A_243 = tpu.memref_slice %arg4[%run_scoped3A_1, %dma_start3A_241, %dma_start3A_242] : memref<2x80x8xf32, #tpu.memory_space<hbm>> -> memref<1x80x8xf32, #tpu.memory_space<hbm>>
      %dma_start3A_244 = tpu.memref_squeeze %dma_start3A_243 : memref<1x80x8xf32, #tpu.memory_space<hbm>> -> memref<80x8xf32, #tpu.memory_space<hbm>>
      tpu.enqueue_dma source(%dma_start3A_244 : memref<80x8xf32, #tpu.memory_space<hbm>>) target(%arg11 : memref<80x8xf32, #tpu.memory_space<vmem>>) target_semaphore(%run_scoped3A_236 : memref<!tpu.dma_semaphore, #tpu.memory_space<semaphore_mem>>)
      %dma_wait3A_245 = arith.constant 0 : i32
      %dma_wait3A_246 = arith.constant 0 : i32
      %dma_wait3A_247 = tpu.memref_slice %arg4[%run_scoped3A_1, %dma_wait3A_245, %dma_wait3A_246] : memref<2x80x8xf32, #tpu.memory_space<hbm>> -> memref<1x80x8xf32, #tpu.memory_space<hbm>>
      %dma_wait3A_248 = tpu.memref_squeeze %dma_wait3A_247 : memref<1x80x8xf32, #tpu.memory_space<hbm>> -> memref<80x8xf32, #tpu.memory_space<hbm>>
      %dma_wait3A_249 = arith.constant 0 : i32
      %dma_wait3A_250 = arith.constant 0 : i32
      %dma_wait3A_251 = tpu.memref_slice %arg4[%run_scoped3A_1, %dma_wait3A_249, %dma_wait3A_250] : memref<2x80x8xf32, #tpu.memory_space<hbm>> -> memref<1x80x8xf32, #tpu.memory_space<hbm>>
      %dma_wait3A_252 = tpu.memref_squeeze %dma_wait3A_251 : memref<1x80x8xf32, #tpu.memory_space<hbm>> -> memref<80x8xf32, #tpu.memory_space<hbm>>
      tpu.wait_dma2 semaphore(%run_scoped3A_236 : memref<!tpu.dma_semaphore, #tpu.memory_space<semaphore_mem>>) src(%dma_wait3A_252 : memref<80x8xf32, #tpu.memory_space<hbm>>) dst(%arg11 : memref<80x8xf32, #tpu.memory_space<vmem>>)
      tpu.yield
    }) : () -> ()
    %mul3A_2 = arith.constant 632 : i32
    %mul3A_3 = arith.muli %arg1, %mul3A_2 : i32
    "tpu.region"() ({
      %run_scoped3A_236 = tpu.sem_alloc : memref<!tpu.dma_semaphore, #tpu.memory_space<semaphore_mem>>
      %dma_start3A_237 = arith.constant 0 : i32
      %dma_start3A_238 = tpu.memref_slice %arg7[%mul3A_3, %dma_start3A_237] : memref<10112x8xf32, #tpu.memory_space<vmem_shared>> -> memref<632x8xf32, #tpu.memory_space<vmem_shared>>
      tpu.enqueue_dma source(%arg5 : memref<632x8xf32, #tpu.memory_space<hbm>>) target(%dma_start3A_238 : memref<632x8xf32, #tpu.memory_space<vmem_shared>>) target_semaphore(%run_scoped3A_236 : memref<!tpu.dma_semaphore, #tpu.memory_space<semaphore_mem>>)
      %dma_wait3A_239 = arith.constant 0 : i32
      %dma_wait3A_240 = tpu.memref_slice %arg7[%mul3A_3, %dma_wait3A_239] : memref<10112x8xf32, #tpu.memory_space<vmem_shared>> -> memref<632x8xf32, #tpu.memory_space<vmem_shared>>
      tpu.wait_dma2 semaphore(%run_scoped3A_236 : memref<!tpu.dma_semaphore, #tpu.memory_space<semaphore_mem>>) src(%arg5 : memref<632x8xf32, #tpu.memory_space<hbm>>) dst(%dma_wait3A_240 : memref<632x8xf32, #tpu.memory_space<vmem_shared>>)
      tpu.yield
    }) : () -> ()
    "tpu.region"() ({
      %run_scoped3A_236 = tpu.sem_alloc : memref<!tpu.dma_semaphore, #tpu.memory_space<semaphore_mem>>
      %dma_start3A_237 = arith.constant 0 : i32
      %dma_start3A_238 = arith.constant 0 : i32
      %dma_start3A_239 = tpu.memref_slice %arg2[%add3A, %dma_start3A_237, %dma_start3A_238] : memref<32x128x80xi32, #tpu.memory_space<hbm>> -> memref<1x128x80xi32, #tpu.memory_space<hbm>>
      %dma_start3A_240 = tpu.memref_squeeze %dma_start3A_239 : memref<1x128x80xi32, #tpu.memory_space<hbm>> -> memref<128x80xi32, #tpu.memory_space<hbm>>
      %dma_start3A_241 = arith.constant 0 : i32
      %dma_start3A_242 = arith.constant 0 : i32
      %dma_start3A_243 = tpu.memref_slice %arg2[%add3A, %dma_start3A_241, %dma_start3A_242] : memref<32x128x80xi32, #tpu.memory_space<hbm>> -> memref<1x128x80xi32, #tpu.memory_space<hbm>>
      %dma_start3A_244 = tpu.memref_squeeze %dma_start3A_243 : memref<1x128x80xi32, #tpu.memory_space<hbm>> -> memref<128x80xi32, #tpu.memory_space<hbm>>
      tpu.enqueue_dma source(%dma_start3A_244 : memref<128x80xi32, #tpu.memory_space<hbm>>) target(%arg8 : memref<128x80xi32, #tpu.memory_space<vmem>>) target_semaphore(%run_scoped3A_236 : memref<!tpu.dma_semaphore, #tpu.memory_space<semaphore_mem>>)
      %dma_wait3A_245 = arith.constant 0 : i32
      %dma_wait3A_246 = arith.constant 0 : i32
      %dma_wait3A_247 = tpu.memref_slice %arg2[%add3A, %dma_wait3A_245, %dma_wait3A_246] : memref<32x128x80xi32, #tpu.memory_space<hbm>> -> memref<1x128x80xi32, #tpu.memory_space<hbm>>
      %dma_wait3A_248 = tpu.memref_squeeze %dma_wait3A_247 : memref<1x128x80xi32, #tpu.memory_space<hbm>> -> memref<128x80xi32, #tpu.memory_space<hbm>>
      %dma_wait3A_249 = arith.constant 0 : i32
      %dma_wait3A_250 = arith.constant 0 : i32
      %dma_wait3A_251 = tpu.memref_slice %arg2[%add3A, %dma_wait3A_249, %dma_wait3A_250] : memref<32x128x80xi32, #tpu.memory_space<hbm>> -> memref<1x128x80xi32, #tpu.memory_space<hbm>>
      %dma_wait3A_252 = tpu.memref_squeeze %dma_wait3A_251 : memref<1x128x80xi32, #tpu.memory_space<hbm>> -> memref<128x80xi32, #tpu.memory_space<hbm>>
      tpu.wait_dma2 semaphore(%run_scoped3A_236 : memref<!tpu.dma_semaphore, #tpu.memory_space<semaphore_mem>>) src(%dma_wait3A_252 : memref<128x80xi32, #tpu.memory_space<hbm>>) dst(%arg8 : memref<128x80xi32, #tpu.memory_space<vmem>>)
      tpu.yield
    }) : () -> ()
    "tpu.region"() ({
      %run_scoped3A_236 = tpu.sem_alloc : memref<!tpu.dma_semaphore, #tpu.memory_space<semaphore_mem>>
      %dma_start3A_237 = arith.constant 0 : i32
      %dma_start3A_238 = arith.constant 0 : i32
      %dma_start3A_239 = tpu.memref_slice %arg3[%add3A, %dma_start3A_237, %dma_start3A_238] : memref<32x128x80xi32, #tpu.memory_space<hbm>> -> memref<1x128x80xi32, #tpu.memory_space<hbm>>
      %dma_start3A_240 = tpu.memref_squeeze %dma_start3A_239 : memref<1x128x80xi32, #tpu.memory_space<hbm>> -> memref<128x80xi32, #tpu.memory_space<hbm>>
      %dma_start3A_241 = arith.constant 0 : i32
      %dma_start3A_242 = arith.constant 0 : i32
      %dma_start3A_243 = tpu.memref_slice %arg3[%add3A, %dma_start3A_241, %dma_start3A_242] : memref<32x128x80xi32, #tpu.memory_space<hbm>> -> memref<1x128x80xi32, #tpu.memory_space<hbm>>
      %dma_start3A_244 = tpu.memref_squeeze %dma_start3A_243 : memref<1x128x80xi32, #tpu.memory_space<hbm>> -> memref<128x80xi32, #tpu.memory_space<hbm>>
      tpu.enqueue_dma source(%dma_start3A_244 : memref<128x80xi32, #tpu.memory_space<hbm>>) target(%arg9 : memref<128x80xi32, #tpu.memory_space<vmem>>) target_semaphore(%run_scoped3A_236 : memref<!tpu.dma_semaphore, #tpu.memory_space<semaphore_mem>>)
      %dma_wait3A_245 = arith.constant 0 : i32
      %dma_wait3A_246 = arith.constant 0 : i32
      %dma_wait3A_247 = tpu.memref_slice %arg3[%add3A, %dma_wait3A_245, %dma_wait3A_246] : memref<32x128x80xi32, #tpu.memory_space<hbm>> -> memref<1x128x80xi32, #tpu.memory_space<hbm>>
      %dma_wait3A_248 = tpu.memref_squeeze %dma_wait3A_247 : memref<1x128x80xi32, #tpu.memory_space<hbm>> -> memref<128x80xi32, #tpu.memory_space<hbm>>
      %dma_wait3A_249 = arith.constant 0 : i32
      %dma_wait3A_250 = arith.constant 0 : i32
      %dma_wait3A_251 = tpu.memref_slice %arg3[%add3A, %dma_wait3A_249, %dma_wait3A_250] : memref<32x128x80xi32, #tpu.memory_space<hbm>> -> memref<1x128x80xi32, #tpu.memory_space<hbm>>
      %dma_wait3A_252 = tpu.memref_squeeze %dma_wait3A_251 : memref<1x128x80xi32, #tpu.memory_space<hbm>> -> memref<128x80xi32, #tpu.memory_space<hbm>>
      tpu.wait_dma2 semaphore(%run_scoped3A_236 : memref<!tpu.dma_semaphore, #tpu.memory_space<semaphore_mem>>) src(%dma_wait3A_252 : memref<128x80xi32, #tpu.memory_space<hbm>>) dst(%arg9 : memref<128x80xi32, #tpu.memory_space<vmem>>)
      tpu.yield
    }) : () -> ()
    %barrier3A = arith.constant 0 : index
    tpu.barrier barrier_id(%barrier3A)
    %dma_start3A = arith.constant 0 : i32
    %dma_start3A_4 = arith.constant 0 : i32
    %dma_start3A_5 = tpu.memref_slice %arg8[%dma_start3A, %dma_start3A_4] : memref<128x80xi32, #tpu.memory_space<vmem>> -> memref<1x80xi32, #tpu.memory_space<vmem>>
    %dma_start3A_6 = tpu.memref_squeeze %dma_start3A_5 : memref<1x80xi32, #tpu.memory_space<vmem>> -> memref<80xi32, #tpu.memory_space<vmem>>
    %dma_start3A_7 = arith.constant 0 : i32
    %dma_start3A_8 = arith.constant 0 : i32
    %dma_start3A_9 = tpu.memref_slice %arg7[%dma_start3A_7, %dma_start3A_8] : memref<10112x8xf32, #tpu.memory_space<vmem_shared>> -> memref<10112x8xf32, #tpu.memory_space<vmem_shared>>
    tpu.enqueue_indirect_dma source(%arg10 : memref<80x8xf32, #tpu.memory_space<vmem>>) target(%dma_start3A_9 : memref<10112x8xf32, #tpu.memory_space<vmem_shared>>) offsets(%dma_start3A_6 : memref<80xi32, #tpu.memory_space<vmem>>) semaphore(%arg12 : memref<!tpu.dma_semaphore, #tpu.memory_space<semaphore_mem>>) {add = true}
    %dma_start3A_10 = arith.constant 0 : i32
    %dma_start3A_11 = arith.constant 0 : i32
    %dma_start3A_12 = tpu.memref_slice %arg9[%dma_start3A_10, %dma_start3A_11] : memref<128x80xi32, #tpu.memory_space<vmem>> -> memref<1x80xi32, #tpu.memory_space<vmem>>
    %dma_start3A_13 = tpu.memref_squeeze %dma_start3A_12 : memref<1x80xi32, #tpu.memory_space<vmem>> -> memref<80xi32, #tpu.memory_space<vmem>>
    %dma_start3A_14 = arith.constant 0 : i32
    %dma_start3A_15 = arith.constant 0 : i32
    %dma_start3A_16 = tpu.memref_slice %arg7[%dma_start3A_14, %dma_start3A_15] : memref<10112x8xf32, #tpu.memory_space<vmem_shared>> -> memref<10112x8xf32, #tpu.memory_space<vmem_shared>>
    tpu.enqueue_indirect_dma source(%arg11 : memref<80x8xf32, #tpu.memory_space<vmem>>) target(%dma_start3A_16 : memref<10112x8xf32, #tpu.memory_space<vmem_shared>>) offsets(%dma_start3A_13 : memref<80xi32, #tpu.memory_space<vmem>>) semaphore(%arg12 : memref<!tpu.dma_semaphore, #tpu.memory_space<semaphore_mem>>) {add = true}
    %dma_start3A_17 = arith.constant 1 : i32
    %dma_start3A_18 = arith.constant 0 : i32
    %dma_start3A_19 = tpu.memref_slice %arg8[%dma_start3A_17, %dma_start3A_18] : memref<128x80xi32, #tpu.memory_space<vmem>> -> memref<1x80xi32, #tpu.memory_space<vmem>>
    %dma_start3A_20 = tpu.memref_squeeze %dma_start3A_19 : memref<1x80xi32, #tpu.memory_space<vmem>> -> memref<80xi32, #tpu.memory_space<vmem>>
    %dma_start3A_21 = arith.constant 0 : i32
    %dma_start3A_22 = arith.constant 0 : i32
    %dma_start3A_23 = tpu.memref_slice %arg7[%dma_start3A_21, %dma_start3A_22] : memref<10112x8xf32, #tpu.memory_space<vmem_shared>> -> memref<10112x8xf32, #tpu.memory_space<vmem_shared>>
    tpu.enqueue_indirect_dma source(%arg10 : memref<80x8xf32, #tpu.memory_space<vmem>>) target(%dma_start3A_23 : memref<10112x8xf32, #tpu.memory_space<vmem_shared>>) offsets(%dma_start3A_20 : memref<80xi32, #tpu.memory_space<vmem>>) semaphore(%arg12 : memref<!tpu.dma_semaphore, #tpu.memory_space<semaphore_mem>>) {add = true}
    %dma_start3A_24 = arith.constant 1 : i32
    %dma_start3A_25 = arith.constant 0 : i32
    %dma_start3A_26 = tpu.memref_slice %arg9[%dma_start3A_24, %dma_start3A_25] : memref<128x80xi32, #tpu.memory_space<vmem>> -> memref<1x80xi32, #tpu.memory_space<vmem>>
    %dma_start3A_27 = tpu.memref_squeeze %dma_start3A_26 : memref<1x80xi32, #tpu.memory_space<vmem>> -> memref<80xi32, #tpu.memory_space<vmem>>
    %dma_start3A_28 = arith.constant 0 : i32
    %dma_start3A_29 = arith.constant 0 : i32
    %dma_start3A_30 = tpu.memref_slice %arg7[%dma_start3A_28, %dma_start3A_29] : memref<10112x8xf32, #tpu.memory_space<vmem_shared>> -> memref<10112x8xf32, #tpu.memory_space<vmem_shared>>
    tpu.enqueue_indirect_dma source(%arg11 : memref<80x8xf32, #tpu.memory_space<vmem>>) target(%dma_start3A_30 : memref<10112x8xf32, #tpu.memory_space<vmem_shared>>) offsets(%dma_start3A_27 : memref<80xi32, #tpu.memory_space<vmem>>) semaphore(%arg12 : memref<!tpu.dma_semaphore, #tpu.memory_space<semaphore_mem>>) {add = true}
    %dma_start3A_31 = arith.constant 2 : i32
    %dma_start3A_32 = arith.constant 0 : i32
    %dma_start3A_33 = tpu.memref_slice %arg8[%dma_start3A_31, %dma_start3A_32] : memref<128x80xi32, #tpu.memory_space<vmem>> -> memref<1x80xi32, #tpu.memory_space<vmem>>
    %dma_start3A_34 = tpu.memref_squeeze %dma_start3A_33 : memref<1x80xi32, #tpu.memory_space<vmem>> -> memref<80xi32, #tpu.memory_space<vmem>>
    %dma_start3A_35 = arith.constant 0 : i32
    %dma_start3A_36 = arith.constant 0 : i32
    %dma_start3A_37 = tpu.memref_slice %arg7[%dma_start3A_35, %dma_start3A_36] : memref<10112x8xf32, #tpu.memory_space<vmem_shared>> -> memref<10112x8xf32, #tpu.memory_space<vmem_shared>>
    tpu.enqueue_indirect_dma source(%arg10 : memref<80x8xf32, #tpu.memory_space<vmem>>) target(%dma_start3A_37 : memref<10112x8xf32, #tpu.memory_space<vmem_shared>>) offsets(%dma_start3A_34 : memref<80xi32, #tpu.memory_space<vmem>>) semaphore(%arg12 : memref<!tpu.dma_semaphore, #tpu.memory_space<semaphore_mem>>) {add = true}
    %dma_start3A_38 = arith.constant 2 : i32
    %dma_start3A_39 = arith.constant 0 : i32
    %dma_start3A_40 = tpu.memref_slice %arg9[%dma_start3A_38, %dma_start3A_39] : memref<128x80xi32, #tpu.memory_space<vmem>> -> memref<1x80xi32, #tpu.memory_space<vmem>>
    %dma_start3A_41 = tpu.memref_squeeze %dma_start3A_40 : memref<1x80xi32, #tpu.memory_space<vmem>> -> memref<80xi32, #tpu.memory_space<vmem>>
    %dma_start3A_42 = arith.constant 0 : i32
    %dma_start3A_43 = arith.constant 0 : i32
    %dma_start3A_44 = tpu.memref_slice %arg7[%dma_start3A_42, %dma_start3A_43] : memref<10112x8xf32, #tpu.memory_space<vmem_shared>> -> memref<10112x8xf32, #tpu.memory_space<vmem_shared>>
    tpu.enqueue_indirect_dma source(%arg11 : memref<80x8xf32, #tpu.memory_space<vmem>>) target(%dma_start3A_44 : memref<10112x8xf32, #tpu.memory_space<vmem_shared>>) offsets(%dma_start3A_41 : memref<80xi32, #tpu.memory_space<vmem>>) semaphore(%arg12 : memref<!tpu.dma_semaphore, #tpu.memory_space<semaphore_mem>>) {add = true}
    %dma_start3A_45 = arith.constant 3 : i32
    %dma_start3A_46 = arith.constant 0 : i32
    %dma_start3A_47 = tpu.memref_slice %arg8[%dma_start3A_45, %dma_start3A_46] : memref<128x80xi32, #tpu.memory_space<vmem>> -> memref<1x80xi32, #tpu.memory_space<vmem>>
    %dma_start3A_48 = tpu.memref_squeeze %dma_start3A_47 : memref<1x80xi32, #tpu.memory_space<vmem>> -> memref<80xi32, #tpu.memory_space<vmem>>
    %dma_start3A_49 = arith.constant 0 : i32
    %dma_start3A_50 = arith.constant 0 : i32
    %dma_start3A_51 = tpu.memref_slice %arg7[%dma_start3A_49, %dma_start3A_50] : memref<10112x8xf32, #tpu.memory_space<vmem_shared>> -> memref<10112x8xf32, #tpu.memory_space<vmem_shared>>
    tpu.enqueue_indirect_dma source(%arg10 : memref<80x8xf32, #tpu.memory_space<vmem>>) target(%dma_start3A_51 : memref<10112x8xf32, #tpu.memory_space<vmem_shared>>) offsets(%dma_start3A_48 : memref<80xi32, #tpu.memory_space<vmem>>) semaphore(%arg12 : memref<!tpu.dma_semaphore, #tpu.memory_space<semaphore_mem>>) {add = true}
    %dma_start3A_52 = arith.constant 3 : i32
    %dma_start3A_53 = arith.constant 0 : i32
    %dma_start3A_54 = tpu.memref_slice %arg9[%dma_start3A_52, %dma_start3A_53] : memref<128x80xi32, #tpu.memory_space<vmem>> -> memref<1x80xi32, #tpu.memory_space<vmem>>
    %dma_start3A_55 = tpu.memref_squeeze %dma_start3A_54 : memref<1x80xi32, #tpu.memory_space<vmem>> -> memref<80xi32, #tpu.memory_space<vmem>>
    %dma_start3A_56 = arith.constant 0 : i32
    %dma_start3A_57 = arith.constant 0 : i32
    %dma_start3A_58 = tpu.memref_slice %arg7[%dma_start3A_56, %dma_start3A_57] : memref<10112x8xf32, #tpu.memory_space<vmem_shared>> -> memref<10112x8xf32, #tpu.memory_space<vmem_shared>>
    tpu.enqueue_indirect_dma source(%arg11 : memref<80x8xf32, #tpu.memory_space<vmem>>) target(%dma_start3A_58 : memref<10112x8xf32, #tpu.memory_space<vmem_shared>>) offsets(%dma_start3A_55 : memref<80xi32, #tpu.memory_space<vmem>>) semaphore(%arg12 : memref<!tpu.dma_semaphore, #tpu.memory_space<semaphore_mem>>) {add = true}
    %dma_start3A_59 = arith.constant 4 : i32
    %dma_start3A_60 = arith.constant 0 : i32
    %dma_start3A_61 = tpu.memref_slice %arg8[%dma_start3A_59, %dma_start3A_60] : memref<128x80xi32, #tpu.memory_space<vmem>> -> memref<1x80xi32, #tpu.memory_space<vmem>>
    %dma_start3A_62 = tpu.memref_squeeze %dma_start3A_61 : memref<1x80xi32, #tpu.memory_space<vmem>> -> memref<80xi32, #tpu.memory_space<vmem>>
    %dma_start3A_63 = arith.constant 0 : i32
    %dma_start3A_64 = arith.constant 0 : i32
    %dma_start3A_65 = tpu.memref_slice %arg7[%dma_start3A_63, %dma_start3A_64] : memref<10112x8xf32, #tpu.memory_space<vmem_shared>> -> memref<10112x8xf32, #tpu.memory_space<vmem_shared>>
    tpu.enqueue_indirect_dma source(%arg10 : memref<80x8xf32, #tpu.memory_space<vmem>>) target(%dma_start3A_65 : memref<10112x8xf32, #tpu.memory_space<vmem_shared>>) offsets(%dma_start3A_62 : memref<80xi32, #tpu.memory_space<vmem>>) semaphore(%arg12 : memref<!tpu.dma_semaphore, #tpu.memory_space<semaphore_mem>>) {add = true}
    %dma_start3A_66 = arith.constant 4 : i32
    %dma_start3A_67 = arith.constant 0 : i32
    %dma_start3A_68 = tpu.memref_slice %arg9[%dma_start3A_66, %dma_start3A_67] : memref<128x80xi32, #tpu.memory_space<vmem>> -> memref<1x80xi32, #tpu.memory_space<vmem>>
    %dma_start3A_69 = tpu.memref_squeeze %dma_start3A_68 : memref<1x80xi32, #tpu.memory_space<vmem>> -> memref<80xi32, #tpu.memory_space<vmem>>
    %dma_start3A_70 = arith.constant 0 : i32
    %dma_start3A_71 = arith.constant 0 : i32
    %dma_start3A_72 = tpu.memref_slice %arg7[%dma_start3A_70, %dma_start3A_71] : memref<10112x8xf32, #tpu.memory_space<vmem_shared>> -> memref<10112x8xf32, #tpu.memory_space<vmem_shared>>
    tpu.enqueue_indirect_dma source(%arg11 : memref<80x8xf32, #tpu.memory_space<vmem>>) target(%dma_start3A_72 : memref<10112x8xf32, #tpu.memory_space<vmem_shared>>) offsets(%dma_start3A_69 : memref<80xi32, #tpu.memory_space<vmem>>) semaphore(%arg12 : memref<!tpu.dma_semaphore, #tpu.memory_space<semaphore_mem>>) {add = true}
    %dma_start3A_73 = arith.constant 5 : i32
    %dma_start3A_74 = arith.constant 0 : i32
    %dma_start3A_75 = tpu.memref_slice %arg8[%dma_start3A_73, %dma_start3A_74] : memref<128x80xi32, #tpu.memory_space<vmem>> -> memref<1x80xi32, #tpu.memory_space<vmem>>
    %dma_start3A_76 = tpu.memref_squeeze %dma_start3A_75 : memref<1x80xi32, #tpu.memory_space<vmem>> -> memref<80xi32, #tpu.memory_space<vmem>>
    %dma_start3A_77 = arith.constant 0 : i32
    %dma_start3A_78 = arith.constant 0 : i32
    %dma_start3A_79 = tpu.memref_slice %arg7[%dma_start3A_77, %dma_start3A_78] : memref<10112x8xf32, #tpu.memory_space<vmem_shared>> -> memref<10112x8xf32, #tpu.memory_space<vmem_shared>>
    tpu.enqueue_indirect_dma source(%arg10 : memref<80x8xf32, #tpu.memory_space<vmem>>) target(%dma_start3A_79 : memref<10112x8xf32, #tpu.memory_space<vmem_shared>>) offsets(%dma_start3A_76 : memref<80xi32, #tpu.memory_space<vmem>>) semaphore(%arg12 : memref<!tpu.dma_semaphore, #tpu.memory_space<semaphore_mem>>) {add = true}
    %dma_start3A_80 = arith.constant 5 : i32
    %dma_start3A_81 = arith.constant 0 : i32
    %dma_start3A_82 = tpu.memref_slice %arg9[%dma_start3A_80, %dma_start3A_81] : memref<128x80xi32, #tpu.memory_space<vmem>> -> memref<1x80xi32, #tpu.memory_space<vmem>>
    %dma_start3A_83 = tpu.memref_squeeze %dma_start3A_82 : memref<1x80xi32, #tpu.memory_space<vmem>> -> memref<80xi32, #tpu.memory_space<vmem>>
    %dma_start3A_84 = arith.constant 0 : i32
    %dma_start3A_85 = arith.constant 0 : i32
    %dma_start3A_86 = tpu.memref_slice %arg7[%dma_start3A_84, %dma_start3A_85] : memref<10112x8xf32, #tpu.memory_space<vmem_shared>> -> memref<10112x8xf32, #tpu.memory_space<vmem_shared>>
    tpu.enqueue_indirect_dma source(%arg11 : memref<80x8xf32, #tpu.memory_space<vmem>>) target(%dma_start3A_86 : memref<10112x8xf32, #tpu.memory_space<vmem_shared>>) offsets(%dma_start3A_83 : memref<80xi32, #tpu.memory_space<vmem>>) semaphore(%arg12 : memref<!tpu.dma_semaphore, #tpu.memory_space<semaphore_mem>>) {add = true}
    %dma_start3A_87 = arith.constant 6 : i32
    %dma_start3A_88 = arith.constant 0 : i32
    %dma_start3A_89 = tpu.memref_slice %arg8[%dma_start3A_87, %dma_start3A_88] : memref<128x80xi32, #tpu.memory_space<vmem>> -> memref<1x80xi32, #tpu.memory_space<vmem>>
    %dma_start3A_90 = tpu.memref_squeeze %dma_start3A_89 : memref<1x80xi32, #tpu.memory_space<vmem>> -> memref<80xi32, #tpu.memory_space<vmem>>
    %dma_start3A_91 = arith.constant 0 : i32
    %dma_start3A_92 = arith.constant 0 : i32
    %dma_start3A_93 = tpu.memref_slice %arg7[%dma_start3A_91, %dma_start3A_92] : memref<10112x8xf32, #tpu.memory_space<vmem_shared>> -> memref<10112x8xf32, #tpu.memory_space<vmem_shared>>
    tpu.enqueue_indirect_dma source(%arg10 : memref<80x8xf32, #tpu.memory_space<vmem>>) target(%dma_start3A_93 : memref<10112x8xf32, #tpu.memory_space<vmem_shared>>) offsets(%dma_start3A_90 : memref<80xi32, #tpu.memory_space<vmem>>) semaphore(%arg12 : memref<!tpu.dma_semaphore, #tpu.memory_space<semaphore_mem>>) {add = true}
    %dma_start3A_94 = arith.constant 6 : i32
    %dma_start3A_95 = arith.constant 0 : i32
    %dma_start3A_96 = tpu.memref_slice %arg9[%dma_start3A_94, %dma_start3A_95] : memref<128x80xi32, #tpu.memory_space<vmem>> -> memref<1x80xi32, #tpu.memory_space<vmem>>
    %dma_start3A_97 = tpu.memref_squeeze %dma_start3A_96 : memref<1x80xi32, #tpu.memory_space<vmem>> -> memref<80xi32, #tpu.memory_space<vmem>>
    %dma_start3A_98 = arith.constant 0 : i32
    %dma_start3A_99 = arith.constant 0 : i32
    %dma_start3A_100 = tpu.memref_slice %arg7[%dma_start3A_98, %dma_start3A_99] : memref<10112x8xf32, #tpu.memory_space<vmem_shared>> -> memref<10112x8xf32, #tpu.memory_space<vmem_shared>>
    tpu.enqueue_indirect_dma source(%arg11 : memref<80x8xf32, #tpu.memory_space<vmem>>) target(%dma_start3A_100 : memref<10112x8xf32, #tpu.memory_space<vmem_shared>>) offsets(%dma_start3A_97 : memref<80xi32, #tpu.memory_space<vmem>>) semaphore(%arg12 : memref<!tpu.dma_semaphore, #tpu.memory_space<semaphore_mem>>) {add = true}
    %dma_start3A_101 = arith.constant 7 : i32
    %dma_start3A_102 = arith.constant 0 : i32
    %dma_start3A_103 = tpu.memref_slice %arg8[%dma_start3A_101, %dma_start3A_102] : memref<128x80xi32, #tpu.memory_space<vmem>> -> memref<1x80xi32, #tpu.memory_space<vmem>>
    %dma_start3A_104 = tpu.memref_squeeze %dma_start3A_103 : memref<1x80xi32, #tpu.memory_space<vmem>> -> memref<80xi32, #tpu.memory_space<vmem>>
    %dma_start3A_105 = arith.constant 0 : i32
    %dma_start3A_106 = arith.constant 0 : i32
    %dma_start3A_107 = tpu.memref_slice %arg7[%dma_start3A_105, %dma_start3A_106] : memref<10112x8xf32, #tpu.memory_space<vmem_shared>> -> memref<10112x8xf32, #tpu.memory_space<vmem_shared>>
    tpu.enqueue_indirect_dma source(%arg10 : memref<80x8xf32, #tpu.memory_space<vmem>>) target(%dma_start3A_107 : memref<10112x8xf32, #tpu.memory_space<vmem_shared>>) offsets(%dma_start3A_104 : memref<80xi32, #tpu.memory_space<vmem>>) semaphore(%arg12 : memref<!tpu.dma_semaphore, #tpu.memory_space<semaphore_mem>>) {add = true}
    %dma_start3A_108 = arith.constant 7 : i32
    %dma_start3A_109 = arith.constant 0 : i32
    %dma_start3A_110 = tpu.memref_slice %arg9[%dma_start3A_108, %dma_start3A_109] : memref<128x80xi32, #tpu.memory_space<vmem>> -> memref<1x80xi32, #tpu.memory_space<vmem>>
    %dma_start3A_111 = tpu.memref_squeeze %dma_start3A_110 : memref<1x80xi32, #tpu.memory_space<vmem>> -> memref<80xi32, #tpu.memory_space<vmem>>
    %dma_start3A_112 = arith.constant 0 : i32
    %dma_start3A_113 = arith.constant 0 : i32
    %dma_start3A_114 = tpu.memref_slice %arg7[%dma_start3A_112, %dma_start3A_113] : memref<10112x8xf32, #tpu.memory_space<vmem_shared>> -> memref<10112x8xf32, #tpu.memory_space<vmem_shared>>
    tpu.enqueue_indirect_dma source(%arg11 : memref<80x8xf32, #tpu.memory_space<vmem>>) target(%dma_start3A_114 : memref<10112x8xf32, #tpu.memory_space<vmem_shared>>) offsets(%dma_start3A_111 : memref<80xi32, #tpu.memory_space<vmem>>) semaphore(%arg12 : memref<!tpu.dma_semaphore, #tpu.memory_space<semaphore_mem>>) {add = true}
    %scan3A = arith.constant 0 : i32
    %scan3A_115 = arith.constant 0 : i32
    %scan3A_116 = arith.constant 15 : i32
    %scan3A_117 = arith.addi %scan3A_115, %scan3A_116 : i32
    %scan3A_118 = arith.constant 1 : i32
    scf.for %scan3A_236 = %scan3A_115 to %scan3A_117 step %scan3A_118  : i32 {
      %mul3A_237 = arith.constant 8 : i32
      %mul3A_238 = arith.muli %scan3A_236, %mul3A_237 : i32
      %add3A_239 = arith.constant 0 : i32
      %add3A_240 = arith.addi %mul3A_238, %add3A_239 : i32
      %dma_wait3A_241 = arith.constant 0 : i32
      %dma_wait3A_242 = tpu.memref_slice %arg8[%add3A_240, %dma_wait3A_241] : memref<128x80xi32, #tpu.memory_space<vmem>> -> memref<1x80xi32, #tpu.memory_space<vmem>>
      %dma_wait3A_243 = tpu.memref_squeeze %dma_wait3A_242 : memref<1x80xi32, #tpu.memory_space<vmem>> -> memref<80xi32, #tpu.memory_space<vmem>>
      %dma_wait3A_244 = arith.constant 0 : i32
      %dma_wait3A_245 = arith.constant 0 : i32
      %dma_wait3A_246 = tpu.memref_slice %arg7[%dma_wait3A_244, %dma_wait3A_245] : memref<10112x8xf32, #tpu.memory_space<vmem_shared>> -> memref<10112x8xf32, #tpu.memory_space<vmem_shared>>
      tpu.wait_indirect_dma semaphore(%arg12 : memref<!tpu.dma_semaphore, #tpu.memory_space<semaphore_mem>>) src(%arg10 : memref<80x8xf32, #tpu.memory_space<vmem>>) dst(%dma_wait3A_246 : memref<10112x8xf32, #tpu.memory_space<vmem_shared>>)
      %dma_wait3A_247 = arith.constant 0 : i32
      %dma_wait3A_248 = tpu.memref_slice %arg9[%add3A_240, %dma_wait3A_247] : memref<128x80xi32, #tpu.memory_space<vmem>> -> memref<1x80xi32, #tpu.memory_space<vmem>>
      %dma_wait3A_249 = tpu.memref_squeeze %dma_wait3A_248 : memref<1x80xi32, #tpu.memory_space<vmem>> -> memref<80xi32, #tpu.memory_space<vmem>>
      %dma_wait3A_250 = arith.constant 0 : i32
      %dma_wait3A_251 = arith.constant 0 : i32
      %dma_wait3A_252 = tpu.memref_slice %arg7[%dma_wait3A_250, %dma_wait3A_251] : memref<10112x8xf32, #tpu.memory_space<vmem_shared>> -> memref<10112x8xf32, #tpu.memory_space<vmem_shared>>
      tpu.wait_indirect_dma semaphore(%arg12 : memref<!tpu.dma_semaphore, #tpu.memory_space<semaphore_mem>>) src(%arg11 : memref<80x8xf32, #tpu.memory_space<vmem>>) dst(%dma_wait3A_252 : memref<10112x8xf32, #tpu.memory_space<vmem_shared>>)
      %add3A_253 = arith.constant 0 : i32
      %add3A_254 = arith.addi %mul3A_238, %add3A_253 : i32
      %add3A_255 = arith.constant 8 : i32
      %add3A_256 = arith.addi %add3A_254, %add3A_255 : i32
      %dma_start3A_257 = arith.constant 0 : i32
      %dma_start3A_258 = tpu.memref_slice %arg8[%add3A_256, %dma_start3A_257] : memref<128x80xi32, #tpu.memory_space<vmem>> -> memref<1x80xi32, #tpu.memory_space<vmem>>
      %dma_start3A_259 = tpu.memref_squeeze %dma_start3A_258 : memref<1x80xi32, #tpu.memory_space<vmem>> -> memref<80xi32, #tpu.memory_space<vmem>>
      %dma_start3A_260 = arith.constant 0 : i32
      %dma_start3A_261 = arith.constant 0 : i32
      %dma_start3A_262 = tpu.memref_slice %arg7[%dma_start3A_260, %dma_start3A_261] : memref<10112x8xf32, #tpu.memory_space<vmem_shared>> -> memref<10112x8xf32, #tpu.memory_space<vmem_shared>>
      tpu.enqueue_indirect_dma source(%arg10 : memref<80x8xf32, #tpu.memory_space<vmem>>) target(%dma_start3A_262 : memref<10112x8xf32, #tpu.memory_space<vmem_shared>>) offsets(%dma_start3A_259 : memref<80xi32, #tpu.memory_space<vmem>>) semaphore(%arg12 : memref<!tpu.dma_semaphore, #tpu.memory_space<semaphore_mem>>) {add = true}
      %dma_start3A_263 = arith.constant 0 : i32
      %dma_start3A_264 = tpu.memref_slice %arg9[%add3A_256, %dma_start3A_263] : memref<128x80xi32, #tpu.memory_space<vmem>> -> memref<1x80xi32, #tpu.memory_space<vmem>>
      %dma_start3A_265 = tpu.memref_squeeze %dma_start3A_264 : memref<1x80xi32, #tpu.memory_space<vmem>> -> memref<80xi32, #tpu.memory_space<vmem>>
      %dma_start3A_266 = arith.constant 0 : i32
      %dma_start3A_267 = arith.constant 0 : i32
      %dma_start3A_268 = tpu.memref_slice %arg7[%dma_start3A_266, %dma_start3A_267] : memref<10112x8xf32, #tpu.memory_space<vmem_shared>> -> memref<10112x8xf32, #tpu.memory_space<vmem_shared>>
      tpu.enqueue_indirect_dma source(%arg11 : memref<80x8xf32, #tpu.memory_space<vmem>>) target(%dma_start3A_268 : memref<10112x8xf32, #tpu.memory_space<vmem_shared>>) offsets(%dma_start3A_265 : memref<80xi32, #tpu.memory_space<vmem>>) semaphore(%arg12 : memref<!tpu.dma_semaphore, #tpu.memory_space<semaphore_mem>>) {add = true}
      %add3A_269 = arith.constant 1 : i32
      %add3A_270 = arith.addi %mul3A_238, %add3A_269 : i32
      %dma_wait3A_271 = arith.constant 0 : i32
      %dma_wait3A_272 = tpu.memref_slice %arg8[%add3A_270, %dma_wait3A_271] : memref<128x80xi32, #tpu.memory_space<vmem>> -> memref<1x80xi32, #tpu.memory_space<vmem>>
      %dma_wait3A_273 = tpu.memref_squeeze %dma_wait3A_272 : memref<1x80xi32, #tpu.memory_space<vmem>> -> memref<80xi32, #tpu.memory_space<vmem>>
      %dma_wait3A_274 = arith.constant 0 : i32
      %dma_wait3A_275 = arith.constant 0 : i32
      %dma_wait3A_276 = tpu.memref_slice %arg7[%dma_wait3A_274, %dma_wait3A_275] : memref<10112x8xf32, #tpu.memory_space<vmem_shared>> -> memref<10112x8xf32, #tpu.memory_space<vmem_shared>>
      tpu.wait_indirect_dma semaphore(%arg12 : memref<!tpu.dma_semaphore, #tpu.memory_space<semaphore_mem>>) src(%arg10 : memref<80x8xf32, #tpu.memory_space<vmem>>) dst(%dma_wait3A_276 : memref<10112x8xf32, #tpu.memory_space<vmem_shared>>)
      %dma_wait3A_277 = arith.constant 0 : i32
      %dma_wait3A_278 = tpu.memref_slice %arg9[%add3A_270, %dma_wait3A_277] : memref<128x80xi32, #tpu.memory_space<vmem>> -> memref<1x80xi32, #tpu.memory_space<vmem>>
      %dma_wait3A_279 = tpu.memref_squeeze %dma_wait3A_278 : memref<1x80xi32, #tpu.memory_space<vmem>> -> memref<80xi32, #tpu.memory_space<vmem>>
      %dma_wait3A_280 = arith.constant 0 : i32
      %dma_wait3A_281 = arith.constant 0 : i32
      %dma_wait3A_282 = tpu.memref_slice %arg7[%dma_wait3A_280, %dma_wait3A_281] : memref<10112x8xf32, #tpu.memory_space<vmem_shared>> -> memref<10112x8xf32, #tpu.memory_space<vmem_shared>>
      tpu.wait_indirect_dma semaphore(%arg12 : memref<!tpu.dma_semaphore, #tpu.memory_space<semaphore_mem>>) src(%arg11 : memref<80x8xf32, #tpu.memory_space<vmem>>) dst(%dma_wait3A_282 : memref<10112x8xf32, #tpu.memory_space<vmem_shared>>)
      %add3A_283 = arith.constant 1 : i32
      %add3A_284 = arith.addi %mul3A_238, %add3A_283 : i32
      %add3A_285 = arith.constant 8 : i32
      %add3A_286 = arith.addi %add3A_284, %add3A_285 : i32
      %dma_start3A_287 = arith.constant 0 : i32
      %dma_start3A_288 = tpu.memref_slice %arg8[%add3A_286, %dma_start3A_287] : memref<128x80xi32, #tpu.memory_space<vmem>> -> memref<1x80xi32, #tpu.memory_space<vmem>>
      %dma_start3A_289 = tpu.memref_squeeze %dma_start3A_288 : memref<1x80xi32, #tpu.memory_space<vmem>> -> memref<80xi32, #tpu.memory_space<vmem>>
      %dma_start3A_290 = arith.constant 0 : i32
      %dma_start3A_291 = arith.constant 0 : i32
      %dma_start3A_292 = tpu.memref_slice %arg7[%dma_start3A_290, %dma_start3A_291] : memref<10112x8xf32, #tpu.memory_space<vmem_shared>> -> memref<10112x8xf32, #tpu.memory_space<vmem_shared>>
      tpu.enqueue_indirect_dma source(%arg10 : memref<80x8xf32, #tpu.memory_space<vmem>>) target(%dma_start3A_292 : memref<10112x8xf32, #tpu.memory_space<vmem_shared>>) offsets(%dma_start3A_289 : memref<80xi32, #tpu.memory_space<vmem>>) semaphore(%arg12 : memref<!tpu.dma_semaphore, #tpu.memory_space<semaphore_mem>>) {add = true}
      %dma_start3A_293 = arith.constant 0 : i32
      %dma_start3A_294 = tpu.memref_slice %arg9[%add3A_286, %dma_start3A_293] : memref<128x80xi32, #tpu.memory_space<vmem>> -> memref<1x80xi32, #tpu.memory_space<vmem>>
      %dma_start3A_295 = tpu.memref_squeeze %dma_start3A_294 : memref<1x80xi32, #tpu.memory_space<vmem>> -> memref<80xi32, #tpu.memory_space<vmem>>
      %dma_start3A_296 = arith.constant 0 : i32
      %dma_start3A_297 = arith.constant 0 : i32
      %dma_start3A_298 = tpu.memref_slice %arg7[%dma_start3A_296, %dma_start3A_297] : memref<10112x8xf32, #tpu.memory_space<vmem_shared>> -> memref<10112x8xf32, #tpu.memory_space<vmem_shared>>
      tpu.enqueue_indirect_dma source(%arg11 : memref<80x8xf32, #tpu.memory_space<vmem>>) target(%dma_start3A_298 : memref<10112x8xf32, #tpu.memory_space<vmem_shared>>) offsets(%dma_start3A_295 : memref<80xi32, #tpu.memory_space<vmem>>) semaphore(%arg12 : memref<!tpu.dma_semaphore, #tpu.memory_space<semaphore_mem>>) {add = true}
      %add3A_299 = arith.constant 2 : i32
      %add3A_300 = arith.addi %mul3A_238, %add3A_299 : i32
      %dma_wait3A_301 = arith.constant 0 : i32
      %dma_wait3A_302 = tpu.memref_slice %arg8[%add3A_300, %dma_wait3A_301] : memref<128x80xi32, #tpu.memory_space<vmem>> -> memref<1x80xi32, #tpu.memory_space<vmem>>
      %dma_wait3A_303 = tpu.memref_squeeze %dma_wait3A_302 : memref<1x80xi32, #tpu.memory_space<vmem>> -> memref<80xi32, #tpu.memory_space<vmem>>
      %dma_wait3A_304 = arith.constant 0 : i32
      %dma_wait3A_305 = arith.constant 0 : i32
      %dma_wait3A_306 = tpu.memref_slice %arg7[%dma_wait3A_304, %dma_wait3A_305] : memref<10112x8xf32, #tpu.memory_space<vmem_shared>> -> memref<10112x8xf32, #tpu.memory_space<vmem_shared>>
      tpu.wait_indirect_dma semaphore(%arg12 : memref<!tpu.dma_semaphore, #tpu.memory_space<semaphore_mem>>) src(%arg10 : memref<80x8xf32, #tpu.memory_space<vmem>>) dst(%dma_wait3A_306 : memref<10112x8xf32, #tpu.memory_space<vmem_shared>>)
      %dma_wait3A_307 = arith.constant 0 : i32
      %dma_wait3A_308 = tpu.memref_slice %arg9[%add3A_300, %dma_wait3A_307] : memref<128x80xi32, #tpu.memory_space<vmem>> -> memref<1x80xi32, #tpu.memory_space<vmem>>
      %dma_wait3A_309 = tpu.memref_squeeze %dma_wait3A_308 : memref<1x80xi32, #tpu.memory_space<vmem>> -> memref<80xi32, #tpu.memory_space<vmem>>
      %dma_wait3A_310 = arith.constant 0 : i32
      %dma_wait3A_311 = arith.constant 0 : i32
      %dma_wait3A_312 = tpu.memref_slice %arg7[%dma_wait3A_310, %dma_wait3A_311] : memref<10112x8xf32, #tpu.memory_space<vmem_shared>> -> memref<10112x8xf32, #tpu.memory_space<vmem_shared>>
      tpu.wait_indirect_dma semaphore(%arg12 : memref<!tpu.dma_semaphore, #tpu.memory_space<semaphore_mem>>) src(%arg11 : memref<80x8xf32, #tpu.memory_space<vmem>>) dst(%dma_wait3A_312 : memref<10112x8xf32, #tpu.memory_space<vmem_shared>>)
      %add3A_313 = arith.constant 2 : i32
      %add3A_314 = arith.addi %mul3A_238, %add3A_313 : i32
      %add3A_315 = arith.constant 8 : i32
      %add3A_316 = arith.addi %add3A_314, %add3A_315 : i32
      %dma_start3A_317 = arith.constant 0 : i32
      %dma_start3A_318 = tpu.memref_slice %arg8[%add3A_316, %dma_start3A_317] : memref<128x80xi32, #tpu.memory_space<vmem>> -> memref<1x80xi32, #tpu.memory_space<vmem>>
      %dma_start3A_319 = tpu.memref_squeeze %dma_start3A_318 : memref<1x80xi32, #tpu.memory_space<vmem>> -> memref<80xi32, #tpu.memory_space<vmem>>
      %dma_start3A_320 = arith.constant 0 : i32
      %dma_start3A_321 = arith.constant 0 : i32
      %dma_start3A_322 = tpu.memref_slice %arg7[%dma_start3A_320, %dma_start3A_321] : memref<10112x8xf32, #tpu.memory_space<vmem_shared>> -> memref<10112x8xf32, #tpu.memory_space<vmem_shared>>
      tpu.enqueue_indirect_dma source(%arg10 : memref<80x8xf32, #tpu.memory_space<vmem>>) target(%dma_start3A_322 : memref<10112x8xf32, #tpu.memory_space<vmem_shared>>) offsets(%dma_start3A_319 : memref<80xi32, #tpu.memory_space<vmem>>) semaphore(%arg12 : memref<!tpu.dma_semaphore, #tpu.memory_space<semaphore_mem>>) {add = true}
      %dma_start3A_323 = arith.constant 0 : i32
      %dma_start3A_324 = tpu.memref_slice %arg9[%add3A_316, %dma_start3A_323] : memref<128x80xi32, #tpu.memory_space<vmem>> -> memref<1x80xi32, #tpu.memory_space<vmem>>
      %dma_start3A_325 = tpu.memref_squeeze %dma_start3A_324 : memref<1x80xi32, #tpu.memory_space<vmem>> -> memref<80xi32, #tpu.memory_space<vmem>>
      %dma_start3A_326 = arith.constant 0 : i32
      %dma_start3A_327 = arith.constant 0 : i32
      %dma_start3A_328 = tpu.memref_slice %arg7[%dma_start3A_326, %dma_start3A_327] : memref<10112x8xf32, #tpu.memory_space<vmem_shared>> -> memref<10112x8xf32, #tpu.memory_space<vmem_shared>>
      tpu.enqueue_indirect_dma source(%arg11 : memref<80x8xf32, #tpu.memory_space<vmem>>) target(%dma_start3A_328 : memref<10112x8xf32, #tpu.memory_space<vmem_shared>>) offsets(%dma_start3A_325 : memref<80xi32, #tpu.memory_space<vmem>>) semaphore(%arg12 : memref<!tpu.dma_semaphore, #tpu.memory_space<semaphore_mem>>) {add = true}
      %add3A_329 = arith.constant 3 : i32
      %add3A_330 = arith.addi %mul3A_238, %add3A_329 : i32
      %dma_wait3A_331 = arith.constant 0 : i32
      %dma_wait3A_332 = tpu.memref_slice %arg8[%add3A_330, %dma_wait3A_331] : memref<128x80xi32, #tpu.memory_space<vmem>> -> memref<1x80xi32, #tpu.memory_space<vmem>>
      %dma_wait3A_333 = tpu.memref_squeeze %dma_wait3A_332 : memref<1x80xi32, #tpu.memory_space<vmem>> -> memref<80xi32, #tpu.memory_space<vmem>>
      %dma_wait3A_334 = arith.constant 0 : i32
      %dma_wait3A_335 = arith.constant 0 : i32
      %dma_wait3A_336 = tpu.memref_slice %arg7[%dma_wait3A_334, %dma_wait3A_335] : memref<10112x8xf32, #tpu.memory_space<vmem_shared>> -> memref<10112x8xf32, #tpu.memory_space<vmem_shared>>
      tpu.wait_indirect_dma semaphore(%arg12 : memref<!tpu.dma_semaphore, #tpu.memory_space<semaphore_mem>>) src(%arg10 : memref<80x8xf32, #tpu.memory_space<vmem>>) dst(%dma_wait3A_336 : memref<10112x8xf32, #tpu.memory_space<vmem_shared>>)
      %dma_wait3A_337 = arith.constant 0 : i32
      %dma_wait3A_338 = tpu.memref_slice %arg9[%add3A_330, %dma_wait3A_337] : memref<128x80xi32, #tpu.memory_space<vmem>> -> memref<1x80xi32, #tpu.memory_space<vmem>>
      %dma_wait3A_339 = tpu.memref_squeeze %dma_wait3A_338 : memref<1x80xi32, #tpu.memory_space<vmem>> -> memref<80xi32, #tpu.memory_space<vmem>>
      %dma_wait3A_340 = arith.constant 0 : i32
      %dma_wait3A_341 = arith.constant 0 : i32
      %dma_wait3A_342 = tpu.memref_slice %arg7[%dma_wait3A_340, %dma_wait3A_341] : memref<10112x8xf32, #tpu.memory_space<vmem_shared>> -> memref<10112x8xf32, #tpu.memory_space<vmem_shared>>
      tpu.wait_indirect_dma semaphore(%arg12 : memref<!tpu.dma_semaphore, #tpu.memory_space<semaphore_mem>>) src(%arg11 : memref<80x8xf32, #tpu.memory_space<vmem>>) dst(%dma_wait3A_342 : memref<10112x8xf32, #tpu.memory_space<vmem_shared>>)
      %add3A_343 = arith.constant 3 : i32
      %add3A_344 = arith.addi %mul3A_238, %add3A_343 : i32
      %add3A_345 = arith.constant 8 : i32
      %add3A_346 = arith.addi %add3A_344, %add3A_345 : i32
      %dma_start3A_347 = arith.constant 0 : i32
      %dma_start3A_348 = tpu.memref_slice %arg8[%add3A_346, %dma_start3A_347] : memref<128x80xi32, #tpu.memory_space<vmem>> -> memref<1x80xi32, #tpu.memory_space<vmem>>
      %dma_start3A_349 = tpu.memref_squeeze %dma_start3A_348 : memref<1x80xi32, #tpu.memory_space<vmem>> -> memref<80xi32, #tpu.memory_space<vmem>>
      %dma_start3A_350 = arith.constant 0 : i32
      %dma_start3A_351 = arith.constant 0 : i32
      %dma_start3A_352 = tpu.memref_slice %arg7[%dma_start3A_350, %dma_start3A_351] : memref<10112x8xf32, #tpu.memory_space<vmem_shared>> -> memref<10112x8xf32, #tpu.memory_space<vmem_shared>>
      tpu.enqueue_indirect_dma source(%arg10 : memref<80x8xf32, #tpu.memory_space<vmem>>) target(%dma_start3A_352 : memref<10112x8xf32, #tpu.memory_space<vmem_shared>>) offsets(%dma_start3A_349 : memref<80xi32, #tpu.memory_space<vmem>>) semaphore(%arg12 : memref<!tpu.dma_semaphore, #tpu.memory_space<semaphore_mem>>) {add = true}
      %dma_start3A_353 = arith.constant 0 : i32
      %dma_start3A_354 = tpu.memref_slice %arg9[%add3A_346, %dma_start3A_353] : memref<128x80xi32, #tpu.memory_space<vmem>> -> memref<1x80xi32, #tpu.memory_space<vmem>>
      %dma_start3A_355 = tpu.memref_squeeze %dma_start3A_354 : memref<1x80xi32, #tpu.memory_space<vmem>> -> memref<80xi32, #tpu.memory_space<vmem>>
      %dma_start3A_356 = arith.constant 0 : i32
      %dma_start3A_357 = arith.constant 0 : i32
      %dma_start3A_358 = tpu.memref_slice %arg7[%dma_start3A_356, %dma_start3A_357] : memref<10112x8xf32, #tpu.memory_space<vmem_shared>> -> memref<10112x8xf32, #tpu.memory_space<vmem_shared>>
      tpu.enqueue_indirect_dma source(%arg11 : memref<80x8xf32, #tpu.memory_space<vmem>>) target(%dma_start3A_358 : memref<10112x8xf32, #tpu.memory_space<vmem_shared>>) offsets(%dma_start3A_355 : memref<80xi32, #tpu.memory_space<vmem>>) semaphore(%arg12 : memref<!tpu.dma_semaphore, #tpu.memory_space<semaphore_mem>>) {add = true}
      %add3A_359 = arith.constant 4 : i32
      %add3A_360 = arith.addi %mul3A_238, %add3A_359 : i32
      %dma_wait3A_361 = arith.constant 0 : i32
      %dma_wait3A_362 = tpu.memref_slice %arg8[%add3A_360, %dma_wait3A_361] : memref<128x80xi32, #tpu.memory_space<vmem>> -> memref<1x80xi32, #tpu.memory_space<vmem>>
      %dma_wait3A_363 = tpu.memref_squeeze %dma_wait3A_362 : memref<1x80xi32, #tpu.memory_space<vmem>> -> memref<80xi32, #tpu.memory_space<vmem>>
      %dma_wait3A_364 = arith.constant 0 : i32
      %dma_wait3A_365 = arith.constant 0 : i32
      %dma_wait3A_366 = tpu.memref_slice %arg7[%dma_wait3A_364, %dma_wait3A_365] : memref<10112x8xf32, #tpu.memory_space<vmem_shared>> -> memref<10112x8xf32, #tpu.memory_space<vmem_shared>>
      tpu.wait_indirect_dma semaphore(%arg12 : memref<!tpu.dma_semaphore, #tpu.memory_space<semaphore_mem>>) src(%arg10 : memref<80x8xf32, #tpu.memory_space<vmem>>) dst(%dma_wait3A_366 : memref<10112x8xf32, #tpu.memory_space<vmem_shared>>)
      %dma_wait3A_367 = arith.constant 0 : i32
      %dma_wait3A_368 = tpu.memref_slice %arg9[%add3A_360, %dma_wait3A_367] : memref<128x80xi32, #tpu.memory_space<vmem>> -> memref<1x80xi32, #tpu.memory_space<vmem>>
      %dma_wait3A_369 = tpu.memref_squeeze %dma_wait3A_368 : memref<1x80xi32, #tpu.memory_space<vmem>> -> memref<80xi32, #tpu.memory_space<vmem>>
      %dma_wait3A_370 = arith.constant 0 : i32
      %dma_wait3A_371 = arith.constant 0 : i32
      %dma_wait3A_372 = tpu.memref_slice %arg7[%dma_wait3A_370, %dma_wait3A_371] : memref<10112x8xf32, #tpu.memory_space<vmem_shared>> -> memref<10112x8xf32, #tpu.memory_space<vmem_shared>>
      tpu.wait_indirect_dma semaphore(%arg12 : memref<!tpu.dma_semaphore, #tpu.memory_space<semaphore_mem>>) src(%arg11 : memref<80x8xf32, #tpu.memory_space<vmem>>) dst(%dma_wait3A_372 : memref<10112x8xf32, #tpu.memory_space<vmem_shared>>)
      %add3A_373 = arith.constant 4 : i32
      %add3A_374 = arith.addi %mul3A_238, %add3A_373 : i32
      %add3A_375 = arith.constant 8 : i32
      %add3A_376 = arith.addi %add3A_374, %add3A_375 : i32
      %dma_start3A_377 = arith.constant 0 : i32
      %dma_start3A_378 = tpu.memref_slice %arg8[%add3A_376, %dma_start3A_377] : memref<128x80xi32, #tpu.memory_space<vmem>> -> memref<1x80xi32, #tpu.memory_space<vmem>>
      %dma_start3A_379 = tpu.memref_squeeze %dma_start3A_378 : memref<1x80xi32, #tpu.memory_space<vmem>> -> memref<80xi32, #tpu.memory_space<vmem>>
      %dma_start3A_380 = arith.constant 0 : i32
      %dma_start3A_381 = arith.constant 0 : i32
      %dma_start3A_382 = tpu.memref_slice %arg7[%dma_start3A_380, %dma_start3A_381] : memref<10112x8xf32, #tpu.memory_space<vmem_shared>> -> memref<10112x8xf32, #tpu.memory_space<vmem_shared>>
      tpu.enqueue_indirect_dma source(%arg10 : memref<80x8xf32, #tpu.memory_space<vmem>>) target(%dma_start3A_382 : memref<10112x8xf32, #tpu.memory_space<vmem_shared>>) offsets(%dma_start3A_379 : memref<80xi32, #tpu.memory_space<vmem>>) semaphore(%arg12 : memref<!tpu.dma_semaphore, #tpu.memory_space<semaphore_mem>>) {add = true}
      %dma_start3A_383 = arith.constant 0 : i32
      %dma_start3A_384 = tpu.memref_slice %arg9[%add3A_376, %dma_start3A_383] : memref<128x80xi32, #tpu.memory_space<vmem>> -> memref<1x80xi32, #tpu.memory_space<vmem>>
      %dma_start3A_385 = tpu.memref_squeeze %dma_start3A_384 : memref<1x80xi32, #tpu.memory_space<vmem>> -> memref<80xi32, #tpu.memory_space<vmem>>
      %dma_start3A_386 = arith.constant 0 : i32
      %dma_start3A_387 = arith.constant 0 : i32
      %dma_start3A_388 = tpu.memref_slice %arg7[%dma_start3A_386, %dma_start3A_387] : memref<10112x8xf32, #tpu.memory_space<vmem_shared>> -> memref<10112x8xf32, #tpu.memory_space<vmem_shared>>
      tpu.enqueue_indirect_dma source(%arg11 : memref<80x8xf32, #tpu.memory_space<vmem>>) target(%dma_start3A_388 : memref<10112x8xf32, #tpu.memory_space<vmem_shared>>) offsets(%dma_start3A_385 : memref<80xi32, #tpu.memory_space<vmem>>) semaphore(%arg12 : memref<!tpu.dma_semaphore, #tpu.memory_space<semaphore_mem>>) {add = true}
      %add3A_389 = arith.constant 5 : i32
      %add3A_390 = arith.addi %mul3A_238, %add3A_389 : i32
      %dma_wait3A_391 = arith.constant 0 : i32
      %dma_wait3A_392 = tpu.memref_slice %arg8[%add3A_390, %dma_wait3A_391] : memref<128x80xi32, #tpu.memory_space<vmem>> -> memref<1x80xi32, #tpu.memory_space<vmem>>
      %dma_wait3A_393 = tpu.memref_squeeze %dma_wait3A_392 : memref<1x80xi32, #tpu.memory_space<vmem>> -> memref<80xi32, #tpu.memory_space<vmem>>
      %dma_wait3A_394 = arith.constant 0 : i32
      %dma_wait3A_395 = arith.constant 0 : i32
      %dma_wait3A_396 = tpu.memref_slice %arg7[%dma_wait3A_394, %dma_wait3A_395] : memref<10112x8xf32, #tpu.memory_space<vmem_shared>> -> memref<10112x8xf32, #tpu.memory_space<vmem_shared>>
      tpu.wait_indirect_dma semaphore(%arg12 : memref<!tpu.dma_semaphore, #tpu.memory_space<semaphore_mem>>) src(%arg10 : memref<80x8xf32, #tpu.memory_space<vmem>>) dst(%dma_wait3A_396 : memref<10112x8xf32, #tpu.memory_space<vmem_shared>>)
      %dma_wait3A_397 = arith.constant 0 : i32
      %dma_wait3A_398 = tpu.memref_slice %arg9[%add3A_390, %dma_wait3A_397] : memref<128x80xi32, #tpu.memory_space<vmem>> -> memref<1x80xi32, #tpu.memory_space<vmem>>
      %dma_wait3A_399 = tpu.memref_squeeze %dma_wait3A_398 : memref<1x80xi32, #tpu.memory_space<vmem>> -> memref<80xi32, #tpu.memory_space<vmem>>
      %dma_wait3A_400 = arith.constant 0 : i32
      %dma_wait3A_401 = arith.constant 0 : i32
      %dma_wait3A_402 = tpu.memref_slice %arg7[%dma_wait3A_400, %dma_wait3A_401] : memref<10112x8xf32, #tpu.memory_space<vmem_shared>> -> memref<10112x8xf32, #tpu.memory_space<vmem_shared>>
      tpu.wait_indirect_dma semaphore(%arg12 : memref<!tpu.dma_semaphore, #tpu.memory_space<semaphore_mem>>) src(%arg11 : memref<80x8xf32, #tpu.memory_space<vmem>>) dst(%dma_wait3A_402 : memref<10112x8xf32, #tpu.memory_space<vmem_shared>>)
      %add3A_403 = arith.constant 5 : i32
      %add3A_404 = arith.addi %mul3A_238, %add3A_403 : i32
      %add3A_405 = arith.constant 8 : i32
      %add3A_406 = arith.addi %add3A_404, %add3A_405 : i32
      %dma_start3A_407 = arith.constant 0 : i32
      %dma_start3A_408 = tpu.memref_slice %arg8[%add3A_406, %dma_start3A_407] : memref<128x80xi32, #tpu.memory_space<vmem>> -> memref<1x80xi32, #tpu.memory_space<vmem>>
      %dma_start3A_409 = tpu.memref_squeeze %dma_start3A_408 : memref<1x80xi32, #tpu.memory_space<vmem>> -> memref<80xi32, #tpu.memory_space<vmem>>
      %dma_start3A_410 = arith.constant 0 : i32
      %dma_start3A_411 = arith.constant 0 : i32
      %dma_start3A_412 = tpu.memref_slice %arg7[%dma_start3A_410, %dma_start3A_411] : memref<10112x8xf32, #tpu.memory_space<vmem_shared>> -> memref<10112x8xf32, #tpu.memory_space<vmem_shared>>
      tpu.enqueue_indirect_dma source(%arg10 : memref<80x8xf32, #tpu.memory_space<vmem>>) target(%dma_start3A_412 : memref<10112x8xf32, #tpu.memory_space<vmem_shared>>) offsets(%dma_start3A_409 : memref<80xi32, #tpu.memory_space<vmem>>) semaphore(%arg12 : memref<!tpu.dma_semaphore, #tpu.memory_space<semaphore_mem>>) {add = true}
      %dma_start3A_413 = arith.constant 0 : i32
      %dma_start3A_414 = tpu.memref_slice %arg9[%add3A_406, %dma_start3A_413] : memref<128x80xi32, #tpu.memory_space<vmem>> -> memref<1x80xi32, #tpu.memory_space<vmem>>
      %dma_start3A_415 = tpu.memref_squeeze %dma_start3A_414 : memref<1x80xi32, #tpu.memory_space<vmem>> -> memref<80xi32, #tpu.memory_space<vmem>>
      %dma_start3A_416 = arith.constant 0 : i32
      %dma_start3A_417 = arith.constant 0 : i32
      %dma_start3A_418 = tpu.memref_slice %arg7[%dma_start3A_416, %dma_start3A_417] : memref<10112x8xf32, #tpu.memory_space<vmem_shared>> -> memref<10112x8xf32, #tpu.memory_space<vmem_shared>>
      tpu.enqueue_indirect_dma source(%arg11 : memref<80x8xf32, #tpu.memory_space<vmem>>) target(%dma_start3A_418 : memref<10112x8xf32, #tpu.memory_space<vmem_shared>>) offsets(%dma_start3A_415 : memref<80xi32, #tpu.memory_space<vmem>>) semaphore(%arg12 : memref<!tpu.dma_semaphore, #tpu.memory_space<semaphore_mem>>) {add = true}
      %add3A_419 = arith.constant 6 : i32
      %add3A_420 = arith.addi %mul3A_238, %add3A_419 : i32
      %dma_wait3A_421 = arith.constant 0 : i32
      %dma_wait3A_422 = tpu.memref_slice %arg8[%add3A_420, %dma_wait3A_421] : memref<128x80xi32, #tpu.memory_space<vmem>> -> memref<1x80xi32, #tpu.memory_space<vmem>>
      %dma_wait3A_423 = tpu.memref_squeeze %dma_wait3A_422 : memref<1x80xi32, #tpu.memory_space<vmem>> -> memref<80xi32, #tpu.memory_space<vmem>>
      %dma_wait3A_424 = arith.constant 0 : i32
      %dma_wait3A_425 = arith.constant 0 : i32
      %dma_wait3A_426 = tpu.memref_slice %arg7[%dma_wait3A_424, %dma_wait3A_425] : memref<10112x8xf32, #tpu.memory_space<vmem_shared>> -> memref<10112x8xf32, #tpu.memory_space<vmem_shared>>
      tpu.wait_indirect_dma semaphore(%arg12 : memref<!tpu.dma_semaphore, #tpu.memory_space<semaphore_mem>>) src(%arg10 : memref<80x8xf32, #tpu.memory_space<vmem>>) dst(%dma_wait3A_426 : memref<10112x8xf32, #tpu.memory_space<vmem_shared>>)
      %dma_wait3A_427 = arith.constant 0 : i32
      %dma_wait3A_428 = tpu.memref_slice %arg9[%add3A_420, %dma_wait3A_427] : memref<128x80xi32, #tpu.memory_space<vmem>> -> memref<1x80xi32, #tpu.memory_space<vmem>>
      %dma_wait3A_429 = tpu.memref_squeeze %dma_wait3A_428 : memref<1x80xi32, #tpu.memory_space<vmem>> -> memref<80xi32, #tpu.memory_space<vmem>>
      %dma_wait3A_430 = arith.constant 0 : i32
      %dma_wait3A_431 = arith.constant 0 : i32
      %dma_wait3A_432 = tpu.memref_slice %arg7[%dma_wait3A_430, %dma_wait3A_431] : memref<10112x8xf32, #tpu.memory_space<vmem_shared>> -> memref<10112x8xf32, #tpu.memory_space<vmem_shared>>
      tpu.wait_indirect_dma semaphore(%arg12 : memref<!tpu.dma_semaphore, #tpu.memory_space<semaphore_mem>>) src(%arg11 : memref<80x8xf32, #tpu.memory_space<vmem>>) dst(%dma_wait3A_432 : memref<10112x8xf32, #tpu.memory_space<vmem_shared>>)
      %add3A_433 = arith.constant 6 : i32
      %add3A_434 = arith.addi %mul3A_238, %add3A_433 : i32
      %add3A_435 = arith.constant 8 : i32
      %add3A_436 = arith.addi %add3A_434, %add3A_435 : i32
      %dma_start3A_437 = arith.constant 0 : i32
      %dma_start3A_438 = tpu.memref_slice %arg8[%add3A_436, %dma_start3A_437] : memref<128x80xi32, #tpu.memory_space<vmem>> -> memref<1x80xi32, #tpu.memory_space<vmem>>
      %dma_start3A_439 = tpu.memref_squeeze %dma_start3A_438 : memref<1x80xi32, #tpu.memory_space<vmem>> -> memref<80xi32, #tpu.memory_space<vmem>>
      %dma_start3A_440 = arith.constant 0 : i32
      %dma_start3A_441 = arith.constant 0 : i32
      %dma_start3A_442 = tpu.memref_slice %arg7[%dma_start3A_440, %dma_start3A_441] : memref<10112x8xf32, #tpu.memory_space<vmem_shared>> -> memref<10112x8xf32, #tpu.memory_space<vmem_shared>>
      tpu.enqueue_indirect_dma source(%arg10 : memref<80x8xf32, #tpu.memory_space<vmem>>) target(%dma_start3A_442 : memref<10112x8xf32, #tpu.memory_space<vmem_shared>>) offsets(%dma_start3A_439 : memref<80xi32, #tpu.memory_space<vmem>>) semaphore(%arg12 : memref<!tpu.dma_semaphore, #tpu.memory_space<semaphore_mem>>) {add = true}
      %dma_start3A_443 = arith.constant 0 : i32
      %dma_start3A_444 = tpu.memref_slice %arg9[%add3A_436, %dma_start3A_443] : memref<128x80xi32, #tpu.memory_space<vmem>> -> memref<1x80xi32, #tpu.memory_space<vmem>>
      %dma_start3A_445 = tpu.memref_squeeze %dma_start3A_444 : memref<1x80xi32, #tpu.memory_space<vmem>> -> memref<80xi32, #tpu.memory_space<vmem>>
      %dma_start3A_446 = arith.constant 0 : i32
      %dma_start3A_447 = arith.constant 0 : i32
      %dma_start3A_448 = tpu.memref_slice %arg7[%dma_start3A_446, %dma_start3A_447] : memref<10112x8xf32, #tpu.memory_space<vmem_shared>> -> memref<10112x8xf32, #tpu.memory_space<vmem_shared>>
      tpu.enqueue_indirect_dma source(%arg11 : memref<80x8xf32, #tpu.memory_space<vmem>>) target(%dma_start3A_448 : memref<10112x8xf32, #tpu.memory_space<vmem_shared>>) offsets(%dma_start3A_445 : memref<80xi32, #tpu.memory_space<vmem>>) semaphore(%arg12 : memref<!tpu.dma_semaphore, #tpu.memory_space<semaphore_mem>>) {add = true}
      %add3A_449 = arith.constant 7 : i32
      %add3A_450 = arith.addi %mul3A_238, %add3A_449 : i32
      %dma_wait3A_451 = arith.constant 0 : i32
      %dma_wait3A_452 = tpu.memref_slice %arg8[%add3A_450, %dma_wait3A_451] : memref<128x80xi32, #tpu.memory_space<vmem>> -> memref<1x80xi32, #tpu.memory_space<vmem>>
      %dma_wait3A_453 = tpu.memref_squeeze %dma_wait3A_452 : memref<1x80xi32, #tpu.memory_space<vmem>> -> memref<80xi32, #tpu.memory_space<vmem>>
      %dma_wait3A_454 = arith.constant 0 : i32
      %dma_wait3A_455 = arith.constant 0 : i32
      %dma_wait3A_456 = tpu.memref_slice %arg7[%dma_wait3A_454, %dma_wait3A_455] : memref<10112x8xf32, #tpu.memory_space<vmem_shared>> -> memref<10112x8xf32, #tpu.memory_space<vmem_shared>>
      tpu.wait_indirect_dma semaphore(%arg12 : memref<!tpu.dma_semaphore, #tpu.memory_space<semaphore_mem>>) src(%arg10 : memref<80x8xf32, #tpu.memory_space<vmem>>) dst(%dma_wait3A_456 : memref<10112x8xf32, #tpu.memory_space<vmem_shared>>)
      %dma_wait3A_457 = arith.constant 0 : i32
      %dma_wait3A_458 = tpu.memref_slice %arg9[%add3A_450, %dma_wait3A_457] : memref<128x80xi32, #tpu.memory_space<vmem>> -> memref<1x80xi32, #tpu.memory_space<vmem>>
      %dma_wait3A_459 = tpu.memref_squeeze %dma_wait3A_458 : memref<1x80xi32, #tpu.memory_space<vmem>> -> memref<80xi32, #tpu.memory_space<vmem>>
      %dma_wait3A_460 = arith.constant 0 : i32
      %dma_wait3A_461 = arith.constant 0 : i32
      %dma_wait3A_462 = tpu.memref_slice %arg7[%dma_wait3A_460, %dma_wait3A_461] : memref<10112x8xf32, #tpu.memory_space<vmem_shared>> -> memref<10112x8xf32, #tpu.memory_space<vmem_shared>>
      tpu.wait_indirect_dma semaphore(%arg12 : memref<!tpu.dma_semaphore, #tpu.memory_space<semaphore_mem>>) src(%arg11 : memref<80x8xf32, #tpu.memory_space<vmem>>) dst(%dma_wait3A_462 : memref<10112x8xf32, #tpu.memory_space<vmem_shared>>)
      %add3A_463 = arith.constant 7 : i32
      %add3A_464 = arith.addi %mul3A_238, %add3A_463 : i32
      %add3A_465 = arith.constant 8 : i32
      %add3A_466 = arith.addi %add3A_464, %add3A_465 : i32
      %dma_start3A_467 = arith.constant 0 : i32
      %dma_start3A_468 = tpu.memref_slice %arg8[%add3A_466, %dma_start3A_467] : memref<128x80xi32, #tpu.memory_space<vmem>> -> memref<1x80xi32, #tpu.memory_space<vmem>>
      %dma_start3A_469 = tpu.memref_squeeze %dma_start3A_468 : memref<1x80xi32, #tpu.memory_space<vmem>> -> memref<80xi32, #tpu.memory_space<vmem>>
      %dma_start3A_470 = arith.constant 0 : i32
      %dma_start3A_471 = arith.constant 0 : i32
      %dma_start3A_472 = tpu.memref_slice %arg7[%dma_start3A_470, %dma_start3A_471] : memref<10112x8xf32, #tpu.memory_space<vmem_shared>> -> memref<10112x8xf32, #tpu.memory_space<vmem_shared>>
      tpu.enqueue_indirect_dma source(%arg10 : memref<80x8xf32, #tpu.memory_space<vmem>>) target(%dma_start3A_472 : memref<10112x8xf32, #tpu.memory_space<vmem_shared>>) offsets(%dma_start3A_469 : memref<80xi32, #tpu.memory_space<vmem>>) semaphore(%arg12 : memref<!tpu.dma_semaphore, #tpu.memory_space<semaphore_mem>>) {add = true}
      %dma_start3A_473 = arith.constant 0 : i32
      %dma_start3A_474 = tpu.memref_slice %arg9[%add3A_466, %dma_start3A_473] : memref<128x80xi32, #tpu.memory_space<vmem>> -> memref<1x80xi32, #tpu.memory_space<vmem>>
      %dma_start3A_475 = tpu.memref_squeeze %dma_start3A_474 : memref<1x80xi32, #tpu.memory_space<vmem>> -> memref<80xi32, #tpu.memory_space<vmem>>
      %dma_start3A_476 = arith.constant 0 : i32
      %dma_start3A_477 = arith.constant 0 : i32
      %dma_start3A_478 = tpu.memref_slice %arg7[%dma_start3A_476, %dma_start3A_477] : memref<10112x8xf32, #tpu.memory_space<vmem_shared>> -> memref<10112x8xf32, #tpu.memory_space<vmem_shared>>
      tpu.enqueue_indirect_dma source(%arg11 : memref<80x8xf32, #tpu.memory_space<vmem>>) target(%dma_start3A_478 : memref<10112x8xf32, #tpu.memory_space<vmem_shared>>) offsets(%dma_start3A_475 : memref<80xi32, #tpu.memory_space<vmem>>) semaphore(%arg12 : memref<!tpu.dma_semaphore, #tpu.memory_space<semaphore_mem>>) {add = true}
    }
    %scan3A_119 = arith.constant 15 : i32
    %dma_wait3A = arith.constant 120 : i32
    %dma_wait3A_120 = arith.constant 0 : i32
    %dma_wait3A_121 = tpu.memref_slice %arg8[%dma_wait3A, %dma_wait3A_120] : memref<128x80xi32, #tpu.memory_space<vmem>> -> memref<1x80xi32, #tpu.memory_space<vmem>>
    %dma_wait3A_122 = tpu.memref_squeeze %dma_wait3A_121 : memref<1x80xi32, #tpu.memory_space<vmem>> -> memref<80xi32, #tpu.memory_space<vmem>>
    %dma_wait3A_123 = arith.constant 0 : i32
    %dma_wait3A_124 = arith.constant 0 : i32
    %dma_wait3A_125 = tpu.memref_slice %arg7[%dma_wait3A_123, %dma_wait3A_124] : memref<10112x8xf32, #tpu.memory_space<vmem_shared>> -> memref<10112x8xf32, #tpu.memory_space<vmem_shared>>
    tpu.wait_indirect_dma semaphore(%arg12 : memref<!tpu.dma_semaphore, #tpu.memory_space<semaphore_mem>>) src(%arg10 : memref<80x8xf32, #tpu.memory_space<vmem>>) dst(%dma_wait3A_125 : memref<10112x8xf32, #tpu.memory_space<vmem_shared>>)
    %dma_wait3A_126 = arith.constant 120 : i32
    %dma_wait3A_127 = arith.constant 0 : i32
    %dma_wait3A_128 = tpu.memref_slice %arg9[%dma_wait3A_126, %dma_wait3A_127] : memref<128x80xi32, #tpu.memory_space<vmem>> -> memref<1x80xi32, #tpu.memory_space<vmem>>
    %dma_wait3A_129 = tpu.memref_squeeze %dma_wait3A_128 : memref<1x80xi32, #tpu.memory_space<vmem>> -> memref<80xi32, #tpu.memory_space<vmem>>
    %dma_wait3A_130 = arith.constant 0 : i32
    %dma_wait3A_131 = arith.constant 0 : i32
    %dma_wait3A_132 = tpu.memref_slice %arg7[%dma_wait3A_130, %dma_wait3A_131] : memref<10112x8xf32, #tpu.memory_space<vmem_shared>> -> memref<10112x8xf32, #tpu.memory_space<vmem_shared>>
    tpu.wait_indirect_dma semaphore(%arg12 : memref<!tpu.dma_semaphore, #tpu.memory_space<semaphore_mem>>) src(%arg11 : memref<80x8xf32, #tpu.memory_space<vmem>>) dst(%dma_wait3A_132 : memref<10112x8xf32, #tpu.memory_space<vmem_shared>>)
    %dma_wait3A_133 = arith.constant 121 : i32
    %dma_wait3A_134 = arith.constant 0 : i32
    %dma_wait3A_135 = tpu.memref_slice %arg8[%dma_wait3A_133, %dma_wait3A_134] : memref<128x80xi32, #tpu.memory_space<vmem>> -> memref<1x80xi32, #tpu.memory_space<vmem>>
    %dma_wait3A_136 = tpu.memref_squeeze %dma_wait3A_135 : memref<1x80xi32, #tpu.memory_space<vmem>> -> memref<80xi32, #tpu.memory_space<vmem>>
    %dma_wait3A_137 = arith.constant 0 : i32
    %dma_wait3A_138 = arith.constant 0 : i32
    %dma_wait3A_139 = tpu.memref_slice %arg7[%dma_wait3A_137, %dma_wait3A_138] : memref<10112x8xf32, #tpu.memory_space<vmem_shared>> -> memref<10112x8xf32, #tpu.memory_space<vmem_shared>>
    tpu.wait_indirect_dma semaphore(%arg12 : memref<!tpu.dma_semaphore, #tpu.memory_space<semaphore_mem>>) src(%arg10 : memref<80x8xf32, #tpu.memory_space<vmem>>) dst(%dma_wait3A_139 : memref<10112x8xf32, #tpu.memory_space<vmem_shared>>)
    %dma_wait3A_140 = arith.constant 121 : i32
    %dma_wait3A_141 = arith.constant 0 : i32
    %dma_wait3A_142 = tpu.memref_slice %arg9[%dma_wait3A_140, %dma_wait3A_141] : memref<128x80xi32, #tpu.memory_space<vmem>> -> memref<1x80xi32, #tpu.memory_space<vmem>>
    %dma_wait3A_143 = tpu.memref_squeeze %dma_wait3A_142 : memref<1x80xi32, #tpu.memory_space<vmem>> -> memref<80xi32, #tpu.memory_space<vmem>>
    %dma_wait3A_144 = arith.constant 0 : i32
    %dma_wait3A_145 = arith.constant 0 : i32
    %dma_wait3A_146 = tpu.memref_slice %arg7[%dma_wait3A_144, %dma_wait3A_145] : memref<10112x8xf32, #tpu.memory_space<vmem_shared>> -> memref<10112x8xf32, #tpu.memory_space<vmem_shared>>
    tpu.wait_indirect_dma semaphore(%arg12 : memref<!tpu.dma_semaphore, #tpu.memory_space<semaphore_mem>>) src(%arg11 : memref<80x8xf32, #tpu.memory_space<vmem>>) dst(%dma_wait3A_146 : memref<10112x8xf32, #tpu.memory_space<vmem_shared>>)
    %dma_wait3A_147 = arith.constant 122 : i32
    %dma_wait3A_148 = arith.constant 0 : i32
    %dma_wait3A_149 = tpu.memref_slice %arg8[%dma_wait3A_147, %dma_wait3A_148] : memref<128x80xi32, #tpu.memory_space<vmem>> -> memref<1x80xi32, #tpu.memory_space<vmem>>
    %dma_wait3A_150 = tpu.memref_squeeze %dma_wait3A_149 : memref<1x80xi32, #tpu.memory_space<vmem>> -> memref<80xi32, #tpu.memory_space<vmem>>
    %dma_wait3A_151 = arith.constant 0 : i32
    %dma_wait3A_152 = arith.constant 0 : i32
    %dma_wait3A_153 = tpu.memref_slice %arg7[%dma_wait3A_151, %dma_wait3A_152] : memref<10112x8xf32, #tpu.memory_space<vmem_shared>> -> memref<10112x8xf32, #tpu.memory_space<vmem_shared>>
    tpu.wait_indirect_dma semaphore(%arg12 : memref<!tpu.dma_semaphore, #tpu.memory_space<semaphore_mem>>) src(%arg10 : memref<80x8xf32, #tpu.memory_space<vmem>>) dst(%dma_wait3A_153 : memref<10112x8xf32, #tpu.memory_space<vmem_shared>>)
    %dma_wait3A_154 = arith.constant 122 : i32
    %dma_wait3A_155 = arith.constant 0 : i32
    %dma_wait3A_156 = tpu.memref_slice %arg9[%dma_wait3A_154, %dma_wait3A_155] : memref<128x80xi32, #tpu.memory_space<vmem>> -> memref<1x80xi32, #tpu.memory_space<vmem>>
    %dma_wait3A_157 = tpu.memref_squeeze %dma_wait3A_156 : memref<1x80xi32, #tpu.memory_space<vmem>> -> memref<80xi32, #tpu.memory_space<vmem>>
    %dma_wait3A_158 = arith.constant 0 : i32
    %dma_wait3A_159 = arith.constant 0 : i32
    %dma_wait3A_160 = tpu.memref_slice %arg7[%dma_wait3A_158, %dma_wait3A_159] : memref<10112x8xf32, #tpu.memory_space<vmem_shared>> -> memref<10112x8xf32, #tpu.memory_space<vmem_shared>>
    tpu.wait_indirect_dma semaphore(%arg12 : memref<!tpu.dma_semaphore, #tpu.memory_space<semaphore_mem>>) src(%arg11 : memref<80x8xf32, #tpu.memory_space<vmem>>) dst(%dma_wait3A_160 : memref<10112x8xf32, #tpu.memory_space<vmem_shared>>)
    %dma_wait3A_161 = arith.constant 123 : i32
    %dma_wait3A_162 = arith.constant 0 : i32
    %dma_wait3A_163 = tpu.memref_slice %arg8[%dma_wait3A_161, %dma_wait3A_162] : memref<128x80xi32, #tpu.memory_space<vmem>> -> memref<1x80xi32, #tpu.memory_space<vmem>>
    %dma_wait3A_164 = tpu.memref_squeeze %dma_wait3A_163 : memref<1x80xi32, #tpu.memory_space<vmem>> -> memref<80xi32, #tpu.memory_space<vmem>>
    %dma_wait3A_165 = arith.constant 0 : i32
    %dma_wait3A_166 = arith.constant 0 : i32
    %dma_wait3A_167 = tpu.memref_slice %arg7[%dma_wait3A_165, %dma_wait3A_166] : memref<10112x8xf32, #tpu.memory_space<vmem_shared>> -> memref<10112x8xf32, #tpu.memory_space<vmem_shared>>
    tpu.wait_indirect_dma semaphore(%arg12 : memref<!tpu.dma_semaphore, #tpu.memory_space<semaphore_mem>>) src(%arg10 : memref<80x8xf32, #tpu.memory_space<vmem>>) dst(%dma_wait3A_167 : memref<10112x8xf32, #tpu.memory_space<vmem_shared>>)
    %dma_wait3A_168 = arith.constant 123 : i32
    %dma_wait3A_169 = arith.constant 0 : i32
    %dma_wait3A_170 = tpu.memref_slice %arg9[%dma_wait3A_168, %dma_wait3A_169] : memref<128x80xi32, #tpu.memory_space<vmem>> -> memref<1x80xi32, #tpu.memory_space<vmem>>
    %dma_wait3A_171 = tpu.memref_squeeze %dma_wait3A_170 : memref<1x80xi32, #tpu.memory_space<vmem>> -> memref<80xi32, #tpu.memory_space<vmem>>
    %dma_wait3A_172 = arith.constant 0 : i32
    %dma_wait3A_173 = arith.constant 0 : i32
    %dma_wait3A_174 = tpu.memref_slice %arg7[%dma_wait3A_172, %dma_wait3A_173] : memref<10112x8xf32, #tpu.memory_space<vmem_shared>> -> memref<10112x8xf32, #tpu.memory_space<vmem_shared>>
    tpu.wait_indirect_dma semaphore(%arg12 : memref<!tpu.dma_semaphore, #tpu.memory_space<semaphore_mem>>) src(%arg11 : memref<80x8xf32, #tpu.memory_space<vmem>>) dst(%dma_wait3A_174 : memref<10112x8xf32, #tpu.memory_space<vmem_shared>>)
    %dma_wait3A_175 = arith.constant 124 : i32
    %dma_wait3A_176 = arith.constant 0 : i32
    %dma_wait3A_177 = tpu.memref_slice %arg8[%dma_wait3A_175, %dma_wait3A_176] : memref<128x80xi32, #tpu.memory_space<vmem>> -> memref<1x80xi32, #tpu.memory_space<vmem>>
    %dma_wait3A_178 = tpu.memref_squeeze %dma_wait3A_177 : memref<1x80xi32, #tpu.memory_space<vmem>> -> memref<80xi32, #tpu.memory_space<vmem>>
    %dma_wait3A_179 = arith.constant 0 : i32
    %dma_wait3A_180 = arith.constant 0 : i32
    %dma_wait3A_181 = tpu.memref_slice %arg7[%dma_wait3A_179, %dma_wait3A_180] : memref<10112x8xf32, #tpu.memory_space<vmem_shared>> -> memref<10112x8xf32, #tpu.memory_space<vmem_shared>>
    tpu.wait_indirect_dma semaphore(%arg12 : memref<!tpu.dma_semaphore, #tpu.memory_space<semaphore_mem>>) src(%arg10 : memref<80x8xf32, #tpu.memory_space<vmem>>) dst(%dma_wait3A_181 : memref<10112x8xf32, #tpu.memory_space<vmem_shared>>)
    %dma_wait3A_182 = arith.constant 124 : i32
    %dma_wait3A_183 = arith.constant 0 : i32
    %dma_wait3A_184 = tpu.memref_slice %arg9[%dma_wait3A_182, %dma_wait3A_183] : memref<128x80xi32, #tpu.memory_space<vmem>> -> memref<1x80xi32, #tpu.memory_space<vmem>>
    %dma_wait3A_185 = tpu.memref_squeeze %dma_wait3A_184 : memref<1x80xi32, #tpu.memory_space<vmem>> -> memref<80xi32, #tpu.memory_space<vmem>>
    %dma_wait3A_186 = arith.constant 0 : i32
    %dma_wait3A_187 = arith.constant 0 : i32
    %dma_wait3A_188 = tpu.memref_slice %arg7[%dma_wait3A_186, %dma_wait3A_187] : memref<10112x8xf32, #tpu.memory_space<vmem_shared>> -> memref<10112x8xf32, #tpu.memory_space<vmem_shared>>
    tpu.wait_indirect_dma semaphore(%arg12 : memref<!tpu.dma_semaphore, #tpu.memory_space<semaphore_mem>>) src(%arg11 : memref<80x8xf32, #tpu.memory_space<vmem>>) dst(%dma_wait3A_188 : memref<10112x8xf32, #tpu.memory_space<vmem_shared>>)
    %dma_wait3A_189 = arith.constant 125 : i32
    %dma_wait3A_190 = arith.constant 0 : i32
    %dma_wait3A_191 = tpu.memref_slice %arg8[%dma_wait3A_189, %dma_wait3A_190] : memref<128x80xi32, #tpu.memory_space<vmem>> -> memref<1x80xi32, #tpu.memory_space<vmem>>
    %dma_wait3A_192 = tpu.memref_squeeze %dma_wait3A_191 : memref<1x80xi32, #tpu.memory_space<vmem>> -> memref<80xi32, #tpu.memory_space<vmem>>
    %dma_wait3A_193 = arith.constant 0 : i32
    %dma_wait3A_194 = arith.constant 0 : i32
    %dma_wait3A_195 = tpu.memref_slice %arg7[%dma_wait3A_193, %dma_wait3A_194] : memref<10112x8xf32, #tpu.memory_space<vmem_shared>> -> memref<10112x8xf32, #tpu.memory_space<vmem_shared>>
    tpu.wait_indirect_dma semaphore(%arg12 : memref<!tpu.dma_semaphore, #tpu.memory_space<semaphore_mem>>) src(%arg10 : memref<80x8xf32, #tpu.memory_space<vmem>>) dst(%dma_wait3A_195 : memref<10112x8xf32, #tpu.memory_space<vmem_shared>>)
    %dma_wait3A_196 = arith.constant 125 : i32
    %dma_wait3A_197 = arith.constant 0 : i32
    %dma_wait3A_198 = tpu.memref_slice %arg9[%dma_wait3A_196, %dma_wait3A_197] : memref<128x80xi32, #tpu.memory_space<vmem>> -> memref<1x80xi32, #tpu.memory_space<vmem>>
    %dma_wait3A_199 = tpu.memref_squeeze %dma_wait3A_198 : memref<1x80xi32, #tpu.memory_space<vmem>> -> memref<80xi32, #tpu.memory_space<vmem>>
    %dma_wait3A_200 = arith.constant 0 : i32
    %dma_wait3A_201 = arith.constant 0 : i32
    %dma_wait3A_202 = tpu.memref_slice %arg7[%dma_wait3A_200, %dma_wait3A_201] : memref<10112x8xf32, #tpu.memory_space<vmem_shared>> -> memref<10112x8xf32, #tpu.memory_space<vmem_shared>>
    tpu.wait_indirect_dma semaphore(%arg12 : memref<!tpu.dma_semaphore, #tpu.memory_space<semaphore_mem>>) src(%arg11 : memref<80x8xf32, #tpu.memory_space<vmem>>) dst(%dma_wait3A_202 : memref<10112x8xf32, #tpu.memory_space<vmem_shared>>)
    %dma_wait3A_203 = arith.constant 126 : i32
    %dma_wait3A_204 = arith.constant 0 : i32
    %dma_wait3A_205 = tpu.memref_slice %arg8[%dma_wait3A_203, %dma_wait3A_204] : memref<128x80xi32, #tpu.memory_space<vmem>> -> memref<1x80xi32, #tpu.memory_space<vmem>>
    %dma_wait3A_206 = tpu.memref_squeeze %dma_wait3A_205 : memref<1x80xi32, #tpu.memory_space<vmem>> -> memref<80xi32, #tpu.memory_space<vmem>>
    %dma_wait3A_207 = arith.constant 0 : i32
    %dma_wait3A_208 = arith.constant 0 : i32
    %dma_wait3A_209 = tpu.memref_slice %arg7[%dma_wait3A_207, %dma_wait3A_208] : memref<10112x8xf32, #tpu.memory_space<vmem_shared>> -> memref<10112x8xf32, #tpu.memory_space<vmem_shared>>
    tpu.wait_indirect_dma semaphore(%arg12 : memref<!tpu.dma_semaphore, #tpu.memory_space<semaphore_mem>>) src(%arg10 : memref<80x8xf32, #tpu.memory_space<vmem>>) dst(%dma_wait3A_209 : memref<10112x8xf32, #tpu.memory_space<vmem_shared>>)
    %dma_wait3A_210 = arith.constant 126 : i32
    %dma_wait3A_211 = arith.constant 0 : i32
    %dma_wait3A_212 = tpu.memref_slice %arg9[%dma_wait3A_210, %dma_wait3A_211] : memref<128x80xi32, #tpu.memory_space<vmem>> -> memref<1x80xi32, #tpu.memory_space<vmem>>
    %dma_wait3A_213 = tpu.memref_squeeze %dma_wait3A_212 : memref<1x80xi32, #tpu.memory_space<vmem>> -> memref<80xi32, #tpu.memory_space<vmem>>
    %dma_wait3A_214 = arith.constant 0 : i32
    %dma_wait3A_215 = arith.constant 0 : i32
    %dma_wait3A_216 = tpu.memref_slice %arg7[%dma_wait3A_214, %dma_wait3A_215] : memref<10112x8xf32, #tpu.memory_space<vmem_shared>> -> memref<10112x8xf32, #tpu.memory_space<vmem_shared>>
    tpu.wait_indirect_dma semaphore(%arg12 : memref<!tpu.dma_semaphore, #tpu.memory_space<semaphore_mem>>) src(%arg11 : memref<80x8xf32, #tpu.memory_space<vmem>>) dst(%dma_wait3A_216 : memref<10112x8xf32, #tpu.memory_space<vmem_shared>>)
    %dma_wait3A_217 = arith.constant 127 : i32
    %dma_wait3A_218 = arith.constant 0 : i32
    %dma_wait3A_219 = tpu.memref_slice %arg8[%dma_wait3A_217, %dma_wait3A_218] : memref<128x80xi32, #tpu.memory_space<vmem>> -> memref<1x80xi32, #tpu.memory_space<vmem>>
    %dma_wait3A_220 = tpu.memref_squeeze %dma_wait3A_219 : memref<1x80xi32, #tpu.memory_space<vmem>> -> memref<80xi32, #tpu.memory_space<vmem>>
    %dma_wait3A_221 = arith.constant 0 : i32
    %dma_wait3A_222 = arith.constant 0 : i32
    %dma_wait3A_223 = tpu.memref_slice %arg7[%dma_wait3A_221, %dma_wait3A_222] : memref<10112x8xf32, #tpu.memory_space<vmem_shared>> -> memref<10112x8xf32, #tpu.memory_space<vmem_shared>>
    tpu.wait_indirect_dma semaphore(%arg12 : memref<!tpu.dma_semaphore, #tpu.memory_space<semaphore_mem>>) src(%arg10 : memref<80x8xf32, #tpu.memory_space<vmem>>) dst(%dma_wait3A_223 : memref<10112x8xf32, #tpu.memory_space<vmem_shared>>)
    %dma_wait3A_224 = arith.constant 127 : i32
    %dma_wait3A_225 = arith.constant 0 : i32
    %dma_wait3A_226 = tpu.memref_slice %arg9[%dma_wait3A_224, %dma_wait3A_225] : memref<128x80xi32, #tpu.memory_space<vmem>> -> memref<1x80xi32, #tpu.memory_space<vmem>>
    %dma_wait3A_227 = tpu.memref_squeeze %dma_wait3A_226 : memref<1x80xi32, #tpu.memory_space<vmem>> -> memref<80xi32, #tpu.memory_space<vmem>>
    %dma_wait3A_228 = arith.constant 0 : i32
    %dma_wait3A_229 = arith.constant 0 : i32
    %dma_wait3A_230 = tpu.memref_slice %arg7[%dma_wait3A_228, %dma_wait3A_229] : memref<10112x8xf32, #tpu.memory_space<vmem_shared>> -> memref<10112x8xf32, #tpu.memory_space<vmem_shared>>
    tpu.wait_indirect_dma semaphore(%arg12 : memref<!tpu.dma_semaphore, #tpu.memory_space<semaphore_mem>>) src(%arg11 : memref<80x8xf32, #tpu.memory_space<vmem>>) dst(%dma_wait3A_230 : memref<10112x8xf32, #tpu.memory_space<vmem_shared>>)
    %barrier3A_231 = arith.constant 0 : index
    tpu.barrier barrier_id(%barrier3A_231)
    %mul3A_232 = arith.constant 632 : i32
    %mul3A_233 = arith.muli %arg1, %mul3A_232 : i32
    %mul3A_234 = arith.constant 632 : i32
    %mul3A_235 = arith.muli %arg1, %mul3A_234 : i32
    "tpu.region"() ({
      %run_scoped3A_236 = tpu.sem_alloc : memref<!tpu.dma_semaphore, #tpu.memory_space<semaphore_mem>>
      %dma_start3A_237 = arith.constant 0 : i32
      %dma_start3A_238 = tpu.memref_slice %arg6[%arg0, %mul3A_235, %dma_start3A_237] : memref<2x10112x8xf32, #tpu.memory_space<hbm>> -> memref<1x632x8xf32, #tpu.memory_space<hbm>>
      %dma_start3A_239 = tpu.memref_squeeze %dma_start3A_238 : memref<1x632x8xf32, #tpu.memory_space<hbm>> -> memref<632x8xf32, #tpu.memory_space<hbm>>
      %dma_start3A_240 = arith.constant 0 : i32
      %dma_start3A_241 = tpu.memref_slice %arg7[%mul3A_233, %dma_start3A_240] : memref<10112x8xf32, #tpu.memory_space<vmem_shared>> -> memref<632x8xf32, #tpu.memory_space<vmem_shared>>
      tpu.enqueue_dma source(%dma_start3A_241 : memref<632x8xf32, #tpu.memory_space<vmem_shared>>) target(%dma_start3A_239 : memref<632x8xf32, #tpu.memory_space<hbm>>) target_semaphore(%run_scoped3A_236 : memref<!tpu.dma_semaphore, #tpu.memory_space<semaphore_mem>>)
      %dma_wait3A_242 = arith.constant 0 : i32
      %dma_wait3A_243 = tpu.memref_slice %arg6[%arg0, %mul3A_235, %dma_wait3A_242] : memref<2x10112x8xf32, #tpu.memory_space<hbm>> -> memref<1x632x8xf32, #tpu.memory_space<hbm>>
      %dma_wait3A_244 = tpu.memref_squeeze %dma_wait3A_243 : memref<1x632x8xf32, #tpu.memory_space<hbm>> -> memref<632x8xf32, #tpu.memory_space<hbm>>
      %dma_wait3A_245 = arith.constant 0 : i32
      %dma_wait3A_246 = tpu.memref_slice %arg7[%mul3A_233, %dma_wait3A_245] : memref<10112x8xf32, #tpu.memory_space<vmem_shared>> -> memref<632x8xf32, #tpu.memory_space<vmem_shared>>
      tpu.wait_dma2 semaphore(%run_scoped3A_236 : memref<!tpu.dma_semaphore, #tpu.memory_space<semaphore_mem>>) src(%dma_wait3A_246 : memref<632x8xf32, #tpu.memory_space<vmem_shared>>) dst(%dma_wait3A_244 : memref<632x8xf32, #tpu.memory_space<hbm>>)
      tpu.yield
    }) : () -> ()
    return
  }
}

module attributes {stable_mosaic.version = 14 : i64} {
  func.func @_tc0(%arg0: memref<2x10112x8xf32, #tpu.memory_space<vmem>>, %arg1: memref<10000x128xf32, #tpu.memory_space<vmem>>, %arg2: memref<10112x128xf32, #tpu.memory_space<vmem>>) attributes {dimension_semantics = [], scalar_prefetch = 0 : i64, scratch_operands = 0 : i64, tpu.core_type = #tpu.core_type<tc>} {
    %get3A = arith.constant 0 : index
    %get3A_0 = arith.constant 0 : index
    %get3A_1 = arith.constant 0 : index
    %get3A_2 = vector.load %arg0[%get3A, %get3A_0, %get3A_1] : memref<2x10112x8xf32, #tpu.memory_space<vmem>>, vector<1x10112x8xf32>
    %get3A_3 = vector.shape_cast %get3A_2 : vector<1x10112x8xf32> to vector<10112x8xf32>
    %get3A_4 = arith.constant 1 : index
    %get3A_5 = arith.constant 0 : index
    %get3A_6 = arith.constant 0 : index
    %get3A_7 = vector.load %arg0[%get3A_4, %get3A_5, %get3A_6] : memref<2x10112x8xf32, #tpu.memory_space<vmem>>, vector<1x10112x8xf32>
    %get3A_8 = vector.shape_cast %get3A_7 : vector<1x10112x8xf32> to vector<10112x8xf32>
    %add3A = arith.addf %get3A_3, %get3A_8 : vector<10112x8xf32>
    %slice3A = vector.extract_strided_slice %add3A {offsets = [0, 0], sizes = [10000, 1], strides = [1, 1]} : vector<10112x8xf32> to vector<10000x1xf32>
    %gt3A = arith.constant 0.000000e+00 : f32
    %gt3A_9 = vector.broadcast %gt3A : f32 to vector<10000x1xf32>
    %gt3A_10 = arith.cmpf ogt, %slice3A, %gt3A_9 : vector<10000x1xf32>
    %jit3A = arith.constant 1.000000e+00 : f32
    %broadcast_in_dim3A = vector.broadcast %jit3A : f32 to vector<10000x1xf32>
    %select_n3A = arith.select %gt3A_10, %slice3A, %broadcast_in_dim3A : vector<10000x1xi1>, vector<10000x1xf32>
    %rsqrt3A = math.rsqrt %select_n3A : vector<10000x1xf32>
    %get3A_11 = arith.constant 0 : index
    %get3A_12 = arith.constant 0 : index
    %get3A_13 = vector.load %arg1[%get3A_11, %get3A_12] : memref<10000x128xf32, #tpu.memory_space<vmem>>, vector<10000x128xf32>
    %mul3A = vector.broadcast %rsqrt3A : vector<10000x1xf32> to vector<10000x128xf32>
    %mul3A_14 = arith.mulf %get3A_13, %mul3A : vector<10000x128xf32>
    %swap3A = arith.constant 0 : index
    %swap3A_15 = arith.constant 0 : index
    %swap3A_16 = vector.load %arg2[%swap3A, %swap3A_15] : memref<10112x128xf32, #tpu.memory_space<vmem>>, vector<10000x128xf32>
    tpu.vector_store %arg2[%swap3A, %swap3A_15], %mul3A_14 {strides = array<i32>} : memref<10112x128xf32, #tpu.memory_space<vmem>>, vector<10000x128xf32>,
    %broadcast_in_dim3A_17 = arith.constant 0.000000e+00 : f32
    %broadcast_in_dim3A_18 = vector.broadcast %broadcast_in_dim3A_17 : f32 to vector<112x128xf32>
    %swap3A_19 = arith.constant 10000 : index
    %swap3A_20 = arith.constant 0 : index
    %swap3A_21 = vector.load %arg2[%swap3A_19, %swap3A_20] : memref<10112x128xf32, #tpu.memory_space<vmem>>, vector<112x128xf32>
    tpu.vector_store %arg2[%swap3A_19, %swap3A_20], %broadcast_in_dim3A_18 {strides = array<i32>} : memref<10112x128xf32, #tpu.memory_space<vmem>>, vector<112x128xf32>,
    return
  }
}

module attributes {stable_mosaic.version = 14 : i64} {
  func.func @_tc_mid(%arg0: memref<2x10112x8xf32, #tpu.memory_space<vmem>>, %arg1: memref<2x10112x128xf32, #tpu.memory_space<vmem>>, %arg2: memref<128x128xf32, #tpu.memory_space<vmem>>, %arg3: memref<128xf32, #tpu.memory_space<vmem>>, %arg4: memref<128xf32, #tpu.memory_space<vmem>>, %arg5: memref<128xf32, #tpu.memory_space<vmem>>, %arg6: memref<10112x128xf32, #tpu.memory_space<vmem>>) attributes {dimension_semantics = [], scalar_prefetch = 0 : i64, scratch_operands = 0 : i64, tpu.core_type = #tpu.core_type<tc>} {
    %get3A = arith.constant 0 : index
    %get3A_0 = arith.constant 0 : index
    %get3A_1 = arith.constant 0 : index
    %get3A_2 = vector.load %arg0[%get3A, %get3A_0, %get3A_1] : memref<2x10112x8xf32, #tpu.memory_space<vmem>>, vector<1x10112x8xf32>
    %get3A_3 = vector.shape_cast %get3A_2 : vector<1x10112x8xf32> to vector<10112x8xf32>
    %get3A_4 = arith.constant 1 : index
    %get3A_5 = arith.constant 0 : index
    %get3A_6 = arith.constant 0 : index
    %get3A_7 = vector.load %arg0[%get3A_4, %get3A_5, %get3A_6] : memref<2x10112x8xf32, #tpu.memory_space<vmem>>, vector<1x10112x8xf32>
    %get3A_8 = vector.shape_cast %get3A_7 : vector<1x10112x8xf32> to vector<10112x8xf32>
    %add3A = arith.addf %get3A_3, %get3A_8 : vector<10112x8xf32>
    %slice3A = vector.extract_strided_slice %add3A {offsets = [0, 0], sizes = [10000, 1], strides = [1, 1]} : vector<10112x8xf32> to vector<10000x1xf32>
    %slice3A_9 = vector.extract_strided_slice %add3A {offsets = [0, 1], sizes = [10000, 1], strides = [1, 1]} : vector<10112x8xf32> to vector<10000x1xf32>
    %gt3A = arith.constant 0.000000e+00 : f32
    %gt3A_10 = vector.broadcast %gt3A : f32 to vector<10000x1xf32>
    %gt3A_11 = arith.cmpf ogt, %slice3A, %gt3A_10 : vector<10000x1xf32>
    %jit3A = arith.constant 1.000000e+00 : f32
    %broadcast_in_dim3A = vector.broadcast %jit3A : f32 to vector<10000x1xf32>
    %select_n3A = arith.select %gt3A_11, %slice3A, %broadcast_in_dim3A : vector<10000x1xi1>, vector<10000x1xf32>
    %rsqrt3A = math.rsqrt %select_n3A : vector<10000x1xf32>
    %gt3A_12 = arith.constant 0.000000e+00 : f32
    %gt3A_13 = vector.broadcast %gt3A_12 : f32 to vector<10000x1xf32>
    %gt3A_14 = arith.cmpf ogt, %slice3A_9, %gt3A_13 : vector<10000x1xf32>
    %jit3A_15 = arith.constant 1.000000e+00 : f32
    %broadcast_in_dim3A_16 = vector.broadcast %jit3A_15 : f32 to vector<10000x1xf32>
    %select_n3A_17 = arith.select %gt3A_14, %slice3A_9, %broadcast_in_dim3A_16 : vector<10000x1xi1>, vector<10000x1xf32>
    %rsqrt3A_18 = math.rsqrt %select_n3A_17 : vector<10000x1xf32>
    %get3A_19 = arith.constant 0 : index
    %get3A_20 = arith.constant 0 : index
    %get3A_21 = arith.constant 0 : index
    %get3A_22 = vector.load %arg1[%get3A_19, %get3A_20, %get3A_21] : memref<2x10112x128xf32, #tpu.memory_space<vmem>>, vector<1x10000x128xf32>
    %get3A_23 = vector.shape_cast %get3A_22 : vector<1x10000x128xf32> to vector<10000x128xf32>
    %get3A_24 = arith.constant 1 : index
    %get3A_25 = arith.constant 0 : index
    %get3A_26 = arith.constant 0 : index
    %get3A_27 = vector.load %arg1[%get3A_24, %get3A_25, %get3A_26] : memref<2x10112x128xf32, #tpu.memory_space<vmem>>, vector<1x10000x128xf32>
    %get3A_28 = vector.shape_cast %get3A_27 : vector<1x10000x128xf32> to vector<10000x128xf32>
    %add3A_29 = arith.addf %get3A_23, %get3A_28 : vector<10000x128xf32>
    %mul3A = vector.broadcast %rsqrt3A_18 : vector<10000x1xf32> to vector<10000x128xf32>
    %mul3A_30 = arith.mulf %add3A_29, %mul3A : vector<10000x128xf32>
    %get3A_31 = arith.constant 0 : index
    %get3A_32 = arith.constant 0 : index
    %get3A_33 = vector.load %arg2[%get3A_31, %get3A_32] : memref<128x128xf32, #tpu.memory_space<vmem>>, vector<128x128xf32>
    %dot_general3A = arith.constant dense<0.000000e+00> : vector<10000x128xf32>
    %dot_general3A_34 = tpu.matmul %mul3A_30, %get3A_33, %dot_general3A {dimension_numbers = #tpu.dot_dimension_numbers<[1], [0], [0], [1], [0, 0, 1, 1], [], []>, transpose_lhs_hint = false} : vector<10000x128xf32>, vector<128x128xf32>, vector<10000x128xf32> -> vector<10000x128xf32>
    %get3A_35 = arith.constant 0 : index
    %get3A_36 = vector.load %arg3[%get3A_35] : memref<128xf32, #tpu.memory_space<vmem>>, vector<128xf32>
    %broadcast_in_dim3A_37 = vector.shape_cast %get3A_36 : vector<128xf32> to vector<1x128xf32>
    %add3A_38 = vector.broadcast %broadcast_in_dim3A_37 : vector<1x128xf32> to vector<10000x128xf32>
    %add3A_39 = arith.addf %dot_general3A_34, %add3A_38 : vector<10000x128xf32>
    %reduce_sum3A = arith.constant dense<0.000000e+00> : vector<128xf32>
    %reduce_sum3A_40 = vector.multi_reduction <add>, %add3A_39, %reduce_sum3A [0] : vector<10000x128xf32> to vector<128xf32>
    %broadcast_in_dim3A_41 = vector.shape_cast %reduce_sum3A_40 : vector<128xf32> to vector<1x128xf32>
    %div3A = arith.constant 1.000000e+04 : f32
    %div3A_42 = vector.broadcast %div3A : f32 to vector<1x128xf32>
    %div3A_43 = arith.divf %broadcast_in_dim3A_41, %div3A_42 : vector<1x128xf32>
    %sub3A = vector.broadcast %div3A_43 : vector<1x128xf32> to vector<10000x128xf32>
    %sub3A_44 = arith.subf %add3A_39, %sub3A : vector<10000x128xf32>
    %mul3A_45 = arith.mulf %sub3A_44, %sub3A_44 : vector<10000x128xf32>
    %reduce_sum3A_46 = arith.constant dense<0.000000e+00> : vector<128xf32>
    %reduce_sum3A_47 = vector.multi_reduction <add>, %mul3A_45, %reduce_sum3A_46 [0] : vector<10000x128xf32> to vector<128xf32>
    %broadcast_in_dim3A_48 = vector.shape_cast %reduce_sum3A_47 : vector<128xf32> to vector<1x128xf32>
    %div3A_49 = arith.constant 1.000000e+04 : f32
    %div3A_50 = vector.broadcast %div3A_49 : f32 to vector<1x128xf32>
    %div3A_51 = arith.divf %broadcast_in_dim3A_48, %div3A_50 : vector<1x128xf32>
    %add3A_52 = arith.constant 9.99999974E-6 : f32
    %add3A_53 = vector.broadcast %add3A_52 : f32 to vector<1x128xf32>
    %add3A_54 = arith.addf %div3A_51, %add3A_53 : vector<1x128xf32>
    %rsqrt3A_55 = math.rsqrt %add3A_54 : vector<1x128xf32>
    %mul3A_56 = vector.broadcast %rsqrt3A_55 : vector<1x128xf32> to vector<10000x128xf32>
    %mul3A_57 = arith.mulf %sub3A_44, %mul3A_56 : vector<10000x128xf32>
    %get3A_58 = arith.constant 0 : index
    %get3A_59 = vector.load %arg4[%get3A_58] : memref<128xf32, #tpu.memory_space<vmem>>, vector<128xf32>
    %broadcast_in_dim3A_60 = vector.shape_cast %get3A_59 : vector<128xf32> to vector<1x128xf32>
    %mul3A_61 = vector.broadcast %broadcast_in_dim3A_60 : vector<1x128xf32> to vector<10000x128xf32>
    %mul3A_62 = arith.mulf %mul3A_57, %mul3A_61 : vector<10000x128xf32>
    %get3A_63 = arith.constant 0 : index
    %get3A_64 = vector.load %arg5[%get3A_63] : memref<128xf32, #tpu.memory_space<vmem>>, vector<128xf32>
    %broadcast_in_dim3A_65 = vector.shape_cast %get3A_64 : vector<128xf32> to vector<1x128xf32>
    %add3A_66 = vector.broadcast %broadcast_in_dim3A_65 : vector<1x128xf32> to vector<10000x128xf32>
    %add3A_67 = arith.addf %mul3A_62, %add3A_66 : vector<10000x128xf32>
    %max3A = arith.constant 0.000000e+00 : f32
    %max3A_68 = vector.broadcast %max3A : f32 to vector<10000x128xf32>
    %max3A_69 = arith.maximumf %add3A_67, %max3A_68 : vector<10000x128xf32>
    %mul3A_70 = vector.broadcast %rsqrt3A : vector<10000x1xf32> to vector<10000x128xf32>
    %mul3A_71 = arith.mulf %max3A_69, %mul3A_70 : vector<10000x128xf32>
    %swap3A = arith.constant 0 : index
    %swap3A_72 = arith.constant 0 : index
    %swap3A_73 = vector.load %arg6[%swap3A, %swap3A_72] : memref<10112x128xf32, #tpu.memory_space<vmem>>, vector<10000x128xf32>
    tpu.vector_store %arg6[%swap3A, %swap3A_72], %mul3A_71 {strides = array<i32>} : memref<10112x128xf32, #tpu.memory_space<vmem>>, vector<10000x128xf32>,
    %broadcast_in_dim3A_74 = arith.constant 0.000000e+00 : f32
    %broadcast_in_dim3A_75 = vector.broadcast %broadcast_in_dim3A_74 : f32 to vector<112x128xf32>
    %swap3A_76 = arith.constant 10000 : index
    %swap3A_77 = arith.constant 0 : index
    %swap3A_78 = vector.load %arg6[%swap3A_76, %swap3A_77] : memref<10112x128xf32, #tpu.memory_space<vmem>>, vector<112x128xf32>
    tpu.vector_store %arg6[%swap3A_76, %swap3A_77], %broadcast_in_dim3A_75 {strides = array<i32>} : memref<10112x128xf32, #tpu.memory_space<vmem>>, vector<112x128xf32>,
    return
  }
}

module attributes {stable_mosaic.version = 14 : i64} {
  func.func @_tc_y2(%arg0: memref<10112x128xf32, #tpu.memory_space<vmem>>, %arg1: memref<128x48xf32, #tpu.memory_space<vmem>>, %arg2: memref<2x10112x24xf32, #tpu.memory_space<vmem>>) attributes {dimension_semantics = [], scalar_prefetch = 0 : i64, scratch_operands = 0 : i64, tpu.core_type = #tpu.core_type<tc>} {
    %get3A = arith.constant 0 : index
    %get3A_0 = arith.constant 0 : index
    %get3A_1 = vector.load %arg0[%get3A, %get3A_0] : memref<10112x128xf32, #tpu.memory_space<vmem>>, vector<10000x128xf32>
    %get3A_2 = arith.constant 0 : index
    %get3A_3 = arith.constant 0 : index
    %get3A_4 = vector.load %arg1[%get3A_2, %get3A_3] : memref<128x48xf32, #tpu.memory_space<vmem>>, vector<128x48xf32>
    %dot_general3A = arith.constant dense<0.000000e+00> : vector<10000x48xf32>
    %dot_general3A_5 = tpu.matmul %get3A_1, %get3A_4, %dot_general3A {dimension_numbers = #tpu.dot_dimension_numbers<[1], [0], [0], [1], [0, 0, 1, 1], [], []>, transpose_lhs_hint = false} : vector<10000x128xf32>, vector<128x48xf32>, vector<10000x48xf32> -> vector<10000x48xf32>
    %slice3A = vector.extract_strided_slice %dot_general3A_5 {offsets = [0, 0], sizes = [10000, 24], strides = [1, 1]} : vector<10000x48xf32> to vector<10000x24xf32>
    %swap3A = arith.constant 0 : index
    %swap3A_6 = arith.constant 0 : index
    %swap3A_7 = arith.constant 0 : index
    %swap3A_8 = vector.load %arg2[%swap3A, %swap3A_6, %swap3A_7] : memref<2x10112x24xf32, #tpu.memory_space<vmem>>, vector<1x10000x24xf32>
    %swap3A_9 = vector.shape_cast %swap3A_8 : vector<1x10000x24xf32> to vector<10000x24xf32>
    %swap3A_10 = vector.shape_cast %slice3A : vector<10000x24xf32> to vector<1x10000x24xf32>
    tpu.vector_store %arg2[%swap3A, %swap3A_6, %swap3A_7], %swap3A_10 {strides = array<i32>} : memref<2x10112x24xf32, #tpu.memory_space<vmem>>, vector<1x10000x24xf32>,
    %broadcast_in_dim3A = arith.constant 0.000000e+00 : f32
    %broadcast_in_dim3A_11 = vector.broadcast %broadcast_in_dim3A : f32 to vector<112x24xf32>
    %swap3A_12 = arith.constant 0 : index
    %swap3A_13 = arith.constant 10000 : index
    %swap3A_14 = arith.constant 0 : index
    %swap3A_15 = vector.load %arg2[%swap3A_12, %swap3A_13, %swap3A_14] : memref<2x10112x24xf32, #tpu.memory_space<vmem>>, vector<1x112x24xf32>
    %swap3A_16 = vector.shape_cast %swap3A_15 : vector<1x112x24xf32> to vector<112x24xf32>
    %swap3A_17 = vector.shape_cast %broadcast_in_dim3A_11 : vector<112x24xf32> to vector<1x112x24xf32>
    tpu.vector_store %arg2[%swap3A_12, %swap3A_13, %swap3A_14], %swap3A_17 {strides = array<i32>} : memref<2x10112x24xf32, #tpu.memory_space<vmem>>, vector<1x112x24xf32>,
    %slice3A_18 = vector.extract_strided_slice %dot_general3A_5 {offsets = [0, 24], sizes = [10000, 24], strides = [1, 1]} : vector<10000x48xf32> to vector<10000x24xf32>
    %swap3A_19 = arith.constant 1 : index
    %swap3A_20 = arith.constant 0 : index
    %swap3A_21 = arith.constant 0 : index
    %swap3A_22 = vector.load %arg2[%swap3A_19, %swap3A_20, %swap3A_21] : memref<2x10112x24xf32, #tpu.memory_space<vmem>>, vector<1x10000x24xf32>
    %swap3A_23 = vector.shape_cast %swap3A_22 : vector<1x10000x24xf32> to vector<10000x24xf32>
    %swap3A_24 = vector.shape_cast %slice3A_18 : vector<10000x24xf32> to vector<1x10000x24xf32>
    tpu.vector_store %arg2[%swap3A_19, %swap3A_20, %swap3A_21], %swap3A_24 {strides = array<i32>} : memref<2x10112x24xf32, #tpu.memory_space<vmem>>, vector<1x10000x24xf32>,
    %broadcast_in_dim3A_25 = arith.constant 0.000000e+00 : f32
    %broadcast_in_dim3A_26 = vector.broadcast %broadcast_in_dim3A_25 : f32 to vector<112x24xf32>
    %swap3A_27 = arith.constant 1 : index
    %swap3A_28 = arith.constant 10000 : index
    %swap3A_29 = arith.constant 0 : index
    %swap3A_30 = vector.load %arg2[%swap3A_27, %swap3A_28, %swap3A_29] : memref<2x10112x24xf32, #tpu.memory_space<vmem>>, vector<1x112x24xf32>
    %swap3A_31 = vector.shape_cast %swap3A_30 : vector<1x112x24xf32> to vector<112x24xf32>
    %swap3A_32 = vector.shape_cast %broadcast_in_dim3A_26 : vector<112x24xf32> to vector<1x112x24xf32>
    tpu.vector_store %arg2[%swap3A_27, %swap3A_28, %swap3A_29], %swap3A_32 {strides = array<i32>} : memref<2x10112x24xf32, #tpu.memory_space<vmem>>, vector<1x112x24xf32>,
    return
  }
}

module attributes {stable_mosaic.version = 14 : i64} {
  func.func @_tc3(%arg0: memref<2x10112x8xf32, #tpu.memory_space<vmem>>, %arg1: memref<2x10112x24xf32, #tpu.memory_space<vmem>>, %arg2: memref<40xf32, #tpu.memory_space<vmem>>, %arg3: memref<10000x40xf32, #tpu.memory_space<vmem>>) attributes {dimension_semantics = [], scalar_prefetch = 0 : i64, scratch_operands = 0 : i64, tpu.core_type = #tpu.core_type<tc>} {
    %get3A = arith.constant 0 : index
    %get3A_0 = arith.constant 0 : index
    %get3A_1 = arith.constant 0 : index
    %get3A_2 = vector.load %arg0[%get3A, %get3A_0, %get3A_1] : memref<2x10112x8xf32, #tpu.memory_space<vmem>>, vector<1x10112x8xf32>
    %get3A_3 = vector.shape_cast %get3A_2 : vector<1x10112x8xf32> to vector<10112x8xf32>
    %get3A_4 = arith.constant 1 : index
    %get3A_5 = arith.constant 0 : index
    %get3A_6 = arith.constant 0 : index
    %get3A_7 = vector.load %arg0[%get3A_4, %get3A_5, %get3A_6] : memref<2x10112x8xf32, #tpu.memory_space<vmem>>, vector<1x10112x8xf32>
    %get3A_8 = vector.shape_cast %get3A_7 : vector<1x10112x8xf32> to vector<10112x8xf32>
    %add3A = arith.addf %get3A_3, %get3A_8 : vector<10112x8xf32>
    %slice3A = vector.extract_strided_slice %add3A {offsets = [0, 1], sizes = [10000, 1], strides = [1, 1]} : vector<10112x8xf32> to vector<10000x1xf32>
    %gt3A = arith.constant 0.000000e+00 : f32
    %gt3A_9 = vector.broadcast %gt3A : f32 to vector<10000x1xf32>
    %gt3A_10 = arith.cmpf ogt, %slice3A, %gt3A_9 : vector<10000x1xf32>
    %jit3A = arith.constant 1.000000e+00 : f32
    %broadcast_in_dim3A = vector.broadcast %jit3A : f32 to vector<10000x1xf32>
    %select_n3A = arith.select %gt3A_10, %slice3A, %broadcast_in_dim3A : vector<10000x1xi1>, vector<10000x1xf32>
    %rsqrt3A = math.rsqrt %select_n3A : vector<10000x1xf32>
    %get3A_11 = arith.constant 0 : index
    %get3A_12 = arith.constant 0 : index
    %get3A_13 = arith.constant 0 : index
    %get3A_14 = vector.load %arg1[%get3A_11, %get3A_12, %get3A_13] : memref<2x10112x24xf32, #tpu.memory_space<vmem>>, vector<1x10000x24xf32>
    %get3A_15 = vector.shape_cast %get3A_14 : vector<1x10000x24xf32> to vector<10000x24xf32>
    %get3A_16 = arith.constant 1 : index
    %get3A_17 = arith.constant 0 : index
    %get3A_18 = arith.constant 0 : index
    %get3A_19 = vector.load %arg1[%get3A_16, %get3A_17, %get3A_18] : memref<2x10112x24xf32, #tpu.memory_space<vmem>>, vector<1x10000x24xf32>
    %get3A_20 = vector.shape_cast %get3A_19 : vector<1x10000x24xf32> to vector<10000x24xf32>
    %concatenate3A = tpu.concatenate %get3A_15, %get3A_20 in 1 : vector<10000x24xf32>, vector<10000x24xf32> -> vector<10000x48xf32>
    %slice3A_21 = vector.extract_strided_slice %concatenate3A {offsets = [0, 0], sizes = [10000, 40], strides = [1, 1]} : vector<10000x48xf32> to vector<10000x40xf32>
    %mul3A = vector.broadcast %rsqrt3A : vector<10000x1xf32> to vector<10000x40xf32>
    %mul3A_22 = arith.mulf %slice3A_21, %mul3A : vector<10000x40xf32>
    %get3A_23 = arith.constant 0 : index
    %get3A_24 = vector.load %arg2[%get3A_23] : memref<40xf32, #tpu.memory_space<vmem>>, vector<40xf32>
    %broadcast_in_dim3A_25 = vector.shape_cast %get3A_24 : vector<40xf32> to vector<1x40xf32>
    %add3A_26 = vector.broadcast %broadcast_in_dim3A_25 : vector<1x40xf32> to vector<10000x40xf32>
    %add3A_27 = arith.addf %mul3A_22, %add3A_26 : vector<10000x40xf32>
    %swap3A = arith.constant 0 : index
    %swap3A_28 = arith.constant 0 : index
    %swap3A_29 = vector.load %arg3[%swap3A, %swap3A_28] : memref<10000x40xf32, #tpu.memory_space<vmem>>, vector<10000x40xf32>
    tpu.vector_store %arg3[%swap3A, %swap3A_28], %add3A_27 {strides = array<i32>} : memref<10000x40xf32, #tpu.memory_space<vmem>>, vector<10000x40xf32>,
    return
  }
}

</mosaic_0001>

<sc_bundles>
// kernel: closed_call.19.cloned.1.call-start
scs
__scs_entry_jumppad:
0x0: {  	(pc) =	sbr.rel $0x88, $3  }
0x1: {  	(tag) =	ssettag $0x0;
	lr =	simm.s32 $0x1  }
0x2: {  	[smem:$0x3F95] =	sst lr;
	_ =	strace $0xD0000000  }
0x3: {  	_ = 	snop  }
0x4: {  	_ = 	snop  }
0x5: {  	_ = 	snop  }
0x6: {  	_ = 	snop  }
0x7: {  	_ = 	snop  }
__scs_overlays_trampoline_lowered:
0x8: {  	[smem:$0x3FA4] =	sst s0  }
0x9: {  	[smem:$0x3FA5] =	sst s1  }
0xa: {  	[smem:$0x3FA6] =	sst s2  }
0xb: {  	[smem:$0x3FA7] =	sst s3  }
0xc: {  	[smem:$0x3FA8] =	sst s4  }
0xd: {  	[smem:$0x3FA9] =	sst s5  }
0xe: {  	[smem:$0x3FAA] =	sst s6  }
0xf: {  	[smem:$0x3FAB] =	sst s7  }
0x10: {  	[smem:$0x3FAC] =	sst s8  }
0x11: {  	[smem:$0x3FAD] =	sst s9;
	s0 =	simm.s32 @!p0 $0x0  }
0x12: {  	s1 =	sld [smem:$0x3F93];
	s0 =	simm.s32 @p0 $0x1  }
0x13: {  	[smem:$0x3FAE] =	sst s0;
	s0 =	simm.s32 @!p1 $0x0  }
0x14: {  	s2 =	sld [smem:$0x3F92];
	s0 =	simm.s32 @p1 $0x1  }
0x15: {  	[smem:$0x3FAF] =	sst s0;
	s0 =	simm.s32 @!p2 $0x0  }
0x16: {  	s3 =	sld [smem:$0x3FDB];
	s0 =	simm.s32 @p2 $0x1  }
0x17: {  	s4 =	simm.s32 $0x1BF5;
	[smem:$0x3FB1] =	sst s0  }
0x18: {  	s0 =	sld [smem:$0x3F94];
	_ =	swait.ge [sflag:s4], $0x0  }
0x19: {  	s7 =	sld [smem:$0x3F95]  }
0x1a: {  	s8 =	sadd.s32 $0xFFFFE003, lr  }
0x1b: {  	s9 =	sadd.s32 $0xFFFFFEF7, lr;
	s5 =	simm.s32 $0xFFFFFFFF;
	p2 =	slt.u32 s8, $0xFFFFF086  }
0x1c: {  	p1 =	slt.u32 s9, $0xF7A;
	s5 =	simm.s32 @!p2 $0x0  }
0x1d: {  	s5 =	simm.s32 @p1 $0x1;
	p0 =	seq.s32 s7, s2  }
0x1e: {  	s7 =	smul.u32 @!p0 $0xF7A, s2;
	p2 =	seq.s32 @!p0 s5, $0x0  }
0x1f: {  	s9 =	smul.u32 $0xF7A, s1;
	s8 =	simm.s32 @!p0 $0x1BF5;
	p2 =	por !p2, p0  }
0x20: {  	[sflag:s8] =	ssyncset.s32 @!p0 $0xFFFFF086;
	s6 =	sadd.s32 @!p0 s3, s7;
	s7 =	simm.s32 @!p0 $0x108  }
0x21: {  	s3 =	sadd.s32 s3, s9;
	s6 =	sadd.s32 @!p0 $0x88, s6;
	s7 =	simm.s32 @p2 $0x1082  }
0x22: {  	[simem:s7], [sflag:s8] =	dma.local @!p0 [hbm:s6], $0xF7A  }
0x23: {  	s9 =	sor.u32 $0xD0000000, s2;
	s6 =	simm.s32 $0x108;
	_ =	swait.ge @!p0 [sflag:s8], $0x0  }
0x24: {  	s3 =	sadd.s32 $0x88, s3;
	s6 =	simm.s32 @!p1 $0x1082;
	[sflag:s4] =	ssyncset.s32 $0xFFFFF086  }
0x25: {  	[simem:s6], [sflag:s4] =	dma.local [hbm:s3], $0xF7A  }
0x26: {  	[smem:$0x3F95] =	sst s1;
	(tag) =	ssettag s2;
	_ =	strace s9  }
0x27: {  	s1 =	sld [smem:$0x3FA5]  }
0x28: {  	s2 =	sld [smem:$0x3FA6]  }
0x29: {  	s4 =	sld [smem:$0x3FA8]  }
0x2a: {  	p0 =	seq.s32 s5, $0x0;
	s5 =	sld [smem:$0x3FA9]  }
0x2b: {  	s6 =	sld [smem:$0x3FAA]  }
0x2c: {  	s7 =	sld [smem:$0x3FAB]  }
0x2d: {  	s3 =	simm.s32 $0x108;
	s8 =	sld [smem:$0x3FAC]  }
0x2e: {  	s3 =	simm.s32 @!p0 $0x1082;
	s9 =	sld [smem:$0x3FAD]  }
0x2f: {  	lr =	sadd.s32 s0, s3;
	s0 =	sld [smem:$0x3FA4]  }
0x30: {  	s3 =	sld [smem:$0x3FA7]  }
0x31: {  	[smem:$0x3FB0] =	sst s10  }
0x32: {  	s10 =	sld [smem:$0x3FAE];
	_ =	sdelay $0x3  }
0x33: {  	p0 =	seq.s32 s10, $0x1;
	s10 =	sld [smem:$0x3FB0];
	_ =	sdelay $0x3  }
0x34: {  	[smem:$0x3FB0] =	sst s10  }
0x35: {  	s10 =	sld [smem:$0x3FAF];
	_ =	sdelay $0x3  }
0x36: {  	p1 =	seq.s32 s10, $0x1;
	s10 =	sld [smem:$0x3FB0];
	_ =	sdelay $0x3  }
0x37: {  	[smem:$0x3FB0] =	sst s10  }
0x38: {  	s10 =	sld [smem:$0x3FB1]  }
0x39: {  	_ = 	snop;
	(pc) =	sbr.ind lr, $3  }
0x3a: {  	_ = 	snop  }
0x3b: {  	_ = 	snop  }
0x3c: {  	p2 =	seq.s32 s10, $0x1;
	s10 =	sld [smem:$0x3FB0]  }
0x3d: {  	_ =	shalt  }
0x3e: {  	_ =	shalt  }
0x3f: {  	_ =	shalt  }
0x40: {  	_ =	shalt  }
0x41: {  	_ =	shalt  }
0x42: {  	_ =	shalt  }
0x43: {  	_ =	shalt  }
0x44: {  	_ =	shalt  }
0x45: {  	_ =	shalt  }
0x46: {  	_ =	shalt  }
0x47: {  	_ =	shalt  }
0x48: {  	_ =	shalt  }
0x49: {  	_ =	shalt  }
0x4a: {  	_ =	shalt  }
0x4b: {  	_ =	shalt  }
0x4c: {  	_ =	shalt  }
0x4d: {  	_ =	shalt  }
0x4e: {  	_ =	shalt  }
0x4f: {  	_ =	shalt  }
0x50: {  	_ =	shalt  }
0x51: {  	_ =	shalt  }
0x52: {  	_ =	shalt  }
0x53: {  	_ =	shalt  }
0x54: {  	_ =	shalt  }
0x55: {  	_ =	shalt  }
0x56: {  	_ =	shalt  }
0x57: {  	_ =	shalt  }
0x58: {  	_ =	shalt  }
0x59: {  	_ =	shalt  }
0x5a: {  	_ =	shalt  }
0x5b: {  	_ =	shalt  }
0x5c: {  	_ =	shalt  }
0x5d: {  	_ =	shalt  }
0x5e: {  	_ =	shalt  }
0x5f: {  	_ =	shalt  }
0x60: {  	_ =	shalt  }
0x61: {  	_ =	shalt  }
0x62: {  	_ =	shalt  }
0x63: {  	_ =	shalt  }
0x64: {  	_ =	shalt  }
0x65: {  	_ =	shalt  }
0x66: {  	_ =	shalt  }
0x67: {  	_ =	shalt  }
0x68: {  	_ =	shalt  }
0x69: {  	_ =	shalt  }
0x6a: {  	_ =	shalt  }
0x6b: {  	_ =	shalt  }
0x6c: {  	_ =	shalt  }
0x6d: {  	_ =	shalt  }
0x6e: {  	_ =	shalt  }
0x6f: {  	_ =	shalt  }
0x70: {  	_ =	shalt  }
0x71: {  	_ =	shalt  }
0x72: {  	_ =	shalt  }
0x73: {  	_ =	shalt  }
0x74: {  	_ =	shalt  }
0x75: {  	_ =	shalt  }
0x76: {  	_ =	shalt  }
0x77: {  	_ =	shalt  }
0x78: {  	_ =	shalt  }
0x79: {  	_ =	shalt  }
0x7a: {  	_ =	shalt  }
0x7b: {  	_ =	shalt  }
0x7c: {  	_ =	shalt  }
0x7d: {  	_ =	shalt  }
0x7e: {  	_ =	shalt  }
0x7f: {  	_ =	shalt  }
0x80: {  	_ =	shalt  }
0x81: {  	_ =	shalt  }
0x82: {  	_ =	shalt  }
0x83: {  	_ =	shalt  }
0x84: {  	_ =	shalt  }
0x85: {  	_ =	shalt  }
0x86: {  	_ =	shalt  }
0x87: {  	_ =	shalt  }
.Lfunc_end0:
.L_simem_size_0:
called_computation_lowered:
.L_overlay_start_0:
0x88: {  	s2 =	sld [smem:$0x3FD9]  }
0x89: {  	s3 =	sld [smem:$0x3FFE];
	_ =	sdelay $0x1  }
0x8a: {  	s1 =	srdreg.scid  }
0x8b: {  	s0 =	sand.u32 $0x1, s1  }
0x8c: {  	s16 =	sshll.u32 s0, $0xA;
	s2 =	sadd.s32 s3, s2  }
0x8d: {  	s2 =	sadd.s32 s2, s16  }
0x8e: {  	[smem:$0x3FBC] =	sst s2  }
0x8f: {  	_ = 	snop  }
0x90: {  	(tm) =	ssettm $0x1  }
0x91: {  	s17 =	sld [smem:$0x3FFB];
	_ =	sdelay $0x3  }
0x92: {  	_ =	strace s17  }
0x93: {  	s2 =	sld [smem:$0x3FFC];
	_ =	sdelay $0x3  }
0x94: {  	_ =	strace s2  }
0x95: {  	s2 =	sld [smem:$0x3FFD];
	_ =	sdelay $0x3  }
0x96: {  	_ =	strace s2  }
0x97: {  	_ =	strace $0x8FFFFFFF  }
0x98: {  	s18 =	sld [smem:$0x3FDB];
	_ =	sdelay $0x1  }
0x99: {  	s19 =	simm.s32 $_scs_section_size  }
0x9a: {  	s4 =	simm.s32 $_size__tile_overlayer_lowered;
	s5 =	simm.s32 $_tile_overlayer_lowered  }
0x9b: {  	s22 =	simm.s32 $0x1BFF;
	s21 =	sshll.u32 s5, $0x1;
	s2 =	sadd.s32 s19, s18  }
0x9c: {  	s6 =	simm.s32 $0x0;
	s20 =	sshll.u32 s4, $0x1;
	s4 =	sadd.s32 s21, s2  }
0x9d: {  	[timem:s6], [sflag:s22] =	dma.local [hbm:s4], s20  }
0x9e: {  	_ =	swait.ge [sflag:s22], s20  }
0x9f: {  	s3 =	ssub.s32 $0x0, s20;
	[sflag:s22] =	ssyncset.done $0x0  }
0xa0: {  	[sflag:s22] =	ssyncadd.s32 s3;
	_ =	sdelay $0x1  }
0xa1: {  	s23 =	simm.s32 $0x1B8B  }
0xa2: {  	_ =	swait.ge [sflag:s23], $0x1  }
0xa3: {  	[sflag:s23] =	ssyncset.done $0x0  }
0xa4: {  	s25 =	simm.s32 $0x1B8E;
	s24 =	sld [smem:$0x3FFE];
	[sflag:s23] =	ssyncadd.s32 $0xFFFFFFFF  }
0xa5: {  	s26 =	simm.s32 $execute0_lowered;
	[smem:$0x3FD2] =	sst s25  }
0xa6: {  	s4 =	sshll.u32 s26, $0x1;
	_ =	strace $0x8000004C;
	[dreg:$0x1] =	wrdreg $0xFFFFFFFF  }
0xa7: {  	s28 =	simm.s32 $_size_execute0_lowered;
	s2 =	sadd.s32 s2, s4;
	[dreg:$0x0] =	wrdreg $0x0  }
0xa8: {  	s4 =	sshll.u32 s28, $0x1;
	[dreg:$0x2] =	wrdreg s2  }
0xa9: {  	[dreg:$0x3] =	wrdreg s4  }
0xaa: {  	[dreg:$0x4] =	wrdreg $0xC0  }
0xab: {  	_ =	task [dreg:s6], $0x5FFFF  }
0xac: {  	[dreg:$0x1] =	wrdreg $0xFFFFFFFF  }
0xad: {  	[dreg:$0x0] =	wrdreg $0x60  }
0xae: {  	[dreg:$0x2] =	wrdreg s24  }
0xaf: {  	[dreg:$0x3] =	wrdreg $0x0  }
0xb0: {  	[dreg:$0x4] =	wrdreg $0x9  }
0xb1: {  	_ =	task.clear_ibuf [dreg:s6], $0x5FFFF;
	_ =	strace $0x9000004C  }
0xb2: {  	s29 =	simm.s32 $0x9;
	_ =	strace $0x8000004E  }
0xb3: {  	_ =	swait.ge [sflag:s29], $0x1  }
0xb4: {  	[sflag:s29] =	ssyncadd.s32 $0xFFFFFFFF  }
0xb5: {  	_ =	strace $0x9000004E  }
0xb6: {  	_ =	sfence  }
0xb7: {  	s30 =	sld [smem:$0x0];
	_ =	sdelay $0x2  }
0xb8: {  	s31 =	sshll.u32 s1, $0xD;
	s1 =	sshrl.u32 s1, $0x2  }
0xb9: {  	s3 =	sand.u32 $0x4000, s31;
	s1 =	sadd.s32 s1, s30  }
0xba: {  	s0 =	sor.u32 s3, s0;
	s1 =	sshll.u32 s1, $0x11  }
0xbb: {  	s0 =	sor.u32 s1, s0  }
0xbc: {  	s0 =	sadd.s32 $0x8F2B, s0  }
0xbd: {  	[sflag:s0] =	ssyncadd.remote.s32 $0x1  }
0xbe: {  	_ =	sfence.sel $0xFFFF  }
0xbf: {  	[dreg:$0x0] =	wrdreg $0xFFFFFFFF;
	(pc) =	sbr.abs _section_cstart, $3  }
0xc0: {  	[dreg:$0x1] =	wrdreg $0xFFFFFFFF  }
0xc1: {  	_ =	task.clear_ibuf [dreg:s6], $0x2FFFF;
	_ =	strace $0x9FFFFFFF  }
0xc2: {  	(tm) =	ssettm $0x7FFFFFFF  }
0xc3: {  	_ =	shalt  }
tec
execute0_lowered:
.L_overlay_start_1:
0x0: {  	(tag) =	ssettag $0x1  }
0x1: {  	s0 =	rddreg [dreg:$0x0]  }
0x2: {  	s1 =	rddreg [dreg:$0x1]  }
0x3: {  	s2 =	srdreg.scid;
	s3 =	simm.s32 $0x0;
	s11 =	stileid.u32  }
0x4: {  	s16 =	simm.s32 $0x6;
	s28 =	simm.s32 $0x19C00;
	s30 =	simm.s32 $0x1C400  }
0x5: {  	s31 =	simm.s32 $0x1;
	s29 =	simm.s32 $0x0;
	s2 =	sand.u32 $0x1, s2  }
0x6: {  	[smem:$0x7FF] =	sst s3;
	s6 =	smul.u32 $0x13C00, s11;
	s4 =	sadd.s32 $0x13200, s0  }
0x7: {  	s7 =	sadd.s32 $0x3AA00, s0;
	s8 =	sadd.s32 $0x4AA00, s0;
	s17 =	sadd.s32 $0xDC00, s0  }
0x8: {  	s19 =	smul.u32 $0x4F000, s11;
	s10 =	sshll.u32 s11, $0xE;
	s21 =	sshll.u32 s11, $0x6  }
0x9: {  	s5 =	smul.u32 $0x13C000, s2;
	_ =	strace $0x8000004D;
	s18 =	ssub.s32 $0x2, s2  }
0xa: {  	[dreg:$0x3] =	wrdreg s17;
	s2 =	sshll.u32 s2, $0x12;
	s9 =	sshrl.u32 s18, $0x1  }
0xb: {  	s2 =	sor.u32 s10, s2;
	s5 =	sadd.s32 s6, s5;
	s6 =	sshrl.u32 s19, $0x2  }
0xc: {  	s10 =	sshrl.u32 s2, $0x3;
	s2 =	sor.u32 $0x800, s2;
	s19 =	simm.s32 $0x5  }
0xd: {  	s5 =	sshrl.u32 s5, $0x3;
	s20 =	sadd.s32 s6, s1;
	s6 =	sor.u32 $0x1C06, s21  }
0xe: {  	s22 =	sadd.s32 s7, s10;
	s23 =	sor.u32 $0x80, s10;
	s10 =	sadd.s32 s8, s10  }
0xf: {  	s26 =	sshrl.u32 s2, $0x3;
	s21 =	simm.s32 $0x14800;
	s2 =	simm.s32 $0x3  }
0x10: {  	s0 =	sadd.s32 s5, s0;
	s5 =	ssub.s32 s18, s9;
	[dreg:$0x4] =	wrdreg s22  }
0x11: {  	[dreg:$0x5] =	wrdreg s10;
	s24 =	sadd.s32 s7, s23;
	s25 =	sadd.s32 s8, s23  }
0x12: {  	s10 =	sadd.s32 s26, s8;
	s14 =	sadd.s32 s26, s7;
	s15 =	sshrl.u32 s20, $0x3  }
0x13: {  	s8 =	simm.s32 $0x14400;
	s20 =	simm.s32 $0x14000;
	[dreg:$0x6] =	wrdreg s24  }
0x14: {  	s22 =	simm.s32 $0x50;
	s23 =	simm.s32 $0x14C00;
	[dreg:$0x7] =	wrdreg s25  }
0x15: {  	s0 =	sadd.s32 $0x5AA00, s0;
	s12 =	smax.u32 s5, $0x1;
	s25 =	simm.s32 $0x17400  }
0x16: {  	s24 =	simm.s32 $0x4;
	[dreg:$0x8] =	wrdreg s0;
	s0 =	simm.s32 $0x2  }
.LBB2_1:
0x17: {  	s5 =	rddreg [dreg:$0x3]  }
0x18: {  	[spmem:s15], [sflag:s6] =	dma.local [hbm:s5], $0x2780  }
0x19: {  	_ =	swait.ge [sflag:s16], $0x2780  }
0x1a: {  	[sflag:s16] =	ssyncset.done $0x0  }
0x1b: {  	s7 =	simm.s32 $0x13C00;
	s11 =	rddreg [dreg:$0x4];
	[sflag:s16] =	ssyncadd.s32 $0xFFFFD880  }
0x1c: {  	[tilespmem:s7], [sflag:$0x5] =	stream.linear.gather [hbm4b:s11+s3], $0x400, $0x38;
	[tilespmem:$0x1EC00] =	vst v63  }
0x1d: {  	s13 =	rddreg [dreg:$0x5]  }
0x1e: {  	[tilespmem:s8], [sflag:$0x5] =	stream.linear.gather [hbm4b:s13+s3], $0x400, $0x38;
	[tilespmem:$0x1EC00] =	vst v63  }
0x1f: {  	_ =	swait.ge [sflag:s19], $0x400  }
0x20: {  	[sflag:s19] =	ssyncset.done $0x0  }
0x21: {  	[sflag:s19] =	ssyncadd.s32 $0xFFFFFC00  }
0x22: {  	_ =	swait.ge [sflag:s19], $0x400  }
0x23: {  	[sflag:s19] =	ssyncset.done $0x0  }
0x24: {  	s17 =	rddreg [dreg:$0x6];
	[sflag:s19] =	ssyncadd.s32 $0xFFFFFC00  }
0x25: {  	[tilespmem:s20], [sflag:$0x5] =	stream.linear.gather [hbm4b:s17+s3], $0x400, $0x38;
	[tilespmem:$0x1EC00] =	vst v63  }
0x26: {  	s18 =	rddreg [dreg:$0x7]  }
0x27: {  	[tilespmem:s21], [sflag:$0x5] =	stream.linear.gather [hbm4b:s18+s3], $0x400, $0x38;
	[tilespmem:$0x1EC00] =	vst v63  }
0x28: {  	[bflag:$0x0] =	sbarrier.arrive $0xFFFF  }
0x29: {  	[tilespmem:s23], [sflag:$0x1] =	stream.indirect.gather [hbm4b:s4+s22], $0x80, s7, s22, $0xb8;
	[tilespmem:$0x1EC00] =	vst v63  }
0x2a: {  	s26 =	simm.s32 $0x13C80  }
0x2b: {  	[tilespmem:s25], [sflag:$0x2] =	stream.indirect.gather [hbm4b:s4+s22], $0x80, s26, s22, $0xb8;
	[tilespmem:$0x1EC00] =	vst v63  }
0x2c: {  	s7 =	simm.s32 $0x13D00  }
0x2d: {  	[tilespmem:s28], [sflag:$0x3] =	stream.indirect.gather [hbm4b:s4+s22], $0x80, s7, s22, $0xb8;
	[tilespmem:$0x1EC00] =	vst v63  }
0x2e: {  	s8 =	simm.s32 $0x13D80  }
0x2f: {  	[tilespmem:s30], [sflag:$0x4] =	stream.indirect.gather [hbm4b:s4+s22], $0x80, s8, s22, $0xb8;
	[tilespmem:$0x1EC00] =	vst v63  }
0x30: {  	s9 =	simm.s32 $0x0;
	_ =	swait.ge [sflag:s31], $0x2800  }
0x31: {  	s5 =	sand.u32 $0x400, s9;
	[sflag:s31] =	ssyncset.done $0x0  }
0x32: {  	s26 =	sadd.s32 $0x14400, s5;
	[sflag:s31] =	ssyncadd.s32 $0xFFFFD800  }
0x33: {  	[spmem:s1] =	stream.indirect.scatter.add.f32 [tilespmem:s23], [sflag:$0x6], $0x80, s26, s22, $0xb8;
	[tilespmem:$0x1EC00] =	vst v63  }
0x34: {  	_ =	swait.ge [sflag:s16], $0x2800  }
0x35: {  	[sflag:s16] =	ssyncset.done $0x0  }
0x36: {  	s11 =	sadd.s32 $0x13E00, s5;
	[sflag:s16] =	ssyncadd.s32 $0xFFFFD800  }
0x37: {  	[tilespmem:s23], [sflag:$0x1] =	stream.indirect.gather [hbm4b:s4+s22], $0x80, s11, s22, $0xb8;
	[tilespmem:$0x1EC00] =	vst v63  }
0x38: {  	_ =	swait.ge [sflag:s0], $0x2800  }
0x39: {  	[sflag:s0] =	ssyncset.done $0x0  }
0x3a: {  	s13 =	sadd.s32 $0x14480, s5;
	[sflag:s0] =	ssyncadd.s32 $0xFFFFD800  }
0x3b: {  	[spmem:s1] =	stream.indirect.scatter.add.f32 [tilespmem:s25], [sflag:$0x6], $0x80, s13, s22, $0xb8;
	[tilespmem:$0x1EC00] =	vst v63  }
0x3c: {  	_ =	swait.ge [sflag:s16], $0x2800  }
0x3d: {  	[sflag:s16] =	ssyncset.done $0x0  }
0x3e: {  	s17 =	sadd.s32 $0x13E80, s5;
	[sflag:s16] =	ssyncadd.s32 $0xFFFFD800  }
0x3f: {  	[tilespmem:s25], [sflag:$0x2] =	stream.indirect.gather [hbm4b:s4+s22], $0x80, s17, s22, $0xb8;
	[tilespmem:$0x1EC00] =	vst v63  }
0x40: {  	_ =	swait.ge [sflag:s2], $0x2800  }
0x41: {  	[sflag:s2] =	ssyncset.done $0x0  }
0x42: {  	s18 =	sadd.s32 $0x14500, s5;
	[sflag:s2] =	ssyncadd.s32 $0xFFFFD800  }
0x43: {  	[spmem:s1] =	stream.indirect.scatter.add.f32 [tilespmem:s28], [sflag:$0x6], $0x80, s18, s22, $0xb8;
	[tilespmem:$0x1EC00] =	vst v63  }
0x44: {  	_ =	swait.ge [sflag:s16], $0x2800  }
0x45: {  	[sflag:s16] =	ssyncset.done $0x0  }
0x46: {  	s8 =	sadd.s32 $0x13F00, s5;
	[sflag:s16] =	ssyncadd.s32 $0xFFFFD800  }
0x47: {  	[tilespmem:s28], [sflag:$0x3] =	stream.indirect.gather [hbm4b:s4+s22], $0x80, s8, s22, $0xb8;
	[tilespmem:$0x1EC00] =	vst v63  }
0x48: {  	_ =	swait.ge [sflag:s24], $0x2800  }
0x49: {  	[sflag:s24] =	ssyncset.done $0x0  }
0x4a: {  	s9 =	sadd.s32 $0x14580, s5;
	[sflag:s24] =	ssyncadd.s32 $0xFFFFD800  }
0x4b: {  	[spmem:s1] =	stream.indirect.scatter.add.f32 [tilespmem:s30], [sflag:$0x6], $0x80, s9, s22, $0xb8;
	[tilespmem:$0x1EC00] =	vst v63  }
0x4c: {  	_ =	swait.ge [sflag:s16], $0x2800  }
0x4d: {  	[sflag:s16] =	ssyncset.done $0x0  }
0x4e: {  	s11 =	sadd.s32 $0x13F80, s5;
	[sflag:s16] =	ssyncadd.s32 $0xFFFFD800  }
0x4f: {  	[tilespmem:s30], [sflag:$0x4] =	stream.indirect.gather [hbm4b:s4+s22], $0x80, s11, s22, $0xb8;
	[tilespmem:$0x1EC00] =	vst v63  }
0x50: {  	_ =	swait.ge [sflag:s19], $0x400  }
0x51: {  	[sflag:s19] =	ssyncset.done $0x0  }
0x52: {  	[sflag:s19] =	ssyncadd.s32 $0xFFFFFC00  }
0x53: {  	_ =	swait.ge [sflag:s19], $0x400  }
0x54: {  	[sflag:s19] =	ssyncset.done $0x0  }
0x55: {  	[sflag:s19] =	ssyncadd.s32 $0xFFFFFC00  }
0x56: {  	_ =	swait.ge [sflag:s31], $0x2800  }
0x57: {  	[sflag:s31] =	ssyncset.done $0x0  }
0x58: {  	s13 =	sadd.s32 $0x14600, s5;
	[sflag:s31] =	ssyncadd.s32 $0xFFFFD800  }
0x59: {  	[spmem:s1] =	stream.indirect.scatter.add.f32 [tilespmem:s23], [sflag:$0x6], $0x80, s13, s22, $0xb8;
	[tilespmem:$0x1EC00] =	vst v63  }
0x5a: {  	s17 =	simm.s32 $0x400;
	_ =	swait.ge [sflag:s16], $0x2800  }
0x5b: {  	s7 =	sand.u32 $0x400, s17;
	[sflag:s16] =	ssyncset.done $0x0  }
0x5c: {  	s18 =	sadd.s32 $0x13C00, s7;
	[sflag:s16] =	ssyncadd.s32 $0xFFFFD800  }
0x5d: {  	[tilespmem:s23], [sflag:$0x1] =	stream.indirect.gather [hbm4b:s4+s22], $0x80, s18, s22, $0xb8;
	[tilespmem:$0x1EC00] =	vst v63  }
0x5e: {  	_ =	swait.ge [sflag:s0], $0x2800  }
0x5f: {  	[sflag:s0] =	ssyncset.done $0x0  }
0x60: {  	s9 =	sadd.s32 $0x14680, s5;
	[sflag:s0] =	ssyncadd.s32 $0xFFFFD800  }
0x61: {  	[spmem:s1] =	stream.indirect.scatter.add.f32 [tilespmem:s25], [sflag:$0x6], $0x80, s9, s22, $0xb8;
	[tilespmem:$0x1EC00] =	vst v63  }
0x62: {  	_ =	swait.ge [sflag:s16], $0x2800  }
0x63: {  	[sflag:s16] =	ssyncset.done $0x0  }
0x64: {  	s11 =	sadd.s32 $0x13C80, s7;
	[sflag:s16] =	ssyncadd.s32 $0xFFFFD800  }
0x65: {  	[tilespmem:s25], [sflag:$0x2] =	stream.indirect.gather [hbm4b:s4+s22], $0x80, s11, s22, $0xb8;
	[tilespmem:$0x1EC00] =	vst v63  }
0x66: {  	_ =	swait.ge [sflag:s2], $0x2800  }
0x67: {  	[sflag:s2] =	ssyncset.done $0x0  }
0x68: {  	s13 =	sadd.s32 $0x14700, s5;
	[sflag:s2] =	ssyncadd.s32 $0xFFFFD800  }
0x69: {  	[spmem:s1] =	stream.indirect.scatter.add.f32 [tilespmem:s28], [sflag:$0x6], $0x80, s13, s22, $0xb8;
	[tilespmem:$0x1EC00] =	vst v63  }
0x6a: {  	_ =	swait.ge [sflag:s16], $0x2800  }
0x6b: {  	[sflag:s16] =	ssyncset.done $0x0  }
0x6c: {  	s17 =	sadd.s32 $0x13D00, s7;
	[sflag:s16] =	ssyncadd.s32 $0xFFFFD800  }
0x6d: {  	[tilespmem:s28], [sflag:$0x3] =	stream.indirect.gather [hbm4b:s4+s22], $0x80, s17, s22, $0xb8;
	[tilespmem:$0x1EC00] =	vst v63  }
0x6e: {  	_ =	swait.ge [sflag:s24], $0x2800  }
0x6f: {  	[sflag:s24] =	ssyncset.done $0x0  }
0x70: {  	s18 =	sadd.s32 $0x14780, s5;
	[sflag:s24] =	ssyncadd.s32 $0xFFFFD800  }
0x71: {  	[spmem:s1] =	stream.indirect.scatter.add.f32 [tilespmem:s30], [sflag:$0x6], $0x80, s18, s22, $0xb8;
	[tilespmem:$0x1EC00] =	vst v63  }
0x72: {  	_ =	swait.ge [sflag:s16], $0x2800  }
0x73: {  	[sflag:s16] =	ssyncset.done $0x0  }
0x74: {  	s7 =	sadd.s32 $0x13D80, s7;
	[sflag:s16] =	ssyncadd.s32 $0xFFFFD800  }
0x75: {  	[tilespmem:s30], [sflag:$0x4] =	stream.indirect.gather [hbm4b:s4+s22], $0x80, s7, s22, $0xb8;
	[tilespmem:$0x1EC00] =	vst v63  }
0x76: {  	s8 =	sadd.s32 $0x80, s14;
	s5 =	sadd.s32 $0x13C00, s5;
	s9 =	simm.s32 $0x2000  }
0x77: {  	[tilespmem:s5], [sflag:$0x5] =	stream.linear.gather [hbm4b:s14+s3], $0x400, $0x38;
	[tilespmem:$0x1EC00] =	vst v63  }
0x78: {  	s13 =	smov.u32 s10;
	s7 =	sadd.s32 $0x80, s10;
	s5 =	simm.s32 $0x8  }
.LBB2_2:
0x79: {  	[tilespmem:s26], [sflag:$0x5] =	stream.linear.gather [hbm4b:s13+s3], $0x400, $0x38;
	[tilespmem:$0x1EC00] =	vst v63  }
0x7a: {  	s13 =	sshll.u32 s5, $0x7;
	p0 =	sne.s32 s5, $0x68;
	_ =	swait.ge [sflag:s31], $0x2800  }
0x7b: {  	s5 =	sadd.s32 $0x8, s5;
	s17 =	sand.u32 $0x400, s13;
	[sflag:s31] =	ssyncset.done $0x0  }
0x7c: {  	s13 =	smov.u32 s7;
	s26 =	sadd.s32 $0x14400, s17;
	[sflag:s31] =	ssyncadd.s32 $0xFFFFD800  }
0x7d: {  	[spmem:s1] =	stream.indirect.scatter.add.f32 [tilespmem:s23], [sflag:$0x6], $0x80, s26, s22, $0xb8;
	[tilespmem:$0x1EC00] =	vst v63  }
0x7e: {  	_ =	swait.ge [sflag:s16], $0x2800  }
0x7f: {  	[sflag:s16] =	ssyncset.done $0x0  }
0x80: {  	s11 =	sadd.s32 $0x13E00, s17;
	[sflag:s16] =	ssyncadd.s32 $0xFFFFD800  }
0x81: {  	[tilespmem:s23], [sflag:$0x1] =	stream.indirect.gather [hbm4b:s4+s22], $0x80, s11, s22, $0xb8;
	[tilespmem:$0x1EC00] =	vst v63  }
0x82: {  	_ =	swait.ge [sflag:s0], $0x2800  }
0x83: {  	[sflag:s0] =	ssyncset.done $0x0  }
0x84: {  	s11 =	sadd.s32 $0x14480, s17;
	[sflag:s0] =	ssyncadd.s32 $0xFFFFD800  }
0x85: {  	[spmem:s1] =	stream.indirect.scatter.add.f32 [tilespmem:s25], [sflag:$0x6], $0x80, s11, s22, $0xb8;
	[tilespmem:$0x1EC00] =	vst v63  }
0x86: {  	_ =	swait.ge [sflag:s16], $0x2800  }
0x87: {  	[sflag:s16] =	ssyncset.done $0x0  }
0x88: {  	s11 =	sadd.s32 $0x13E80, s17;
	[sflag:s16] =	ssyncadd.s32 $0xFFFFD800  }
0x89: {  	[tilespmem:s25], [sflag:$0x2] =	stream.indirect.gather [hbm4b:s4+s22], $0x80, s11, s22, $0xb8;
	[tilespmem:$0x1EC00] =	vst v63  }
0x8a: {  	_ =	swait.ge [sflag:s2], $0x2800  }
0x8b: {  	[sflag:s2] =	ssyncset.done $0x0  }
0x8c: {  	s11 =	sadd.s32 $0x14500, s17;
	[sflag:s2] =	ssyncadd.s32 $0xFFFFD800  }
0x8d: {  	[spmem:s1] =	stream.indirect.scatter.add.f32 [tilespmem:s28], [sflag:$0x6], $0x80, s11, s22, $0xb8;
	[tilespmem:$0x1EC00] =	vst v63  }
0x8e: {  	_ =	swait.ge [sflag:s16], $0x2800  }
0x8f: {  	[sflag:s16] =	ssyncset.done $0x0  }
0x90: {  	s11 =	sadd.s32 $0x13F00, s17;
	[sflag:s16] =	ssyncadd.s32 $0xFFFFD800  }
0x91: {  	[tilespmem:s28], [sflag:$0x3] =	stream.indirect.gather [hbm4b:s4+s22], $0x80, s11, s22, $0xb8;
	[tilespmem:$0x1EC00] =	vst v63  }
0x92: {  	_ =	swait.ge [sflag:s24], $0x2800  }
0x93: {  	[sflag:s24] =	ssyncset.done $0x0  }
0x94: {  	s11 =	sadd.s32 $0x14580, s17;
	[sflag:s24] =	ssyncadd.s32 $0xFFFFD800  }
0x95: {  	[spmem:s1] =	stream.indirect.scatter.add.f32 [tilespmem:s30], [sflag:$0x6], $0x80, s11, s22, $0xb8;
	[tilespmem:$0x1EC00] =	vst v63  }
0x96: {  	_ =	swait.ge [sflag:s16], $0x2800  }
0x97: {  	[sflag:s16] =	ssyncset.done $0x0  }
0x98: {  	s11 =	sadd.s32 $0x13F80, s17;
	[sflag:s16] =	ssyncadd.s32 $0xFFFFD800  }
0x99: {  	[tilespmem:s30], [sflag:$0x4] =	stream.indirect.gather [hbm4b:s4+s22], $0x80, s11, s22, $0xb8;
	[tilespmem:$0x1EC00] =	vst v63  }
0x9a: {  	_ =	swait.ge [sflag:s19], $0x400  }
0x9b: {  	[sflag:s19] =	ssyncset.done $0x0  }
0x9c: {  	[sflag:s19] =	ssyncadd.s32 $0xFFFFFC00  }
0x9d: {  	_ =	swait.ge [sflag:s19], $0x400  }
0x9e: {  	[sflag:s19] =	ssyncset.done $0x0  }
0x9f: {  	[sflag:s19] =	ssyncadd.s32 $0xFFFFFC00  }
0xa0: {  	_ =	swait.ge [sflag:s31], $0x2800  }
0xa1: {  	[sflag:s31] =	ssyncset.done $0x0  }
0xa2: {  	s11 =	sadd.s32 $0x14600, s17;
	[sflag:s31] =	ssyncadd.s32 $0xFFFFD800  }
0xa3: {  	[spmem:s1] =	stream.indirect.scatter.add.f32 [tilespmem:s23], [sflag:$0x6], $0x80, s11, s22, $0xb8;
	[tilespmem:$0x1EC00] =	vst v63  }
0xa4: {  	s11 =	sshrl.u32 s9, $0x2;
	_ =	swait.ge [sflag:s16], $0x2800  }
0xa5: {  	s11 =	sand.u32 $0x400, s11;
	[sflag:s16] =	ssyncset.done $0x0  }
0xa6: {  	s18 =	sadd.s32 $0x13C00, s11;
	[sflag:s16] =	ssyncadd.s32 $0xFFFFD800  }
0xa7: {  	[tilespmem:s23], [sflag:$0x1] =	stream.indirect.gather [hbm4b:s4+s22], $0x80, s18, s22, $0xb8;
	[tilespmem:$0x1EC00] =	vst v63  }
0xa8: {  	_ =	swait.ge [sflag:s0], $0x2800  }
0xa9: {  	[sflag:s0] =	ssyncset.done $0x0  }
0xaa: {  	s18 =	sadd.s32 $0x14680, s17;
	[sflag:s0] =	ssyncadd.s32 $0xFFFFD800  }
0xab: {  	[spmem:s1] =	stream.indirect.scatter.add.f32 [tilespmem:s25], [sflag:$0x6], $0x80, s18, s22, $0xb8;
	[tilespmem:$0x1EC00] =	vst v63  }
0xac: {  	_ =	swait.ge [sflag:s16], $0x2800  }
0xad: {  	[sflag:s16] =	ssyncset.done $0x0  }
0xae: {  	s18 =	sadd.s32 $0x13C80, s11;
	[sflag:s16] =	ssyncadd.s32 $0xFFFFD800  }
0xaf: {  	[tilespmem:s25], [sflag:$0x2] =	stream.indirect.gather [hbm4b:s4+s22], $0x80, s18, s22, $0xb8;
	[tilespmem:$0x1EC00] =	vst v63  }
0xb0: {  	_ =	swait.ge [sflag:s2], $0x2800  }
0xb1: {  	[sflag:s2] =	ssyncset.done $0x0  }
0xb2: {  	s18 =	sadd.s32 $0x14700, s17;
	[sflag:s2] =	ssyncadd.s32 $0xFFFFD800  }
0xb3: {  	[spmem:s1] =	stream.indirect.scatter.add.f32 [tilespmem:s28], [sflag:$0x6], $0x80, s18, s22, $0xb8;
	[tilespmem:$0x1EC00] =	vst v63  }
0xb4: {  	_ =	swait.ge [sflag:s16], $0x2800  }
0xb5: {  	[sflag:s16] =	ssyncset.done $0x0  }
0xb6: {  	s18 =	sadd.s32 $0x13D00, s11;
	[sflag:s16] =	ssyncadd.s32 $0xFFFFD800  }
0xb7: {  	[tilespmem:s28], [sflag:$0x3] =	stream.indirect.gather [hbm4b:s4+s22], $0x80, s18, s22, $0xb8;
	[tilespmem:$0x1EC00] =	vst v63  }
0xb8: {  	_ =	swait.ge [sflag:s24], $0x2800  }
0xb9: {  	[sflag:s24] =	ssyncset.done $0x0  }
0xba: {  	s18 =	sadd.s32 $0x14780, s17;
	[sflag:s24] =	ssyncadd.s32 $0xFFFFD800  }
0xbb: {  	[spmem:s1] =	stream.indirect.scatter.add.f32 [tilespmem:s30], [sflag:$0x6], $0x80, s18, s22, $0xb8;
	[tilespmem:$0x1EC00] =	vst v63  }
0xbc: {  	_ =	swait.ge [sflag:s16], $0x2800  }
0xbd: {  	[sflag:s16] =	ssyncset.done $0x0  }
.Ltmp0:
0xbe: {  	s11 =	sadd.s32 $0x13D80, s11;
	[sflag:s16] =	ssyncadd.s32 $0xFFFFD800;
	(pc) =	sbr.rel @p0 .LBB2_2-.Ltmp0, $4  }
0xbf: {  	[tilespmem:s30], [sflag:$0x4] =	stream.indirect.gather [hbm4b:s4+s22], $0x80, s11, s22, $0xb8;
	[tilespmem:$0x1EC00] =	vst v63  }
0xc0: {  	s11 =	sadd.s32 $0x13C00, s17  }
0xc1: {  	[tilespmem:s11], [sflag:$0x5] =	stream.linear.gather [hbm4b:s8+s3], $0x400, $0x38;
	[tilespmem:$0x1EC00] =	vst v63  }
0xc2: {  	s7 =	sadd.s32 $0x80, s7;
	s9 =	sadd.s32 $0x1000, s9;
	s8 =	sadd.s32 $0x80, s8  }
0xc3: {  	[tilespmem:s26], [sflag:$0x5] =	stream.linear.gather [hbm4b:s13+s3], $0x400, $0x38;
	[tilespmem:$0x1EC00] =	vst v63  }
0xc4: {  	_ =	swait.ge [sflag:s31], $0x2800  }
0xc5: {  	[sflag:s31] =	ssyncset.done $0x0  }
0xc6: {  	s8 =	simm.s32 $0x14400;
	[sflag:s31] =	ssyncadd.s32 $0xFFFFD800  }
0xc7: {  	[spmem:s1] =	stream.indirect.scatter.add.f32 [tilespmem:s23], [sflag:$0x6], $0x80, s8, s22, $0xb8;
	[tilespmem:$0x1EC00] =	vst v63  }
0xc8: {  	_ =	swait.ge [sflag:s16], $0x2800  }
0xc9: {  	[sflag:s16] =	ssyncset.done $0x0  }
0xca: {  	s5 =	simm.s32 $0x13E00;
	[sflag:s16] =	ssyncadd.s32 $0xFFFFD800  }
0xcb: {  	[tilespmem:s23], [sflag:$0x1] =	stream.indirect.gather [hbm4b:s4+s22], $0x80, s5, s22, $0xb8;
	[tilespmem:$0x1EC00] =	vst v63  }
0xcc: {  	_ =	swait.ge [sflag:s0], $0x2800  }
0xcd: {  	[sflag:s0] =	ssyncset.done $0x0  }
0xce: {  	s13 =	simm.s32 $0x14480;
	[sflag:s0] =	ssyncadd.s32 $0xFFFFD800  }
0xcf: {  	[spmem:s1] =	stream.indirect.scatter.add.f32 [tilespmem:s25], [sflag:$0x6], $0x80, s13, s22, $0xb8;
	[tilespmem:$0x1EC00] =	vst v63  }
0xd0: {  	_ =	swait.ge [sflag:s16], $0x2800  }
0xd1: {  	[sflag:s16] =	ssyncset.done $0x0  }
0xd2: {  	s17 =	simm.s32 $0x13E80;
	[sflag:s16] =	ssyncadd.s32 $0xFFFFD800  }
0xd3: {  	[tilespmem:s25], [sflag:$0x2] =	stream.indirect.gather [hbm4b:s4+s22], $0x80, s17, s22, $0xb8;
	[tilespmem:$0x1EC00] =	vst v63  }
0xd4: {  	_ =	swait.ge [sflag:s2], $0x2800  }
0xd5: {  	[sflag:s2] =	ssyncset.done $0x0  }
0xd6: {  	s18 =	simm.s32 $0x14500;
	[sflag:s2] =	ssyncadd.s32 $0xFFFFD800  }
0xd7: {  	[spmem:s1] =	stream.indirect.scatter.add.f32 [tilespmem:s28], [sflag:$0x6], $0x80, s18, s22, $0xb8;
	[tilespmem:$0x1EC00] =	vst v63  }
0xd8: {  	_ =	swait.ge [sflag:s16], $0x2800  }
0xd9: {  	[sflag:s16] =	ssyncset.done $0x0  }
0xda: {  	s26 =	simm.s32 $0x13F00;
	[sflag:s16] =	ssyncadd.s32 $0xFFFFD800  }
0xdb: {  	[tilespmem:s28], [sflag:$0x3] =	stream.indirect.gather [hbm4b:s4+s22], $0x80, s26, s22, $0xb8;
	[tilespmem:$0x1EC00] =	vst v63  }
0xdc: {  	_ =	swait.ge [sflag:s24], $0x2800  }
0xdd: {  	[sflag:s24] =	ssyncset.done $0x0  }
0xde: {  	s7 =	simm.s32 $0x14580;
	[sflag:s24] =	ssyncadd.s32 $0xFFFFD800  }
0xdf: {  	[spmem:s1] =	stream.indirect.scatter.add.f32 [tilespmem:s30], [sflag:$0x6], $0x80, s7, s22, $0xb8;
	[tilespmem:$0x1EC00] =	vst v63  }
0xe0: {  	_ =	swait.ge [sflag:s16], $0x2800  }
0xe1: {  	[sflag:s16] =	ssyncset.done $0x0  }
0xe2: {  	s9 =	simm.s32 $0x13F80;
	[sflag:s16] =	ssyncadd.s32 $0xFFFFD800  }
0xe3: {  	[tilespmem:s30], [sflag:$0x4] =	stream.indirect.gather [hbm4b:s4+s22], $0x80, s9, s22, $0xb8;
	[tilespmem:$0x1EC00] =	vst v63  }
0xe4: {  	_ =	swait.ge [sflag:s19], $0x400  }
0xe5: {  	[sflag:s19] =	ssyncset.done $0x0  }
0xe6: {  	[sflag:s19] =	ssyncadd.s32 $0xFFFFFC00  }
0xe7: {  	_ =	swait.ge [sflag:s19], $0x400  }
0xe8: {  	[sflag:s19] =	ssyncset.done $0x0  }
0xe9: {  	[sflag:s19] =	ssyncadd.s32 $0xFFFFFC00  }
0xea: {  	_ =	swait.ge [sflag:s31], $0x2800  }
0xeb: {  	[sflag:s31] =	ssyncset.done $0x0  }
0xec: {  	s11 =	simm.s32 $0x14600;
	[sflag:s31] =	ssyncadd.s32 $0xFFFFD800  }
0xed: {  	[spmem:s1] =	stream.indirect.scatter.add.f32 [tilespmem:s23], [sflag:$0x6], $0x80, s11, s22, $0xb8;
	[tilespmem:$0x1EC00] =	vst v63  }
0xee: {  	_ =	swait.ge [sflag:s16], $0x2800  }
0xef: {  	[sflag:s16] =	ssyncset.done $0x0  }
0xf0: {  	[sflag:s16] =	ssyncadd.s32 $0xFFFFD800  }
0xf1: {  	[tilespmem:s23], [sflag:$0x1] =	stream.indirect.gather [hbm4b:s4+s22], $0x80, s20, s22, $0xb8;
	[tilespmem:$0x1EC00] =	vst v63  }
0xf2: {  	_ =	swait.ge [sflag:s0], $0x2800  }
0xf3: {  	[sflag:s0] =	ssyncset.done $0x0  }
0xf4: {  	s13 =	simm.s32 $0x14680;
	[sflag:s0] =	ssyncadd.s32 $0xFFFFD800  }
0xf5: {  	[spmem:s1] =	stream.indirect.scatter.add.f32 [tilespmem:s25], [sflag:$0x6], $0x80, s13, s22, $0xb8;
	[tilespmem:$0x1EC00] =	vst v63  }
0xf6: {  	_ =	swait.ge [sflag:s16], $0x2800  }
0xf7: {  	[sflag:s16] =	ssyncset.done $0x0  }
0xf8: {  	s17 =	simm.s32 $0x14080;
	[sflag:s16] =	ssyncadd.s32 $0xFFFFD800  }
0xf9: {  	[tilespmem:s25], [sflag:$0x2] =	stream.indirect.gather [hbm4b:s4+s22], $0x80, s17, s22, $0xb8;
	[tilespmem:$0x1EC00] =	vst v63  }
0xfa: {  	_ =	swait.ge [sflag:s2], $0x2800  }
0xfb: {  	[sflag:s2] =	ssyncset.done $0x0  }
0xfc: {  	s18 =	simm.s32 $0x14700;
	[sflag:s2] =	ssyncadd.s32 $0xFFFFD800  }
0xfd: {  	[spmem:s1] =	stream.indirect.scatter.add.f32 [tilespmem:s28], [sflag:$0x6], $0x80, s18, s22, $0xb8;
	[tilespmem:$0x1EC00] =	vst v63  }
0xfe: {  	_ =	swait.ge [sflag:s16], $0x2800  }
0xff: {  	[sflag:s16] =	ssyncset.done $0x0  }
0x100: {  	s26 =	simm.s32 $0x14100;
	[sflag:s16] =	ssyncadd.s32 $0xFFFFD800  }
0x101: {  	[tilespmem:s28], [sflag:$0x3] =	stream.indirect.gather [hbm4b:s4+s22], $0x80, s26, s22, $0xb8;
	[tilespmem:$0x1EC00] =	vst v63  }
0x102: {  	_ =	swait.ge [sflag:s24], $0x2800  }
0x103: {  	[sflag:s24] =	ssyncset.done $0x0  }
0x104: {  	s7 =	simm.s32 $0x14780;
	[sflag:s24] =	ssyncadd.s32 $0xFFFFD800  }
0x105: {  	[spmem:s1] =	stream.indirect.scatter.add.f32 [tilespmem:s30], [sflag:$0x6], $0x80, s7, s22, $0xb8;
	[tilespmem:$0x1EC00] =	vst v63  }
0x106: {  	_ =	swait.ge [sflag:s16], $0x2800  }
0x107: {  	[sflag:s16] =	ssyncset.done $0x0  }
0x108: {  	s9 =	simm.s32 $0x14180;
	[sflag:s16] =	ssyncadd.s32 $0xFFFFD800  }
0x109: {  	[tilespmem:s30], [sflag:$0x4] =	stream.indirect.gather [hbm4b:s4+s22], $0x80, s9, s22, $0xb8;
	[tilespmem:$0x1EC00] =	vst v63  }
0x10a: {  	_ =	swait.ge [sflag:s31], $0x2800  }
0x10b: {  	[sflag:s31] =	ssyncset.done $0x0  }
0x10c: {  	[sflag:s31] =	ssyncadd.s32 $0xFFFFD800  }
0x10d: {  	[spmem:s1] =	stream.indirect.scatter.add.f32 [tilespmem:s23], [sflag:$0x6], $0x80, s21, s22, $0xb8;
	[tilespmem:$0x1EC00] =	vst v63  }
0x10e: {  	_ =	swait.ge [sflag:s16], $0x2800  }
0x10f: {  	[sflag:s16] =	ssyncset.done $0x0  }
0x110: {  	s11 =	simm.s32 $0x14200;
	[sflag:s16] =	ssyncadd.s32 $0xFFFFD800  }
0x111: {  	[tilespmem:s23], [sflag:$0x1] =	stream.indirect.gather [hbm4b:s4+s22], $0x80, s11, s22, $0xb8;
	[tilespmem:$0x1EC00] =	vst v63  }
0x112: {  	_ =	swait.ge [sflag:s0], $0x2800  }
0x113: {  	[sflag:s0] =	ssyncset.done $0x0  }
0x114: {  	s13 =	simm.s32 $0x14880;
	[sflag:s0] =	ssyncadd.s32 $0xFFFFD800  }
0x115: {  	[spmem:s1] =	stream.indirect.scatter.add.f32 [tilespmem:s25], [sflag:$0x6], $0x80, s13, s22, $0xb8;
	[tilespmem:$0x1EC00] =	vst v63  }
0x116: {  	_ =	swait.ge [sflag:s16], $0x2800  }
0x117: {  	[sflag:s16] =	ssyncset.done $0x0  }
0x118: {  	s17 =	simm.s32 $0x14280;
	[sflag:s16] =	ssyncadd.s32 $0xFFFFD800  }
0x119: {  	[tilespmem:s25], [sflag:$0x2] =	stream.indirect.gather [hbm4b:s4+s22], $0x80, s17, s22, $0xb8;
	[tilespmem:$0x1EC00] =	vst v63  }
0x11a: {  	_ =	swait.ge [sflag:s2], $0x2800  }
0x11b: {  	[sflag:s2] =	ssyncset.done $0x0  }
0x11c: {  	s18 =	simm.s32 $0x14900;
	[sflag:s2] =	ssyncadd.s32 $0xFFFFD800  }
0x11d: {  	[spmem:s1] =	stream.indirect.scatter.add.f32 [tilespmem:s28], [sflag:$0x6], $0x80, s18, s22, $0xb8;
	[tilespmem:$0x1EC00] =	vst v63  }
0x11e: {  	_ =	swait.ge [sflag:s16], $0x2800  }
0x11f: {  	[sflag:s16] =	ssyncset.done $0x0  }
0x120: {  	s26 =	simm.s32 $0x14300;
	[sflag:s16] =	ssyncadd.s32 $0xFFFFD800  }
0x121: {  	[tilespmem:s28], [sflag:$0x3] =	stream.indirect.gather [hbm4b:s4+s22], $0x80, s26, s22, $0xb8;
	[tilespmem:$0x1EC00] =	vst v63  }
0x122: {  	_ =	swait.ge [sflag:s24], $0x2800  }
0x123: {  	[sflag:s24] =	ssyncset.done $0x0  }
0x124: {  	s7 =	simm.s32 $0x14980;
	[sflag:s24] =	ssyncadd.s32 $0xFFFFD800  }
0x125: {  	[spmem:s1] =	stream.indirect.scatter.add.f32 [tilespmem:s30], [sflag:$0x6], $0x80, s7, s22, $0xb8;
	[tilespmem:$0x1EC00] =	vst v63  }
0x126: {  	_ =	swait.ge [sflag:s16], $0x2800  }
0x127: {  	[sflag:s16] =	ssyncset.done $0x0  }
0x128: {  	s9 =	simm.s32 $0x14380;
	[sflag:s16] =	ssyncadd.s32 $0xFFFFD800  }
0x129: {  	[tilespmem:s30], [sflag:$0x4] =	stream.indirect.gather [hbm4b:s4+s22], $0x80, s9, s22, $0xb8;
	[tilespmem:$0x1EC00] =	vst v63  }
0x12a: {  	_ =	swait.ge [sflag:s31], $0x2800  }
0x12b: {  	[sflag:s31] =	ssyncset.done $0x0  }
0x12c: {  	s11 =	simm.s32 $0x14A00;
	[sflag:s31] =	ssyncadd.s32 $0xFFFFD800  }
0x12d: {  	[spmem:s1] =	stream.indirect.scatter.add.f32 [tilespmem:s23], [sflag:$0x6], $0x80, s11, s22, $0xb8;
	[tilespmem:$0x1EC00] =	vst v63  }
0x12e: {  	_ =	swait.ge [sflag:s16], $0x2800  }
0x12f: {  	[sflag:s16] =	ssyncset.done $0x0  }
0x130: {  	[sflag:s16] =	ssyncadd.s32 $0xFFFFD800  }
0x131: {  	_ =	swait.ge [sflag:s0], $0x2800  }
0x132: {  	[sflag:s0] =	ssyncset.done $0x0  }
0x133: {  	s13 =	simm.s32 $0x14A80;
	[sflag:s0] =	ssyncadd.s32 $0xFFFFD800  }
0x134: {  	[spmem:s1] =	stream.indirect.scatter.add.f32 [tilespmem:s25], [sflag:$0x6], $0x80, s13, s22, $0xb8;
	[tilespmem:$0x1EC00] =	vst v63  }
0x135: {  	_ =	swait.ge [sflag:s16], $0x2800  }
0x136: {  	[sflag:s16] =	ssyncset.done $0x0  }
0x137: {  	[sflag:s16] =	ssyncadd.s32 $0xFFFFD800  }
0x138: {  	_ =	swait.ge [sflag:s2], $0x2800  }
0x139: {  	[sflag:s2] =	ssyncset.done $0x0  }
0x13a: {  	s17 =	simm.s32 $0x14B00;
	[sflag:s2] =	ssyncadd.s32 $0xFFFFD800  }
0x13b: {  	[spmem:s1] =	stream.indirect.scatter.add.f32 [tilespmem:s28], [sflag:$0x6], $0x80, s17, s22, $0xb8;
	[tilespmem:$0x1EC00] =	vst v63  }
0x13c: {  	_ =	swait.ge [sflag:s16], $0x2800  }
0x13d: {  	[sflag:s16] =	ssyncset.done $0x0  }
0x13e: {  	[sflag:s16] =	ssyncadd.s32 $0xFFFFD800  }
0x13f: {  	_ =	swait.ge [sflag:s24], $0x2800  }
0x140: {  	[sflag:s24] =	ssyncset.done $0x0  }
0x141: {  	s18 =	simm.s32 $0x14B80;
	[sflag:s24] =	ssyncadd.s32 $0xFFFFD800  }
0x142: {  	[spmem:s1] =	stream.indirect.scatter.add.f32 [tilespmem:s30], [sflag:$0x6], $0x80, s18, s22, $0xb8;
	[tilespmem:$0x1EC00] =	vst v63  }
0x143: {  	_ =	swait.ge [sflag:s16], $0x2800  }
0x144: {  	[sflag:s16] =	ssyncset.done $0x0  }
0x145: {  	s29 =	sadd.s32 $0x1, s29;
	[sflag:s16] =	ssyncadd.s32 $0xFFFFD800  }
0x146: {  	p0 =	sne.s32 s29, s12;
	[bflag:$0x0] =	sbarrier.arrive $0xFFFF  }
.Ltmp1:
0x147: {  	s26 =	rddreg [dreg:$0x8];
	(pc) =	sbr.rel @p0 .LBB2_1-.Ltmp1, $4  }
0x148: {  	[hbm:s26], [sflag:s6] =	dma.local [spmem:s15], $0x2780  }
0x149: {  	_ =	swait.ge [sflag:s16], $0x2780  }
0x14a: {  	[sflag:s16] =	ssyncset.done $0x0  }
0x14b: {  	[sflag:s16] =	ssyncadd.s32 $0xFFFFD880  }
0x14c: {  	_ =	sfence.sel $0x180000  }
0x14d: {  	[bflag:$0x0] =	sbarrier.arrive $0xFFFF  }
0x14e: {  	_ =	strace $0x9000004D  }
0x14f: {  	s0 =	stileid.u32;
	[bflag:$0x2] =	sbarrier.arrive $0xFFFF  }
0x150: {  	p0 =	sne.s32 s0, $0x0;
	s0 =	rddreg [dreg:$0x2]  }
0x151: {  	s0 =	sadd.s32 @!p0 $0x100000, s0  }
0x152: {  	[sflag:s0] =	ssyncadd.tile.s32 @!p0 $0x1;
	_ =	shalt  }
.Lfunc_end2:
_tile_overlayer_lowered:
.L_overlay_start_2:
0x153: {  	(tag) =	ssettag $0x2  }
0x154: {  	s0 =	rddreg [dreg:$0x0];
	s2 =	stileid.u32  }
0x155: {  	s1 =	rddreg [dreg:$0x1];
	p0 =	sne.s32 s2, $0x0  }
0x156: {  	s3 =	rddreg [dreg:$0x2];
	[bflag:$0x3] =	sbarrier.arrive $0xFFFF;
	s2 =	simm.s32 @!p0 $0x1C06  }
0x157: {  	[timem:s3], [sflag:s2] =	dma.local @!p0 [hbm:s0], s1  }
0x158: {  	s0 =	simm.s32 @!p0 $0x6  }
0x159: {  	_ =	swait.ge @!p0 [sflag:s0], s1  }
0x15a: {  	s1 =	ssub.s32 @!p0 $0x0, s1;
	[sflag:s0] =	ssyncset.done @!p0 $0x0  }
0x15b: {  	[sflag:s0] =	ssyncadd.s32 @!p0 s1  }
0x15c: {  	[bflag:$0x3] =	sbarrier.arrive $0xFFFF  }
0x15d: {  	_ =	shalt  }

// kernel: kernel.10.cloned.1.call-start
scs
__scs_entry_jumppad:
0x0: {  	(pc) =	sbr.rel $0x88, $3  }
0x1: {  	(tag) =	ssettag $0x0;
	lr =	simm.s32 $0x1  }
0x2: {  	[smem:$0x3F95] =	sst lr;
	_ =	strace $0xD0000000  }
0x3: {  	_ = 	snop  }
0x4: {  	_ = 	snop  }
0x5: {  	_ = 	snop  }
0x6: {  	_ = 	snop  }
0x7: {  	_ = 	snop  }
__scs_overlays_trampoline_lowered:
0x8: {  	[smem:$0x3FA4] =	sst s0  }
0x9: {  	[smem:$0x3FA5] =	sst s1  }
0xa: {  	[smem:$0x3FA6] =	sst s2  }
0xb: {  	[smem:$0x3FA7] =	sst s3  }
0xc: {  	[smem:$0x3FA8] =	sst s4  }
0xd: {  	[smem:$0x3FA9] =	sst s5  }
0xe: {  	[smem:$0x3FAA] =	sst s6  }
0xf: {  	[smem:$0x3FAB] =	sst s7  }
0x10: {  	[smem:$0x3FAC] =	sst s8  }
0x11: {  	[smem:$0x3FAD] =	sst s9;
	s0 =	simm.s32 @!p0 $0x0  }
0x12: {  	s1 =	sld [smem:$0x3F93];
	s0 =	simm.s32 @p0 $0x1  }
0x13: {  	[smem:$0x3FAE] =	sst s0;
	s0 =	simm.s32 @!p1 $0x0  }
0x14: {  	s2 =	sld [smem:$0x3F92];
	s0 =	simm.s32 @p1 $0x1  }
0x15: {  	[smem:$0x3FAF] =	sst s0;
	s0 =	simm.s32 @!p2 $0x0  }
0x16: {  	s3 =	sld [smem:$0x3FDB];
	s0 =	simm.s32 @p2 $0x1  }
0x17: {  	s4 =	simm.s32 $0x1BF5;
	[smem:$0x3FB1] =	sst s0  }
0x18: {  	s0 =	sld [smem:$0x3F94];
	_ =	swait.ge [sflag:s4], $0x0  }
0x19: {  	s7 =	sld [smem:$0x3F95]  }
0x1a: {  	s8 =	sadd.s32 $0xFFFFE003, lr  }
0x1b: {  	s9 =	sadd.s32 $0xFFFFFEF7, lr;
	s5 =	simm.s32 $0xFFFFFFFF;
	p2 =	slt.u32 s8, $0xFFFFF086  }
0x1c: {  	p1 =	slt.u32 s9, $0xF7A;
	s5 =	simm.s32 @!p2 $0x0  }
0x1d: {  	s5 =	simm.s32 @p1 $0x1;
	p0 =	seq.s32 s7, s2  }
0x1e: {  	s7 =	smul.u32 @!p0 $0xF7A, s2;
	p2 =	seq.s32 @!p0 s5, $0x0  }
0x1f: {  	s9 =	smul.u32 $0xF7A, s1;
	s8 =	simm.s32 @!p0 $0x1BF5;
	p2 =	por !p2, p0  }
0x20: {  	[sflag:s8] =	ssyncset.s32 @!p0 $0xFFFFF086;
	s6 =	sadd.s32 @!p0 s3, s7;
	s7 =	simm.s32 @!p0 $0x108  }
0x21: {  	s3 =	sadd.s32 s3, s9;
	s6 =	sadd.s32 @!p0 $0x88, s6;
	s7 =	simm.s32 @p2 $0x1082  }
0x22: {  	[simem:s7], [sflag:s8] =	dma.local @!p0 [hbm:s6], $0xF7A  }
0x23: {  	s9 =	sor.u32 $0xD0000000, s2;
	s6 =	simm.s32 $0x108;
	_ =	swait.ge @!p0 [sflag:s8], $0x0  }
0x24: {  	s3 =	sadd.s32 $0x88, s3;
	s6 =	simm.s32 @!p1 $0x1082;
	[sflag:s4] =	ssyncset.s32 $0xFFFFF086  }
0x25: {  	[simem:s6], [sflag:s4] =	dma.local [hbm:s3], $0xF7A  }
0x26: {  	[smem:$0x3F95] =	sst s1;
	(tag) =	ssettag s2;
	_ =	strace s9  }
0x27: {  	s1 =	sld [smem:$0x3FA5]  }
0x28: {  	s2 =	sld [smem:$0x3FA6]  }
0x29: {  	s4 =	sld [smem:$0x3FA8]  }
0x2a: {  	p0 =	seq.s32 s5, $0x0;
	s5 =	sld [smem:$0x3FA9]  }
0x2b: {  	s6 =	sld [smem:$0x3FAA]  }
0x2c: {  	s7 =	sld [smem:$0x3FAB]  }
0x2d: {  	s3 =	simm.s32 $0x108;
	s8 =	sld [smem:$0x3FAC]  }
0x2e: {  	s3 =	simm.s32 @!p0 $0x1082;
	s9 =	sld [smem:$0x3FAD]  }
0x2f: {  	lr =	sadd.s32 s0, s3;
	s0 =	sld [smem:$0x3FA4]  }
0x30: {  	s3 =	sld [smem:$0x3FA7]  }
0x31: {  	[smem:$0x3FB0] =	sst s10  }
0x32: {  	s10 =	sld [smem:$0x3FAE];
	_ =	sdelay $0x3  }
0x33: {  	p0 =	seq.s32 s10, $0x1;
	s10 =	sld [smem:$0x3FB0];
	_ =	sdelay $0x3  }
0x34: {  	[smem:$0x3FB0] =	sst s10  }
0x35: {  	s10 =	sld [smem:$0x3FAF];
	_ =	sdelay $0x3  }
0x36: {  	p1 =	seq.s32 s10, $0x1;
	s10 =	sld [smem:$0x3FB0];
	_ =	sdelay $0x3  }
0x37: {  	[smem:$0x3FB0] =	sst s10  }
0x38: {  	s10 =	sld [smem:$0x3FB1]  }
0x39: {  	_ = 	snop;
	(pc) =	sbr.ind lr, $3  }
0x3a: {  	_ = 	snop  }
0x3b: {  	_ = 	snop  }
0x3c: {  	p2 =	seq.s32 s10, $0x1;
	s10 =	sld [smem:$0x3FB0]  }
0x3d: {  	_ =	shalt  }
0x3e: {  	_ =	shalt  }
0x3f: {  	_ =	shalt  }
0x40: {  	_ =	shalt  }
0x41: {  	_ =	shalt  }
0x42: {  	_ =	shalt  }
0x43: {  	_ =	shalt  }
0x44: {  	_ =	shalt  }
0x45: {  	_ =	shalt  }
0x46: {  	_ =	shalt  }
0x47: {  	_ =	shalt  }
0x48: {  	_ =	shalt  }
0x49: {  	_ =	shalt  }
0x4a: {  	_ =	shalt  }
0x4b: {  	_ =	shalt  }
0x4c: {  	_ =	shalt  }
0x4d: {  	_ =	shalt  }
0x4e: {  	_ =	shalt  }
0x4f: {  	_ =	shalt  }
0x50: {  	_ =	shalt  }
0x51: {  	_ =	shalt  }
0x52: {  	_ =	shalt  }
0x53: {  	_ =	shalt  }
0x54: {  	_ =	shalt  }
0x55: {  	_ =	shalt  }
0x56: {  	_ =	shalt  }
0x57: {  	_ =	shalt  }
0x58: {  	_ =	shalt  }
0x59: {  	_ =	shalt  }
0x5a: {  	_ =	shalt  }
0x5b: {  	_ =	shalt  }
0x5c: {  	_ =	shalt  }
0x5d: {  	_ =	shalt  }
0x5e: {  	_ =	shalt  }
0x5f: {  	_ =	shalt  }
0x60: {  	_ =	shalt  }
0x61: {  	_ =	shalt  }
0x62: {  	_ =	shalt  }
0x63: {  	_ =	shalt  }
0x64: {  	_ =	shalt  }
0x65: {  	_ =	shalt  }
0x66: {  	_ =	shalt  }
0x67: {  	_ =	shalt  }
0x68: {  	_ =	shalt  }
0x69: {  	_ =	shalt  }
0x6a: {  	_ =	shalt  }
0x6b: {  	_ =	shalt  }
0x6c: {  	_ =	shalt  }
0x6d: {  	_ =	shalt  }
0x6e: {  	_ =	shalt  }
0x6f: {  	_ =	shalt  }
0x70: {  	_ =	shalt  }
0x71: {  	_ =	shalt  }
0x72: {  	_ =	shalt  }
0x73: {  	_ =	shalt  }
0x74: {  	_ =	shalt  }
0x75: {  	_ =	shalt  }
0x76: {  	_ =	shalt  }
0x77: {  	_ =	shalt  }
0x78: {  	_ =	shalt  }
0x79: {  	_ =	shalt  }
0x7a: {  	_ =	shalt  }
0x7b: {  	_ =	shalt  }
0x7c: {  	_ =	shalt  }
0x7d: {  	_ =	shalt  }
0x7e: {  	_ =	shalt  }
0x7f: {  	_ =	shalt  }
0x80: {  	_ =	shalt  }
0x81: {  	_ =	shalt  }
0x82: {  	_ =	shalt  }
0x83: {  	_ =	shalt  }
0x84: {  	_ =	shalt  }
0x85: {  	_ =	shalt  }
0x86: {  	_ =	shalt  }
0x87: {  	_ =	shalt  }
.Lfunc_end0:
.L_simem_size_0:
called_computation.2_lowered:
.L_overlay_start_0:
0x88: {  	s2 =	sld [smem:$0x3FD9]  }
0x89: {  	s3 =	sld [smem:$0x3FFE];
	_ =	sdelay $0x1  }
0x8a: {  	s1 =	srdreg.scid  }
0x8b: {  	s0 =	sand.u32 $0x1, s1  }
0x8c: {  	s17 =	sshll.u32 s0, $0xA;
	s2 =	sadd.s32 s3, s2  }
0x8d: {  	s2 =	sadd.s32 s2, s17  }
0x8e: {  	[smem:$0x3FBC] =	sst s2  }
0x8f: {  	_ = 	snop  }
0x90: {  	s2 =	sld [smem:$0x3FD0];
	(tm) =	ssettm $0x1  }
0x91: {  	s18 =	sld [smem:$0x3FFB];
	_ =	sdelay $0x3  }
0x92: {  	_ =	strace s18  }
0x93: {  	s3 =	sld [smem:$0x3FFC];
	_ =	sdelay $0x3  }
0x94: {  	_ =	strace s3  }
0x95: {  	s3 =	sld [smem:$0x3FFD];
	_ =	sdelay $0x3  }
0x96: {  	_ =	strace s3  }
0x97: {  	_ =	strace $0x8FFFFFFF  }
0x98: {  	s19 =	sld [smem:$0x3FDB];
	_ =	sdelay $0x1  }
0x99: {  	s4 =	simm.s32 $_scs_section_size  }
0x9a: {  	s5 =	simm.s32 $_size__tile_overlayer_lowered;
	s6 =	simm.s32 $_tile_overlayer_lowered  }
0x9b: {  	s22 =	simm.s32 $0x1BFF;
	s21 =	sshll.u32 s6, $0x1;
	s3 =	sadd.s32 s4, s19  }
0x9c: {  	s7 =	simm.s32 $0x0;
	s20 =	sshll.u32 s5, $0x1;
	s5 =	sadd.s32 s21, s3  }
0x9d: {  	[timem:s7], [sflag:s22] =	dma.local [hbm:s5], s20  }
0x9e: {  	_ =	swait.ge [sflag:s22], s20  }
0x9f: {  	s4 =	ssub.s32 $0x0, s20;
	[sflag:s22] =	ssyncset.done $0x0  }
0xa0: {  	[sflag:s22] =	ssyncadd.s32 s4;
	_ =	sdelay $0x1  }
0xa1: {  	s23 =	simm.s32 $0x1B8B  }
0xa2: {  	_ =	swait.ge [sflag:s23], $0x1  }
0xa3: {  	[sflag:s23] =	ssyncset.done $0x0  }
0xa4: {  	s25 =	simm.s32 $0x1B8E;
	s24 =	sld [smem:$0x3FFE];
	[sflag:s23] =	ssyncadd.s32 $0xFFFFFFFF  }
0xa5: {  	s26 =	simm.s32 $execute0_lowered;
	[smem:$0x3FD2] =	sst s25  }
0xa6: {  	s5 =	sshll.u32 s26, $0x1;
	_ =	strace $0x80000049;
	[dreg:$0x1] =	wrdreg $0xFFFFFFFF  }
0xa7: {  	s28 =	simm.s32 $_size_execute0_lowered;
	s3 =	sadd.s32 s3, s5;
	[dreg:$0x0] =	wrdreg $0x0  }
0xa8: {  	s5 =	sshll.u32 s28, $0x1;
	[dreg:$0x2] =	wrdreg s3  }
0xa9: {  	[dreg:$0x3] =	wrdreg s5  }
0xaa: {  	[dreg:$0x4] =	wrdreg $0xC0  }
0xab: {  	_ =	task [dreg:s7], $0x5FFFF  }
0xac: {  	[dreg:$0x1] =	wrdreg $0xFFFFFFFF  }
0xad: {  	[dreg:$0x0] =	wrdreg $0x60  }
0xae: {  	[dreg:$0x2] =	wrdreg s24  }
0xaf: {  	[dreg:$0x3] =	wrdreg s2  }
0xb0: {  	[dreg:$0x4] =	wrdreg $0x0  }
0xb1: {  	[dreg:$0x5] =	wrdreg $0x9  }
0xb2: {  	_ =	task.clear_ibuf [dreg:s7], $0x6FFFF;
	_ =	strace $0x90000049  }
0xb3: {  	s29 =	simm.s32 $0x9;
	_ =	strace $0x8000004B  }
0xb4: {  	_ =	swait.ge [sflag:s29], $0x1  }
0xb5: {  	[sflag:s29] =	ssyncadd.s32 $0xFFFFFFFF  }
0xb6: {  	_ =	strace $0x9000004B  }
0xb7: {  	_ =	sfence  }
0xb8: {  	s30 =	sld [smem:$0x0];
	_ =	sdelay $0x2  }
0xb9: {  	s31 =	sshll.u32 s1, $0xD;
	s1 =	sshrl.u32 s1, $0x2  }
0xba: {  	s3 =	sand.u32 $0x4000, s31;
	s1 =	sadd.s32 s1, s30  }
0xbb: {  	s0 =	sor.u32 s3, s0;
	s1 =	sshll.u32 s1, $0x11  }
0xbc: {  	s0 =	sor.u32 s1, s0  }
0xbd: {  	s0 =	sadd.s32 $0x8F2B, s0  }
0xbe: {  	[sflag:s0] =	ssyncadd.remote.s32 $0x1  }
0xbf: {  	_ =	sfence.sel $0xFFFF  }
0xc0: {  	[dreg:$0x0] =	wrdreg $0xFFFFFFFF;
	(pc) =	sbr.abs _section_cstart, $3  }
0xc1: {  	[dreg:$0x1] =	wrdreg $0xFFFFFFFF  }
0xc2: {  	_ =	task.clear_ibuf [dreg:s7], $0x2FFFF;
	_ =	strace $0x9FFFFFFF  }
0xc3: {  	(tm) =	ssettm $0x7FFFFFFF  }
tec
execute0_lowered:
.L_overlay_start_1:
0x0: {  	(tag) =	ssettag $0x1  }
0x1: {  	s0 =	rddreg [dreg:$0x0]  }
0x2: {  	s1 =	rddreg [dreg:$0x1]  }
0x3: {  	s3 =	srdreg.scid;
	s2 =	rddreg [dreg:$0x2]  }
0x4: {  	s10 =	stileid.u32;
	s5 =	simm.s32 $0x0;
	s12 =	simm.s32 $0x9  }
0x5: {  	s13 =	simm.s32 $0x3B40;
	s15 =	simm.s32 $0x50;
	s16 =	simm.s32 $0xDB40  }
0x6: {  	s18 =	simm.s32 $0xE2C0;
	s20 =	simm.s32 $0xEA40;
	s22 =	simm.s32 $0xF1C0  }
0x7: {  	s29 =	simm.s32 $0x10840;
	s31 =	simm.s32 $0x10FC0;
	s14 =	simm.s32 $0x3  }
0x8: {  	s17 =	simm.s32 $0x4;
	s19 =	simm.s32 $0x5;
	s21 =	simm.s32 $0x6  }
0x9: {  	s23 =	simm.s32 $0x7;
	s28 =	simm.s32 $0x0;
	s7 =	smul.u32 $0xA00, s10  }
0xa: {  	s3 =	sand.u32 $0x1, s3;
	[smem:$0x7FF] =	sst s5;
	s24 =	smul.u32 $0x3B40, s10  }
0xb: {  	s26 =	sadd.s32 $0x1CA00, s0;
	s10 =	sshll.u32 s10, $0x6;
	s4 =	smul.u32 $0x3B400, s3  }
0xc: {  	_ =	strace $0x8000004A;
	[dreg:$0x4] =	wrdreg s26;
	s3 =	ssub.s32 $0x2, s3  }
0xd: {  	s5 =	sor.u32 $0x1C09, s10;
	s26 =	simm.s32 $0x100C0;
	s25 =	sadd.s32 s7, s0  }
0xe: {  	s30 =	sshrl.u32 s3, $0x1;
	s11 =	sadd.s32 s24, s2;
	s7 =	sadd.s32 s1, s7  }
0xf: {  	s1 =	simm.s32 $0x2;
	s6 =	sshrl.u32 s4, $0x3;
	s9 =	sadd.s32 s24, s4  }
0x10: {  	s3 =	ssub.s32 s3, s30;
	s11 =	sshrl.u32 s11, $0x3;
	s24 =	simm.s32 $0xF940  }
0x11: {  	s8 =	sadd.s32 s6, s0;
	s9 =	sshrl.u32 s9, $0x3;
	s6 =	sadd.s32 $0x3C00, s25  }
0x12: {  	s10 =	smax.u32 s3, $0x1;
	s25 =	simm.s32 $0x8;
	s0 =	sadd.s32 s9, s0  }
0x13: {  	s8 =	sadd.s32 $0xDC00, s8;
	s9 =	sadd.s32 $0x1D200, s0;
	s0 =	simm.s32 $0x1  }
.LBB2_1:
0x14: {  	s3 =	rddreg [dreg:$0x4]  }
0x15: {  	[spmem:s11], [sflag:s5] =	dma.local [hbm:s3], $0x768  }
0x16: {  	_ =	swait.ge [sflag:s12], $0x768  }
0x17: {  	[sflag:s12] =	ssyncset.done $0x0  }
0x18: {  	s3 =	simm.s32 $0x0;
	[sflag:s12] =	ssyncadd.s32 $0xFFFFF898  }
0x19: {  	[tilespmem:s13], [sflag:$0x9] =	stream.linear.gather [hbm4b:s6+s3], $0x5000, $0x38;
	[tilespmem:$0x11740] =	vst v63  }
0x1a: {  	_ =	swait.ge [sflag:s12], $0x5000  }
0x1b: {  	[sflag:s12] =	ssyncset.done $0x0  }
0x1c: {  	s4 =	simm.s32 $0x8B40;
	[sflag:s12] =	ssyncadd.s32 $0xFFFFB000  }
0x1d: {  	[tilespmem:s4], [sflag:$0x9] =	stream.linear.gather [hbm4b:s7+s3], $0x5000, $0x38;
	[tilespmem:$0x11740] =	vst v63  }
0x1e: {  	_ =	swait.ge [sflag:s12], $0x5000  }
0x1f: {  	[sflag:s12] =	ssyncset.done $0x0  }
0x20: {  	[sflag:s12] =	ssyncadd.s32 $0xFFFFB000  }
0x21: {  	[bflag:$0x0] =	sbarrier.arrive $0xFFFF  }
0x22: {  	[tilespmem:s16], [sflag:$0x1] =	stream.indirect.gather [hbm4b:s8+s15], $0x18, s13, s15, $0xb8;
	[tilespmem:$0x11740] =	vst v63  }
0x23: {  	s4 =	simm.s32 $0x3B90  }
0x24: {  	[tilespmem:s18], [sflag:$0x2] =	stream.indirect.gather [hbm4b:s8+s15], $0x18, s4, s15, $0xb8;
	[tilespmem:$0x11740] =	vst v63  }
0x25: {  	s4 =	simm.s32 $0x3BE0  }
0x26: {  	[tilespmem:s20], [sflag:$0x3] =	stream.indirect.gather [hbm4b:s8+s15], $0x18, s4, s15, $0xb8;
	[tilespmem:$0x11740] =	vst v63  }
0x27: {  	s4 =	simm.s32 $0x3C30  }
0x28: {  	[tilespmem:s22], [sflag:$0x4] =	stream.indirect.gather [hbm4b:s8+s15], $0x18, s4, s15, $0xb8;
	[tilespmem:$0x11740] =	vst v63  }
0x29: {  	s4 =	simm.s32 $0x3C80  }
0x2a: {  	[tilespmem:s24], [sflag:$0x5] =	stream.indirect.gather [hbm4b:s8+s15], $0x18, s4, s15, $0xb8;
	[tilespmem:$0x11740] =	vst v63  }
0x2b: {  	s4 =	simm.s32 $0x3CD0  }
0x2c: {  	[tilespmem:s26], [sflag:$0x6] =	stream.indirect.gather [hbm4b:s8+s15], $0x18, s4, s15, $0xb8;
	[tilespmem:$0x11740] =	vst v63  }
0x2d: {  	s4 =	simm.s32 $0x3D20  }
0x2e: {  	[tilespmem:s29], [sflag:$0x7] =	stream.indirect.gather [hbm4b:s8+s15], $0x18, s4, s15, $0xb8;
	[tilespmem:$0x11740] =	vst v63  }
0x2f: {  	s4 =	simm.s32 $0x3D70  }
0x30: {  	[tilespmem:s31], [sflag:$0x8] =	stream.indirect.gather [hbm4b:s8+s15], $0x18, s4, s15, $0xb8;
	[tilespmem:$0x11740] =	vst v63  }
0x31: {  	_ =	swait.ge [sflag:s0], $0x780  }
0x32: {  	[sflag:s0] =	ssyncset.done $0x0  }
0x33: {  	s4 =	simm.s32 $0x8B40;
	[sflag:s0] =	ssyncadd.s32 $0xFFFFF880  }
0x34: {  	[spmem:s2] =	stream.indirect.scatter.add.f32 [tilespmem:s16], [sflag:$0x9], $0x18, s4, s15, $0xb8;
	[tilespmem:$0x11740] =	vst v63  }
0x35: {  	_ =	swait.ge [sflag:s12], $0x780  }
0x36: {  	[sflag:s12] =	ssyncset.done $0x0  }
0x37: {  	s4 =	simm.s32 $0x3DC0;
	[sflag:s12] =	ssyncadd.s32 $0xFFFFF880  }
0x38: {  	[tilespmem:s16], [sflag:$0x1] =	stream.indirect.gather [hbm4b:s8+s15], $0x18, s4, s15, $0xb8;
	[tilespmem:$0x11740] =	vst v63  }
0x39: {  	_ =	swait.ge [sflag:s1], $0x780  }
0x3a: {  	[sflag:s1] =	ssyncset.done $0x0  }
0x3b: {  	s4 =	simm.s32 $0x8B90;
	[sflag:s1] =	ssyncadd.s32 $0xFFFFF880  }
0x3c: {  	[spmem:s2] =	stream.indirect.scatter.add.f32 [tilespmem:s18], [sflag:$0x9], $0x18, s4, s15, $0xb8;
	[tilespmem:$0x11740] =	vst v63  }
0x3d: {  	_ =	swait.ge [sflag:s12], $0x780  }
0x3e: {  	[sflag:s12] =	ssyncset.done $0x0  }
0x3f: {  	s4 =	simm.s32 $0x3E10;
	[sflag:s12] =	ssyncadd.s32 $0xFFFFF880  }
0x40: {  	[tilespmem:s18], [sflag:$0x2] =	stream.indirect.gather [hbm4b:s8+s15], $0x18, s4, s15, $0xb8;
	[tilespmem:$0x11740] =	vst v63  }
0x41: {  	_ =	swait.ge [sflag:s14], $0x780  }
0x42: {  	[sflag:s14] =	ssyncset.done $0x0  }
0x43: {  	s4 =	simm.s32 $0x8BE0;
	[sflag:s14] =	ssyncadd.s32 $0xFFFFF880  }
0x44: {  	[spmem:s2] =	stream.indirect.scatter.add.f32 [tilespmem:s20], [sflag:$0x9], $0x18, s4, s15, $0xb8;
	[tilespmem:$0x11740] =	vst v63  }
0x45: {  	_ =	swait.ge [sflag:s12], $0x780  }
0x46: {  	[sflag:s12] =	ssyncset.done $0x0  }
0x47: {  	s4 =	simm.s32 $0x3E60;
	[sflag:s12] =	ssyncadd.s32 $0xFFFFF880  }
0x48: {  	[tilespmem:s20], [sflag:$0x3] =	stream.indirect.gather [hbm4b:s8+s15], $0x18, s4, s15, $0xb8;
	[tilespmem:$0x11740] =	vst v63  }
0x49: {  	_ =	swait.ge [sflag:s17], $0x780  }
0x4a: {  	[sflag:s17] =	ssyncset.done $0x0  }
0x4b: {  	s4 =	simm.s32 $0x8C30;
	[sflag:s17] =	ssyncadd.s32 $0xFFFFF880  }
0x4c: {  	[spmem:s2] =	stream.indirect.scatter.add.f32 [tilespmem:s22], [sflag:$0x9], $0x18, s4, s15, $0xb8;
	[tilespmem:$0x11740] =	vst v63  }
0x4d: {  	_ =	swait.ge [sflag:s12], $0x780  }
0x4e: {  	[sflag:s12] =	ssyncset.done $0x0  }
0x4f: {  	s4 =	simm.s32 $0x3EB0;
	[sflag:s12] =	ssyncadd.s32 $0xFFFFF880  }
0x50: {  	[tilespmem:s22], [sflag:$0x4] =	stream.indirect.gather [hbm4b:s8+s15], $0x18, s4, s15, $0xb8;
	[tilespmem:$0x11740] =	vst v63  }
0x51: {  	_ =	swait.ge [sflag:s19], $0x780  }
0x52: {  	[sflag:s19] =	ssyncset.done $0x0  }
0x53: {  	s4 =	simm.s32 $0x8C80;
	[sflag:s19] =	ssyncadd.s32 $0xFFFFF880  }
0x54: {  	[spmem:s2] =	stream.indirect.scatter.add.f32 [tilespmem:s24], [sflag:$0x9], $0x18, s4, s15, $0xb8;
	[tilespmem:$0x11740] =	vst v63  }
0x55: {  	_ =	swait.ge [sflag:s12], $0x780  }
0x56: {  	[sflag:s12] =	ssyncset.done $0x0  }
0x57: {  	s4 =	simm.s32 $0x3F00;
	[sflag:s12] =	ssyncadd.s32 $0xFFFFF880  }
0x58: {  	[tilespmem:s24], [sflag:$0x5] =	stream.indirect.gather [hbm4b:s8+s15], $0x18, s4, s15, $0xb8;
	[tilespmem:$0x11740] =	vst v63  }
0x59: {  	_ =	swait.ge [sflag:s21], $0x780  }
0x5a: {  	[sflag:s21] =	ssyncset.done $0x0  }
0x5b: {  	s4 =	simm.s32 $0x8CD0;
	[sflag:s21] =	ssyncadd.s32 $0xFFFFF880  }
0x5c: {  	[spmem:s2] =	stream.indirect.scatter.add.f32 [tilespmem:s26], [sflag:$0x9], $0x18, s4, s15, $0xb8;
	[tilespmem:$0x11740] =	vst v63  }
0x5d: {  	_ =	swait.ge [sflag:s12], $0x780  }
0x5e: {  	[sflag:s12] =	ssyncset.done $0x0  }
0x5f: {  	s4 =	simm.s32 $0x3F50;
	[sflag:s12] =	ssyncadd.s32 $0xFFFFF880  }
0x60: {  	[tilespmem:s26], [sflag:$0x6] =	stream.indirect.gather [hbm4b:s8+s15], $0x18, s4, s15, $0xb8;
	[tilespmem:$0x11740] =	vst v63  }
0x61: {  	_ =	swait.ge [sflag:s23], $0x780  }
0x62: {  	[sflag:s23] =	ssyncset.done $0x0  }
0x63: {  	s4 =	simm.s32 $0x8D20;
	[sflag:s23] =	ssyncadd.s32 $0xFFFFF880  }
0x64: {  	[spmem:s2] =	stream.indirect.scatter.add.f32 [tilespmem:s29], [sflag:$0x9], $0x18, s4, s15, $0xb8;
	[tilespmem:$0x11740] =	vst v63  }
0x65: {  	_ =	swait.ge [sflag:s12], $0x780  }
0x66: {  	[sflag:s12] =	ssyncset.done $0x0  }
0x67: {  	s4 =	simm.s32 $0x3FA0;
	[sflag:s12] =	ssyncadd.s32 $0xFFFFF880  }
0x68: {  	[tilespmem:s29], [sflag:$0x7] =	stream.indirect.gather [hbm4b:s8+s15], $0x18, s4, s15, $0xb8;
	[tilespmem:$0x11740] =	vst v63  }
0x69: {  	_ =	swait.ge [sflag:s25], $0x780  }
0x6a: {  	[sflag:s25] =	ssyncset.done $0x0  }
0x6b: {  	s4 =	simm.s32 $0x8D70;
	[sflag:s25] =	ssyncadd.s32 $0xFFFFF880  }
0x6c: {  	[spmem:s2] =	stream.indirect.scatter.add.f32 [tilespmem:s31], [sflag:$0x9], $0x18, s4, s15, $0xb8;
	[tilespmem:$0x11740] =	vst v63  }
0x6d: {  	_ =	swait.ge [sflag:s12], $0x780  }
0x6e: {  	[sflag:s12] =	ssyncset.done $0x0  }
0x6f: {  	s30 =	simm.s32 $0xA00;
	s3 =	simm.s32 $0x3FF0;
	[sflag:s12] =	ssyncadd.s32 $0xFFFFF880  }
.LBB2_2:
0x70: {  	[tilespmem:s31], [sflag:$0x8] =	stream.indirect.gather [hbm4b:s8+s15], $0x18, s3, s15, $0xb8;
	[tilespmem:$0x11740] =	vst v63  }
0x71: {  	s3 =	smov.u32 s30  }
0x72: {  	p0 =	sne.s32 s30, $0x12C00;
	s30 =	sadd.s32 $0xA00, s30;
	_ =	swait.ge [sflag:s0], $0x780  }
0x73: {  	s3 =	sshra.s32 s3, $0x2;
	[sflag:s0] =	ssyncset.done $0x0  }
0x74: {  	s4 =	sadd.s32 $0x8B40, s3;
	[sflag:s0] =	ssyncadd.s32 $0xFFFFF880  }
0x75: {  	[spmem:s2] =	stream.indirect.scatter.add.f32 [tilespmem:s16], [sflag:$0x9], $0x18, s4, s15, $0xb8;
	[tilespmem:$0x11740] =	vst v63  }
0x76: {  	_ =	swait.ge [sflag:s12], $0x780  }
0x77: {  	[sflag:s12] =	ssyncset.done $0x0  }
0x78: {  	s4 =	sadd.s32 $0x3DC0, s3;
	[sflag:s12] =	ssyncadd.s32 $0xFFFFF880  }
0x79: {  	[tilespmem:s16], [sflag:$0x1] =	stream.indirect.gather [hbm4b:s8+s15], $0x18, s4, s15, $0xb8;
	[tilespmem:$0x11740] =	vst v63  }
0x7a: {  	_ =	swait.ge [sflag:s1], $0x780  }
0x7b: {  	[sflag:s1] =	ssyncset.done $0x0  }
0x7c: {  	s4 =	sadd.s32 $0x8B90, s3;
	[sflag:s1] =	ssyncadd.s32 $0xFFFFF880  }
0x7d: {  	[spmem:s2] =	stream.indirect.scatter.add.f32 [tilespmem:s18], [sflag:$0x9], $0x18, s4, s15, $0xb8;
	[tilespmem:$0x11740] =	vst v63  }
0x7e: {  	_ =	swait.ge [sflag:s12], $0x780  }
0x7f: {  	[sflag:s12] =	ssyncset.done $0x0  }
0x80: {  	s4 =	sadd.s32 $0x3E10, s3;
	[sflag:s12] =	ssyncadd.s32 $0xFFFFF880  }
0x81: {  	[tilespmem:s18], [sflag:$0x2] =	stream.indirect.gather [hbm4b:s8+s15], $0x18, s4, s15, $0xb8;
	[tilespmem:$0x11740] =	vst v63  }
0x82: {  	_ =	swait.ge [sflag:s14], $0x780  }
0x83: {  	[sflag:s14] =	ssyncset.done $0x0  }
0x84: {  	s4 =	sadd.s32 $0x8BE0, s3;
	[sflag:s14] =	ssyncadd.s32 $0xFFFFF880  }
0x85: {  	[spmem:s2] =	stream.indirect.scatter.add.f32 [tilespmem:s20], [sflag:$0x9], $0x18, s4, s15, $0xb8;
	[tilespmem:$0x11740] =	vst v63  }
0x86: {  	_ =	swait.ge [sflag:s12], $0x780  }
0x87: {  	[sflag:s12] =	ssyncset.done $0x0  }
0x88: {  	s4 =	sadd.s32 $0x3E60, s3;
	[sflag:s12] =	ssyncadd.s32 $0xFFFFF880  }
0x89: {  	[tilespmem:s20], [sflag:$0x3] =	stream.indirect.gather [hbm4b:s8+s15], $0x18, s4, s15, $0xb8;
	[tilespmem:$0x11740] =	vst v63  }
0x8a: {  	_ =	swait.ge [sflag:s17], $0x780  }
0x8b: {  	[sflag:s17] =	ssyncset.done $0x0  }
0x8c: {  	s4 =	sadd.s32 $0x8C30, s3;
	[sflag:s17] =	ssyncadd.s32 $0xFFFFF880  }
0x8d: {  	[spmem:s2] =	stream.indirect.scatter.add.f32 [tilespmem:s22], [sflag:$0x9], $0x18, s4, s15, $0xb8;
	[tilespmem:$0x11740] =	vst v63  }
0x8e: {  	_ =	swait.ge [sflag:s12], $0x780  }
0x8f: {  	[sflag:s12] =	ssyncset.done $0x0  }
0x90: {  	s4 =	sadd.s32 $0x3EB0, s3;
	[sflag:s12] =	ssyncadd.s32 $0xFFFFF880  }
0x91: {  	[tilespmem:s22], [sflag:$0x4] =	stream.indirect.gather [hbm4b:s8+s15], $0x18, s4, s15, $0xb8;
	[tilespmem:$0x11740] =	vst v63  }
0x92: {  	_ =	swait.ge [sflag:s19], $0x780  }
0x93: {  	[sflag:s19] =	ssyncset.done $0x0  }
0x94: {  	s4 =	sadd.s32 $0x8C80, s3;
	[sflag:s19] =	ssyncadd.s32 $0xFFFFF880  }
0x95: {  	[spmem:s2] =	stream.indirect.scatter.add.f32 [tilespmem:s24], [sflag:$0x9], $0x18, s4, s15, $0xb8;
	[tilespmem:$0x11740] =	vst v63  }
0x96: {  	_ =	swait.ge [sflag:s12], $0x780  }
0x97: {  	[sflag:s12] =	ssyncset.done $0x0  }
0x98: {  	s4 =	sadd.s32 $0x3F00, s3;
	[sflag:s12] =	ssyncadd.s32 $0xFFFFF880  }
0x99: {  	[tilespmem:s24], [sflag:$0x5] =	stream.indirect.gather [hbm4b:s8+s15], $0x18, s4, s15, $0xb8;
	[tilespmem:$0x11740] =	vst v63  }
0x9a: {  	_ =	swait.ge [sflag:s21], $0x780  }
0x9b: {  	[sflag:s21] =	ssyncset.done $0x0  }
0x9c: {  	s4 =	sadd.s32 $0x8CD0, s3;
	[sflag:s21] =	ssyncadd.s32 $0xFFFFF880  }
0x9d: {  	[spmem:s2] =	stream.indirect.scatter.add.f32 [tilespmem:s26], [sflag:$0x9], $0x18, s4, s15, $0xb8;
	[tilespmem:$0x11740] =	vst v63  }
0x9e: {  	_ =	swait.ge [sflag:s12], $0x780  }
0x9f: {  	[sflag:s12] =	ssyncset.done $0x0  }
0xa0: {  	s4 =	sadd.s32 $0x3F50, s3;
	[sflag:s12] =	ssyncadd.s32 $0xFFFFF880  }
0xa1: {  	[tilespmem:s26], [sflag:$0x6] =	stream.indirect.gather [hbm4b:s8+s15], $0x18, s4, s15, $0xb8;
	[tilespmem:$0x11740] =	vst v63  }
0xa2: {  	_ =	swait.ge [sflag:s23], $0x780  }
0xa3: {  	[sflag:s23] =	ssyncset.done $0x0  }
0xa4: {  	s4 =	sadd.s32 $0x8D20, s3;
	[sflag:s23] =	ssyncadd.s32 $0xFFFFF880  }
0xa5: {  	[spmem:s2] =	stream.indirect.scatter.add.f32 [tilespmem:s29], [sflag:$0x9], $0x18, s4, s15, $0xb8;
	[tilespmem:$0x11740] =	vst v63  }
0xa6: {  	_ =	swait.ge [sflag:s12], $0x780  }
0xa7: {  	[sflag:s12] =	ssyncset.done $0x0  }
0xa8: {  	s4 =	sadd.s32 $0x3FA0, s3;
	[sflag:s12] =	ssyncadd.s32 $0xFFFFF880  }
0xa9: {  	[tilespmem:s29], [sflag:$0x7] =	stream.indirect.gather [hbm4b:s8+s15], $0x18, s4, s15, $0xb8;
	[tilespmem:$0x11740] =	vst v63  }
0xaa: {  	_ =	swait.ge [sflag:s25], $0x780  }
0xab: {  	[sflag:s25] =	ssyncset.done $0x0  }
.Ltmp0:
0xac: {  	s4 =	sadd.s32 $0x8D70, s3;
	[sflag:s25] =	ssyncadd.s32 $0xFFFFF880;
	(pc) =	sbr.rel @p0 .LBB2_2-.Ltmp0, $4  }
0xad: {  	[spmem:s2] =	stream.indirect.scatter.add.f32 [tilespmem:s31], [sflag:$0x9], $0x18, s4, s15, $0xb8;
	[tilespmem:$0x11740] =	vst v63  }
0xae: {  	_ =	swait.ge [sflag:s12], $0x780  }
0xaf: {  	[sflag:s12] =	ssyncset.done $0x0  }
0xb0: {  	s3 =	sadd.s32 $0x3FF0, s3;
	[sflag:s12] =	ssyncadd.s32 $0xFFFFF880  }
0xb1: {  	[tilespmem:s31], [sflag:$0x8] =	stream.indirect.gather [hbm4b:s8+s15], $0x18, s3, s15, $0xb8;
	[tilespmem:$0x11740] =	vst v63  }
0xb2: {  	_ =	swait.ge [sflag:s0], $0x780  }
0xb3: {  	[sflag:s0] =	ssyncset.done $0x0  }
0xb4: {  	s4 =	simm.s32 $0xD8C0;
	[sflag:s0] =	ssyncadd.s32 $0xFFFFF880  }
0xb5: {  	[spmem:s2] =	stream.indirect.scatter.add.f32 [tilespmem:s16], [sflag:$0x9], $0x18, s4, s15, $0xb8;
	[tilespmem:$0x11740] =	vst v63  }
0xb6: {  	_ =	swait.ge [sflag:s12], $0x780  }
0xb7: {  	[sflag:s12] =	ssyncset.done $0x0  }
0xb8: {  	[sflag:s12] =	ssyncadd.s32 $0xFFFFF880  }
0xb9: {  	_ =	swait.ge [sflag:s1], $0x780  }
0xba: {  	[sflag:s1] =	ssyncset.done $0x0  }
0xbb: {  	s30 =	simm.s32 $0xD910;
	[sflag:s1] =	ssyncadd.s32 $0xFFFFF880  }
0xbc: {  	[spmem:s2] =	stream.indirect.scatter.add.f32 [tilespmem:s18], [sflag:$0x9], $0x18, s30, s15, $0xb8;
	[tilespmem:$0x11740] =	vst v63  }
0xbd: {  	_ =	swait.ge [sflag:s12], $0x780  }
0xbe: {  	[sflag:s12] =	ssyncset.done $0x0  }
0xbf: {  	[sflag:s12] =	ssyncadd.s32 $0xFFFFF880  }
0xc0: {  	_ =	swait.ge [sflag:s14], $0x780  }
0xc1: {  	[sflag:s14] =	ssyncset.done $0x0  }
0xc2: {  	s4 =	simm.s32 $0xD960;
	[sflag:s14] =	ssyncadd.s32 $0xFFFFF880  }
0xc3: {  	[spmem:s2] =	stream.indirect.scatter.add.f32 [tilespmem:s20], [sflag:$0x9], $0x18, s4, s15, $0xb8;
	[tilespmem:$0x11740] =	vst v63  }
0xc4: {  	_ =	swait.ge [sflag:s12], $0x780  }
0xc5: {  	[sflag:s12] =	ssyncset.done $0x0  }
0xc6: {  	[sflag:s12] =	ssyncadd.s32 $0xFFFFF880  }
0xc7: {  	_ =	swait.ge [sflag:s17], $0x780  }
0xc8: {  	[sflag:s17] =	ssyncset.done $0x0  }
0xc9: {  	s30 =	simm.s32 $0xD9B0;
	[sflag:s17] =	ssyncadd.s32 $0xFFFFF880  }
0xca: {  	[spmem:s2] =	stream.indirect.scatter.add.f32 [tilespmem:s22], [sflag:$0x9], $0x18, s30, s15, $0xb8;
	[tilespmem:$0x11740] =	vst v63  }
0xcb: {  	_ =	swait.ge [sflag:s12], $0x780  }
0xcc: {  	[sflag:s12] =	ssyncset.done $0x0  }
0xcd: {  	[sflag:s12] =	ssyncadd.s32 $0xFFFFF880  }
0xce: {  	_ =	swait.ge [sflag:s19], $0x780  }
0xcf: {  	[sflag:s19] =	ssyncset.done $0x0  }
0xd0: {  	s4 =	simm.s32 $0xDA00;
	[sflag:s19] =	ssyncadd.s32 $0xFFFFF880  }
0xd1: {  	[spmem:s2] =	stream.indirect.scatter.add.f32 [tilespmem:s24], [sflag:$0x9], $0x18, s4, s15, $0xb8;
	[tilespmem:$0x11740] =	vst v63  }
0xd2: {  	_ =	swait.ge [sflag:s12], $0x780  }
0xd3: {  	[sflag:s12] =	ssyncset.done $0x0  }
0xd4: {  	[sflag:s12] =	ssyncadd.s32 $0xFFFFF880  }
0xd5: {  	_ =	swait.ge [sflag:s21], $0x780  }
0xd6: {  	[sflag:s21] =	ssyncset.done $0x0  }
0xd7: {  	s30 =	simm.s32 $0xDA50;
	[sflag:s21] =	ssyncadd.s32 $0xFFFFF880  }
0xd8: {  	[spmem:s2] =	stream.indirect.scatter.add.f32 [tilespmem:s26], [sflag:$0x9], $0x18, s30, s15, $0xb8;
	[tilespmem:$0x11740] =	vst v63  }
0xd9: {  	_ =	swait.ge [sflag:s12], $0x780  }
0xda: {  	[sflag:s12] =	ssyncset.done $0x0  }
0xdb: {  	[sflag:s12] =	ssyncadd.s32 $0xFFFFF880  }
0xdc: {  	_ =	swait.ge [sflag:s23], $0x780  }
0xdd: {  	[sflag:s23] =	ssyncset.done $0x0  }
0xde: {  	s4 =	simm.s32 $0xDAA0;
	[sflag:s23] =	ssyncadd.s32 $0xFFFFF880  }
0xdf: {  	[spmem:s2] =	stream.indirect.scatter.add.f32 [tilespmem:s29], [sflag:$0x9], $0x18, s4, s15, $0xb8;
	[tilespmem:$0x11740] =	vst v63  }
0xe0: {  	_ =	swait.ge [sflag:s12], $0x780  }
0xe1: {  	[sflag:s12] =	ssyncset.done $0x0  }
0xe2: {  	[sflag:s12] =	ssyncadd.s32 $0xFFFFF880  }
0xe3: {  	_ =	swait.ge [sflag:s25], $0x780  }
0xe4: {  	[sflag:s25] =	ssyncset.done $0x0  }
0xe5: {  	s30 =	simm.s32 $0xDAF0;
	[sflag:s25] =	ssyncadd.s32 $0xFFFFF880  }
0xe6: {  	[spmem:s2] =	stream.indirect.scatter.add.f32 [tilespmem:s31], [sflag:$0x9], $0x18, s30, s15, $0xb8;
	[tilespmem:$0x11740] =	vst v63  }
0xe7: {  	_ =	swait.ge [sflag:s12], $0x780  }
0xe8: {  	s28 =	sadd.s32 $0x1, s28;
	[sflag:s12] =	ssyncset.done $0x0  }
0xe9: {  	p0 =	sne.s32 s28, s10;
	[sflag:s12] =	ssyncadd.s32 $0xFFFFF880  }
.Ltmp1:
0xea: {  	[bflag:$0x0] =	sbarrier.arrive $0xFFFF;
	(pc) =	sbr.rel @p0 .LBB2_1-.Ltmp1, $4  }
0xeb: {  	[hbm:s9], [sflag:s5] =	dma.local [spmem:s11], $0x768  }
0xec: {  	_ =	swait.ge [sflag:s12], $0x768  }
0xed: {  	[sflag:s12] =	ssyncset.done $0x0  }
0xee: {  	[sflag:s12] =	ssyncadd.s32 $0xFFFFF898  }
0xef: {  	_ =	sfence.sel $0x180000  }
0xf0: {  	[bflag:$0x0] =	sbarrier.arrive $0xFFFF  }
0xf1: {  	_ =	strace $0x9000004A  }
0xf2: {  	s0 =	stileid.u32;
	[bflag:$0x2] =	sbarrier.arrive $0xFFFF  }
0xf3: {  	p0 =	sne.s32 s0, $0x0;
	s0 =	rddreg [dreg:$0x3]  }
0xf4: {  	s0 =	sadd.s32 @!p0 $0x100000, s0  }
0xf5: {  	[sflag:s0] =	ssyncadd.tile.s32 @!p0 $0x1;
	_ =	shalt  }
.Lfunc_end2:
_tile_overlayer_lowered:
.L_overlay_start_2:
0xf6: {  	(tag) =	ssettag $0x2  }
0xf7: {  	s0 =	rddreg [dreg:$0x0];
	s2 =	stileid.u32  }
0xf8: {  	s1 =	rddreg [dreg:$0x1];
	p0 =	sne.s32 s2, $0x0  }
0xf9: {  	s3 =	rddreg [dreg:$0x2];
	[bflag:$0x3] =	sbarrier.arrive $0xFFFF;
	s2 =	simm.s32 @!p0 $0x1C09  }
0xfa: {  	[timem:s3], [sflag:s2] =	dma.local @!p0 [hbm:s0], s1  }
0xfb: {  	s0 =	simm.s32 @!p0 $0x9  }
0xfc: {  	_ =	swait.ge @!p0 [sflag:s0], s1  }
0xfd: {  	s1 =	ssub.s32 @!p0 $0x0, s1;
	[sflag:s0] =	ssyncset.done @!p0 $0x0  }
0xfe: {  	[sflag:s0] =	ssyncadd.s32 @!p0 s1  }
0xff: {  	[bflag:$0x3] =	sbarrier.arrive $0xFFFF  }
0x100: {  	_ =	shalt  }

// kernel: kernel.7.cloned.1.call-start
scs
__scs_entry_jumppad:
0x0: {  	(pc) =	sbr.rel $0x88, $3  }
0x1: {  	(tag) =	ssettag $0x0;
	lr =	simm.s32 $0x1  }
0x2: {  	[smem:$0x3F95] =	sst lr;
	_ =	strace $0xD0000000  }
0x3: {  	_ = 	snop  }
0x4: {  	_ = 	snop  }
0x5: {  	_ = 	snop  }
0x6: {  	_ = 	snop  }
0x7: {  	_ = 	snop  }
__scs_overlays_trampoline_lowered:
0x8: {  	[smem:$0x3FA4] =	sst s0  }
0x9: {  	[smem:$0x3FA5] =	sst s1  }
0xa: {  	[smem:$0x3FA6] =	sst s2  }
0xb: {  	[smem:$0x3FA7] =	sst s3  }
0xc: {  	[smem:$0x3FA8] =	sst s4  }
0xd: {  	[smem:$0x3FA9] =	sst s5  }
0xe: {  	[smem:$0x3FAA] =	sst s6  }
0xf: {  	[smem:$0x3FAB] =	sst s7  }
0x10: {  	[smem:$0x3FAC] =	sst s8  }
0x11: {  	[smem:$0x3FAD] =	sst s9;
	s0 =	simm.s32 @!p0 $0x0  }
0x12: {  	s1 =	sld [smem:$0x3F93];
	s0 =	simm.s32 @p0 $0x1  }
0x13: {  	[smem:$0x3FAE] =	sst s0;
	s0 =	simm.s32 @!p1 $0x0  }
0x14: {  	s2 =	sld [smem:$0x3F92];
	s0 =	simm.s32 @p1 $0x1  }
0x15: {  	[smem:$0x3FAF] =	sst s0;
	s0 =	simm.s32 @!p2 $0x0  }
0x16: {  	s3 =	sld [smem:$0x3FDB];
	s0 =	simm.s32 @p2 $0x1  }
0x17: {  	s4 =	simm.s32 $0x1BF5;
	[smem:$0x3FB1] =	sst s0  }
0x18: {  	s0 =	sld [smem:$0x3F94];
	_ =	swait.ge [sflag:s4], $0x0  }
0x19: {  	s7 =	sld [smem:$0x3F95]  }
0x1a: {  	s8 =	sadd.s32 $0xFFFFE003, lr  }
0x1b: {  	s9 =	sadd.s32 $0xFFFFFEF7, lr;
	s5 =	simm.s32 $0xFFFFFFFF;
	p2 =	slt.u32 s8, $0xFFFFF086  }
0x1c: {  	p1 =	slt.u32 s9, $0xF7A;
	s5 =	simm.s32 @!p2 $0x0  }
0x1d: {  	s5 =	simm.s32 @p1 $0x1;
	p0 =	seq.s32 s7, s2  }
0x1e: {  	s7 =	smul.u32 @!p0 $0xF7A, s2;
	p2 =	seq.s32 @!p0 s5, $0x0  }
0x1f: {  	s9 =	smul.u32 $0xF7A, s1;
	s8 =	simm.s32 @!p0 $0x1BF5;
	p2 =	por !p2, p0  }
0x20: {  	[sflag:s8] =	ssyncset.s32 @!p0 $0xFFFFF086;
	s6 =	sadd.s32 @!p0 s3, s7;
	s7 =	simm.s32 @!p0 $0x108  }
0x21: {  	s3 =	sadd.s32 s3, s9;
	s6 =	sadd.s32 @!p0 $0x88, s6;
	s7 =	simm.s32 @p2 $0x1082  }
0x22: {  	[simem:s7], [sflag:s8] =	dma.local @!p0 [hbm:s6], $0xF7A  }
0x23: {  	s9 =	sor.u32 $0xD0000000, s2;
	s6 =	simm.s32 $0x108;
	_ =	swait.ge @!p0 [sflag:s8], $0x0  }
0x24: {  	s3 =	sadd.s32 $0x88, s3;
	s6 =	simm.s32 @!p1 $0x1082;
	[sflag:s4] =	ssyncset.s32 $0xFFFFF086  }
0x25: {  	[simem:s6], [sflag:s4] =	dma.local [hbm:s3], $0xF7A  }
0x26: {  	[smem:$0x3F95] =	sst s1;
	(tag) =	ssettag s2;
	_ =	strace s9  }
0x27: {  	s1 =	sld [smem:$0x3FA5]  }
0x28: {  	s2 =	sld [smem:$0x3FA6]  }
0x29: {  	s4 =	sld [smem:$0x3FA8]  }
0x2a: {  	p0 =	seq.s32 s5, $0x0;
	s5 =	sld [smem:$0x3FA9]  }
0x2b: {  	s6 =	sld [smem:$0x3FAA]  }
0x2c: {  	s7 =	sld [smem:$0x3FAB]  }
0x2d: {  	s3 =	simm.s32 $0x108;
	s8 =	sld [smem:$0x3FAC]  }
0x2e: {  	s3 =	simm.s32 @!p0 $0x1082;
	s9 =	sld [smem:$0x3FAD]  }
0x2f: {  	lr =	sadd.s32 s0, s3;
	s0 =	sld [smem:$0x3FA4]  }
0x30: {  	s3 =	sld [smem:$0x3FA7]  }
0x31: {  	[smem:$0x3FB0] =	sst s10  }
0x32: {  	s10 =	sld [smem:$0x3FAE];
	_ =	sdelay $0x3  }
0x33: {  	p0 =	seq.s32 s10, $0x1;
	s10 =	sld [smem:$0x3FB0];
	_ =	sdelay $0x3  }
0x34: {  	[smem:$0x3FB0] =	sst s10  }
0x35: {  	s10 =	sld [smem:$0x3FAF];
	_ =	sdelay $0x3  }
0x36: {  	p1 =	seq.s32 s10, $0x1;
	s10 =	sld [smem:$0x3FB0];
	_ =	sdelay $0x3  }
0x37: {  	[smem:$0x3FB0] =	sst s10  }
0x38: {  	s10 =	sld [smem:$0x3FB1]  }
0x39: {  	_ = 	snop;
	(pc) =	sbr.ind lr, $3  }
0x3a: {  	_ = 	snop  }
0x3b: {  	_ = 	snop  }
0x3c: {  	p2 =	seq.s32 s10, $0x1;
	s10 =	sld [smem:$0x3FB0]  }
0x3d: {  	_ =	shalt  }
0x3e: {  	_ =	shalt  }
0x3f: {  	_ =	shalt  }
0x40: {  	_ =	shalt  }
0x41: {  	_ =	shalt  }
0x42: {  	_ =	shalt  }
0x43: {  	_ =	shalt  }
0x44: {  	_ =	shalt  }
0x45: {  	_ =	shalt  }
0x46: {  	_ =	shalt  }
0x47: {  	_ =	shalt  }
0x48: {  	_ =	shalt  }
0x49: {  	_ =	shalt  }
0x4a: {  	_ =	shalt  }
0x4b: {  	_ =	shalt  }
0x4c: {  	_ =	shalt  }
0x4d: {  	_ =	shalt  }
0x4e: {  	_ =	shalt  }
0x4f: {  	_ =	shalt  }
0x50: {  	_ =	shalt  }
0x51: {  	_ =	shalt  }
0x52: {  	_ =	shalt  }
0x53: {  	_ =	shalt  }
0x54: {  	_ =	shalt  }
0x55: {  	_ =	shalt  }
0x56: {  	_ =	shalt  }
0x57: {  	_ =	shalt  }
0x58: {  	_ =	shalt  }
0x59: {  	_ =	shalt  }
0x5a: {  	_ =	shalt  }
0x5b: {  	_ =	shalt  }
0x5c: {  	_ =	shalt  }
0x5d: {  	_ =	shalt  }
0x5e: {  	_ =	shalt  }
0x5f: {  	_ =	shalt  }
0x60: {  	_ =	shalt  }
0x61: {  	_ =	shalt  }
0x62: {  	_ =	shalt  }
0x63: {  	_ =	shalt  }
0x64: {  	_ =	shalt  }
0x65: {  	_ =	shalt  }
0x66: {  	_ =	shalt  }
0x67: {  	_ =	shalt  }
0x68: {  	_ =	shalt  }
0x69: {  	_ =	shalt  }
0x6a: {  	_ =	shalt  }
0x6b: {  	_ =	shalt  }
0x6c: {  	_ =	shalt  }
0x6d: {  	_ =	shalt  }
0x6e: {  	_ =	shalt  }
0x6f: {  	_ =	shalt  }
0x70: {  	_ =	shalt  }
0x71: {  	_ =	shalt  }
0x72: {  	_ =	shalt  }
0x73: {  	_ =	shalt  }
0x74: {  	_ =	shalt  }
0x75: {  	_ =	shalt  }
0x76: {  	_ =	shalt  }
0x77: {  	_ =	shalt  }
0x78: {  	_ =	shalt  }
0x79: {  	_ =	shalt  }
0x7a: {  	_ =	shalt  }
0x7b: {  	_ =	shalt  }
0x7c: {  	_ =	shalt  }
0x7d: {  	_ =	shalt  }
0x7e: {  	_ =	shalt  }
0x7f: {  	_ =	shalt  }
0x80: {  	_ =	shalt  }
0x81: {  	_ =	shalt  }
0x82: {  	_ =	shalt  }
0x83: {  	_ =	shalt  }
0x84: {  	_ =	shalt  }
0x85: {  	_ =	shalt  }
0x86: {  	_ =	shalt  }
0x87: {  	_ =	shalt  }
.Lfunc_end0:
.L_simem_size_0:
called_computation.1_lowered:
.L_overlay_start_0:
0x88: {  	s2 =	sld [smem:$0x3FD9]  }
0x89: {  	s3 =	sld [smem:$0x3FFE];
	_ =	sdelay $0x1  }
0x8a: {  	s1 =	srdreg.scid  }
0x8b: {  	s0 =	sand.u32 $0x1, s1  }
0x8c: {  	s17 =	sshll.u32 s0, $0xA;
	s2 =	sadd.s32 s3, s2  }
0x8d: {  	s2 =	sadd.s32 s2, s17  }
0x8e: {  	[smem:$0x3FBC] =	sst s2  }
0x8f: {  	_ = 	snop  }
0x90: {  	s2 =	sld [smem:$0x3FD0];
	(tm) =	ssettm $0x1  }
0x91: {  	s18 =	sld [smem:$0x3FFB];
	_ =	sdelay $0x3  }
0x92: {  	_ =	strace s18  }
0x93: {  	s3 =	sld [smem:$0x3FFC];
	_ =	sdelay $0x3  }
0x94: {  	_ =	strace s3  }
0x95: {  	s3 =	sld [smem:$0x3FFD];
	_ =	sdelay $0x3  }
0x96: {  	_ =	strace s3  }
0x97: {  	_ =	strace $0x8FFFFFFF  }
0x98: {  	s19 =	sld [smem:$0x3FDB];
	_ =	sdelay $0x1  }
0x99: {  	s4 =	simm.s32 $_scs_section_size  }
0x9a: {  	s5 =	simm.s32 $_size__tile_overlayer_lowered;
	s6 =	simm.s32 $_tile_overlayer_lowered  }
0x9b: {  	s22 =	simm.s32 $0x1BFF;
	s21 =	sshll.u32 s6, $0x1;
	s3 =	sadd.s32 s4, s19  }
0x9c: {  	s7 =	simm.s32 $0x0;
	s20 =	sshll.u32 s5, $0x1;
	s5 =	sadd.s32 s21, s3  }
0x9d: {  	[timem:s7], [sflag:s22] =	dma.local [hbm:s5], s20  }
0x9e: {  	_ =	swait.ge [sflag:s22], s20  }
0x9f: {  	s4 =	ssub.s32 $0x0, s20;
	[sflag:s22] =	ssyncset.done $0x0  }
0xa0: {  	[sflag:s22] =	ssyncadd.s32 s4;
	_ =	sdelay $0x1  }
0xa1: {  	s23 =	simm.s32 $0x1B8B  }
0xa2: {  	_ =	swait.ge [sflag:s23], $0x1  }
0xa3: {  	[sflag:s23] =	ssyncset.done $0x0  }
0xa4: {  	s25 =	simm.s32 $0x1B8E;
	s24 =	sld [smem:$0x3FFE];
	[sflag:s23] =	ssyncadd.s32 $0xFFFFFFFF  }
0xa5: {  	s26 =	simm.s32 $execute0_lowered;
	[smem:$0x3FD2] =	sst s25  }
0xa6: {  	s5 =	sshll.u32 s26, $0x1;
	_ =	strace $0x80000046;
	[dreg:$0x1] =	wrdreg $0xFFFFFFFF  }
0xa7: {  	s28 =	simm.s32 $_size_execute0_lowered;
	s3 =	sadd.s32 s3, s5;
	[dreg:$0x0] =	wrdreg $0x0  }
0xa8: {  	s5 =	sshll.u32 s28, $0x1;
	[dreg:$0x2] =	wrdreg s3  }
0xa9: {  	[dreg:$0x3] =	wrdreg s5  }
0xaa: {  	[dreg:$0x4] =	wrdreg $0xC0  }
0xab: {  	_ =	task [dreg:s7], $0x5FFFF  }
0xac: {  	[dreg:$0x1] =	wrdreg $0xFFFFFFFF  }
0xad: {  	[dreg:$0x0] =	wrdreg $0x60  }
0xae: {  	[dreg:$0x2] =	wrdreg s24  }
0xaf: {  	[dreg:$0x3] =	wrdreg s2  }
0xb0: {  	[dreg:$0x4] =	wrdreg $0x0  }
0xb1: {  	[dreg:$0x5] =	wrdreg $0x9  }
0xb2: {  	_ =	task.clear_ibuf [dreg:s7], $0x6FFFF;
	_ =	strace $0x90000046  }
0xb3: {  	s29 =	simm.s32 $0x9;
	_ =	strace $0x80000048  }
0xb4: {  	_ =	swait.ge [sflag:s29], $0x1  }
0xb5: {  	[sflag:s29] =	ssyncadd.s32 $0xFFFFFFFF  }
0xb6: {  	_ =	strace $0x90000048  }
0xb7: {  	_ =	sfence  }
0xb8: {  	s30 =	sld [smem:$0x0];
	_ =	sdelay $0x2  }
0xb9: {  	s31 =	sshll.u32 s1, $0xD;
	s1 =	sshrl.u32 s1, $0x2  }
0xba: {  	s3 =	sand.u32 $0x4000, s31;
	s1 =	sadd.s32 s1, s30  }
0xbb: {  	s0 =	sor.u32 s3, s0;
	s1 =	sshll.u32 s1, $0x11  }
0xbc: {  	s0 =	sor.u32 s1, s0  }
0xbd: {  	s0 =	sadd.s32 $0x8F2B, s0  }
0xbe: {  	[sflag:s0] =	ssyncadd.remote.s32 $0x1  }
0xbf: {  	_ =	sfence.sel $0xFFFF  }
0xc0: {  	[dreg:$0x0] =	wrdreg $0xFFFFFFFF;
	(pc) =	sbr.abs _section_cstart, $3  }
0xc1: {  	[dreg:$0x1] =	wrdreg $0xFFFFFFFF  }
0xc2: {  	_ =	task.clear_ibuf [dreg:s7], $0x2FFFF;
	_ =	strace $0x9FFFFFFF  }
0xc3: {  	(tm) =	ssettm $0x7FFFFFFF  }
tec
execute0_lowered:
.L_overlay_start_1:
0x0: {  	(tag) =	ssettag $0x1  }
0x1: {  	s0 =	srdreg.scid;
	s1 =	rddreg [dreg:$0x0]  }
0x2: {  	s14 =	stileid.u32;
	s8 =	rddreg [dreg:$0x1]  }
0x3: {  	s13 =	simm.s32 $0x6640;
	s16 =	simm.s32 $0x13C0;
	s17 =	simm.s32 $0x3BC0  }
0x4: {  	s18 =	simm.s32 $0x50;
	s24 =	simm.s32 $0x3CB0;
	s28 =	simm.s32 $0x1550  }
0x5: {  	s29 =	simm.s32 $0x3D50;
	s30 =	simm.s32 $0x15A0;
	s31 =	simm.s32 $0x3DA0  }
0x6: {  	s19 =	simm.s32 $0x1;
	s20 =	simm.s32 $0x0;
	s0 =	sand.u32 $0x1, s0  }
0x7: {  	s7 =	smul.u32 $0x13C0, s14;
	s4 =	sadd.s32 $0x3A00, s1;
	s26 =	sshll.u32 s14, $0x6  }
0x8: {  	s2 =	sshll.u32 s0, $0x4;
	s5 =	smul.u32 $0x13C00, s0;
	s0 =	ssub.s32 $0x2, s0  }
0x9: {  	s3 =	sor.u32 s14, s2;
	s2 =	rddreg [dreg:$0x2];
	s11 =	sshrl.u32 s0, $0x1  }
0xa: {  	s14 =	sor.u32 $0x1C02, s26;
	s26 =	simm.s32 $0x3D00;
	s9 =	smul.u32 $0x500, s3  }
0xb: {  	s3 =	simm.s32 $0x0;
	s6 =	sadd.s32 s7, s5;
	s5 =	sadd.s32 $0xDC00, s1  }
0xc: {  	s0 =	ssub.s32 s0, s11;
	s25 =	sadd.s32 s7, s2;
	s11 =	simm.s32 $0x63C0  }
0xd: {  	[smem:$0x7FF] =	sst s3;
	s6 =	sshrl.u32 s6, $0x3;
	s15 =	sshrl.u32 s25, $0x3  }
0xe: {  	s25 =	simm.s32 $0x1500;
	_ =	strace $0x80000047;
	s10 =	sadd.s32 s9, s1  }
0xf: {  	s12 =	sadd.s32 s6, s1;
	s6 =	sadd.s32 $0x3A50, s1;
	s8 =	sadd.s32 s8, s9  }
0x10: {  	s1 =	simm.s32 $0x15F0;
	s7 =	sadd.s32 $0x3C00, s10;
	s9 =	sadd.s32 $0xE000, s12  }
0x11: {  	s10 =	smax.u32 s0, $0x1;
	s12 =	simm.s32 $0x2;
	s0 =	simm.s32 $0x3DF0  }
.LBB2_1:
0x12: {  	[tilespmem:s11], [sflag:$0x2] =	stream.linear.gather [hbm4b:s4+s3], $0x280, $0x38;
	[tilespmem:$0x68C0] =	vst v63  }
0x13: {  	_ =	swait.ge [sflag:s12], $0x280  }
0x14: {  	[sflag:s12] =	ssyncset.done $0x0  }
0x15: {  	[sflag:s12] =	ssyncadd.s32 $0xFFFFFD80  }
0x16: {  	[tilespmem:s13], [sflag:$0x2] =	stream.linear.gather [hbm4b:s6+s3], $0x280, $0x38;
	[tilespmem:$0x68C0] =	vst v63  }
0x17: {  	_ =	swait.ge [sflag:s12], $0x280  }
0x18: {  	[sflag:s12] =	ssyncset.done $0x0  }
0x19: {  	[sflag:s12] =	ssyncadd.s32 $0xFFFFFD80  }
0x1a: {  	[spmem:s15], [sflag:s14] =	dma.local [hbm:s5], $0x278  }
0x1b: {  	_ =	swait.ge [sflag:s12], $0x278  }
0x1c: {  	[sflag:s12] =	ssyncset.done $0x0  }
0x1d: {  	[sflag:s12] =	ssyncadd.s32 $0xFFFFFD88  }
0x1e: {  	[tilespmem:s16], [sflag:$0x2] =	stream.linear.gather [hbm4b:s7+s3], $0x2800, $0x38;
	[tilespmem:$0x68C0] =	vst v63  }
0x1f: {  	_ =	swait.ge [sflag:s12], $0x2800  }
0x20: {  	[sflag:s12] =	ssyncset.done $0x0  }
0x21: {  	[sflag:s12] =	ssyncadd.s32 $0xFFFFD800  }
0x22: {  	[tilespmem:s17], [sflag:$0x2] =	stream.linear.gather [hbm4b:s8+s3], $0x2800, $0x38;
	[tilespmem:$0x68C0] =	vst v63  }
0x23: {  	_ =	swait.ge [sflag:s12], $0x2800  }
0x24: {  	[sflag:s12] =	ssyncset.done $0x0  }
0x25: {  	[sflag:s12] =	ssyncadd.s32 $0xFFFFD800  }
0x26: {  	[bflag:$0x0] =	sbarrier.arrive $0xFFFF  }
0x27: {  	[spmem:s2] =	stream.indirect.scatter.add.f32 [tilespmem:s11], [sflag:$0x1], $0x8, s16, s18, $0xb8;
	[tilespmem:$0x68C0] =	vst v63  }
0x28: {  	_ = 	snop  }
0x29: {  	[spmem:s2] =	stream.indirect.scatter.add.f32 [tilespmem:s13], [sflag:$0x1], $0x8, s17, s18, $0xb8;
	[tilespmem:$0x68C0] =	vst v63  }
0x2a: {  	s21 =	simm.s32 $0x1410  }
0x2b: {  	[spmem:s2] =	stream.indirect.scatter.add.f32 [tilespmem:s11], [sflag:$0x1], $0x8, s21, s18, $0xb8;
	[tilespmem:$0x68C0] =	vst v63  }
0x2c: {  	s23 =	simm.s32 $0x3C10  }
0x2d: {  	[spmem:s2] =	stream.indirect.scatter.add.f32 [tilespmem:s13], [sflag:$0x1], $0x8, s23, s18, $0xb8;
	[tilespmem:$0x68C0] =	vst v63  }
0x2e: {  	s22 =	simm.s32 $0x1460  }
0x2f: {  	[spmem:s2] =	stream.indirect.scatter.add.f32 [tilespmem:s11], [sflag:$0x1], $0x8, s22, s18, $0xb8;
	[tilespmem:$0x68C0] =	vst v63  }
0x30: {  	s23 =	simm.s32 $0x3C60  }
0x31: {  	[spmem:s2] =	stream.indirect.scatter.add.f32 [tilespmem:s13], [sflag:$0x1], $0x8, s23, s18, $0xb8;
	[tilespmem:$0x68C0] =	vst v63  }
0x32: {  	s22 =	simm.s32 $0x14B0  }
0x33: {  	[spmem:s2] =	stream.indirect.scatter.add.f32 [tilespmem:s11], [sflag:$0x1], $0x8, s22, s18, $0xb8;
	[tilespmem:$0x68C0] =	vst v63  }
0x34: {  	_ = 	snop  }
0x35: {  	[spmem:s2] =	stream.indirect.scatter.add.f32 [tilespmem:s13], [sflag:$0x1], $0x8, s24, s18, $0xb8;
	[tilespmem:$0x68C0] =	vst v63  }
0x36: {  	_ = 	snop  }
0x37: {  	[spmem:s2] =	stream.indirect.scatter.add.f32 [tilespmem:s11], [sflag:$0x1], $0x8, s25, s18, $0xb8;
	[tilespmem:$0x68C0] =	vst v63  }
0x38: {  	_ = 	snop  }
0x39: {  	[spmem:s2] =	stream.indirect.scatter.add.f32 [tilespmem:s13], [sflag:$0x1], $0x8, s26, s18, $0xb8;
	[tilespmem:$0x68C0] =	vst v63  }
0x3a: {  	_ = 	snop  }
0x3b: {  	[spmem:s2] =	stream.indirect.scatter.add.f32 [tilespmem:s11], [sflag:$0x1], $0x8, s28, s18, $0xb8;
	[tilespmem:$0x68C0] =	vst v63  }
0x3c: {  	_ = 	snop  }
0x3d: {  	[spmem:s2] =	stream.indirect.scatter.add.f32 [tilespmem:s13], [sflag:$0x1], $0x8, s29, s18, $0xb8;
	[tilespmem:$0x68C0] =	vst v63  }
0x3e: {  	_ = 	snop  }
0x3f: {  	[spmem:s2] =	stream.indirect.scatter.add.f32 [tilespmem:s11], [sflag:$0x1], $0x8, s30, s18, $0xb8;
	[tilespmem:$0x68C0] =	vst v63  }
0x40: {  	_ = 	snop  }
0x41: {  	[spmem:s2] =	stream.indirect.scatter.add.f32 [tilespmem:s13], [sflag:$0x1], $0x8, s31, s18, $0xb8;
	[tilespmem:$0x68C0] =	vst v63  }
0x42: {  	_ = 	snop  }
0x43: {  	[spmem:s2] =	stream.indirect.scatter.add.f32 [tilespmem:s11], [sflag:$0x1], $0x8, s1, s18, $0xb8;
	[tilespmem:$0x68C0] =	vst v63  }
0x44: {  	_ = 	snop  }
0x45: {  	[spmem:s2] =	stream.indirect.scatter.add.f32 [tilespmem:s13], [sflag:$0x1], $0x8, s0, s18, $0xb8;
	[tilespmem:$0x68C0] =	vst v63  }
0x46: {  	_ =	swait.ge [sflag:s19], $0x280  }
0x47: {  	[sflag:s19] =	ssyncset.done $0x0  }
0x48: {  	[sflag:s19] =	ssyncadd.s32 $0xFFFFFD80  }
0x49: {  	_ =	swait.ge [sflag:s19], $0x280  }
0x4a: {  	[sflag:s19] =	ssyncset.done $0x0  }
0x4b: {  	s23 =	simm.s32 $0x1640;
	[sflag:s19] =	ssyncadd.s32 $0xFFFFFD80  }
0x4c: {  	[spmem:s2] =	stream.indirect.scatter.add.f32 [tilespmem:s11], [sflag:$0x1], $0x8, s23, s18, $0xb8;
	[tilespmem:$0x68C0] =	vst v63  }
0x4d: {  	s22 =	simm.s32 $0x3E40  }
0x4e: {  	[spmem:s2] =	stream.indirect.scatter.add.f32 [tilespmem:s13], [sflag:$0x1], $0x8, s22, s18, $0xb8;
	[tilespmem:$0x68C0] =	vst v63  }
0x4f: {  	_ =	swait.ge [sflag:s19], $0x280  }
0x50: {  	[sflag:s19] =	ssyncset.done $0x0  }
0x51: {  	[sflag:s19] =	ssyncadd.s32 $0xFFFFFD80  }
0x52: {  	_ =	swait.ge [sflag:s19], $0x280  }
0x53: {  	[sflag:s19] =	ssyncset.done $0x0  }
0x54: {  	s23 =	simm.s32 $0x1690;
	[sflag:s19] =	ssyncadd.s32 $0xFFFFFD80  }
0x55: {  	[spmem:s2] =	stream.indirect.scatter.add.f32 [tilespmem:s11], [sflag:$0x1], $0x8, s23, s18, $0xb8;
	[tilespmem:$0x68C0] =	vst v63  }
0x56: {  	s22 =	simm.s32 $0x3E90  }
0x57: {  	[spmem:s2] =	stream.indirect.scatter.add.f32 [tilespmem:s13], [sflag:$0x1], $0x8, s22, s18, $0xb8;
	[tilespmem:$0x68C0] =	vst v63  }
0x58: {  	_ =	swait.ge [sflag:s19], $0x280  }
0x59: {  	[sflag:s19] =	ssyncset.done $0x0  }
0x5a: {  	[sflag:s19] =	ssyncadd.s32 $0xFFFFFD80  }
0x5b: {  	_ =	swait.ge [sflag:s19], $0x280  }
0x5c: {  	[sflag:s19] =	ssyncset.done $0x0  }
0x5d: {  	s23 =	simm.s32 $0x16E0;
	[sflag:s19] =	ssyncadd.s32 $0xFFFFFD80  }
0x5e: {  	[spmem:s2] =	stream.indirect.scatter.add.f32 [tilespmem:s11], [sflag:$0x1], $0x8, s23, s18, $0xb8;
	[tilespmem:$0x68C0] =	vst v63  }
0x5f: {  	s22 =	simm.s32 $0x3EE0  }
0x60: {  	[spmem:s2] =	stream.indirect.scatter.add.f32 [tilespmem:s13], [sflag:$0x1], $0x8, s22, s18, $0xb8;
	[tilespmem:$0x68C0] =	vst v63  }
0x61: {  	_ =	swait.ge [sflag:s19], $0x280  }
0x62: {  	[sflag:s19] =	ssyncset.done $0x0  }
0x63: {  	[sflag:s19] =	ssyncadd.s32 $0xFFFFFD80  }
0x64: {  	_ =	swait.ge [sflag:s19], $0x280  }
0x65: {  	[sflag:s19] =	ssyncset.done $0x0  }
0x66: {  	s23 =	simm.s32 $0x1730;
	[sflag:s19] =	ssyncadd.s32 $0xFFFFFD80  }
0x67: {  	[spmem:s2] =	stream.indirect.scatter.add.f32 [tilespmem:s11], [sflag:$0x1], $0x8, s23, s18, $0xb8;
	[tilespmem:$0x68C0] =	vst v63  }
0x68: {  	s22 =	simm.s32 $0x3F30  }
0x69: {  	[spmem:s2] =	stream.indirect.scatter.add.f32 [tilespmem:s13], [sflag:$0x1], $0x8, s22, s18, $0xb8;
	[tilespmem:$0x68C0] =	vst v63  }
0x6a: {  	_ =	swait.ge [sflag:s19], $0x280  }
0x6b: {  	[sflag:s19] =	ssyncset.done $0x0  }
0x6c: {  	[sflag:s19] =	ssyncadd.s32 $0xFFFFFD80  }
0x6d: {  	_ =	swait.ge [sflag:s19], $0x280  }
0x6e: {  	[sflag:s19] =	ssyncset.done $0x0  }
0x6f: {  	s23 =	simm.s32 $0x1780;
	[sflag:s19] =	ssyncadd.s32 $0xFFFFFD80  }
0x70: {  	[spmem:s2] =	stream.indirect.scatter.add.f32 [tilespmem:s11], [sflag:$0x1], $0x8, s23, s18, $0xb8;
	[tilespmem:$0x68C0] =	vst v63  }
0x71: {  	s22 =	simm.s32 $0x3F80  }
0x72: {  	[spmem:s2] =	stream.indirect.scatter.add.f32 [tilespmem:s13], [sflag:$0x1], $0x8, s22, s18, $0xb8;
	[tilespmem:$0x68C0] =	vst v63  }
0x73: {  	_ =	swait.ge [sflag:s19], $0x280  }
0x74: {  	[sflag:s19] =	ssyncset.done $0x0  }
0x75: {  	[sflag:s19] =	ssyncadd.s32 $0xFFFFFD80  }
0x76: {  	_ =	swait.ge [sflag:s19], $0x280  }
0x77: {  	[sflag:s19] =	ssyncset.done $0x0  }
0x78: {  	s23 =	simm.s32 $0x17D0;
	[sflag:s19] =	ssyncadd.s32 $0xFFFFFD80  }
0x79: {  	[spmem:s2] =	stream.indirect.scatter.add.f32 [tilespmem:s11], [sflag:$0x1], $0x8, s23, s18, $0xb8;
	[tilespmem:$0x68C0] =	vst v63  }
0x7a: {  	s22 =	simm.s32 $0x3FD0  }
0x7b: {  	[spmem:s2] =	stream.indirect.scatter.add.f32 [tilespmem:s13], [sflag:$0x1], $0x8, s22, s18, $0xb8;
	[tilespmem:$0x68C0] =	vst v63  }
0x7c: {  	_ =	swait.ge [sflag:s19], $0x280  }
0x7d: {  	[sflag:s19] =	ssyncset.done $0x0  }
0x7e: {  	[sflag:s19] =	ssyncadd.s32 $0xFFFFFD80  }
0x7f: {  	_ =	swait.ge [sflag:s19], $0x280  }
0x80: {  	[sflag:s19] =	ssyncset.done $0x0  }
0x81: {  	s23 =	simm.s32 $0x1820;
	[sflag:s19] =	ssyncadd.s32 $0xFFFFFD80  }
0x82: {  	[spmem:s2] =	stream.indirect.scatter.add.f32 [tilespmem:s11], [sflag:$0x1], $0x8, s23, s18, $0xb8;
	[tilespmem:$0x68C0] =	vst v63  }
0x83: {  	s22 =	simm.s32 $0x4020  }
0x84: {  	[spmem:s2] =	stream.indirect.scatter.add.f32 [tilespmem:s13], [sflag:$0x1], $0x8, s22, s18, $0xb8;
	[tilespmem:$0x68C0] =	vst v63  }
0x85: {  	_ =	swait.ge [sflag:s19], $0x280  }
0x86: {  	[sflag:s19] =	ssyncset.done $0x0  }
0x87: {  	[sflag:s19] =	ssyncadd.s32 $0xFFFFFD80  }
0x88: {  	_ =	swait.ge [sflag:s19], $0x280  }
0x89: {  	s21 =	simm.s32 $0xA00;
	[sflag:s19] =	ssyncset.done $0x0  }
0x8a: {  	s23 =	simm.s32 $0x1870;
	s22 =	simm.s32 $0x4070;
	[sflag:s19] =	ssyncadd.s32 $0xFFFFFD80  }
0x8b: {  	[spmem:s2] =	stream.indirect.scatter.add.f32 [tilespmem:s11], [sflag:$0x1], $0x8, s23, s18, $0xb8;
	[tilespmem:$0x68C0] =	vst v63  }
.LBB2_2:
0x8c: {  	[spmem:s2] =	stream.indirect.scatter.add.f32 [tilespmem:s13], [sflag:$0x1], $0x8, s22, s18, $0xb8;
	[tilespmem:$0x68C0] =	vst v63  }
0x8d: {  	s22 =	smov.u32 s21  }
0x8e: {  	p0 =	sne.s32 s21, $0x8C00;
	s21 =	sadd.s32 $0xA00, s21;
	_ =	swait.ge [sflag:s19], $0x280  }
0x8f: {  	[sflag:s19] =	ssyncset.done $0x0  }
0x90: {  	[sflag:s19] =	ssyncadd.s32 $0xFFFFFD80  }
0x91: {  	_ =	swait.ge [sflag:s19], $0x280  }
0x92: {  	s22 =	sshra.s32 s22, $0x2;
	[sflag:s19] =	ssyncset.done $0x0  }
0x93: {  	s23 =	sadd.s32 $0x1640, s22;
	[sflag:s19] =	ssyncadd.s32 $0xFFFFFD80  }
0x94: {  	[spmem:s2] =	stream.indirect.scatter.add.f32 [tilespmem:s11], [sflag:$0x1], $0x8, s23, s18, $0xb8;
	[tilespmem:$0x68C0] =	vst v63  }
0x95: {  	s23 =	sadd.s32 $0x3E40, s22  }
0x96: {  	[spmem:s2] =	stream.indirect.scatter.add.f32 [tilespmem:s13], [sflag:$0x1], $0x8, s23, s18, $0xb8;
	[tilespmem:$0x68C0] =	vst v63  }
0x97: {  	_ =	swait.ge [sflag:s19], $0x280  }
0x98: {  	[sflag:s19] =	ssyncset.done $0x0  }
0x99: {  	[sflag:s19] =	ssyncadd.s32 $0xFFFFFD80  }
0x9a: {  	_ =	swait.ge [sflag:s19], $0x280  }
0x9b: {  	[sflag:s19] =	ssyncset.done $0x0  }
0x9c: {  	s23 =	sadd.s32 $0x1690, s22;
	[sflag:s19] =	ssyncadd.s32 $0xFFFFFD80  }
0x9d: {  	[spmem:s2] =	stream.indirect.scatter.add.f32 [tilespmem:s11], [sflag:$0x1], $0x8, s23, s18, $0xb8;
	[tilespmem:$0x68C0] =	vst v63  }
0x9e: {  	s23 =	sadd.s32 $0x3E90, s22  }
0x9f: {  	[spmem:s2] =	stream.indirect.scatter.add.f32 [tilespmem:s13], [sflag:$0x1], $0x8, s23, s18, $0xb8;
	[tilespmem:$0x68C0] =	vst v63  }
0xa0: {  	_ =	swait.ge [sflag:s19], $0x280  }
0xa1: {  	[sflag:s19] =	ssyncset.done $0x0  }
0xa2: {  	[sflag:s19] =	ssyncadd.s32 $0xFFFFFD80  }
0xa3: {  	_ =	swait.ge [sflag:s19], $0x280  }
0xa4: {  	[sflag:s19] =	ssyncset.done $0x0  }
0xa5: {  	s23 =	sadd.s32 $0x16E0, s22;
	[sflag:s19] =	ssyncadd.s32 $0xFFFFFD80  }
0xa6: {  	[spmem:s2] =	stream.indirect.scatter.add.f32 [tilespmem:s11], [sflag:$0x1], $0x8, s23, s18, $0xb8;
	[tilespmem:$0x68C0] =	vst v63  }
0xa7: {  	s23 =	sadd.s32 $0x3EE0, s22  }
0xa8: {  	[spmem:s2] =	stream.indirect.scatter.add.f32 [tilespmem:s13], [sflag:$0x1], $0x8, s23, s18, $0xb8;
	[tilespmem:$0x68C0] =	vst v63  }
0xa9: {  	_ =	swait.ge [sflag:s19], $0x280  }
0xaa: {  	[sflag:s19] =	ssyncset.done $0x0  }
0xab: {  	[sflag:s19] =	ssyncadd.s32 $0xFFFFFD80  }
0xac: {  	_ =	swait.ge [sflag:s19], $0x280  }
0xad: {  	[sflag:s19] =	ssyncset.done $0x0  }
0xae: {  	s23 =	sadd.s32 $0x1730, s22;
	[sflag:s19] =	ssyncadd.s32 $0xFFFFFD80  }
0xaf: {  	[spmem:s2] =	stream.indirect.scatter.add.f32 [tilespmem:s11], [sflag:$0x1], $0x8, s23, s18, $0xb8;
	[tilespmem:$0x68C0] =	vst v63  }
0xb0: {  	s23 =	sadd.s32 $0x3F30, s22  }
0xb1: {  	[spmem:s2] =	stream.indirect.scatter.add.f32 [tilespmem:s13], [sflag:$0x1], $0x8, s23, s18, $0xb8;
	[tilespmem:$0x68C0] =	vst v63  }
0xb2: {  	_ =	swait.ge [sflag:s19], $0x280  }
0xb3: {  	[sflag:s19] =	ssyncset.done $0x0  }
0xb4: {  	[sflag:s19] =	ssyncadd.s32 $0xFFFFFD80  }
0xb5: {  	_ =	swait.ge [sflag:s19], $0x280  }
0xb6: {  	[sflag:s19] =	ssyncset.done $0x0  }
0xb7: {  	s23 =	sadd.s32 $0x1780, s22;
	[sflag:s19] =	ssyncadd.s32 $0xFFFFFD80  }
0xb8: {  	[spmem:s2] =	stream.indirect.scatter.add.f32 [tilespmem:s11], [sflag:$0x1], $0x8, s23, s18, $0xb8;
	[tilespmem:$0x68C0] =	vst v63  }
0xb9: {  	s23 =	sadd.s32 $0x3F80, s22  }
0xba: {  	[spmem:s2] =	stream.indirect.scatter.add.f32 [tilespmem:s13], [sflag:$0x1], $0x8, s23, s18, $0xb8;
	[tilespmem:$0x68C0] =	vst v63  }
0xbb: {  	_ =	swait.ge [sflag:s19], $0x280  }
0xbc: {  	[sflag:s19] =	ssyncset.done $0x0  }
0xbd: {  	[sflag:s19] =	ssyncadd.s32 $0xFFFFFD80  }
0xbe: {  	_ =	swait.ge [sflag:s19], $0x280  }
0xbf: {  	[sflag:s19] =	ssyncset.done $0x0  }
0xc0: {  	s23 =	sadd.s32 $0x17D0, s22;
	[sflag:s19] =	ssyncadd.s32 $0xFFFFFD80  }
0xc1: {  	[spmem:s2] =	stream.indirect.scatter.add.f32 [tilespmem:s11], [sflag:$0x1], $0x8, s23, s18, $0xb8;
	[tilespmem:$0x68C0] =	vst v63  }
0xc2: {  	s23 =	sadd.s32 $0x3FD0, s22  }
0xc3: {  	[spmem:s2] =	stream.indirect.scatter.add.f32 [tilespmem:s13], [sflag:$0x1], $0x8, s23, s18, $0xb8;
	[tilespmem:$0x68C0] =	vst v63  }
0xc4: {  	_ =	swait.ge [sflag:s19], $0x280  }
0xc5: {  	[sflag:s19] =	ssyncset.done $0x0  }
0xc6: {  	[sflag:s19] =	ssyncadd.s32 $0xFFFFFD80  }
0xc7: {  	_ =	swait.ge [sflag:s19], $0x280  }
0xc8: {  	[sflag:s19] =	ssyncset.done $0x0  }
0xc9: {  	s23 =	sadd.s32 $0x1820, s22;
	[sflag:s19] =	ssyncadd.s32 $0xFFFFFD80  }
0xca: {  	[spmem:s2] =	stream.indirect.scatter.add.f32 [tilespmem:s11], [sflag:$0x1], $0x8, s23, s18, $0xb8;
	[tilespmem:$0x68C0] =	vst v63  }
0xcb: {  	s23 =	sadd.s32 $0x4020, s22  }
0xcc: {  	[spmem:s2] =	stream.indirect.scatter.add.f32 [tilespmem:s13], [sflag:$0x1], $0x8, s23, s18, $0xb8;
	[tilespmem:$0x68C0] =	vst v63  }
0xcd: {  	_ =	swait.ge [sflag:s19], $0x280  }
0xce: {  	[sflag:s19] =	ssyncset.done $0x0  }
0xcf: {  	[sflag:s19] =	ssyncadd.s32 $0xFFFFFD80  }
.Ltmp0:
0xd0: {  	_ =	swait.ge [sflag:s19], $0x280;
	(pc) =	sbr.rel @p0 .LBB2_2-.Ltmp0, $4  }
0xd1: {  	[sflag:s19] =	ssyncset.done $0x0  }
0xd2: {  	s23 =	sadd.s32 $0x1870, s22;
	[sflag:s19] =	ssyncadd.s32 $0xFFFFFD80  }
0xd3: {  	[spmem:s2] =	stream.indirect.scatter.add.f32 [tilespmem:s11], [sflag:$0x1], $0x8, s23, s18, $0xb8;
	[tilespmem:$0x68C0] =	vst v63  }
0xd4: {  	s22 =	sadd.s32 $0x4070, s22  }
0xd5: {  	[spmem:s2] =	stream.indirect.scatter.add.f32 [tilespmem:s13], [sflag:$0x1], $0x8, s22, s18, $0xb8;
	[tilespmem:$0x68C0] =	vst v63  }
0xd6: {  	_ =	swait.ge [sflag:s19], $0x280  }
0xd7: {  	[sflag:s19] =	ssyncset.done $0x0  }
0xd8: {  	[sflag:s19] =	ssyncadd.s32 $0xFFFFFD80  }
0xd9: {  	_ =	swait.ge [sflag:s19], $0x280  }
0xda: {  	[sflag:s19] =	ssyncset.done $0x0  }
0xdb: {  	[sflag:s19] =	ssyncadd.s32 $0xFFFFFD80  }
0xdc: {  	_ =	swait.ge [sflag:s19], $0x280  }
0xdd: {  	[sflag:s19] =	ssyncset.done $0x0  }
0xde: {  	[sflag:s19] =	ssyncadd.s32 $0xFFFFFD80  }
0xdf: {  	_ =	swait.ge [sflag:s19], $0x280  }
0xe0: {  	[sflag:s19] =	ssyncset.done $0x0  }
0xe1: {  	[sflag:s19] =	ssyncadd.s32 $0xFFFFFD80  }
0xe2: {  	_ =	swait.ge [sflag:s19], $0x280  }
0xe3: {  	[sflag:s19] =	ssyncset.done $0x0  }
0xe4: {  	[sflag:s19] =	ssyncadd.s32 $0xFFFFFD80  }
0xe5: {  	_ =	swait.ge [sflag:s19], $0x280  }
0xe6: {  	[sflag:s19] =	ssyncset.done $0x0  }
0xe7: {  	[sflag:s19] =	ssyncadd.s32 $0xFFFFFD80  }
0xe8: {  	_ =	swait.ge [sflag:s19], $0x280  }
0xe9: {  	[sflag:s19] =	ssyncset.done $0x0  }
0xea: {  	[sflag:s19] =	ssyncadd.s32 $0xFFFFFD80  }
0xeb: {  	_ =	swait.ge [sflag:s19], $0x280  }
0xec: {  	[sflag:s19] =	ssyncset.done $0x0  }
0xed: {  	[sflag:s19] =	ssyncadd.s32 $0xFFFFFD80  }
0xee: {  	_ =	swait.ge [sflag:s19], $0x280  }
0xef: {  	[sflag:s19] =	ssyncset.done $0x0  }
0xf0: {  	[sflag:s19] =	ssyncadd.s32 $0xFFFFFD80  }
0xf1: {  	_ =	swait.ge [sflag:s19], $0x280  }
0xf2: {  	[sflag:s19] =	ssyncset.done $0x0  }
0xf3: {  	[sflag:s19] =	ssyncadd.s32 $0xFFFFFD80  }
0xf4: {  	_ =	swait.ge [sflag:s19], $0x280  }
0xf5: {  	[sflag:s19] =	ssyncset.done $0x0  }
0xf6: {  	[sflag:s19] =	ssyncadd.s32 $0xFFFFFD80  }
0xf7: {  	_ =	swait.ge [sflag:s19], $0x280  }
0xf8: {  	[sflag:s19] =	ssyncset.done $0x0  }
0xf9: {  	[sflag:s19] =	ssyncadd.s32 $0xFFFFFD80  }
0xfa: {  	_ =	swait.ge [sflag:s19], $0x280  }
0xfb: {  	[sflag:s19] =	ssyncset.done $0x0  }
0xfc: {  	[sflag:s19] =	ssyncadd.s32 $0xFFFFFD80  }
0xfd: {  	_ =	swait.ge [sflag:s19], $0x280  }
0xfe: {  	[sflag:s19] =	ssyncset.done $0x0  }
0xff: {  	[sflag:s19] =	ssyncadd.s32 $0xFFFFFD80  }
0x100: {  	_ =	swait.ge [sflag:s19], $0x280  }
0x101: {  	[sflag:s19] =	ssyncset.done $0x0  }
0x102: {  	[sflag:s19] =	ssyncadd.s32 $0xFFFFFD80  }
0x103: {  	_ =	swait.ge [sflag:s19], $0x280  }
0x104: {  	s20 =	sadd.s32 $0x1, s20;
	[sflag:s19] =	ssyncset.done $0x0  }
0x105: {  	p0 =	sne.s32 s20, s10;
	[sflag:s19] =	ssyncadd.s32 $0xFFFFFD80  }
.Ltmp1:
0x106: {  	[bflag:$0x0] =	sbarrier.arrive $0xFFFF;
	(pc) =	sbr.rel @p0 .LBB2_1-.Ltmp1, $4  }
0x107: {  	[hbm:s9], [sflag:s14] =	dma.local [spmem:s15], $0x278  }
0x108: {  	_ =	swait.ge [sflag:s12], $0x278  }
0x109: {  	[sflag:s12] =	ssyncset.done $0x0  }
0x10a: {  	[sflag:s12] =	ssyncadd.s32 $0xFFFFFD88  }
0x10b: {  	_ =	sfence.sel $0x180000  }
0x10c: {  	[bflag:$0x0] =	sbarrier.arrive $0xFFFF  }
0x10d: {  	_ =	strace $0x90000047  }
0x10e: {  	s0 =	stileid.u32;
	[bflag:$0x2] =	sbarrier.arrive $0xFFFF  }
0x10f: {  	p0 =	sne.s32 s0, $0x0;
	s0 =	rddreg [dreg:$0x3]  }
0x110: {  	s0 =	sadd.s32 @!p0 $0x100000, s0  }
0x111: {  	[sflag:s0] =	ssyncadd.tile.s32 @!p0 $0x1;
	_ =	shalt  }
.Lfunc_end2:
_tile_overlayer_lowered:
.L_overlay_start_2:
0x112: {  	(tag) =	ssettag $0x2  }
0x113: {  	s0 =	rddreg [dreg:$0x0];
	s2 =	stileid.u32  }
0x114: {  	s1 =	rddreg [dreg:$0x1];
	p0 =	sne.s32 s2, $0x0  }
0x115: {  	s3 =	rddreg [dreg:$0x2];
	[bflag:$0x3] =	sbarrier.arrive $0xFFFF;
	s2 =	simm.s32 @!p0 $0x1C02  }
0x116: {  	[timem:s3], [sflag:s2] =	dma.local @!p0 [hbm:s0], s1  }
0x117: {  	s0 =	simm.s32 @!p0 $0x2  }
0x118: {  	_ =	swait.ge @!p0 [sflag:s0], s1  }
0x119: {  	s1 =	ssub.s32 @!p0 $0x0, s1;
	[sflag:s0] =	ssyncset.done @!p0 $0x0  }
0x11a: {  	[sflag:s0] =	ssyncadd.s32 @!p0 s1  }
0x11b: {  	[bflag:$0x3] =	sbarrier.arrive $0xFFFF  }
0x11c: {  	_ =	shalt  }

</sc_bundles>
